<compile_context>
chip_gen: v7x
topology: tpu7x:2x2x1
jax: 0.10.2.dev20260603
libtpu: 0.0.44.dev20260713+nightly
codegen_flags: <defaults>
</compile_context>

<pallas_src>
import functools

import jax
import jax.numpy as jnp
from jax import lax
from jax.experimental import pallas as pl
from jax.experimental.pallas import tpu as pltpu
from jax.experimental.pallas import tpu_sc as plsc

B = 16384
E = 128
BN_EPS = 1e-3
NC, NS = 2, 16
NW = NC * NS
BPW = B // NW
CHUNK = 128
NCH = BPW // CHUNK
LANES = 16
TB = 4096


def _sc_body(u_hbm, c_hbm, umf_hbm, cmf_hbm, unn_hbm, cnn_hbm, ubt_hbm,
             cbt_hbm, uv_out, cv_out, ubcb_out, part_out,
             idx_u, idx_c, amf, bmf, ann, bnn, bu, bc, stage, svec,
             s_amf, s_bmf, s_ann, s_bnn, s_bu, s_bc):
    wid = lax.axis_index("s") * NC + lax.axis_index("c")
    base = wid * BPW

    for j in range(NCH):
        pltpu.sync_copy(u_hbm.at[pl.ds(base + j * CHUNK, CHUNK)], idx_u.at[j])
        pltpu.sync_copy(c_hbm.at[pl.ds(base + j * CHUNK, CHUNK)], idx_c.at[j])

    acc = (jnp.zeros((LANES,), jnp.float32), jnp.zeros((LANES,), jnp.float32))
    for j in range(NCH):
        off = base + j * CHUNK
        cp_ann = pltpu.async_copy(unn_hbm.at[idx_u.at[j]], ann.at[0], s_ann)
        cp_bnn = pltpu.async_copy(cnn_hbm.at[idx_c.at[j]], bnn.at[0], s_bnn)
        cp_amf = pltpu.async_copy(umf_hbm.at[idx_u.at[j]], amf.at[0], s_amf)
        cp_bmf = pltpu.async_copy(cmf_hbm.at[idx_c.at[j]], bmf.at[0], s_bmf)
        cp_bu = pltpu.async_copy(ubt_hbm.at[idx_u.at[j]], bu.at[0], s_bu)
        cp_bc = pltpu.async_copy(cbt_hbm.at[idx_c.at[j]], bc.at[0], s_bc)

        cp_ann.wait()
        pltpu.sync_copy(ann.at[0], uv_out.at[pl.ds(off, CHUNK)])
        cp_bnn.wait()
        pltpu.sync_copy(bnn.at[0], cv_out.at[pl.ds(off, CHUNK)])
        cp_bu.wait()
        cp_bc.wait()
        for k in range(CHUNK // LANES):
            sl = pl.ds(k * LANES, LANES)
            stage[0, sl] = bu[0, sl] + bc[0, sl]
        pltpu.sync_copy(stage.at[0], ubcb_out.at[pl.ds(off, CHUNK)])

        cp_amf.wait()
        cp_bmf.wait()

        def row_body(i, carry):
            a, comp = carry
            for k in range(E // LANES):
                sl = pl.ds(k * LANES, LANES)
                y = amf[0, i, sl] * bmf[0, i, sl] - comp
                t = a + y
                comp = (t - a) - y
                a = t
            return a, comp

        acc = lax.fori_loop(0, CHUNK, row_body, acc)

    svec[...] = acc[0]
    pltpu.sync_copy(svec, part_out.at[pl.ds(wid * LANES, LANES)])


def _sc_gather(u, c, umf, cmf, unn, cnn, ubt, cbt):
    mesh = plsc.VectorSubcoreMesh(core_axis_name="c", subcore_axis_name="s")
    f32 = jnp.float32
    kern = functools.partial(
        pl.kernel,
        mesh=mesh,
        out_type=[
            jax.ShapeDtypeStruct((B, E), f32),
            jax.ShapeDtypeStruct((B, E), f32),
            jax.ShapeDtypeStruct((B,), f32),
            jax.ShapeDtypeStruct((NW * LANES,), f32),
        ],
        scratch_types=[
            pltpu.VMEM((NCH, CHUNK), jnp.int32),
            pltpu.VMEM((NCH, CHUNK), jnp.int32),
            pltpu.VMEM((1, CHUNK, E), f32),
            pltpu.VMEM((1, CHUNK, E), f32),
            pltpu.VMEM((1, CHUNK, E), f32),
            pltpu.VMEM((1, CHUNK, E), f32),
            pltpu.VMEM((1, CHUNK), f32),
            pltpu.VMEM((1, CHUNK), f32),
            pltpu.VMEM((1, CHUNK), f32),
            pltpu.VMEM((LANES,), f32),
            pltpu.SemaphoreType.DMA,
            pltpu.SemaphoreType.DMA,
            pltpu.SemaphoreType.DMA,
            pltpu.SemaphoreType.DMA,
            pltpu.SemaphoreType.DMA,
            pltpu.SemaphoreType.DMA,
        ],
    )(_sc_body)
    return kern(u, c, umf, cmf, unn, cnn, ubt, cbt)


def _tc_body(uv, cv, ubcb, part, w1u, w1c, b1, g1, be1, m1, v1,
             w2, b2, g2, be2, m2, v2, wout, bout, out):
    s1 = g1[...] / jnp.sqrt(v1[...] + BN_EPS)
    t1 = be1[...] - m1[...] * s1
    s2 = g2[...] / jnp.sqrt(v2[...] + BN_EPS)
    t2 = be2[...] - m2[...] * s2
    x = (jnp.dot(uv[...], w1u[...], preferred_element_type=jnp.float32)
         + jnp.dot(cv[...], w1c[...], preferred_element_type=jnp.float32)
         + b1[...])
    x = jnp.maximum(x, 0.0) * s1 + t1
    x = jnp.dot(x, w2[...], preferred_element_type=jnp.float32) + b2[...]
    x = jnp.maximum(x, 0.0) * s2 + t2
    dot_mf = jnp.sum(part[...])
    x_mf = dot_mf + ubcb[...].reshape(TB, 1)
    cat = jnp.concatenate([x_mf, x], axis=1)
    z = jnp.dot(cat, wout[...], preferred_element_type=jnp.float32) + bout[0, 0]
    out[...] = 1.0 / (1.0 + jnp.exp(-z))


def _tc_mlp(uv, cv, ubcb, part, w1u, w1c, b1, g1, be1, m1, v1,
            w2, b2, g2, be2, m2, v2, wout, bout):
    grid = (B // TB,)
    row = lambda i: (i, 0)
    rep = lambda i: (0, 0)
    return pl.pallas_call(
        _tc_body,
        grid=grid,
        in_specs=[
            pl.BlockSpec((TB, E), row),
            pl.BlockSpec((TB, E), row),
            pl.BlockSpec((TB,), lambda i: (i,)),
            pl.BlockSpec((1, NW * LANES), rep),
            pl.BlockSpec((E, 64), lambda i: (0, 0)),
            pl.BlockSpec((E, 64), lambda i: (1, 0)),
            pl.BlockSpec((1, 64), rep),
            pl.BlockSpec((1, 64), rep),
            pl.BlockSpec((1, 64), rep),
            pl.BlockSpec((1, 64), rep),
            pl.BlockSpec((1, 64), rep),
            pl.BlockSpec((64, 32), rep),
            pl.BlockSpec((1, 32), rep),
            pl.BlockSpec((1, 32), rep),
            pl.BlockSpec((1, 32), rep),
            pl.BlockSpec((1, 32), rep),
            pl.BlockSpec((1, 32), rep),
            pl.BlockSpec((33, 1), rep),
            pl.BlockSpec((1, 1), rep),
        ],
        out_specs=pl.BlockSpec((TB, 1), row),
        out_shape=jax.ShapeDtypeStruct((B, 1), jnp.float32),
    )(uv, cv, ubcb, part, w1u, w1c, b1, g1, be1, m1, v1,
      w2, b2, g2, be2, m2, v2, wout, bout)


def kernel(inputs, user_emb_mf, user_bias_mf, course_emb_mf, course_bias_mf,
           user_emb_nn, course_emb_nn, W1, b1, gamma1, beta1, mean1, var1,
           W2, b2, gamma2, beta2, mean2, var2, Wout, bout):
    uv, cv, ubcb, part = _sc_gather(inputs[:, 0], inputs[:, 1], user_emb_mf,
                                    course_emb_mf,
                                    user_emb_nn, course_emb_nn,
                                    user_bias_mf[:, 0], course_bias_mf[:, 0])
    r1 = lambda a: a.reshape(1, -1)
    return _tc_mlp(uv, cv, ubcb, part.reshape(1, NW * LANES),
                   W1, W1, r1(b1), r1(gamma1), r1(beta1), r1(mean1),
                   r1(var1), W2, r1(b2), r1(gamma2), r1(beta2), r1(mean2),
                   r1(var2), Wout, bout.reshape(1, 1))

# --- scband reference (transcript-rebuilt; emitter-appended) ---
"""Pipeline reference for scband-recommender-net-14826227106692 (READ-ONLY COPY).

The authoritative reference and input builder live on the scoring server;
editing this copy changes nothing except your own understanding.
"""

import jax, jax.numpy as jnp
import numpy as np

NUM_USERS = 100000
NUM_COURSES = 100000
EMB = 128
BATCH = 16384
BN_EPS = 1e-3

def setup_inputs(seed: int = 0) -> dict:
    key = jax.random.key(seed)
    ks = jax.random.split(key, 16)
    inputs = jax.random.randint(ks[0], (BATCH, 2), 0, NUM_USERS, dtype=jnp.int64 if jax.config.jax_enable_x64 else jnp.int32).astype(jnp.int32)
    user_emb_mf = jax.random.normal(ks[1], (NUM_USERS, EMB), dtype=jnp.float32) * (2.0 / EMB) ** 0.5
    user_bias_mf = jnp.zeros((NUM_USERS, 1), dtype=jnp.float32)
    course_emb_mf = jax.random.normal(ks[2], (NUM_COURSES, EMB), dtype=jnp.float32) * (2.0 / EMB) ** 0.5
    course_bias_mf = jnp.zeros((NUM_COURSES, 1), dtype=jnp.float32)
    user_emb_nn = jax.random.normal(ks[3], (NUM_USERS, EMB), dtype=jnp.float32) * (2.0 / EMB) ** 0.5
    course_emb_nn = jax.random.normal(ks[4], (NUM_COURSES, EMB), dtype=jnp.float32) * (2.0 / EMB) ** 0.5
    W1 = jax.random.normal(ks[5], (2 * EMB, 64), dtype=jnp.float32) * (2.0 / (2 * EMB + 64)) ** 0.5
    b1 = jnp.zeros((64,), dtype=jnp.float32)
    gamma1 = jnp.ones((64,), dtype=jnp.float32)
    beta1 = jnp.zeros((64,), dtype=jnp.float32)
    mean1 = jnp.zeros((64,), dtype=jnp.float32)
    var1 = jnp.ones((64,), dtype=jnp.float32)
    W2 = jax.random.normal(ks[6], (64, 32), dtype=jnp.float32) * (2.0 / (64 + 32)) ** 0.5
    b2 = jnp.zeros((32,), dtype=jnp.float32)
    gamma2 = jnp.ones((32,), dtype=jnp.float32)
    beta2 = jnp.zeros((32,), dtype=jnp.float32)
    mean2 = jnp.zeros((32,), dtype=jnp.float32)
    var2 = jnp.ones((32,), dtype=jnp.float32)
    Wout = jax.random.normal(ks[7], (33, 1), dtype=jnp.float32) * (2.0 / 34) ** 0.5
    bout = jnp.zeros((1,), dtype=jnp.float32)
    return {"inputs": inputs, "user_emb_mf": user_emb_mf, "user_bias_mf": user_bias_mf,
            "course_emb_mf": course_emb_mf, "course_bias_mf": course_bias_mf,
            "user_emb_nn": user_emb_nn, "course_emb_nn": course_emb_nn,
            "W1": W1, "b1": b1, "gamma1": gamma1, "beta1": beta1, "mean1": mean1, "var1": var1,
            "W2": W2, "b2": b2, "gamma2": gamma2, "beta2": beta2, "mean2": mean2, "var2": var2,
            "Wout": Wout, "bout": bout}

def reference(inputs, user_emb_mf, user_bias_mf, course_emb_mf, course_bias_mf,
              user_emb_nn, course_emb_nn, W1, b1, gamma1, beta1, mean1, var1,
              W2, b2, gamma2, beta2, mean2, var2, Wout, bout):
    u = inputs[:, 0]
    c = inputs[:, 1]
    # MF branch (embedding gathers)
    uv_mf = jnp.take(user_emb_mf, u, axis=0)      # [B, E]
    ub_mf = jnp.take(user_bias_mf, u, axis=0)     # [B, 1]
    cv_mf = jnp.take(course_emb_mf, c, axis=0)    # [B, E]
    cb_mf = jnp.take(course_bias_mf, c, axis=0)   # [B, 1]
    # Faithful to original: tf.tensordot(a, b, axes=2) contracts BOTH axes -> scalar
    dot_mf = jnp.tensordot(uv_mf, cv_mf, axes=2)  # scalar
    x_mf = dot_mf + ub_mf + cb_mf                 # [B, 1] via broadcast
    # NN branch
    uv_nn = jnp.take(user_emb_nn, u, axis=0)      # [B, E]
    cv_nn = jnp.take(course_emb_nn, c, axis=0)    # [B, E]
    concat_nn = jnp.concatenate([uv_nn, cv_nn], axis=1)  # [B, 2E]
    x = jnp.maximum(concat_nn @ W1 + b1, 0.0)
    x = gamma1 * (x - mean1) / jnp.sqrt(var1 + BN_EPS) + beta1  # BN inference
    # dropout is identity at inference
    x = jnp.maximum(x @ W2 + b2, 0.0)
    x = gamma2 * (x - mean2) / jnp.sqrt(var2 + BN_EPS) + beta2
    concat_mf_nn = jnp.concatenate([x_mf, x], axis=1)  # [B, 33]
    out = jax.nn.sigmoid(concat_mf_nn @ Wout + bout)   # [B, 1]
    return out

if __name__ == "__main__":
    import jax
    _d = setup_inputs()
    print(jax.jit(kernel)(*tuple(_d.values())))

</pallas_src>

<mosaic_0001>
#map = affine_map<(d0, d1) -> (0)>
#map1 = affine_map<(d0, d1) -> (0, 0)>
module attributes {stable_mosaic.version = 14 : i64} {
  func.func @_sc_body(%arg0: i32, %arg1: i32, %arg2: memref<16384xi32, #tpu.memory_space<hbm>>, %arg3: memref<16384xi32, #tpu.memory_space<hbm>>, %arg4: memref<100000x128xf32, #tpu.memory_space<hbm>>, %arg5: memref<100000x128xf32, #tpu.memory_space<hbm>>, %arg6: memref<100000x128xf32, #tpu.memory_space<hbm>>, %arg7: memref<100000x128xf32, #tpu.memory_space<hbm>>, %arg8: memref<100000xf32, #tpu.memory_space<hbm>>, %arg9: memref<100000xf32, #tpu.memory_space<hbm>>, %arg10: memref<16384x128xf32, #tpu.memory_space<hbm>>, %arg11: memref<16384x128xf32, #tpu.memory_space<hbm>>, %arg12: memref<16384xf32, #tpu.memory_space<hbm>>, %arg13: memref<512xf32, #tpu.memory_space<hbm>>, %arg14: memref<4x128xi32, #tpu.memory_space<vmem>>, %arg15: memref<4x128xi32, #tpu.memory_space<vmem>>, %arg16: memref<1x128x128xf32, #tpu.memory_space<vmem>>, %arg17: memref<1x128x128xf32, #tpu.memory_space<vmem>>, %arg18: memref<1x128x128xf32, #tpu.memory_space<vmem>>, %arg19: memref<1x128x128xf32, #tpu.memory_space<vmem>>, %arg20: memref<1x128xf32, #tpu.memory_space<vmem>>, %arg21: memref<1x128xf32, #tpu.memory_space<vmem>>, %arg22: memref<1x128xf32, #tpu.memory_space<vmem>>, %arg23: memref<16xf32, #tpu.memory_space<vmem>>, %arg24: memref<!tpu.dma_semaphore, #tpu.memory_space<semaphore_mem>>, %arg25: memref<!tpu.dma_semaphore, #tpu.memory_space<semaphore_mem>>, %arg26: memref<!tpu.dma_semaphore, #tpu.memory_space<semaphore_mem>>, %arg27: memref<!tpu.dma_semaphore, #tpu.memory_space<semaphore_mem>>, %arg28: memref<!tpu.dma_semaphore, #tpu.memory_space<semaphore_mem>>, %arg29: memref<!tpu.dma_semaphore, #tpu.memory_space<semaphore_mem>>) attributes {dimension_semantics = [#tpu.dimension_semantics<core_parallel>, #tpu.dimension_semantics<subcore_parallel>], iteration_bounds = array<i64: 2, 16>, scalar_prefetch = 0 : i64, scratch_operands = 16 : i64, tpu.core_type = #tpu.core_type<sc_vector_subcore>, window_params = [{transform_indices = #map}, {transform_indices = #map}, {transform_indices = #map1}, {transform_indices = #map1}, {transform_indices = #map1}, {transform_indices = #map1}, {transform_indices = #map}, {transform_indices = #map}, {transform_indices = #map1}, {transform_indices = #map1}, {transform_indices = #map}, {transform_indices = #map}]} {
    %mul3A = arith.constant 2 : i32
    %mul3A_0 = arith.muli %arg1, %mul3A : i32
    %add3A = arith.addi %mul3A_0, %arg0 : i32
    %mul3A_1 = arith.constant 512 : i32
    %mul3A_2 = arith.muli %add3A, %mul3A_1 : i32
    %add3A_3 = arith.constant 0 : i32
    %add3A_4 = arith.addi %mul3A_2, %add3A_3 : i32
    %run_scoped3A = arith.constant 0 : i32
    "tpu.region"() ({
      %run_scoped3A_1162 = tpu.sem_alloc : memref<!tpu.dma_semaphore, #tpu.memory_space<semaphore_mem>>
      %dma_start3A_1163 = arith.constant 0 : i32
      %dma_start3A_1164 = tpu.memref_slice %arg14[%run_scoped3A, %dma_start3A_1163] : memref<4x128xi32, #tpu.memory_space<vmem>> -> memref<1x128xi32, #tpu.memory_space<vmem>>
      %dma_start3A_1165 = tpu.memref_squeeze %dma_start3A_1164 : memref<1x128xi32, #tpu.memory_space<vmem>> -> memref<128xi32, #tpu.memory_space<vmem>>
      %dma_start3A_1166 = tpu.memref_slice %arg2[%add3A_4] : memref<16384xi32, #tpu.memory_space<hbm>> -> memref<128xi32, #tpu.memory_space<hbm>>
      %dma_start3A_1167 = arith.constant 0 : i32
      %dma_start3A_1168 = tpu.memref_slice %arg14[%run_scoped3A, %dma_start3A_1167] : memref<4x128xi32, #tpu.memory_space<vmem>> -> memref<1x128xi32, #tpu.memory_space<vmem>>
      %dma_start3A_1169 = tpu.memref_squeeze %dma_start3A_1168 : memref<1x128xi32, #tpu.memory_space<vmem>> -> memref<128xi32, #tpu.memory_space<vmem>>
      %dma_start3A_1170 = tpu.memref_slice %arg2[%add3A_4] : memref<16384xi32, #tpu.memory_space<hbm>> -> memref<128xi32, #tpu.memory_space<hbm>>
      tpu.enqueue_dma source(%dma_start3A_1170 : memref<128xi32, #tpu.memory_space<hbm>>) target(%dma_start3A_1169 : memref<128xi32, #tpu.memory_space<vmem>>) target_semaphore(%run_scoped3A_1162 : memref<!tpu.dma_semaphore, #tpu.memory_space<semaphore_mem>>)
      %dma_wait3A_1171 = arith.constant 0 : i32
      %dma_wait3A_1172 = tpu.memref_slice %arg14[%run_scoped3A, %dma_wait3A_1171] : memref<4x128xi32, #tpu.memory_space<vmem>> -> memref<1x128xi32, #tpu.memory_space<vmem>>
      %dma_wait3A_1173 = tpu.memref_squeeze %dma_wait3A_1172 : memref<1x128xi32, #tpu.memory_space<vmem>> -> memref<128xi32, #tpu.memory_space<vmem>>
      %dma_wait3A_1174 = tpu.memref_slice %arg2[%add3A_4] : memref<16384xi32, #tpu.memory_space<hbm>> -> memref<128xi32, #tpu.memory_space<hbm>>
      %dma_wait3A_1175 = arith.constant 0 : i32
      %dma_wait3A_1176 = tpu.memref_slice %arg14[%run_scoped3A, %dma_wait3A_1175] : memref<4x128xi32, #tpu.memory_space<vmem>> -> memref<1x128xi32, #tpu.memory_space<vmem>>
      %dma_wait3A_1177 = tpu.memref_squeeze %dma_wait3A_1176 : memref<1x128xi32, #tpu.memory_space<vmem>> -> memref<128xi32, #tpu.memory_space<vmem>>
      %dma_wait3A_1178 = tpu.memref_slice %arg2[%add3A_4] : memref<16384xi32, #tpu.memory_space<hbm>> -> memref<128xi32, #tpu.memory_space<hbm>>
      tpu.wait_dma2 semaphore(%run_scoped3A_1162 : memref<!tpu.dma_semaphore, #tpu.memory_space<semaphore_mem>>) src(%dma_wait3A_1178 : memref<128xi32, #tpu.memory_space<hbm>>) dst(%dma_wait3A_1177 : memref<128xi32, #tpu.memory_space<vmem>>)
      tpu.yield
    }) : () -> ()
    %add3A_5 = arith.constant 0 : i32
    %add3A_6 = arith.addi %mul3A_2, %add3A_5 : i32
    %run_scoped3A_7 = arith.constant 0 : i32
    "tpu.region"() ({
      %run_scoped3A_1162 = tpu.sem_alloc : memref<!tpu.dma_semaphore, #tpu.memory_space<semaphore_mem>>
      %dma_start3A_1163 = arith.constant 0 : i32
      %dma_start3A_1164 = tpu.memref_slice %arg15[%run_scoped3A_7, %dma_start3A_1163] : memref<4x128xi32, #tpu.memory_space<vmem>> -> memref<1x128xi32, #tpu.memory_space<vmem>>
      %dma_start3A_1165 = tpu.memref_squeeze %dma_start3A_1164 : memref<1x128xi32, #tpu.memory_space<vmem>> -> memref<128xi32, #tpu.memory_space<vmem>>
      %dma_start3A_1166 = tpu.memref_slice %arg3[%add3A_6] : memref<16384xi32, #tpu.memory_space<hbm>> -> memref<128xi32, #tpu.memory_space<hbm>>
      %dma_start3A_1167 = arith.constant 0 : i32
      %dma_start3A_1168 = tpu.memref_slice %arg15[%run_scoped3A_7, %dma_start3A_1167] : memref<4x128xi32, #tpu.memory_space<vmem>> -> memref<1x128xi32, #tpu.memory_space<vmem>>
      %dma_start3A_1169 = tpu.memref_squeeze %dma_start3A_1168 : memref<1x128xi32, #tpu.memory_space<vmem>> -> memref<128xi32, #tpu.memory_space<vmem>>
      %dma_start3A_1170 = tpu.memref_slice %arg3[%add3A_6] : memref<16384xi32, #tpu.memory_space<hbm>> -> memref<128xi32, #tpu.memory_space<hbm>>
      tpu.enqueue_dma source(%dma_start3A_1170 : memref<128xi32, #tpu.memory_space<hbm>>) target(%dma_start3A_1169 : memref<128xi32, #tpu.memory_space<vmem>>) target_semaphore(%run_scoped3A_1162 : memref<!tpu.dma_semaphore, #tpu.memory_space<semaphore_mem>>)
      %dma_wait3A_1171 = arith.constant 0 : i32
      %dma_wait3A_1172 = tpu.memref_slice %arg15[%run_scoped3A_7, %dma_wait3A_1171] : memref<4x128xi32, #tpu.memory_space<vmem>> -> memref<1x128xi32, #tpu.memory_space<vmem>>
      %dma_wait3A_1173 = tpu.memref_squeeze %dma_wait3A_1172 : memref<1x128xi32, #tpu.memory_space<vmem>> -> memref<128xi32, #tpu.memory_space<vmem>>
      %dma_wait3A_1174 = tpu.memref_slice %arg3[%add3A_6] : memref<16384xi32, #tpu.memory_space<hbm>> -> memref<128xi32, #tpu.memory_space<hbm>>
      %dma_wait3A_1175 = arith.constant 0 : i32
      %dma_wait3A_1176 = tpu.memref_slice %arg15[%run_scoped3A_7, %dma_wait3A_1175] : memref<4x128xi32, #tpu.memory_space<vmem>> -> memref<1x128xi32, #tpu.memory_space<vmem>>
      %dma_wait3A_1177 = tpu.memref_squeeze %dma_wait3A_1176 : memref<1x128xi32, #tpu.memory_space<vmem>> -> memref<128xi32, #tpu.memory_space<vmem>>
      %dma_wait3A_1178 = tpu.memref_slice %arg3[%add3A_6] : memref<16384xi32, #tpu.memory_space<hbm>> -> memref<128xi32, #tpu.memory_space<hbm>>
      tpu.wait_dma2 semaphore(%run_scoped3A_1162 : memref<!tpu.dma_semaphore, #tpu.memory_space<semaphore_mem>>) src(%dma_wait3A_1178 : memref<128xi32, #tpu.memory_space<hbm>>) dst(%dma_wait3A_1177 : memref<128xi32, #tpu.memory_space<vmem>>)
      tpu.yield
    }) : () -> ()
    %add3A_8 = arith.constant 128 : i32
    %add3A_9 = arith.addi %mul3A_2, %add3A_8 : i32
    %run_scoped3A_10 = arith.constant 1 : i32
    "tpu.region"() ({
      %run_scoped3A_1162 = tpu.sem_alloc : memref<!tpu.dma_semaphore, #tpu.memory_space<semaphore_mem>>
      %dma_start3A_1163 = arith.constant 0 : i32
      %dma_start3A_1164 = tpu.memref_slice %arg14[%run_scoped3A_10, %dma_start3A_1163] : memref<4x128xi32, #tpu.memory_space<vmem>> -> memref<1x128xi32, #tpu.memory_space<vmem>>
      %dma_start3A_1165 = tpu.memref_squeeze %dma_start3A_1164 : memref<1x128xi32, #tpu.memory_space<vmem>> -> memref<128xi32, #tpu.memory_space<vmem>>
      %dma_start3A_1166 = tpu.memref_slice %arg2[%add3A_9] : memref<16384xi32, #tpu.memory_space<hbm>> -> memref<128xi32, #tpu.memory_space<hbm>>
      %dma_start3A_1167 = arith.constant 0 : i32
      %dma_start3A_1168 = tpu.memref_slice %arg14[%run_scoped3A_10, %dma_start3A_1167] : memref<4x128xi32, #tpu.memory_space<vmem>> -> memref<1x128xi32, #tpu.memory_space<vmem>>
      %dma_start3A_1169 = tpu.memref_squeeze %dma_start3A_1168 : memref<1x128xi32, #tpu.memory_space<vmem>> -> memref<128xi32, #tpu.memory_space<vmem>>
      %dma_start3A_1170 = tpu.memref_slice %arg2[%add3A_9] : memref<16384xi32, #tpu.memory_space<hbm>> -> memref<128xi32, #tpu.memory_space<hbm>>
      tpu.enqueue_dma source(%dma_start3A_1170 : memref<128xi32, #tpu.memory_space<hbm>>) target(%dma_start3A_1169 : memref<128xi32, #tpu.memory_space<vmem>>) target_semaphore(%run_scoped3A_1162 : memref<!tpu.dma_semaphore, #tpu.memory_space<semaphore_mem>>)
      %dma_wait3A_1171 = arith.constant 0 : i32
      %dma_wait3A_1172 = tpu.memref_slice %arg14[%run_scoped3A_10, %dma_wait3A_1171] : memref<4x128xi32, #tpu.memory_space<vmem>> -> memref<1x128xi32, #tpu.memory_space<vmem>>
      %dma_wait3A_1173 = tpu.memref_squeeze %dma_wait3A_1172 : memref<1x128xi32, #tpu.memory_space<vmem>> -> memref<128xi32, #tpu.memory_space<vmem>>
      %dma_wait3A_1174 = tpu.memref_slice %arg2[%add3A_9] : memref<16384xi32, #tpu.memory_space<hbm>> -> memref<128xi32, #tpu.memory_space<hbm>>
      %dma_wait3A_1175 = arith.constant 0 : i32
      %dma_wait3A_1176 = tpu.memref_slice %arg14[%run_scoped3A_10, %dma_wait3A_1175] : memref<4x128xi32, #tpu.memory_space<vmem>> -> memref<1x128xi32, #tpu.memory_space<vmem>>
      %dma_wait3A_1177 = tpu.memref_squeeze %dma_wait3A_1176 : memref<1x128xi32, #tpu.memory_space<vmem>> -> memref<128xi32, #tpu.memory_space<vmem>>
      %dma_wait3A_1178 = tpu.memref_slice %arg2[%add3A_9] : memref<16384xi32, #tpu.memory_space<hbm>> -> memref<128xi32, #tpu.memory_space<hbm>>
      tpu.wait_dma2 semaphore(%run_scoped3A_1162 : memref<!tpu.dma_semaphore, #tpu.memory_space<semaphore_mem>>) src(%dma_wait3A_1178 : memref<128xi32, #tpu.memory_space<hbm>>) dst(%dma_wait3A_1177 : memref<128xi32, #tpu.memory_space<vmem>>)
      tpu.yield
    }) : () -> ()
    %add3A_11 = arith.constant 128 : i32
    %add3A_12 = arith.addi %mul3A_2, %add3A_11 : i32
    %run_scoped3A_13 = arith.constant 1 : i32
    "tpu.region"() ({
      %run_scoped3A_1162 = tpu.sem_alloc : memref<!tpu.dma_semaphore, #tpu.memory_space<semaphore_mem>>
      %dma_start3A_1163 = arith.constant 0 : i32
      %dma_start3A_1164 = tpu.memref_slice %arg15[%run_scoped3A_13, %dma_start3A_1163] : memref<4x128xi32, #tpu.memory_space<vmem>> -> memref<1x128xi32, #tpu.memory_space<vmem>>
      %dma_start3A_1165 = tpu.memref_squeeze %dma_start3A_1164 : memref<1x128xi32, #tpu.memory_space<vmem>> -> memref<128xi32, #tpu.memory_space<vmem>>
      %dma_start3A_1166 = tpu.memref_slice %arg3[%add3A_12] : memref<16384xi32, #tpu.memory_space<hbm>> -> memref<128xi32, #tpu.memory_space<hbm>>
      %dma_start3A_1167 = arith.constant 0 : i32
      %dma_start3A_1168 = tpu.memref_slice %arg15[%run_scoped3A_13, %dma_start3A_1167] : memref<4x128xi32, #tpu.memory_space<vmem>> -> memref<1x128xi32, #tpu.memory_space<vmem>>
      %dma_start3A_1169 = tpu.memref_squeeze %dma_start3A_1168 : memref<1x128xi32, #tpu.memory_space<vmem>> -> memref<128xi32, #tpu.memory_space<vmem>>
      %dma_start3A_1170 = tpu.memref_slice %arg3[%add3A_12] : memref<16384xi32, #tpu.memory_space<hbm>> -> memref<128xi32, #tpu.memory_space<hbm>>
      tpu.enqueue_dma source(%dma_start3A_1170 : memref<128xi32, #tpu.memory_space<hbm>>) target(%dma_start3A_1169 : memref<128xi32, #tpu.memory_space<vmem>>) target_semaphore(%run_scoped3A_1162 : memref<!tpu.dma_semaphore, #tpu.memory_space<semaphore_mem>>)
      %dma_wait3A_1171 = arith.constant 0 : i32
      %dma_wait3A_1172 = tpu.memref_slice %arg15[%run_scoped3A_13, %dma_wait3A_1171] : memref<4x128xi32, #tpu.memory_space<vmem>> -> memref<1x128xi32, #tpu.memory_space<vmem>>
      %dma_wait3A_1173 = tpu.memref_squeeze %dma_wait3A_1172 : memref<1x128xi32, #tpu.memory_space<vmem>> -> memref<128xi32, #tpu.memory_space<vmem>>
      %dma_wait3A_1174 = tpu.memref_slice %arg3[%add3A_12] : memref<16384xi32, #tpu.memory_space<hbm>> -> memref<128xi32, #tpu.memory_space<hbm>>
      %dma_wait3A_1175 = arith.constant 0 : i32
      %dma_wait3A_1176 = tpu.memref_slice %arg15[%run_scoped3A_13, %dma_wait3A_1175] : memref<4x128xi32, #tpu.memory_space<vmem>> -> memref<1x128xi32, #tpu.memory_space<vmem>>
      %dma_wait3A_1177 = tpu.memref_squeeze %dma_wait3A_1176 : memref<1x128xi32, #tpu.memory_space<vmem>> -> memref<128xi32, #tpu.memory_space<vmem>>
      %dma_wait3A_1178 = tpu.memref_slice %arg3[%add3A_12] : memref<16384xi32, #tpu.memory_space<hbm>> -> memref<128xi32, #tpu.memory_space<hbm>>
      tpu.wait_dma2 semaphore(%run_scoped3A_1162 : memref<!tpu.dma_semaphore, #tpu.memory_space<semaphore_mem>>) src(%dma_wait3A_1178 : memref<128xi32, #tpu.memory_space<hbm>>) dst(%dma_wait3A_1177 : memref<128xi32, #tpu.memory_space<vmem>>)
      tpu.yield
    }) : () -> ()
    %add3A_14 = arith.constant 256 : i32
    %add3A_15 = arith.addi %mul3A_2, %add3A_14 : i32
    %run_scoped3A_16 = arith.constant 2 : i32
    "tpu.region"() ({
      %run_scoped3A_1162 = tpu.sem_alloc : memref<!tpu.dma_semaphore, #tpu.memory_space<semaphore_mem>>
      %dma_start3A_1163 = arith.constant 0 : i32
      %dma_start3A_1164 = tpu.memref_slice %arg14[%run_scoped3A_16, %dma_start3A_1163] : memref<4x128xi32, #tpu.memory_space<vmem>> -> memref<1x128xi32, #tpu.memory_space<vmem>>
      %dma_start3A_1165 = tpu.memref_squeeze %dma_start3A_1164 : memref<1x128xi32, #tpu.memory_space<vmem>> -> memref<128xi32, #tpu.memory_space<vmem>>
      %dma_start3A_1166 = tpu.memref_slice %arg2[%add3A_15] : memref<16384xi32, #tpu.memory_space<hbm>> -> memref<128xi32, #tpu.memory_space<hbm>>
      %dma_start3A_1167 = arith.constant 0 : i32
      %dma_start3A_1168 = tpu.memref_slice %arg14[%run_scoped3A_16, %dma_start3A_1167] : memref<4x128xi32, #tpu.memory_space<vmem>> -> memref<1x128xi32, #tpu.memory_space<vmem>>
      %dma_start3A_1169 = tpu.memref_squeeze %dma_start3A_1168 : memref<1x128xi32, #tpu.memory_space<vmem>> -> memref<128xi32, #tpu.memory_space<vmem>>
      %dma_start3A_1170 = tpu.memref_slice %arg2[%add3A_15] : memref<16384xi32, #tpu.memory_space<hbm>> -> memref<128xi32, #tpu.memory_space<hbm>>
      tpu.enqueue_dma source(%dma_start3A_1170 : memref<128xi32, #tpu.memory_space<hbm>>) target(%dma_start3A_1169 : memref<128xi32, #tpu.memory_space<vmem>>) target_semaphore(%run_scoped3A_1162 : memref<!tpu.dma_semaphore, #tpu.memory_space<semaphore_mem>>)
      %dma_wait3A_1171 = arith.constant 0 : i32
      %dma_wait3A_1172 = tpu.memref_slice %arg14[%run_scoped3A_16, %dma_wait3A_1171] : memref<4x128xi32, #tpu.memory_space<vmem>> -> memref<1x128xi32, #tpu.memory_space<vmem>>
      %dma_wait3A_1173 = tpu.memref_squeeze %dma_wait3A_1172 : memref<1x128xi32, #tpu.memory_space<vmem>> -> memref<128xi32, #tpu.memory_space<vmem>>
      %dma_wait3A_1174 = tpu.memref_slice %arg2[%add3A_15] : memref<16384xi32, #tpu.memory_space<hbm>> -> memref<128xi32, #tpu.memory_space<hbm>>
      %dma_wait3A_1175 = arith.constant 0 : i32
      %dma_wait3A_1176 = tpu.memref_slice %arg14[%run_scoped3A_16, %dma_wait3A_1175] : memref<4x128xi32, #tpu.memory_space<vmem>> -> memref<1x128xi32, #tpu.memory_space<vmem>>
      %dma_wait3A_1177 = tpu.memref_squeeze %dma_wait3A_1176 : memref<1x128xi32, #tpu.memory_space<vmem>> -> memref<128xi32, #tpu.memory_space<vmem>>
      %dma_wait3A_1178 = tpu.memref_slice %arg2[%add3A_15] : memref<16384xi32, #tpu.memory_space<hbm>> -> memref<128xi32, #tpu.memory_space<hbm>>
      tpu.wait_dma2 semaphore(%run_scoped3A_1162 : memref<!tpu.dma_semaphore, #tpu.memory_space<semaphore_mem>>) src(%dma_wait3A_1178 : memref<128xi32, #tpu.memory_space<hbm>>) dst(%dma_wait3A_1177 : memref<128xi32, #tpu.memory_space<vmem>>)
      tpu.yield
    }) : () -> ()
    %add3A_17 = arith.constant 256 : i32
    %add3A_18 = arith.addi %mul3A_2, %add3A_17 : i32
    %run_scoped3A_19 = arith.constant 2 : i32
    "tpu.region"() ({
      %run_scoped3A_1162 = tpu.sem_alloc : memref<!tpu.dma_semaphore, #tpu.memory_space<semaphore_mem>>
      %dma_start3A_1163 = arith.constant 0 : i32
      %dma_start3A_1164 = tpu.memref_slice %arg15[%run_scoped3A_19, %dma_start3A_1163] : memref<4x128xi32, #tpu.memory_space<vmem>> -> memref<1x128xi32, #tpu.memory_space<vmem>>
      %dma_start3A_1165 = tpu.memref_squeeze %dma_start3A_1164 : memref<1x128xi32, #tpu.memory_space<vmem>> -> memref<128xi32, #tpu.memory_space<vmem>>
      %dma_start3A_1166 = tpu.memref_slice %arg3[%add3A_18] : memref<16384xi32, #tpu.memory_space<hbm>> -> memref<128xi32, #tpu.memory_space<hbm>>
      %dma_start3A_1167 = arith.constant 0 : i32
      %dma_start3A_1168 = tpu.memref_slice %arg15[%run_scoped3A_19, %dma_start3A_1167] : memref<4x128xi32, #tpu.memory_space<vmem>> -> memref<1x128xi32, #tpu.memory_space<vmem>>
      %dma_start3A_1169 = tpu.memref_squeeze %dma_start3A_1168 : memref<1x128xi32, #tpu.memory_space<vmem>> -> memref<128xi32, #tpu.memory_space<vmem>>
      %dma_start3A_1170 = tpu.memref_slice %arg3[%add3A_18] : memref<16384xi32, #tpu.memory_space<hbm>> -> memref<128xi32, #tpu.memory_space<hbm>>
      tpu.enqueue_dma source(%dma_start3A_1170 : memref<128xi32, #tpu.memory_space<hbm>>) target(%dma_start3A_1169 : memref<128xi32, #tpu.memory_space<vmem>>) target_semaphore(%run_scoped3A_1162 : memref<!tpu.dma_semaphore, #tpu.memory_space<semaphore_mem>>)
      %dma_wait3A_1171 = arith.constant 0 : i32
      %dma_wait3A_1172 = tpu.memref_slice %arg15[%run_scoped3A_19, %dma_wait3A_1171] : memref<4x128xi32, #tpu.memory_space<vmem>> -> memref<1x128xi32, #tpu.memory_space<vmem>>
      %dma_wait3A_1173 = tpu.memref_squeeze %dma_wait3A_1172 : memref<1x128xi32, #tpu.memory_space<vmem>> -> memref<128xi32, #tpu.memory_space<vmem>>
      %dma_wait3A_1174 = tpu.memref_slice %arg3[%add3A_18] : memref<16384xi32, #tpu.memory_space<hbm>> -> memref<128xi32, #tpu.memory_space<hbm>>
      %dma_wait3A_1175 = arith.constant 0 : i32
      %dma_wait3A_1176 = tpu.memref_slice %arg15[%run_scoped3A_19, %dma_wait3A_1175] : memref<4x128xi32, #tpu.memory_space<vmem>> -> memref<1x128xi32, #tpu.memory_space<vmem>>
      %dma_wait3A_1177 = tpu.memref_squeeze %dma_wait3A_1176 : memref<1x128xi32, #tpu.memory_space<vmem>> -> memref<128xi32, #tpu.memory_space<vmem>>
      %dma_wait3A_1178 = tpu.memref_slice %arg3[%add3A_18] : memref<16384xi32, #tpu.memory_space<hbm>> -> memref<128xi32, #tpu.memory_space<hbm>>
      tpu.wait_dma2 semaphore(%run_scoped3A_1162 : memref<!tpu.dma_semaphore, #tpu.memory_space<semaphore_mem>>) src(%dma_wait3A_1178 : memref<128xi32, #tpu.memory_space<hbm>>) dst(%dma_wait3A_1177 : memref<128xi32, #tpu.memory_space<vmem>>)
      tpu.yield
    }) : () -> ()
    %add3A_20 = arith.constant 384 : i32
    %add3A_21 = arith.addi %mul3A_2, %add3A_20 : i32
    %run_scoped3A_22 = arith.constant 3 : i32
    "tpu.region"() ({
      %run_scoped3A_1162 = tpu.sem_alloc : memref<!tpu.dma_semaphore, #tpu.memory_space<semaphore_mem>>
      %dma_start3A_1163 = arith.constant 0 : i32
      %dma_start3A_1164 = tpu.memref_slice %arg14[%run_scoped3A_22, %dma_start3A_1163] : memref<4x128xi32, #tpu.memory_space<vmem>> -> memref<1x128xi32, #tpu.memory_space<vmem>>
      %dma_start3A_1165 = tpu.memref_squeeze %dma_start3A_1164 : memref<1x128xi32, #tpu.memory_space<vmem>> -> memref<128xi32, #tpu.memory_space<vmem>>
      %dma_start3A_1166 = tpu.memref_slice %arg2[%add3A_21] : memref<16384xi32, #tpu.memory_space<hbm>> -> memref<128xi32, #tpu.memory_space<hbm>>
      %dma_start3A_1167 = arith.constant 0 : i32
      %dma_start3A_1168 = tpu.memref_slice %arg14[%run_scoped3A_22, %dma_start3A_1167] : memref<4x128xi32, #tpu.memory_space<vmem>> -> memref<1x128xi32, #tpu.memory_space<vmem>>
      %dma_start3A_1169 = tpu.memref_squeeze %dma_start3A_1168 : memref<1x128xi32, #tpu.memory_space<vmem>> -> memref<128xi32, #tpu.memory_space<vmem>>
      %dma_start3A_1170 = tpu.memref_slice %arg2[%add3A_21] : memref<16384xi32, #tpu.memory_space<hbm>> -> memref<128xi32, #tpu.memory_space<hbm>>
      tpu.enqueue_dma source(%dma_start3A_1170 : memref<128xi32, #tpu.memory_space<hbm>>) target(%dma_start3A_1169 : memref<128xi32, #tpu.memory_space<vmem>>) target_semaphore(%run_scoped3A_1162 : memref<!tpu.dma_semaphore, #tpu.memory_space<semaphore_mem>>)
      %dma_wait3A_1171 = arith.constant 0 : i32
      %dma_wait3A_1172 = tpu.memref_slice %arg14[%run_scoped3A_22, %dma_wait3A_1171] : memref<4x128xi32, #tpu.memory_space<vmem>> -> memref<1x128xi32, #tpu.memory_space<vmem>>
      %dma_wait3A_1173 = tpu.memref_squeeze %dma_wait3A_1172 : memref<1x128xi32, #tpu.memory_space<vmem>> -> memref<128xi32, #tpu.memory_space<vmem>>
      %dma_wait3A_1174 = tpu.memref_slice %arg2[%add3A_21] : memref<16384xi32, #tpu.memory_space<hbm>> -> memref<128xi32, #tpu.memory_space<hbm>>
      %dma_wait3A_1175 = arith.constant 0 : i32
      %dma_wait3A_1176 = tpu.memref_slice %arg14[%run_scoped3A_22, %dma_wait3A_1175] : memref<4x128xi32, #tpu.memory_space<vmem>> -> memref<1x128xi32, #tpu.memory_space<vmem>>
      %dma_wait3A_1177 = tpu.memref_squeeze %dma_wait3A_1176 : memref<1x128xi32, #tpu.memory_space<vmem>> -> memref<128xi32, #tpu.memory_space<vmem>>
      %dma_wait3A_1178 = tpu.memref_slice %arg2[%add3A_21] : memref<16384xi32, #tpu.memory_space<hbm>> -> memref<128xi32, #tpu.memory_space<hbm>>
      tpu.wait_dma2 semaphore(%run_scoped3A_1162 : memref<!tpu.dma_semaphore, #tpu.memory_space<semaphore_mem>>) src(%dma_wait3A_1178 : memref<128xi32, #tpu.memory_space<hbm>>) dst(%dma_wait3A_1177 : memref<128xi32, #tpu.memory_space<vmem>>)
      tpu.yield
    }) : () -> ()
    %add3A_23 = arith.constant 384 : i32
    %add3A_24 = arith.addi %mul3A_2, %add3A_23 : i32
    %run_scoped3A_25 = arith.constant 3 : i32
    "tpu.region"() ({
      %run_scoped3A_1162 = tpu.sem_alloc : memref<!tpu.dma_semaphore, #tpu.memory_space<semaphore_mem>>
      %dma_start3A_1163 = arith.constant 0 : i32
      %dma_start3A_1164 = tpu.memref_slice %arg15[%run_scoped3A_25, %dma_start3A_1163] : memref<4x128xi32, #tpu.memory_space<vmem>> -> memref<1x128xi32, #tpu.memory_space<vmem>>
      %dma_start3A_1165 = tpu.memref_squeeze %dma_start3A_1164 : memref<1x128xi32, #tpu.memory_space<vmem>> -> memref<128xi32, #tpu.memory_space<vmem>>
      %dma_start3A_1166 = tpu.memref_slice %arg3[%add3A_24] : memref<16384xi32, #tpu.memory_space<hbm>> -> memref<128xi32, #tpu.memory_space<hbm>>
      %dma_start3A_1167 = arith.constant 0 : i32
      %dma_start3A_1168 = tpu.memref_slice %arg15[%run_scoped3A_25, %dma_start3A_1167] : memref<4x128xi32, #tpu.memory_space<vmem>> -> memref<1x128xi32, #tpu.memory_space<vmem>>
      %dma_start3A_1169 = tpu.memref_squeeze %dma_start3A_1168 : memref<1x128xi32, #tpu.memory_space<vmem>> -> memref<128xi32, #tpu.memory_space<vmem>>
      %dma_start3A_1170 = tpu.memref_slice %arg3[%add3A_24] : memref<16384xi32, #tpu.memory_space<hbm>> -> memref<128xi32, #tpu.memory_space<hbm>>
      tpu.enqueue_dma source(%dma_start3A_1170 : memref<128xi32, #tpu.memory_space<hbm>>) target(%dma_start3A_1169 : memref<128xi32, #tpu.memory_space<vmem>>) target_semaphore(%run_scoped3A_1162 : memref<!tpu.dma_semaphore, #tpu.memory_space<semaphore_mem>>)
      %dma_wait3A_1171 = arith.constant 0 : i32
      %dma_wait3A_1172 = tpu.memref_slice %arg15[%run_scoped3A_25, %dma_wait3A_1171] : memref<4x128xi32, #tpu.memory_space<vmem>> -> memref<1x128xi32, #tpu.memory_space<vmem>>
      %dma_wait3A_1173 = tpu.memref_squeeze %dma_wait3A_1172 : memref<1x128xi32, #tpu.memory_space<vmem>> -> memref<128xi32, #tpu.memory_space<vmem>>
      %dma_wait3A_1174 = tpu.memref_slice %arg3[%add3A_24] : memref<16384xi32, #tpu.memory_space<hbm>> -> memref<128xi32, #tpu.memory_space<hbm>>
      %dma_wait3A_1175 = arith.constant 0 : i32
      %dma_wait3A_1176 = tpu.memref_slice %arg15[%run_scoped3A_25, %dma_wait3A_1175] : memref<4x128xi32, #tpu.memory_space<vmem>> -> memref<1x128xi32, #tpu.memory_space<vmem>>
      %dma_wait3A_1177 = tpu.memref_squeeze %dma_wait3A_1176 : memref<1x128xi32, #tpu.memory_space<vmem>> -> memref<128xi32, #tpu.memory_space<vmem>>
      %dma_wait3A_1178 = tpu.memref_slice %arg3[%add3A_24] : memref<16384xi32, #tpu.memory_space<hbm>> -> memref<128xi32, #tpu.memory_space<hbm>>
      tpu.wait_dma2 semaphore(%run_scoped3A_1162 : memref<!tpu.dma_semaphore, #tpu.memory_space<semaphore_mem>>) src(%dma_wait3A_1178 : memref<128xi32, #tpu.memory_space<hbm>>) dst(%dma_wait3A_1177 : memref<128xi32, #tpu.memory_space<vmem>>)
      tpu.yield
    }) : () -> ()
    %broadcast_in_dim3A = arith.constant 0.000000e+00 : f32
    %broadcast_in_dim3A_26 = vector.broadcast %broadcast_in_dim3A : f32 to vector<16xf32>
    %broadcast_in_dim3A_27 = arith.constant 0.000000e+00 : f32
    %broadcast_in_dim3A_28 = vector.broadcast %broadcast_in_dim3A_27 : f32 to vector<16xf32>
    %add3A_29 = arith.constant 0 : i32
    %add3A_30 = arith.addi %mul3A_2, %add3A_29 : i32
    %dma_start3A = arith.constant 0 : i32
    %dma_start3A_31 = arith.constant 0 : i32
    %dma_start3A_32 = arith.constant 0 : i32
    %dma_start3A_33 = arith.constant 0 : i32
    %dma_start3A_34 = tpu.memref_slice %arg18[%dma_start3A_31, %dma_start3A_32, %dma_start3A_33] : memref<1x128x128xf32, #tpu.memory_space<vmem>> -> memref<1x128x128xf32, #tpu.memory_space<vmem>>
    %dma_start3A_35 = tpu.memref_squeeze %dma_start3A_34 : memref<1x128x128xf32, #tpu.memory_space<vmem>> -> memref<128x128xf32, #tpu.memory_space<vmem>>
    %dma_start3A_36 = arith.constant 0 : i32
    %dma_start3A_37 = tpu.memref_slice %arg14[%dma_start3A, %dma_start3A_36] : memref<4x128xi32, #tpu.memory_space<vmem>> -> memref<1x128xi32, #tpu.memory_space<vmem>>
    %dma_start3A_38 = tpu.memref_squeeze %dma_start3A_37 : memref<1x128xi32, #tpu.memory_space<vmem>> -> memref<128xi32, #tpu.memory_space<vmem>>
    %dma_start3A_39 = arith.constant 0 : i32
    %dma_start3A_40 = arith.constant 0 : i32
    %dma_start3A_41 = tpu.memref_slice %arg6[%dma_start3A_39, %dma_start3A_40] : memref<100000x128xf32, #tpu.memory_space<hbm>> -> memref<100000x128xf32, #tpu.memory_space<hbm>>
    tpu.enqueue_indirect_dma source(%dma_start3A_41 : memref<100000x128xf32, #tpu.memory_space<hbm>>) target(%dma_start3A_35 : memref<128x128xf32, #tpu.memory_space<vmem>>) offsets(%dma_start3A_38 : memref<128xi32, #tpu.memory_space<vmem>>) semaphore(%arg26 : memref<!tpu.dma_semaphore, #tpu.memory_space<semaphore_mem>>)
    %dma_start3A_42 = arith.constant 0 : i32
    %dma_start3A_43 = arith.constant 0 : i32
    %dma_start3A_44 = arith.constant 0 : i32
    %dma_start3A_45 = arith.constant 0 : i32
    %dma_start3A_46 = tpu.memref_slice %arg19[%dma_start3A_43, %dma_start3A_44, %dma_start3A_45] : memref<1x128x128xf32, #tpu.memory_space<vmem>> -> memref<1x128x128xf32, #tpu.memory_space<vmem>>
    %dma_start3A_47 = tpu.memref_squeeze %dma_start3A_46 : memref<1x128x128xf32, #tpu.memory_space<vmem>> -> memref<128x128xf32, #tpu.memory_space<vmem>>
    %dma_start3A_48 = arith.constant 0 : i32
    %dma_start3A_49 = tpu.memref_slice %arg15[%dma_start3A_42, %dma_start3A_48] : memref<4x128xi32, #tpu.memory_space<vmem>> -> memref<1x128xi32, #tpu.memory_space<vmem>>
    %dma_start3A_50 = tpu.memref_squeeze %dma_start3A_49 : memref<1x128xi32, #tpu.memory_space<vmem>> -> memref<128xi32, #tpu.memory_space<vmem>>
    %dma_start3A_51 = arith.constant 0 : i32
    %dma_start3A_52 = arith.constant 0 : i32
    %dma_start3A_53 = tpu.memref_slice %arg7[%dma_start3A_51, %dma_start3A_52] : memref<100000x128xf32, #tpu.memory_space<hbm>> -> memref<100000x128xf32, #tpu.memory_space<hbm>>
    tpu.enqueue_indirect_dma source(%dma_start3A_53 : memref<100000x128xf32, #tpu.memory_space<hbm>>) target(%dma_start3A_47 : memref<128x128xf32, #tpu.memory_space<vmem>>) offsets(%dma_start3A_50 : memref<128xi32, #tpu.memory_space<vmem>>) semaphore(%arg27 : memref<!tpu.dma_semaphore, #tpu.memory_space<semaphore_mem>>)
    %dma_start3A_54 = arith.constant 0 : i32
    %dma_start3A_55 = arith.constant 0 : i32
    %dma_start3A_56 = arith.constant 0 : i32
    %dma_start3A_57 = arith.constant 0 : i32
    %dma_start3A_58 = tpu.memref_slice %arg16[%dma_start3A_55, %dma_start3A_56, %dma_start3A_57] : memref<1x128x128xf32, #tpu.memory_space<vmem>> -> memref<1x128x128xf32, #tpu.memory_space<vmem>>
    %dma_start3A_59 = tpu.memref_squeeze %dma_start3A_58 : memref<1x128x128xf32, #tpu.memory_space<vmem>> -> memref<128x128xf32, #tpu.memory_space<vmem>>
    %dma_start3A_60 = arith.constant 0 : i32
    %dma_start3A_61 = tpu.memref_slice %arg14[%dma_start3A_54, %dma_start3A_60] : memref<4x128xi32, #tpu.memory_space<vmem>> -> memref<1x128xi32, #tpu.memory_space<vmem>>
    %dma_start3A_62 = tpu.memref_squeeze %dma_start3A_61 : memref<1x128xi32, #tpu.memory_space<vmem>> -> memref<128xi32, #tpu.memory_space<vmem>>
    %dma_start3A_63 = arith.constant 0 : i32
    %dma_start3A_64 = arith.constant 0 : i32
    %dma_start3A_65 = tpu.memref_slice %arg4[%dma_start3A_63, %dma_start3A_64] : memref<100000x128xf32, #tpu.memory_space<hbm>> -> memref<100000x128xf32, #tpu.memory_space<hbm>>
    tpu.enqueue_indirect_dma source(%dma_start3A_65 : memref<100000x128xf32, #tpu.memory_space<hbm>>) target(%dma_start3A_59 : memref<128x128xf32, #tpu.memory_space<vmem>>) offsets(%dma_start3A_62 : memref<128xi32, #tpu.memory_space<vmem>>) semaphore(%arg24 : memref<!tpu.dma_semaphore, #tpu.memory_space<semaphore_mem>>)
    %dma_start3A_66 = arith.constant 0 : i32
    %dma_start3A_67 = arith.constant 0 : i32
    %dma_start3A_68 = arith.constant 0 : i32
    %dma_start3A_69 = arith.constant 0 : i32
    %dma_start3A_70 = tpu.memref_slice %arg17[%dma_start3A_67, %dma_start3A_68, %dma_start3A_69] : memref<1x128x128xf32, #tpu.memory_space<vmem>> -> memref<1x128x128xf32, #tpu.memory_space<vmem>>
    %dma_start3A_71 = tpu.memref_squeeze %dma_start3A_70 : memref<1x128x128xf32, #tpu.memory_space<vmem>> -> memref<128x128xf32, #tpu.memory_space<vmem>>
    %dma_start3A_72 = arith.constant 0 : i32
    %dma_start3A_73 = tpu.memref_slice %arg15[%dma_start3A_66, %dma_start3A_72] : memref<4x128xi32, #tpu.memory_space<vmem>> -> memref<1x128xi32, #tpu.memory_space<vmem>>
    %dma_start3A_74 = tpu.memref_squeeze %dma_start3A_73 : memref<1x128xi32, #tpu.memory_space<vmem>> -> memref<128xi32, #tpu.memory_space<vmem>>
    %dma_start3A_75 = arith.constant 0 : i32
    %dma_start3A_76 = arith.constant 0 : i32
    %dma_start3A_77 = tpu.memref_slice %arg5[%dma_start3A_75, %dma_start3A_76] : memref<100000x128xf32, #tpu.memory_space<hbm>> -> memref<100000x128xf32, #tpu.memory_space<hbm>>
    tpu.enqueue_indirect_dma source(%dma_start3A_77 : memref<100000x128xf32, #tpu.memory_space<hbm>>) target(%dma_start3A_71 : memref<128x128xf32, #tpu.memory_space<vmem>>) offsets(%dma_start3A_74 : memref<128xi32, #tpu.memory_space<vmem>>) semaphore(%arg25 : memref<!tpu.dma_semaphore, #tpu.memory_space<semaphore_mem>>)
    %dma_start3A_78 = arith.constant 0 : i32
    %dma_start3A_79 = arith.constant 0 : i32
    %dma_start3A_80 = arith.constant 0 : i32
    %dma_start3A_81 = tpu.memref_slice %arg20[%dma_start3A_79, %dma_start3A_80] : memref<1x128xf32, #tpu.memory_space<vmem>> -> memref<1x128xf32, #tpu.memory_space<vmem>>
    %dma_start3A_82 = tpu.memref_squeeze %dma_start3A_81 : memref<1x128xf32, #tpu.memory_space<vmem>> -> memref<128xf32, #tpu.memory_space<vmem>>
    %dma_start3A_83 = arith.constant 0 : i32
    %dma_start3A_84 = tpu.memref_slice %arg14[%dma_start3A_78, %dma_start3A_83] : memref<4x128xi32, #tpu.memory_space<vmem>> -> memref<1x128xi32, #tpu.memory_space<vmem>>
    %dma_start3A_85 = tpu.memref_squeeze %dma_start3A_84 : memref<1x128xi32, #tpu.memory_space<vmem>> -> memref<128xi32, #tpu.memory_space<vmem>>
    %dma_start3A_86 = arith.constant 0 : i32
    %dma_start3A_87 = tpu.memref_slice %arg8[%dma_start3A_86] : memref<100000xf32, #tpu.memory_space<hbm>> -> memref<100000xf32, #tpu.memory_space<hbm>>
    tpu.enqueue_indirect_dma source(%dma_start3A_87 : memref<100000xf32, #tpu.memory_space<hbm>>) target(%dma_start3A_82 : memref<128xf32, #tpu.memory_space<vmem>>) offsets(%dma_start3A_85 : memref<128xi32, #tpu.memory_space<vmem>>) semaphore(%arg28 : memref<!tpu.dma_semaphore, #tpu.memory_space<semaphore_mem>>)
    %dma_start3A_88 = arith.constant 0 : i32
    %dma_start3A_89 = arith.constant 0 : i32
    %dma_start3A_90 = arith.constant 0 : i32
    %dma_start3A_91 = tpu.memref_slice %arg21[%dma_start3A_89, %dma_start3A_90] : memref<1x128xf32, #tpu.memory_space<vmem>> -> memref<1x128xf32, #tpu.memory_space<vmem>>
    %dma_start3A_92 = tpu.memref_squeeze %dma_start3A_91 : memref<1x128xf32, #tpu.memory_space<vmem>> -> memref<128xf32, #tpu.memory_space<vmem>>
    %dma_start3A_93 = arith.constant 0 : i32
    %dma_start3A_94 = tpu.memref_slice %arg15[%dma_start3A_88, %dma_start3A_93] : memref<4x128xi32, #tpu.memory_space<vmem>> -> memref<1x128xi32, #tpu.memory_space<vmem>>
    %dma_start3A_95 = tpu.memref_squeeze %dma_start3A_94 : memref<1x128xi32, #tpu.memory_space<vmem>> -> memref<128xi32, #tpu.memory_space<vmem>>
    %dma_start3A_96 = arith.constant 0 : i32
    %dma_start3A_97 = tpu.memref_slice %arg9[%dma_start3A_96] : memref<100000xf32, #tpu.memory_space<hbm>> -> memref<100000xf32, #tpu.memory_space<hbm>>
    tpu.enqueue_indirect_dma source(%dma_start3A_97 : memref<100000xf32, #tpu.memory_space<hbm>>) target(%dma_start3A_92 : memref<128xf32, #tpu.memory_space<vmem>>) offsets(%dma_start3A_95 : memref<128xi32, #tpu.memory_space<vmem>>) semaphore(%arg29 : memref<!tpu.dma_semaphore, #tpu.memory_space<semaphore_mem>>)
    %dma_wait3A = arith.constant 0 : i32
    %dma_wait3A_98 = arith.constant 0 : i32
    %dma_wait3A_99 = arith.constant 0 : i32
    %dma_wait3A_100 = arith.constant 0 : i32
    %dma_wait3A_101 = tpu.memref_slice %arg18[%dma_wait3A_98, %dma_wait3A_99, %dma_wait3A_100] : memref<1x128x128xf32, #tpu.memory_space<vmem>> -> memref<1x128x128xf32, #tpu.memory_space<vmem>>
    %dma_wait3A_102 = tpu.memref_squeeze %dma_wait3A_101 : memref<1x128x128xf32, #tpu.memory_space<vmem>> -> memref<128x128xf32, #tpu.memory_space<vmem>>
    %dma_wait3A_103 = arith.constant 0 : i32
    %dma_wait3A_104 = tpu.memref_slice %arg14[%dma_wait3A, %dma_wait3A_103] : memref<4x128xi32, #tpu.memory_space<vmem>> -> memref<1x128xi32, #tpu.memory_space<vmem>>
    %dma_wait3A_105 = tpu.memref_squeeze %dma_wait3A_104 : memref<1x128xi32, #tpu.memory_space<vmem>> -> memref<128xi32, #tpu.memory_space<vmem>>
    %dma_wait3A_106 = arith.constant 0 : i32
    %dma_wait3A_107 = arith.constant 0 : i32
    %dma_wait3A_108 = tpu.memref_slice %arg6[%dma_wait3A_106, %dma_wait3A_107] : memref<100000x128xf32, #tpu.memory_space<hbm>> -> memref<100000x128xf32, #tpu.memory_space<hbm>>
    tpu.wait_indirect_dma semaphore(%arg26 : memref<!tpu.dma_semaphore, #tpu.memory_space<semaphore_mem>>) src(%dma_wait3A_108 : memref<100000x128xf32, #tpu.memory_space<hbm>>) dst(%dma_wait3A_102 : memref<128x128xf32, #tpu.memory_space<vmem>>)
    %run_scoped3A_109 = arith.constant 0 : i32
    "tpu.region"() ({
      %run_scoped3A_1162 = tpu.sem_alloc : memref<!tpu.dma_semaphore, #tpu.memory_space<semaphore_mem>>
      %dma_start3A_1163 = arith.constant 0 : i32
      %dma_start3A_1164 = arith.constant 0 : i32
      %dma_start3A_1165 = tpu.memref_slice %arg18[%run_scoped3A_109, %dma_start3A_1163, %dma_start3A_1164] : memref<1x128x128xf32, #tpu.memory_space<vmem>> -> memref<1x128x128xf32, #tpu.memory_space<vmem>>
      %dma_start3A_1166 = tpu.memref_squeeze %dma_start3A_1165 : memref<1x128x128xf32, #tpu.memory_space<vmem>> -> memref<128x128xf32, #tpu.memory_space<vmem>>
      %dma_start3A_1167 = arith.constant 0 : i32
      %dma_start3A_1168 = tpu.memref_slice %arg10[%add3A_30, %dma_start3A_1167] : memref<16384x128xf32, #tpu.memory_space<hbm>> -> memref<128x128xf32, #tpu.memory_space<hbm>>
      %dma_start3A_1169 = arith.constant 0 : i32
      %dma_start3A_1170 = tpu.memref_slice %arg10[%add3A_30, %dma_start3A_1169] : memref<16384x128xf32, #tpu.memory_space<hbm>> -> memref<128x128xf32, #tpu.memory_space<hbm>>
      %dma_start3A_1171 = arith.constant 0 : i32
      %dma_start3A_1172 = arith.constant 0 : i32
      %dma_start3A_1173 = tpu.memref_slice %arg18[%run_scoped3A_109, %dma_start3A_1171, %dma_start3A_1172] : memref<1x128x128xf32, #tpu.memory_space<vmem>> -> memref<1x128x128xf32, #tpu.memory_space<vmem>>
      %dma_start3A_1174 = tpu.memref_squeeze %dma_start3A_1173 : memref<1x128x128xf32, #tpu.memory_space<vmem>> -> memref<128x128xf32, #tpu.memory_space<vmem>>
      tpu.enqueue_dma source(%dma_start3A_1174 : memref<128x128xf32, #tpu.memory_space<vmem>>) target(%dma_start3A_1170 : memref<128x128xf32, #tpu.memory_space<hbm>>) target_semaphore(%run_scoped3A_1162 : memref<!tpu.dma_semaphore, #tpu.memory_space<semaphore_mem>>)
      %dma_wait3A_1175 = arith.constant 0 : i32
      %dma_wait3A_1176 = arith.constant 0 : i32
      %dma_wait3A_1177 = tpu.memref_slice %arg18[%run_scoped3A_109, %dma_wait3A_1175, %dma_wait3A_1176] : memref<1x128x128xf32, #tpu.memory_space<vmem>> -> memref<1x128x128xf32, #tpu.memory_space<vmem>>
      %dma_wait3A_1178 = tpu.memref_squeeze %dma_wait3A_1177 : memref<1x128x128xf32, #tpu.memory_space<vmem>> -> memref<128x128xf32, #tpu.memory_space<vmem>>
      %dma_wait3A_1179 = arith.constant 0 : i32
      %dma_wait3A_1180 = tpu.memref_slice %arg10[%add3A_30, %dma_wait3A_1179] : memref<16384x128xf32, #tpu.memory_space<hbm>> -> memref<128x128xf32, #tpu.memory_space<hbm>>
      %dma_wait3A_1181 = arith.constant 0 : i32
      %dma_wait3A_1182 = tpu.memref_slice %arg10[%add3A_30, %dma_wait3A_1181] : memref<16384x128xf32, #tpu.memory_space<hbm>> -> memref<128x128xf32, #tpu.memory_space<hbm>>
      %dma_wait3A_1183 = arith.constant 0 : i32
      %dma_wait3A_1184 = arith.constant 0 : i32
      %dma_wait3A_1185 = tpu.memref_slice %arg18[%run_scoped3A_109, %dma_wait3A_1183, %dma_wait3A_1184] : memref<1x128x128xf32, #tpu.memory_space<vmem>> -> memref<1x128x128xf32, #tpu.memory_space<vmem>>
      %dma_wait3A_1186 = tpu.memref_squeeze %dma_wait3A_1185 : memref<1x128x128xf32, #tpu.memory_space<vmem>> -> memref<128x128xf32, #tpu.memory_space<vmem>>
      tpu.wait_dma2 semaphore(%run_scoped3A_1162 : memref<!tpu.dma_semaphore, #tpu.memory_space<semaphore_mem>>) src(%dma_wait3A_1186 : memref<128x128xf32, #tpu.memory_space<vmem>>) dst(%dma_wait3A_1182 : memref<128x128xf32, #tpu.memory_space<hbm>>)
      tpu.yield
    }) : () -> ()
    %dma_wait3A_110 = arith.constant 0 : i32
    %dma_wait3A_111 = arith.constant 0 : i32
    %dma_wait3A_112 = arith.constant 0 : i32
    %dma_wait3A_113 = arith.constant 0 : i32
    %dma_wait3A_114 = tpu.memref_slice %arg19[%dma_wait3A_111, %dma_wait3A_112, %dma_wait3A_113] : memref<1x128x128xf32, #tpu.memory_space<vmem>> -> memref<1x128x128xf32, #tpu.memory_space<vmem>>
    %dma_wait3A_115 = tpu.memref_squeeze %dma_wait3A_114 : memref<1x128x128xf32, #tpu.memory_space<vmem>> -> memref<128x128xf32, #tpu.memory_space<vmem>>
    %dma_wait3A_116 = arith.constant 0 : i32
    %dma_wait3A_117 = tpu.memref_slice %arg15[%dma_wait3A_110, %dma_wait3A_116] : memref<4x128xi32, #tpu.memory_space<vmem>> -> memref<1x128xi32, #tpu.memory_space<vmem>>
    %dma_wait3A_118 = tpu.memref_squeeze %dma_wait3A_117 : memref<1x128xi32, #tpu.memory_space<vmem>> -> memref<128xi32, #tpu.memory_space<vmem>>
    %dma_wait3A_119 = arith.constant 0 : i32
    %dma_wait3A_120 = arith.constant 0 : i32
    %dma_wait3A_121 = tpu.memref_slice %arg7[%dma_wait3A_119, %dma_wait3A_120] : memref<100000x128xf32, #tpu.memory_space<hbm>> -> memref<100000x128xf32, #tpu.memory_space<hbm>>
    tpu.wait_indirect_dma semaphore(%arg27 : memref<!tpu.dma_semaphore, #tpu.memory_space<semaphore_mem>>) src(%dma_wait3A_121 : memref<100000x128xf32, #tpu.memory_space<hbm>>) dst(%dma_wait3A_115 : memref<128x128xf32, #tpu.memory_space<vmem>>)
    %run_scoped3A_122 = arith.constant 0 : i32
    "tpu.region"() ({
      %run_scoped3A_1162 = tpu.sem_alloc : memref<!tpu.dma_semaphore, #tpu.memory_space<semaphore_mem>>
      %dma_start3A_1163 = arith.constant 0 : i32
      %dma_start3A_1164 = arith.constant 0 : i32
      %dma_start3A_1165 = tpu.memref_slice %arg19[%run_scoped3A_122, %dma_start3A_1163, %dma_start3A_1164] : memref<1x128x128xf32, #tpu.memory_space<vmem>> -> memref<1x128x128xf32, #tpu.memory_space<vmem>>
      %dma_start3A_1166 = tpu.memref_squeeze %dma_start3A_1165 : memref<1x128x128xf32, #tpu.memory_space<vmem>> -> memref<128x128xf32, #tpu.memory_space<vmem>>
      %dma_start3A_1167 = arith.constant 0 : i32
      %dma_start3A_1168 = tpu.memref_slice %arg11[%add3A_30, %dma_start3A_1167] : memref<16384x128xf32, #tpu.memory_space<hbm>> -> memref<128x128xf32, #tpu.memory_space<hbm>>
      %dma_start3A_1169 = arith.constant 0 : i32
      %dma_start3A_1170 = tpu.memref_slice %arg11[%add3A_30, %dma_start3A_1169] : memref<16384x128xf32, #tpu.memory_space<hbm>> -> memref<128x128xf32, #tpu.memory_space<hbm>>
      %dma_start3A_1171 = arith.constant 0 : i32
      %dma_start3A_1172 = arith.constant 0 : i32
      %dma_start3A_1173 = tpu.memref_slice %arg19[%run_scoped3A_122, %dma_start3A_1171, %dma_start3A_1172] : memref<1x128x128xf32, #tpu.memory_space<vmem>> -> memref<1x128x128xf32, #tpu.memory_space<vmem>>
      %dma_start3A_1174 = tpu.memref_squeeze %dma_start3A_1173 : memref<1x128x128xf32, #tpu.memory_space<vmem>> -> memref<128x128xf32, #tpu.memory_space<vmem>>
      tpu.enqueue_dma source(%dma_start3A_1174 : memref<128x128xf32, #tpu.memory_space<vmem>>) target(%dma_start3A_1170 : memref<128x128xf32, #tpu.memory_space<hbm>>) target_semaphore(%run_scoped3A_1162 : memref<!tpu.dma_semaphore, #tpu.memory_space<semaphore_mem>>)
      %dma_wait3A_1175 = arith.constant 0 : i32
      %dma_wait3A_1176 = arith.constant 0 : i32
      %dma_wait3A_1177 = tpu.memref_slice %arg19[%run_scoped3A_122, %dma_wait3A_1175, %dma_wait3A_1176] : memref<1x128x128xf32, #tpu.memory_space<vmem>> -> memref<1x128x128xf32, #tpu.memory_space<vmem>>
      %dma_wait3A_1178 = tpu.memref_squeeze %dma_wait3A_1177 : memref<1x128x128xf32, #tpu.memory_space<vmem>> -> memref<128x128xf32, #tpu.memory_space<vmem>>
      %dma_wait3A_1179 = arith.constant 0 : i32
      %dma_wait3A_1180 = tpu.memref_slice %arg11[%add3A_30, %dma_wait3A_1179] : memref<16384x128xf32, #tpu.memory_space<hbm>> -> memref<128x128xf32, #tpu.memory_space<hbm>>
      %dma_wait3A_1181 = arith.constant 0 : i32
      %dma_wait3A_1182 = tpu.memref_slice %arg11[%add3A_30, %dma_wait3A_1181] : memref<16384x128xf32, #tpu.memory_space<hbm>> -> memref<128x128xf32, #tpu.memory_space<hbm>>
      %dma_wait3A_1183 = arith.constant 0 : i32
      %dma_wait3A_1184 = arith.constant 0 : i32
      %dma_wait3A_1185 = tpu.memref_slice %arg19[%run_scoped3A_122, %dma_wait3A_1183, %dma_wait3A_1184] : memref<1x128x128xf32, #tpu.memory_space<vmem>> -> memref<1x128x128xf32, #tpu.memory_space<vmem>>
      %dma_wait3A_1186 = tpu.memref_squeeze %dma_wait3A_1185 : memref<1x128x128xf32, #tpu.memory_space<vmem>> -> memref<128x128xf32, #tpu.memory_space<vmem>>
      tpu.wait_dma2 semaphore(%run_scoped3A_1162 : memref<!tpu.dma_semaphore, #tpu.memory_space<semaphore_mem>>) src(%dma_wait3A_1186 : memref<128x128xf32, #tpu.memory_space<vmem>>) dst(%dma_wait3A_1182 : memref<128x128xf32, #tpu.memory_space<hbm>>)
      tpu.yield
    }) : () -> ()
    %dma_wait3A_123 = arith.constant 0 : i32
    %dma_wait3A_124 = arith.constant 0 : i32
    %dma_wait3A_125 = arith.constant 0 : i32
    %dma_wait3A_126 = tpu.memref_slice %arg20[%dma_wait3A_124, %dma_wait3A_125] : memref<1x128xf32, #tpu.memory_space<vmem>> -> memref<1x128xf32, #tpu.memory_space<vmem>>
    %dma_wait3A_127 = tpu.memref_squeeze %dma_wait3A_126 : memref<1x128xf32, #tpu.memory_space<vmem>> -> memref<128xf32, #tpu.memory_space<vmem>>
    %dma_wait3A_128 = arith.constant 0 : i32
    %dma_wait3A_129 = tpu.memref_slice %arg14[%dma_wait3A_123, %dma_wait3A_128] : memref<4x128xi32, #tpu.memory_space<vmem>> -> memref<1x128xi32, #tpu.memory_space<vmem>>
    %dma_wait3A_130 = tpu.memref_squeeze %dma_wait3A_129 : memref<1x128xi32, #tpu.memory_space<vmem>> -> memref<128xi32, #tpu.memory_space<vmem>>
    %dma_wait3A_131 = arith.constant 0 : i32
    %dma_wait3A_132 = tpu.memref_slice %arg8[%dma_wait3A_131] : memref<100000xf32, #tpu.memory_space<hbm>> -> memref<100000xf32, #tpu.memory_space<hbm>>
    tpu.wait_indirect_dma semaphore(%arg28 : memref<!tpu.dma_semaphore, #tpu.memory_space<semaphore_mem>>) src(%dma_wait3A_132 : memref<100000xf32, #tpu.memory_space<hbm>>) dst(%dma_wait3A_127 : memref<128xf32, #tpu.memory_space<vmem>>)
    %dma_wait3A_133 = arith.constant 0 : i32
    %dma_wait3A_134 = arith.constant 0 : i32
    %dma_wait3A_135 = arith.constant 0 : i32
    %dma_wait3A_136 = tpu.memref_slice %arg21[%dma_wait3A_134, %dma_wait3A_135] : memref<1x128xf32, #tpu.memory_space<vmem>> -> memref<1x128xf32, #tpu.memory_space<vmem>>
    %dma_wait3A_137 = tpu.memref_squeeze %dma_wait3A_136 : memref<1x128xf32, #tpu.memory_space<vmem>> -> memref<128xf32, #tpu.memory_space<vmem>>
    %dma_wait3A_138 = arith.constant 0 : i32
    %dma_wait3A_139 = tpu.memref_slice %arg15[%dma_wait3A_133, %dma_wait3A_138] : memref<4x128xi32, #tpu.memory_space<vmem>> -> memref<1x128xi32, #tpu.memory_space<vmem>>
    %dma_wait3A_140 = tpu.memref_squeeze %dma_wait3A_139 : memref<1x128xi32, #tpu.memory_space<vmem>> -> memref<128xi32, #tpu.memory_space<vmem>>
    %dma_wait3A_141 = arith.constant 0 : i32
    %dma_wait3A_142 = tpu.memref_slice %arg9[%dma_wait3A_141] : memref<100000xf32, #tpu.memory_space<hbm>> -> memref<100000xf32, #tpu.memory_space<hbm>>
    tpu.wait_indirect_dma semaphore(%arg29 : memref<!tpu.dma_semaphore, #tpu.memory_space<semaphore_mem>>) src(%dma_wait3A_142 : memref<100000xf32, #tpu.memory_space<hbm>>) dst(%dma_wait3A_137 : memref<128xf32, #tpu.memory_space<vmem>>)
    %get3A = arith.constant 0 : i32
    %get3A_143 = arith.index_cast %get3A : i32 to index
    %get3A_144 = arith.constant 0 : index
    %get3A_145 = tpu.vector_load %arg20[%get3A_143, %get3A_144] {strides = array<i32>} : memref<1x128xf32, #tpu.memory_space<vmem>>, vector<1x16xf32>,
    %get3A_146 = vector.shape_cast %get3A_145 : vector<1x16xf32> to vector<16xf32>
    %get3A_147 = arith.constant 0 : i32
    %get3A_148 = arith.index_cast %get3A_147 : i32 to index
    %get3A_149 = arith.constant 0 : index
    %get3A_150 = tpu.vector_load %arg21[%get3A_148, %get3A_149] {strides = array<i32>} : memref<1x128xf32, #tpu.memory_space<vmem>>, vector<1x16xf32>,
    %get3A_151 = vector.shape_cast %get3A_150 : vector<1x16xf32> to vector<16xf32>
    %add3A_152 = arith.addf %get3A_146, %get3A_151 : vector<16xf32>
    %swap3A = arith.constant 0 : i32
    %swap3A_153 = arith.index_cast %swap3A : i32 to index
    %swap3A_154 = arith.constant 0 : index
    %swap3A_155 = tpu.vector_load %arg22[%swap3A_153, %swap3A_154] {strides = array<i32>} : memref<1x128xf32, #tpu.memory_space<vmem>>, vector<1x16xf32>,
    %swap3A_156 = vector.shape_cast %swap3A_155 : vector<1x16xf32> to vector<16xf32>
    %swap3A_157 = vector.shape_cast %add3A_152 : vector<16xf32> to vector<1x16xf32>
    tpu.vector_store %arg22[%swap3A_153, %swap3A_154], %swap3A_157 {strides = array<i32>} : memref<1x128xf32, #tpu.memory_space<vmem>>, vector<1x16xf32>,
    %get3A_158 = arith.constant 0 : i32
    %get3A_159 = arith.index_cast %get3A_158 : i32 to index
    %get3A_160 = arith.constant 16 : index
    %get3A_161 = tpu.vector_load %arg20[%get3A_159, %get3A_160] {strides = array<i32>} : memref<1x128xf32, #tpu.memory_space<vmem>>, vector<1x16xf32>,
    %get3A_162 = vector.shape_cast %get3A_161 : vector<1x16xf32> to vector<16xf32>
    %get3A_163 = arith.constant 0 : i32
    %get3A_164 = arith.index_cast %get3A_163 : i32 to index
    %get3A_165 = arith.constant 16 : index
    %get3A_166 = tpu.vector_load %arg21[%get3A_164, %get3A_165] {strides = array<i32>} : memref<1x128xf32, #tpu.memory_space<vmem>>, vector<1x16xf32>,
    %get3A_167 = vector.shape_cast %get3A_166 : vector<1x16xf32> to vector<16xf32>
    %add3A_168 = arith.addf %get3A_162, %get3A_167 : vector<16xf32>
    %swap3A_169 = arith.constant 0 : i32
    %swap3A_170 = arith.index_cast %swap3A_169 : i32 to index
    %swap3A_171 = arith.constant 16 : index
    %swap3A_172 = tpu.vector_load %arg22[%swap3A_170, %swap3A_171] {strides = array<i32>} : memref<1x128xf32, #tpu.memory_space<vmem>>, vector<1x16xf32>,
    %swap3A_173 = vector.shape_cast %swap3A_172 : vector<1x16xf32> to vector<16xf32>
    %swap3A_174 = vector.shape_cast %add3A_168 : vector<16xf32> to vector<1x16xf32>
    tpu.vector_store %arg22[%swap3A_170, %swap3A_171], %swap3A_174 {strides = array<i32>} : memref<1x128xf32, #tpu.memory_space<vmem>>, vector<1x16xf32>,
    %get3A_175 = arith.constant 0 : i32
    %get3A_176 = arith.index_cast %get3A_175 : i32 to index
    %get3A_177 = arith.constant 32 : index
    %get3A_178 = tpu.vector_load %arg20[%get3A_176, %get3A_177] {strides = array<i32>} : memref<1x128xf32, #tpu.memory_space<vmem>>, vector<1x16xf32>,
    %get3A_179 = vector.shape_cast %get3A_178 : vector<1x16xf32> to vector<16xf32>
    %get3A_180 = arith.constant 0 : i32
    %get3A_181 = arith.index_cast %get3A_180 : i32 to index
    %get3A_182 = arith.constant 32 : index
    %get3A_183 = tpu.vector_load %arg21[%get3A_181, %get3A_182] {strides = array<i32>} : memref<1x128xf32, #tpu.memory_space<vmem>>, vector<1x16xf32>,
    %get3A_184 = vector.shape_cast %get3A_183 : vector<1x16xf32> to vector<16xf32>
    %add3A_185 = arith.addf %get3A_179, %get3A_184 : vector<16xf32>
    %swap3A_186 = arith.constant 0 : i32
    %swap3A_187 = arith.index_cast %swap3A_186 : i32 to index
    %swap3A_188 = arith.constant 32 : index
    %swap3A_189 = tpu.vector_load %arg22[%swap3A_187, %swap3A_188] {strides = array<i32>} : memref<1x128xf32, #tpu.memory_space<vmem>>, vector<1x16xf32>,
    %swap3A_190 = vector.shape_cast %swap3A_189 : vector<1x16xf32> to vector<16xf32>
    %swap3A_191 = vector.shape_cast %add3A_185 : vector<16xf32> to vector<1x16xf32>
    tpu.vector_store %arg22[%swap3A_187, %swap3A_188], %swap3A_191 {strides = array<i32>} : memref<1x128xf32, #tpu.memory_space<vmem>>, vector<1x16xf32>,
    %get3A_192 = arith.constant 0 : i32
    %get3A_193 = arith.index_cast %get3A_192 : i32 to index
    %get3A_194 = arith.constant 48 : index
    %get3A_195 = tpu.vector_load %arg20[%get3A_193, %get3A_194] {strides = array<i32>} : memref<1x128xf32, #tpu.memory_space<vmem>>, vector<1x16xf32>,
    %get3A_196 = vector.shape_cast %get3A_195 : vector<1x16xf32> to vector<16xf32>
    %get3A_197 = arith.constant 0 : i32
    %get3A_198 = arith.index_cast %get3A_197 : i32 to index
    %get3A_199 = arith.constant 48 : index
    %get3A_200 = tpu.vector_load %arg21[%get3A_198, %get3A_199] {strides = array<i32>} : memref<1x128xf32, #tpu.memory_space<vmem>>, vector<1x16xf32>,
    %get3A_201 = vector.shape_cast %get3A_200 : vector<1x16xf32> to vector<16xf32>
    %add3A_202 = arith.addf %get3A_196, %get3A_201 : vector<16xf32>
    %swap3A_203 = arith.constant 0 : i32
    %swap3A_204 = arith.index_cast %swap3A_203 : i32 to index
    %swap3A_205 = arith.constant 48 : index
    %swap3A_206 = tpu.vector_load %arg22[%swap3A_204, %swap3A_205] {strides = array<i32>} : memref<1x128xf32, #tpu.memory_space<vmem>>, vector<1x16xf32>,
    %swap3A_207 = vector.shape_cast %swap3A_206 : vector<1x16xf32> to vector<16xf32>
    %swap3A_208 = vector.shape_cast %add3A_202 : vector<16xf32> to vector<1x16xf32>
    tpu.vector_store %arg22[%swap3A_204, %swap3A_205], %swap3A_208 {strides = array<i32>} : memref<1x128xf32, #tpu.memory_space<vmem>>, vector<1x16xf32>,
    %get3A_209 = arith.constant 0 : i32
    %get3A_210 = arith.index_cast %get3A_209 : i32 to index
    %get3A_211 = arith.constant 64 : index
    %get3A_212 = tpu.vector_load %arg20[%get3A_210, %get3A_211] {strides = array<i32>} : memref<1x128xf32, #tpu.memory_space<vmem>>, vector<1x16xf32>,
    %get3A_213 = vector.shape_cast %get3A_212 : vector<1x16xf32> to vector<16xf32>
    %get3A_214 = arith.constant 0 : i32
    %get3A_215 = arith.index_cast %get3A_214 : i32 to index
    %get3A_216 = arith.constant 64 : index
    %get3A_217 = tpu.vector_load %arg21[%get3A_215, %get3A_216] {strides = array<i32>} : memref<1x128xf32, #tpu.memory_space<vmem>>, vector<1x16xf32>,
    %get3A_218 = vector.shape_cast %get3A_217 : vector<1x16xf32> to vector<16xf32>
    %add3A_219 = arith.addf %get3A_213, %get3A_218 : vector<16xf32>
    %swap3A_220 = arith.constant 0 : i32
    %swap3A_221 = arith.index_cast %swap3A_220 : i32 to index
    %swap3A_222 = arith.constant 64 : index
    %swap3A_223 = tpu.vector_load %arg22[%swap3A_221, %swap3A_222] {strides = array<i32>} : memref<1x128xf32, #tpu.memory_space<vmem>>, vector<1x16xf32>,
    %swap3A_224 = vector.shape_cast %swap3A_223 : vector<1x16xf32> to vector<16xf32>
    %swap3A_225 = vector.shape_cast %add3A_219 : vector<16xf32> to vector<1x16xf32>
    tpu.vector_store %arg22[%swap3A_221, %swap3A_222], %swap3A_225 {strides = array<i32>} : memref<1x128xf32, #tpu.memory_space<vmem>>, vector<1x16xf32>,
    %get3A_226 = arith.constant 0 : i32
    %get3A_227 = arith.index_cast %get3A_226 : i32 to index
    %get3A_228 = arith.constant 80 : index
    %get3A_229 = tpu.vector_load %arg20[%get3A_227, %get3A_228] {strides = array<i32>} : memref<1x128xf32, #tpu.memory_space<vmem>>, vector<1x16xf32>,
    %get3A_230 = vector.shape_cast %get3A_229 : vector<1x16xf32> to vector<16xf32>
    %get3A_231 = arith.constant 0 : i32
    %get3A_232 = arith.index_cast %get3A_231 : i32 to index
    %get3A_233 = arith.constant 80 : index
    %get3A_234 = tpu.vector_load %arg21[%get3A_232, %get3A_233] {strides = array<i32>} : memref<1x128xf32, #tpu.memory_space<vmem>>, vector<1x16xf32>,
    %get3A_235 = vector.shape_cast %get3A_234 : vector<1x16xf32> to vector<16xf32>
    %add3A_236 = arith.addf %get3A_230, %get3A_235 : vector<16xf32>
    %swap3A_237 = arith.constant 0 : i32
    %swap3A_238 = arith.index_cast %swap3A_237 : i32 to index
    %swap3A_239 = arith.constant 80 : index
    %swap3A_240 = tpu.vector_load %arg22[%swap3A_238, %swap3A_239] {strides = array<i32>} : memref<1x128xf32, #tpu.memory_space<vmem>>, vector<1x16xf32>,
    %swap3A_241 = vector.shape_cast %swap3A_240 : vector<1x16xf32> to vector<16xf32>
    %swap3A_242 = vector.shape_cast %add3A_236 : vector<16xf32> to vector<1x16xf32>
    tpu.vector_store %arg22[%swap3A_238, %swap3A_239], %swap3A_242 {strides = array<i32>} : memref<1x128xf32, #tpu.memory_space<vmem>>, vector<1x16xf32>,
    %get3A_243 = arith.constant 0 : i32
    %get3A_244 = arith.index_cast %get3A_243 : i32 to index
    %get3A_245 = arith.constant 96 : index
    %get3A_246 = tpu.vector_load %arg20[%get3A_244, %get3A_245] {strides = array<i32>} : memref<1x128xf32, #tpu.memory_space<vmem>>, vector<1x16xf32>,
    %get3A_247 = vector.shape_cast %get3A_246 : vector<1x16xf32> to vector<16xf32>
    %get3A_248 = arith.constant 0 : i32
    %get3A_249 = arith.index_cast %get3A_248 : i32 to index
    %get3A_250 = arith.constant 96 : index
    %get3A_251 = tpu.vector_load %arg21[%get3A_249, %get3A_250] {strides = array<i32>} : memref<1x128xf32, #tpu.memory_space<vmem>>, vector<1x16xf32>,
    %get3A_252 = vector.shape_cast %get3A_251 : vector<1x16xf32> to vector<16xf32>
    %add3A_253 = arith.addf %get3A_247, %get3A_252 : vector<16xf32>
    %swap3A_254 = arith.constant 0 : i32
    %swap3A_255 = arith.index_cast %swap3A_254 : i32 to index
    %swap3A_256 = arith.constant 96 : index
    %swap3A_257 = tpu.vector_load %arg22[%swap3A_255, %swap3A_256] {strides = array<i32>} : memref<1x128xf32, #tpu.memory_space<vmem>>, vector<1x16xf32>,
    %swap3A_258 = vector.shape_cast %swap3A_257 : vector<1x16xf32> to vector<16xf32>
    %swap3A_259 = vector.shape_cast %add3A_253 : vector<16xf32> to vector<1x16xf32>
    tpu.vector_store %arg22[%swap3A_255, %swap3A_256], %swap3A_259 {strides = array<i32>} : memref<1x128xf32, #tpu.memory_space<vmem>>, vector<1x16xf32>,
    %get3A_260 = arith.constant 0 : i32
    %get3A_261 = arith.index_cast %get3A_260 : i32 to index
    %get3A_262 = arith.constant 112 : index
    %get3A_263 = tpu.vector_load %arg20[%get3A_261, %get3A_262] {strides = array<i32>} : memref<1x128xf32, #tpu.memory_space<vmem>>, vector<1x16xf32>,
    %get3A_264 = vector.shape_cast %get3A_263 : vector<1x16xf32> to vector<16xf32>
    %get3A_265 = arith.constant 0 : i32
    %get3A_266 = arith.index_cast %get3A_265 : i32 to index
    %get3A_267 = arith.constant 112 : index
    %get3A_268 = tpu.vector_load %arg21[%get3A_266, %get3A_267] {strides = array<i32>} : memref<1x128xf32, #tpu.memory_space<vmem>>, vector<1x16xf32>,
    %get3A_269 = vector.shape_cast %get3A_268 : vector<1x16xf32> to vector<16xf32>
    %add3A_270 = arith.addf %get3A_264, %get3A_269 : vector<16xf32>
    %swap3A_271 = arith.constant 0 : i32
    %swap3A_272 = arith.index_cast %swap3A_271 : i32 to index
    %swap3A_273 = arith.constant 112 : index
    %swap3A_274 = tpu.vector_load %arg22[%swap3A_272, %swap3A_273] {strides = array<i32>} : memref<1x128xf32, #tpu.memory_space<vmem>>, vector<1x16xf32>,
    %swap3A_275 = vector.shape_cast %swap3A_274 : vector<1x16xf32> to vector<16xf32>
    %swap3A_276 = vector.shape_cast %add3A_270 : vector<16xf32> to vector<1x16xf32>
    tpu.vector_store %arg22[%swap3A_272, %swap3A_273], %swap3A_276 {strides = array<i32>} : memref<1x128xf32, #tpu.memory_space<vmem>>, vector<1x16xf32>,
    %run_scoped3A_277 = arith.constant 0 : i32
    "tpu.region"() ({
      %run_scoped3A_1162 = tpu.sem_alloc : memref<!tpu.dma_semaphore, #tpu.memory_space<semaphore_mem>>
      %dma_start3A_1163 = arith.constant 0 : i32
      %dma_start3A_1164 = tpu.memref_slice %arg22[%run_scoped3A_277, %dma_start3A_1163] : memref<1x128xf32, #tpu.memory_space<vmem>> -> memref<1x128xf32, #tpu.memory_space<vmem>>
      %dma_start3A_1165 = tpu.memref_squeeze %dma_start3A_1164 : memref<1x128xf32, #tpu.memory_space<vmem>> -> memref<128xf32, #tpu.memory_space<vmem>>
      %dma_start3A_1166 = tpu.memref_slice %arg12[%add3A_30] : memref<16384xf32, #tpu.memory_space<hbm>> -> memref<128xf32, #tpu.memory_space<hbm>>
      %dma_start3A_1167 = tpu.memref_slice %arg12[%add3A_30] : memref<16384xf32, #tpu.memory_space<hbm>> -> memref<128xf32, #tpu.memory_space<hbm>>
      %dma_start3A_1168 = arith.constant 0 : i32
      %dma_start3A_1169 = tpu.memref_slice %arg22[%run_scoped3A_277, %dma_start3A_1168] : memref<1x128xf32, #tpu.memory_space<vmem>> -> memref<1x128xf32, #tpu.memory_space<vmem>>
      %dma_start3A_1170 = tpu.memref_squeeze %dma_start3A_1169 : memref<1x128xf32, #tpu.memory_space<vmem>> -> memref<128xf32, #tpu.memory_space<vmem>>
      tpu.enqueue_dma source(%dma_start3A_1170 : memref<128xf32, #tpu.memory_space<vmem>>) target(%dma_start3A_1167 : memref<128xf32, #tpu.memory_space<hbm>>) target_semaphore(%run_scoped3A_1162 : memref<!tpu.dma_semaphore, #tpu.memory_space<semaphore_mem>>)
      %dma_wait3A_1171 = arith.constant 0 : i32
      %dma_wait3A_1172 = tpu.memref_slice %arg22[%run_scoped3A_277, %dma_wait3A_1171] : memref<1x128xf32, #tpu.memory_space<vmem>> -> memref<1x128xf32, #tpu.memory_space<vmem>>
      %dma_wait3A_1173 = tpu.memref_squeeze %dma_wait3A_1172 : memref<1x128xf32, #tpu.memory_space<vmem>> -> memref<128xf32, #tpu.memory_space<vmem>>
      %dma_wait3A_1174 = tpu.memref_slice %arg12[%add3A_30] : memref<16384xf32, #tpu.memory_space<hbm>> -> memref<128xf32, #tpu.memory_space<hbm>>
      %dma_wait3A_1175 = tpu.memref_slice %arg12[%add3A_30] : memref<16384xf32, #tpu.memory_space<hbm>> -> memref<128xf32, #tpu.memory_space<hbm>>
      %dma_wait3A_1176 = arith.constant 0 : i32
      %dma_wait3A_1177 = tpu.memref_slice %arg22[%run_scoped3A_277, %dma_wait3A_1176] : memref<1x128xf32, #tpu.memory_space<vmem>> -> memref<1x128xf32, #tpu.memory_space<vmem>>
      %dma_wait3A_1178 = tpu.memref_squeeze %dma_wait3A_1177 : memref<1x128xf32, #tpu.memory_space<vmem>> -> memref<128xf32, #tpu.memory_space<vmem>>
      tpu.wait_dma2 semaphore(%run_scoped3A_1162 : memref<!tpu.dma_semaphore, #tpu.memory_space<semaphore_mem>>) src(%dma_wait3A_1178 : memref<128xf32, #tpu.memory_space<vmem>>) dst(%dma_wait3A_1175 : memref<128xf32, #tpu.memory_space<hbm>>)
      tpu.yield
    }) : () -> ()
    %dma_wait3A_278 = arith.constant 0 : i32
    %dma_wait3A_279 = arith.constant 0 : i32
    %dma_wait3A_280 = arith.constant 0 : i32
    %dma_wait3A_281 = arith.constant 0 : i32
    %dma_wait3A_282 = tpu.memref_slice %arg16[%dma_wait3A_279, %dma_wait3A_280, %dma_wait3A_281] : memref<1x128x128xf32, #tpu.memory_space<vmem>> -> memref<1x128x128xf32, #tpu.memory_space<vmem>>
    %dma_wait3A_283 = tpu.memref_squeeze %dma_wait3A_282 : memref<1x128x128xf32, #tpu.memory_space<vmem>> -> memref<128x128xf32, #tpu.memory_space<vmem>>
    %dma_wait3A_284 = arith.constant 0 : i32
    %dma_wait3A_285 = tpu.memref_slice %arg14[%dma_wait3A_278, %dma_wait3A_284] : memref<4x128xi32, #tpu.memory_space<vmem>> -> memref<1x128xi32, #tpu.memory_space<vmem>>
    %dma_wait3A_286 = tpu.memref_squeeze %dma_wait3A_285 : memref<1x128xi32, #tpu.memory_space<vmem>> -> memref<128xi32, #tpu.memory_space<vmem>>
    %dma_wait3A_287 = arith.constant 0 : i32
    %dma_wait3A_288 = arith.constant 0 : i32
    %dma_wait3A_289 = tpu.memref_slice %arg4[%dma_wait3A_287, %dma_wait3A_288] : memref<100000x128xf32, #tpu.memory_space<hbm>> -> memref<100000x128xf32, #tpu.memory_space<hbm>>
    tpu.wait_indirect_dma semaphore(%arg24 : memref<!tpu.dma_semaphore, #tpu.memory_space<semaphore_mem>>) src(%dma_wait3A_289 : memref<100000x128xf32, #tpu.memory_space<hbm>>) dst(%dma_wait3A_283 : memref<128x128xf32, #tpu.memory_space<vmem>>)
    %dma_wait3A_290 = arith.constant 0 : i32
    %dma_wait3A_291 = arith.constant 0 : i32
    %dma_wait3A_292 = arith.constant 0 : i32
    %dma_wait3A_293 = arith.constant 0 : i32
    %dma_wait3A_294 = tpu.memref_slice %arg17[%dma_wait3A_291, %dma_wait3A_292, %dma_wait3A_293] : memref<1x128x128xf32, #tpu.memory_space<vmem>> -> memref<1x128x128xf32, #tpu.memory_space<vmem>>
    %dma_wait3A_295 = tpu.memref_squeeze %dma_wait3A_294 : memref<1x128x128xf32, #tpu.memory_space<vmem>> -> memref<128x128xf32, #tpu.memory_space<vmem>>
    %dma_wait3A_296 = arith.constant 0 : i32
    %dma_wait3A_297 = tpu.memref_slice %arg15[%dma_wait3A_290, %dma_wait3A_296] : memref<4x128xi32, #tpu.memory_space<vmem>> -> memref<1x128xi32, #tpu.memory_space<vmem>>
    %dma_wait3A_298 = tpu.memref_squeeze %dma_wait3A_297 : memref<1x128xi32, #tpu.memory_space<vmem>> -> memref<128xi32, #tpu.memory_space<vmem>>
    %dma_wait3A_299 = arith.constant 0 : i32
    %dma_wait3A_300 = arith.constant 0 : i32
    %dma_wait3A_301 = tpu.memref_slice %arg5[%dma_wait3A_299, %dma_wait3A_300] : memref<100000x128xf32, #tpu.memory_space<hbm>> -> memref<100000x128xf32, #tpu.memory_space<hbm>>
    tpu.wait_indirect_dma semaphore(%arg25 : memref<!tpu.dma_semaphore, #tpu.memory_space<semaphore_mem>>) src(%dma_wait3A_301 : memref<100000x128xf32, #tpu.memory_space<hbm>>) dst(%dma_wait3A_295 : memref<128x128xf32, #tpu.memory_space<vmem>>)
    %scan3A = arith.constant 0 : i32
    %scan3A_302 = arith.constant 128 : i32
    %scan3A_303 = arith.addi %scan3A, %scan3A_302 : i32
    %scan3A_304 = arith.constant 1 : i32
    %scan3A_305:2 = scf.for %scan3A_1162 = %scan3A to %scan3A_303 step %scan3A_304 iter_args(%scan3A_1163 = %broadcast_in_dim3A_26, %scan3A_1164 = %broadcast_in_dim3A_28) -> (vector<16xf32>, vector<16xf32>)  : i32 {
      %get3A_1165 = arith.constant 0 : i32
      %get3A_1166 = arith.index_cast %get3A_1165 : i32 to index
      %get3A_1167 = arith.index_cast %scan3A_1162 : i32 to index
      %get3A_1168 = arith.constant 0 : index
      %get3A_1169 = tpu.vector_load %arg16[%get3A_1166, %get3A_1167, %get3A_1168] {strides = array<i32>} : memref<1x128x128xf32, #tpu.memory_space<vmem>>, vector<1x1x16xf32>,
      %get3A_1170 = vector.shape_cast %get3A_1169 : vector<1x1x16xf32> to vector<16xf32>
      %get3A_1171 = arith.constant 0 : i32
      %get3A_1172 = arith.index_cast %get3A_1171 : i32 to index
      %get3A_1173 = arith.index_cast %scan3A_1162 : i32 to index
      %get3A_1174 = arith.constant 0 : index
      %get3A_1175 = tpu.vector_load %arg17[%get3A_1172, %get3A_1173, %get3A_1174] {strides = array<i32>} : memref<1x128x128xf32, #tpu.memory_space<vmem>>, vector<1x1x16xf32>,
      %get3A_1176 = vector.shape_cast %get3A_1175 : vector<1x1x16xf32> to vector<16xf32>
      %mul3A_1177 = arith.mulf %get3A_1170, %get3A_1176 : vector<16xf32>
      %sub3A = arith.subf %mul3A_1177, %scan3A_1164 : vector<16xf32>
      %add3A_1178 = arith.addf %scan3A_1163, %sub3A : vector<16xf32>
      %sub3A_1179 = arith.subf %add3A_1178, %scan3A_1163 : vector<16xf32>
      %sub3A_1180 = arith.subf %sub3A_1179, %sub3A : vector<16xf32>
      %get3A_1181 = arith.constant 0 : i32
      %get3A_1182 = arith.index_cast %get3A_1181 : i32 to index
      %get3A_1183 = arith.index_cast %scan3A_1162 : i32 to index
      %get3A_1184 = arith.constant 16 : index
      %get3A_1185 = tpu.vector_load %arg16[%get3A_1182, %get3A_1183, %get3A_1184] {strides = array<i32>} : memref<1x128x128xf32, #tpu.memory_space<vmem>>, vector<1x1x16xf32>,
      %get3A_1186 = vector.shape_cast %get3A_1185 : vector<1x1x16xf32> to vector<16xf32>
      %get3A_1187 = arith.constant 0 : i32
      %get3A_1188 = arith.index_cast %get3A_1187 : i32 to index
      %get3A_1189 = arith.index_cast %scan3A_1162 : i32 to index
      %get3A_1190 = arith.constant 16 : index
      %get3A_1191 = tpu.vector_load %arg17[%get3A_1188, %get3A_1189, %get3A_1190] {strides = array<i32>} : memref<1x128x128xf32, #tpu.memory_space<vmem>>, vector<1x1x16xf32>,
      %get3A_1192 = vector.shape_cast %get3A_1191 : vector<1x1x16xf32> to vector<16xf32>
      %mul3A_1193 = arith.mulf %get3A_1186, %get3A_1192 : vector<16xf32>
      %sub3A_1194 = arith.subf %mul3A_1193, %sub3A_1180 : vector<16xf32>
      %add3A_1195 = arith.addf %add3A_1178, %sub3A_1194 : vector<16xf32>
      %sub3A_1196 = arith.subf %add3A_1195, %add3A_1178 : vector<16xf32>
      %sub3A_1197 = arith.subf %sub3A_1196, %sub3A_1194 : vector<16xf32>
      %get3A_1198 = arith.constant 0 : i32
      %get3A_1199 = arith.index_cast %get3A_1198 : i32 to index
      %get3A_1200 = arith.index_cast %scan3A_1162 : i32 to index
      %get3A_1201 = arith.constant 32 : index
      %get3A_1202 = tpu.vector_load %arg16[%get3A_1199, %get3A_1200, %get3A_1201] {strides = array<i32>} : memref<1x128x128xf32, #tpu.memory_space<vmem>>, vector<1x1x16xf32>,
      %get3A_1203 = vector.shape_cast %get3A_1202 : vector<1x1x16xf32> to vector<16xf32>
      %get3A_1204 = arith.constant 0 : i32
      %get3A_1205 = arith.index_cast %get3A_1204 : i32 to index
      %get3A_1206 = arith.index_cast %scan3A_1162 : i32 to index
      %get3A_1207 = arith.constant 32 : index
      %get3A_1208 = tpu.vector_load %arg17[%get3A_1205, %get3A_1206, %get3A_1207] {strides = array<i32>} : memref<1x128x128xf32, #tpu.memory_space<vmem>>, vector<1x1x16xf32>,
      %get3A_1209 = vector.shape_cast %get3A_1208 : vector<1x1x16xf32> to vector<16xf32>
      %mul3A_1210 = arith.mulf %get3A_1203, %get3A_1209 : vector<16xf32>
      %sub3A_1211 = arith.subf %mul3A_1210, %sub3A_1197 : vector<16xf32>
      %add3A_1212 = arith.addf %add3A_1195, %sub3A_1211 : vector<16xf32>
      %sub3A_1213 = arith.subf %add3A_1212, %add3A_1195 : vector<16xf32>
      %sub3A_1214 = arith.subf %sub3A_1213, %sub3A_1211 : vector<16xf32>
      %get3A_1215 = arith.constant 0 : i32
      %get3A_1216 = arith.index_cast %get3A_1215 : i32 to index
      %get3A_1217 = arith.index_cast %scan3A_1162 : i32 to index
      %get3A_1218 = arith.constant 48 : index
      %get3A_1219 = tpu.vector_load %arg16[%get3A_1216, %get3A_1217, %get3A_1218] {strides = array<i32>} : memref<1x128x128xf32, #tpu.memory_space<vmem>>, vector<1x1x16xf32>,
      %get3A_1220 = vector.shape_cast %get3A_1219 : vector<1x1x16xf32> to vector<16xf32>
      %get3A_1221 = arith.constant 0 : i32
      %get3A_1222 = arith.index_cast %get3A_1221 : i32 to index
      %get3A_1223 = arith.index_cast %scan3A_1162 : i32 to index
      %get3A_1224 = arith.constant 48 : index
      %get3A_1225 = tpu.vector_load %arg17[%get3A_1222, %get3A_1223, %get3A_1224] {strides = array<i32>} : memref<1x128x128xf32, #tpu.memory_space<vmem>>, vector<1x1x16xf32>,
      %get3A_1226 = vector.shape_cast %get3A_1225 : vector<1x1x16xf32> to vector<16xf32>
      %mul3A_1227 = arith.mulf %get3A_1220, %get3A_1226 : vector<16xf32>
      %sub3A_1228 = arith.subf %mul3A_1227, %sub3A_1214 : vector<16xf32>
      %add3A_1229 = arith.addf %add3A_1212, %sub3A_1228 : vector<16xf32>
      %sub3A_1230 = arith.subf %add3A_1229, %add3A_1212 : vector<16xf32>
      %sub3A_1231 = arith.subf %sub3A_1230, %sub3A_1228 : vector<16xf32>
      %get3A_1232 = arith.constant 0 : i32
      %get3A_1233 = arith.index_cast %get3A_1232 : i32 to index
      %get3A_1234 = arith.index_cast %scan3A_1162 : i32 to index
      %get3A_1235 = arith.constant 64 : index
      %get3A_1236 = tpu.vector_load %arg16[%get3A_1233, %get3A_1234, %get3A_1235] {strides = array<i32>} : memref<1x128x128xf32, #tpu.memory_space<vmem>>, vector<1x1x16xf32>,
      %get3A_1237 = vector.shape_cast %get3A_1236 : vector<1x1x16xf32> to vector<16xf32>
      %get3A_1238 = arith.constant 0 : i32
      %get3A_1239 = arith.index_cast %get3A_1238 : i32 to index
      %get3A_1240 = arith.index_cast %scan3A_1162 : i32 to index
      %get3A_1241 = arith.constant 64 : index
      %get3A_1242 = tpu.vector_load %arg17[%get3A_1239, %get3A_1240, %get3A_1241] {strides = array<i32>} : memref<1x128x128xf32, #tpu.memory_space<vmem>>, vector<1x1x16xf32>,
      %get3A_1243 = vector.shape_cast %get3A_1242 : vector<1x1x16xf32> to vector<16xf32>
      %mul3A_1244 = arith.mulf %get3A_1237, %get3A_1243 : vector<16xf32>
      %sub3A_1245 = arith.subf %mul3A_1244, %sub3A_1231 : vector<16xf32>
      %add3A_1246 = arith.addf %add3A_1229, %sub3A_1245 : vector<16xf32>
      %sub3A_1247 = arith.subf %add3A_1246, %add3A_1229 : vector<16xf32>
      %sub3A_1248 = arith.subf %sub3A_1247, %sub3A_1245 : vector<16xf32>
      %get3A_1249 = arith.constant 0 : i32
      %get3A_1250 = arith.index_cast %get3A_1249 : i32 to index
      %get3A_1251 = arith.index_cast %scan3A_1162 : i32 to index
      %get3A_1252 = arith.constant 80 : index
      %get3A_1253 = tpu.vector_load %arg16[%get3A_1250, %get3A_1251, %get3A_1252] {strides = array<i32>} : memref<1x128x128xf32, #tpu.memory_space<vmem>>, vector<1x1x16xf32>,
      %get3A_1254 = vector.shape_cast %get3A_1253 : vector<1x1x16xf32> to vector<16xf32>
      %get3A_1255 = arith.constant 0 : i32
      %get3A_1256 = arith.index_cast %get3A_1255 : i32 to index
      %get3A_1257 = arith.index_cast %scan3A_1162 : i32 to index
      %get3A_1258 = arith.constant 80 : index
      %get3A_1259 = tpu.vector_load %arg17[%get3A_1256, %get3A_1257, %get3A_1258] {strides = array<i32>} : memref<1x128x128xf32, #tpu.memory_space<vmem>>, vector<1x1x16xf32>,
      %get3A_1260 = vector.shape_cast %get3A_1259 : vector<1x1x16xf32> to vector<16xf32>
      %mul3A_1261 = arith.mulf %get3A_1254, %get3A_1260 : vector<16xf32>
      %sub3A_1262 = arith.subf %mul3A_1261, %sub3A_1248 : vector<16xf32>
      %add3A_1263 = arith.addf %add3A_1246, %sub3A_1262 : vector<16xf32>
      %sub3A_1264 = arith.subf %add3A_1263, %add3A_1246 : vector<16xf32>
      %sub3A_1265 = arith.subf %sub3A_1264, %sub3A_1262 : vector<16xf32>
      %get3A_1266 = arith.constant 0 : i32
      %get3A_1267 = arith.index_cast %get3A_1266 : i32 to index
      %get3A_1268 = arith.index_cast %scan3A_1162 : i32 to index
      %get3A_1269 = arith.constant 96 : index
      %get3A_1270 = tpu.vector_load %arg16[%get3A_1267, %get3A_1268, %get3A_1269] {strides = array<i32>} : memref<1x128x128xf32, #tpu.memory_space<vmem>>, vector<1x1x16xf32>,
      %get3A_1271 = vector.shape_cast %get3A_1270 : vector<1x1x16xf32> to vector<16xf32>
      %get3A_1272 = arith.constant 0 : i32
      %get3A_1273 = arith.index_cast %get3A_1272 : i32 to index
      %get3A_1274 = arith.index_cast %scan3A_1162 : i32 to index
      %get3A_1275 = arith.constant 96 : index
      %get3A_1276 = tpu.vector_load %arg17[%get3A_1273, %get3A_1274, %get3A_1275] {strides = array<i32>} : memref<1x128x128xf32, #tpu.memory_space<vmem>>, vector<1x1x16xf32>,
      %get3A_1277 = vector.shape_cast %get3A_1276 : vector<1x1x16xf32> to vector<16xf32>
      %mul3A_1278 = arith.mulf %get3A_1271, %get3A_1277 : vector<16xf32>
      %sub3A_1279 = arith.subf %mul3A_1278, %sub3A_1265 : vector<16xf32>
      %add3A_1280 = arith.addf %add3A_1263, %sub3A_1279 : vector<16xf32>
      %sub3A_1281 = arith.subf %add3A_1280, %add3A_1263 : vector<16xf32>
      %sub3A_1282 = arith.subf %sub3A_1281, %sub3A_1279 : vector<16xf32>
      %get3A_1283 = arith.constant 0 : i32
      %get3A_1284 = arith.index_cast %get3A_1283 : i32 to index
      %get3A_1285 = arith.index_cast %scan3A_1162 : i32 to index
      %get3A_1286 = arith.constant 112 : index
      %get3A_1287 = tpu.vector_load %arg16[%get3A_1284, %get3A_1285, %get3A_1286] {strides = array<i32>} : memref<1x128x128xf32, #tpu.memory_space<vmem>>, vector<1x1x16xf32>,
      %get3A_1288 = vector.shape_cast %get3A_1287 : vector<1x1x16xf32> to vector<16xf32>
      %get3A_1289 = arith.constant 0 : i32
      %get3A_1290 = arith.index_cast %get3A_1289 : i32 to index
      %get3A_1291 = arith.index_cast %scan3A_1162 : i32 to index
      %get3A_1292 = arith.constant 112 : index
      %get3A_1293 = tpu.vector_load %arg17[%get3A_1290, %get3A_1291, %get3A_1292] {strides = array<i32>} : memref<1x128x128xf32, #tpu.memory_space<vmem>>, vector<1x1x16xf32>,
      %get3A_1294 = vector.shape_cast %get3A_1293 : vector<1x1x16xf32> to vector<16xf32>
      %mul3A_1295 = arith.mulf %get3A_1288, %get3A_1294 : vector<16xf32>
      %sub3A_1296 = arith.subf %mul3A_1295, %sub3A_1282 : vector<16xf32>
      %add3A_1297 = arith.addf %add3A_1280, %sub3A_1296 : vector<16xf32>
      %sub3A_1298 = arith.subf %add3A_1297, %add3A_1280 : vector<16xf32>
      %sub3A_1299 = arith.subf %sub3A_1298, %sub3A_1296 : vector<16xf32>
      scf.yield %add3A_1297, %sub3A_1299 : vector<16xf32>, vector<16xf32>
    }
    %scan3A_306 = arith.constant 128 : i32
    %add3A_307 = arith.constant 128 : i32
    %add3A_308 = arith.addi %mul3A_2, %add3A_307 : i32
    %dma_start3A_309 = arith.constant 1 : i32
    %dma_start3A_310 = arith.constant 0 : i32
    %dma_start3A_311 = arith.constant 0 : i32
    %dma_start3A_312 = arith.constant 0 : i32
    %dma_start3A_313 = tpu.memref_slice %arg18[%dma_start3A_310, %dma_start3A_311, %dma_start3A_312] : memref<1x128x128xf32, #tpu.memory_space<vmem>> -> memref<1x128x128xf32, #tpu.memory_space<vmem>>
    %dma_start3A_314 = tpu.memref_squeeze %dma_start3A_313 : memref<1x128x128xf32, #tpu.memory_space<vmem>> -> memref<128x128xf32, #tpu.memory_space<vmem>>
    %dma_start3A_315 = arith.constant 0 : i32
    %dma_start3A_316 = tpu.memref_slice %arg14[%dma_start3A_309, %dma_start3A_315] : memref<4x128xi32, #tpu.memory_space<vmem>> -> memref<1x128xi32, #tpu.memory_space<vmem>>
    %dma_start3A_317 = tpu.memref_squeeze %dma_start3A_316 : memref<1x128xi32, #tpu.memory_space<vmem>> -> memref<128xi32, #tpu.memory_space<vmem>>
    %dma_start3A_318 = arith.constant 0 : i32
    %dma_start3A_319 = arith.constant 0 : i32
    %dma_start3A_320 = tpu.memref_slice %arg6[%dma_start3A_318, %dma_start3A_319] : memref<100000x128xf32, #tpu.memory_space<hbm>> -> memref<100000x128xf32, #tpu.memory_space<hbm>>
    tpu.enqueue_indirect_dma source(%dma_start3A_320 : memref<100000x128xf32, #tpu.memory_space<hbm>>) target(%dma_start3A_314 : memref<128x128xf32, #tpu.memory_space<vmem>>) offsets(%dma_start3A_317 : memref<128xi32, #tpu.memory_space<vmem>>) semaphore(%arg26 : memref<!tpu.dma_semaphore, #tpu.memory_space<semaphore_mem>>)
    %dma_start3A_321 = arith.constant 1 : i32
    %dma_start3A_322 = arith.constant 0 : i32
    %dma_start3A_323 = arith.constant 0 : i32
    %dma_start3A_324 = arith.constant 0 : i32
    %dma_start3A_325 = tpu.memref_slice %arg19[%dma_start3A_322, %dma_start3A_323, %dma_start3A_324] : memref<1x128x128xf32, #tpu.memory_space<vmem>> -> memref<1x128x128xf32, #tpu.memory_space<vmem>>
    %dma_start3A_326 = tpu.memref_squeeze %dma_start3A_325 : memref<1x128x128xf32, #tpu.memory_space<vmem>> -> memref<128x128xf32, #tpu.memory_space<vmem>>
    %dma_start3A_327 = arith.constant 0 : i32
    %dma_start3A_328 = tpu.memref_slice %arg15[%dma_start3A_321, %dma_start3A_327] : memref<4x128xi32, #tpu.memory_space<vmem>> -> memref<1x128xi32, #tpu.memory_space<vmem>>
    %dma_start3A_329 = tpu.memref_squeeze %dma_start3A_328 : memref<1x128xi32, #tpu.memory_space<vmem>> -> memref<128xi32, #tpu.memory_space<vmem>>
    %dma_start3A_330 = arith.constant 0 : i32
    %dma_start3A_331 = arith.constant 0 : i32
    %dma_start3A_332 = tpu.memref_slice %arg7[%dma_start3A_330, %dma_start3A_331] : memref<100000x128xf32, #tpu.memory_space<hbm>> -> memref<100000x128xf32, #tpu.memory_space<hbm>>
    tpu.enqueue_indirect_dma source(%dma_start3A_332 : memref<100000x128xf32, #tpu.memory_space<hbm>>) target(%dma_start3A_326 : memref<128x128xf32, #tpu.memory_space<vmem>>) offsets(%dma_start3A_329 : memref<128xi32, #tpu.memory_space<vmem>>) semaphore(%arg27 : memref<!tpu.dma_semaphore, #tpu.memory_space<semaphore_mem>>)
    %dma_start3A_333 = arith.constant 1 : i32
    %dma_start3A_334 = arith.constant 0 : i32
    %dma_start3A_335 = arith.constant 0 : i32
    %dma_start3A_336 = arith.constant 0 : i32
    %dma_start3A_337 = tpu.memref_slice %arg16[%dma_start3A_334, %dma_start3A_335, %dma_start3A_336] : memref<1x128x128xf32, #tpu.memory_space<vmem>> -> memref<1x128x128xf32, #tpu.memory_space<vmem>>
    %dma_start3A_338 = tpu.memref_squeeze %dma_start3A_337 : memref<1x128x128xf32, #tpu.memory_space<vmem>> -> memref<128x128xf32, #tpu.memory_space<vmem>>
    %dma_start3A_339 = arith.constant 0 : i32
    %dma_start3A_340 = tpu.memref_slice %arg14[%dma_start3A_333, %dma_start3A_339] : memref<4x128xi32, #tpu.memory_space<vmem>> -> memref<1x128xi32, #tpu.memory_space<vmem>>
    %dma_start3A_341 = tpu.memref_squeeze %dma_start3A_340 : memref<1x128xi32, #tpu.memory_space<vmem>> -> memref<128xi32, #tpu.memory_space<vmem>>
    %dma_start3A_342 = arith.constant 0 : i32
    %dma_start3A_343 = arith.constant 0 : i32
    %dma_start3A_344 = tpu.memref_slice %arg4[%dma_start3A_342, %dma_start3A_343] : memref<100000x128xf32, #tpu.memory_space<hbm>> -> memref<100000x128xf32, #tpu.memory_space<hbm>>
    tpu.enqueue_indirect_dma source(%dma_start3A_344 : memref<100000x128xf32, #tpu.memory_space<hbm>>) target(%dma_start3A_338 : memref<128x128xf32, #tpu.memory_space<vmem>>) offsets(%dma_start3A_341 : memref<128xi32, #tpu.memory_space<vmem>>) semaphore(%arg24 : memref<!tpu.dma_semaphore, #tpu.memory_space<semaphore_mem>>)
    %dma_start3A_345 = arith.constant 1 : i32
    %dma_start3A_346 = arith.constant 0 : i32
    %dma_start3A_347 = arith.constant 0 : i32
    %dma_start3A_348 = arith.constant 0 : i32
    %dma_start3A_349 = tpu.memref_slice %arg17[%dma_start3A_346, %dma_start3A_347, %dma_start3A_348] : memref<1x128x128xf32, #tpu.memory_space<vmem>> -> memref<1x128x128xf32, #tpu.memory_space<vmem>>
    %dma_start3A_350 = tpu.memref_squeeze %dma_start3A_349 : memref<1x128x128xf32, #tpu.memory_space<vmem>> -> memref<128x128xf32, #tpu.memory_space<vmem>>
    %dma_start3A_351 = arith.constant 0 : i32
    %dma_start3A_352 = tpu.memref_slice %arg15[%dma_start3A_345, %dma_start3A_351] : memref<4x128xi32, #tpu.memory_space<vmem>> -> memref<1x128xi32, #tpu.memory_space<vmem>>
    %dma_start3A_353 = tpu.memref_squeeze %dma_start3A_352 : memref<1x128xi32, #tpu.memory_space<vmem>> -> memref<128xi32, #tpu.memory_space<vmem>>
    %dma_start3A_354 = arith.constant 0 : i32
    %dma_start3A_355 = arith.constant 0 : i32
    %dma_start3A_356 = tpu.memref_slice %arg5[%dma_start3A_354, %dma_start3A_355] : memref<100000x128xf32, #tpu.memory_space<hbm>> -> memref<100000x128xf32, #tpu.memory_space<hbm>>
    tpu.enqueue_indirect_dma source(%dma_start3A_356 : memref<100000x128xf32, #tpu.memory_space<hbm>>) target(%dma_start3A_350 : memref<128x128xf32, #tpu.memory_space<vmem>>) offsets(%dma_start3A_353 : memref<128xi32, #tpu.memory_space<vmem>>) semaphore(%arg25 : memref<!tpu.dma_semaphore, #tpu.memory_space<semaphore_mem>>)
    %dma_start3A_357 = arith.constant 1 : i32
    %dma_start3A_358 = arith.constant 0 : i32
    %dma_start3A_359 = arith.constant 0 : i32
    %dma_start3A_360 = tpu.memref_slice %arg20[%dma_start3A_358, %dma_start3A_359] : memref<1x128xf32, #tpu.memory_space<vmem>> -> memref<1x128xf32, #tpu.memory_space<vmem>>
    %dma_start3A_361 = tpu.memref_squeeze %dma_start3A_360 : memref<1x128xf32, #tpu.memory_space<vmem>> -> memref<128xf32, #tpu.memory_space<vmem>>
    %dma_start3A_362 = arith.constant 0 : i32
    %dma_start3A_363 = tpu.memref_slice %arg14[%dma_start3A_357, %dma_start3A_362] : memref<4x128xi32, #tpu.memory_space<vmem>> -> memref<1x128xi32, #tpu.memory_space<vmem>>
    %dma_start3A_364 = tpu.memref_squeeze %dma_start3A_363 : memref<1x128xi32, #tpu.memory_space<vmem>> -> memref<128xi32, #tpu.memory_space<vmem>>
    %dma_start3A_365 = arith.constant 0 : i32
    %dma_start3A_366 = tpu.memref_slice %arg8[%dma_start3A_365] : memref<100000xf32, #tpu.memory_space<hbm>> -> memref<100000xf32, #tpu.memory_space<hbm>>
    tpu.enqueue_indirect_dma source(%dma_start3A_366 : memref<100000xf32, #tpu.memory_space<hbm>>) target(%dma_start3A_361 : memref<128xf32, #tpu.memory_space<vmem>>) offsets(%dma_start3A_364 : memref<128xi32, #tpu.memory_space<vmem>>) semaphore(%arg28 : memref<!tpu.dma_semaphore, #tpu.memory_space<semaphore_mem>>)
    %dma_start3A_367 = arith.constant 1 : i32
    %dma_start3A_368 = arith.constant 0 : i32
    %dma_start3A_369 = arith.constant 0 : i32
    %dma_start3A_370 = tpu.memref_slice %arg21[%dma_start3A_368, %dma_start3A_369] : memref<1x128xf32, #tpu.memory_space<vmem>> -> memref<1x128xf32, #tpu.memory_space<vmem>>
    %dma_start3A_371 = tpu.memref_squeeze %dma_start3A_370 : memref<1x128xf32, #tpu.memory_space<vmem>> -> memref<128xf32, #tpu.memory_space<vmem>>
    %dma_start3A_372 = arith.constant 0 : i32
    %dma_start3A_373 = tpu.memref_slice %arg15[%dma_start3A_367, %dma_start3A_372] : memref<4x128xi32, #tpu.memory_space<vmem>> -> memref<1x128xi32, #tpu.memory_space<vmem>>
    %dma_start3A_374 = tpu.memref_squeeze %dma_start3A_373 : memref<1x128xi32, #tpu.memory_space<vmem>> -> memref<128xi32, #tpu.memory_space<vmem>>
    %dma_start3A_375 = arith.constant 0 : i32
    %dma_start3A_376 = tpu.memref_slice %arg9[%dma_start3A_375] : memref<100000xf32, #tpu.memory_space<hbm>> -> memref<100000xf32, #tpu.memory_space<hbm>>
    tpu.enqueue_indirect_dma source(%dma_start3A_376 : memref<100000xf32, #tpu.memory_space<hbm>>) target(%dma_start3A_371 : memref<128xf32, #tpu.memory_space<vmem>>) offsets(%dma_start3A_374 : memref<128xi32, #tpu.memory_space<vmem>>) semaphore(%arg29 : memref<!tpu.dma_semaphore, #tpu.memory_space<semaphore_mem>>)
    %dma_wait3A_377 = arith.constant 1 : i32
    %dma_wait3A_378 = arith.constant 0 : i32
    %dma_wait3A_379 = arith.constant 0 : i32
    %dma_wait3A_380 = arith.constant 0 : i32
    %dma_wait3A_381 = tpu.memref_slice %arg18[%dma_wait3A_378, %dma_wait3A_379, %dma_wait3A_380] : memref<1x128x128xf32, #tpu.memory_space<vmem>> -> memref<1x128x128xf32, #tpu.memory_space<vmem>>
    %dma_wait3A_382 = tpu.memref_squeeze %dma_wait3A_381 : memref<1x128x128xf32, #tpu.memory_space<vmem>> -> memref<128x128xf32, #tpu.memory_space<vmem>>
    %dma_wait3A_383 = arith.constant 0 : i32
    %dma_wait3A_384 = tpu.memref_slice %arg14[%dma_wait3A_377, %dma_wait3A_383] : memref<4x128xi32, #tpu.memory_space<vmem>> -> memref<1x128xi32, #tpu.memory_space<vmem>>
    %dma_wait3A_385 = tpu.memref_squeeze %dma_wait3A_384 : memref<1x128xi32, #tpu.memory_space<vmem>> -> memref<128xi32, #tpu.memory_space<vmem>>
    %dma_wait3A_386 = arith.constant 0 : i32
    %dma_wait3A_387 = arith.constant 0 : i32
    %dma_wait3A_388 = tpu.memref_slice %arg6[%dma_wait3A_386, %dma_wait3A_387] : memref<100000x128xf32, #tpu.memory_space<hbm>> -> memref<100000x128xf32, #tpu.memory_space<hbm>>
    tpu.wait_indirect_dma semaphore(%arg26 : memref<!tpu.dma_semaphore, #tpu.memory_space<semaphore_mem>>) src(%dma_wait3A_388 : memref<100000x128xf32, #tpu.memory_space<hbm>>) dst(%dma_wait3A_382 : memref<128x128xf32, #tpu.memory_space<vmem>>)
    %run_scoped3A_389 = arith.constant 0 : i32
    "tpu.region"() ({
      %run_scoped3A_1162 = tpu.sem_alloc : memref<!tpu.dma_semaphore, #tpu.memory_space<semaphore_mem>>
      %dma_start3A_1163 = arith.constant 0 : i32
      %dma_start3A_1164 = arith.constant 0 : i32
      %dma_start3A_1165 = tpu.memref_slice %arg18[%run_scoped3A_389, %dma_start3A_1163, %dma_start3A_1164] : memref<1x128x128xf32, #tpu.memory_space<vmem>> -> memref<1x128x128xf32, #tpu.memory_space<vmem>>
      %dma_start3A_1166 = tpu.memref_squeeze %dma_start3A_1165 : memref<1x128x128xf32, #tpu.memory_space<vmem>> -> memref<128x128xf32, #tpu.memory_space<vmem>>
      %dma_start3A_1167 = arith.constant 0 : i32
      %dma_start3A_1168 = tpu.memref_slice %arg10[%add3A_308, %dma_start3A_1167] : memref<16384x128xf32, #tpu.memory_space<hbm>> -> memref<128x128xf32, #tpu.memory_space<hbm>>
      %dma_start3A_1169 = arith.constant 0 : i32
      %dma_start3A_1170 = tpu.memref_slice %arg10[%add3A_308, %dma_start3A_1169] : memref<16384x128xf32, #tpu.memory_space<hbm>> -> memref<128x128xf32, #tpu.memory_space<hbm>>
      %dma_start3A_1171 = arith.constant 0 : i32
      %dma_start3A_1172 = arith.constant 0 : i32
      %dma_start3A_1173 = tpu.memref_slice %arg18[%run_scoped3A_389, %dma_start3A_1171, %dma_start3A_1172] : memref<1x128x128xf32, #tpu.memory_space<vmem>> -> memref<1x128x128xf32, #tpu.memory_space<vmem>>
      %dma_start3A_1174 = tpu.memref_squeeze %dma_start3A_1173 : memref<1x128x128xf32, #tpu.memory_space<vmem>> -> memref<128x128xf32, #tpu.memory_space<vmem>>
      tpu.enqueue_dma source(%dma_start3A_1174 : memref<128x128xf32, #tpu.memory_space<vmem>>) target(%dma_start3A_1170 : memref<128x128xf32, #tpu.memory_space<hbm>>) target_semaphore(%run_scoped3A_1162 : memref<!tpu.dma_semaphore, #tpu.memory_space<semaphore_mem>>)
      %dma_wait3A_1175 = arith.constant 0 : i32
      %dma_wait3A_1176 = arith.constant 0 : i32
      %dma_wait3A_1177 = tpu.memref_slice %arg18[%run_scoped3A_389, %dma_wait3A_1175, %dma_wait3A_1176] : memref<1x128x128xf32, #tpu.memory_space<vmem>> -> memref<1x128x128xf32, #tpu.memory_space<vmem>>
      %dma_wait3A_1178 = tpu.memref_squeeze %dma_wait3A_1177 : memref<1x128x128xf32, #tpu.memory_space<vmem>> -> memref<128x128xf32, #tpu.memory_space<vmem>>
      %dma_wait3A_1179 = arith.constant 0 : i32
      %dma_wait3A_1180 = tpu.memref_slice %arg10[%add3A_308, %dma_wait3A_1179] : memref<16384x128xf32, #tpu.memory_space<hbm>> -> memref<128x128xf32, #tpu.memory_space<hbm>>
      %dma_wait3A_1181 = arith.constant 0 : i32
      %dma_wait3A_1182 = tpu.memref_slice %arg10[%add3A_308, %dma_wait3A_1181] : memref<16384x128xf32, #tpu.memory_space<hbm>> -> memref<128x128xf32, #tpu.memory_space<hbm>>
      %dma_wait3A_1183 = arith.constant 0 : i32
      %dma_wait3A_1184 = arith.constant 0 : i32
      %dma_wait3A_1185 = tpu.memref_slice %arg18[%run_scoped3A_389, %dma_wait3A_1183, %dma_wait3A_1184] : memref<1x128x128xf32, #tpu.memory_space<vmem>> -> memref<1x128x128xf32, #tpu.memory_space<vmem>>
      %dma_wait3A_1186 = tpu.memref_squeeze %dma_wait3A_1185 : memref<1x128x128xf32, #tpu.memory_space<vmem>> -> memref<128x128xf32, #tpu.memory_space<vmem>>
      tpu.wait_dma2 semaphore(%run_scoped3A_1162 : memref<!tpu.dma_semaphore, #tpu.memory_space<semaphore_mem>>) src(%dma_wait3A_1186 : memref<128x128xf32, #tpu.memory_space<vmem>>) dst(%dma_wait3A_1182 : memref<128x128xf32, #tpu.memory_space<hbm>>)
      tpu.yield
    }) : () -> ()
    %dma_wait3A_390 = arith.constant 1 : i32
    %dma_wait3A_391 = arith.constant 0 : i32
    %dma_wait3A_392 = arith.constant 0 : i32
    %dma_wait3A_393 = arith.constant 0 : i32
    %dma_wait3A_394 = tpu.memref_slice %arg19[%dma_wait3A_391, %dma_wait3A_392, %dma_wait3A_393] : memref<1x128x128xf32, #tpu.memory_space<vmem>> -> memref<1x128x128xf32, #tpu.memory_space<vmem>>
    %dma_wait3A_395 = tpu.memref_squeeze %dma_wait3A_394 : memref<1x128x128xf32, #tpu.memory_space<vmem>> -> memref<128x128xf32, #tpu.memory_space<vmem>>
    %dma_wait3A_396 = arith.constant 0 : i32
    %dma_wait3A_397 = tpu.memref_slice %arg15[%dma_wait3A_390, %dma_wait3A_396] : memref<4x128xi32, #tpu.memory_space<vmem>> -> memref<1x128xi32, #tpu.memory_space<vmem>>
    %dma_wait3A_398 = tpu.memref_squeeze %dma_wait3A_397 : memref<1x128xi32, #tpu.memory_space<vmem>> -> memref<128xi32, #tpu.memory_space<vmem>>
    %dma_wait3A_399 = arith.constant 0 : i32
    %dma_wait3A_400 = arith.constant 0 : i32
    %dma_wait3A_401 = tpu.memref_slice %arg7[%dma_wait3A_399, %dma_wait3A_400] : memref<100000x128xf32, #tpu.memory_space<hbm>> -> memref<100000x128xf32, #tpu.memory_space<hbm>>
    tpu.wait_indirect_dma semaphore(%arg27 : memref<!tpu.dma_semaphore, #tpu.memory_space<semaphore_mem>>) src(%dma_wait3A_401 : memref<100000x128xf32, #tpu.memory_space<hbm>>) dst(%dma_wait3A_395 : memref<128x128xf32, #tpu.memory_space<vmem>>)
    %run_scoped3A_402 = arith.constant 0 : i32
    "tpu.region"() ({
      %run_scoped3A_1162 = tpu.sem_alloc : memref<!tpu.dma_semaphore, #tpu.memory_space<semaphore_mem>>
      %dma_start3A_1163 = arith.constant 0 : i32
      %dma_start3A_1164 = arith.constant 0 : i32
      %dma_start3A_1165 = tpu.memref_slice %arg19[%run_scoped3A_402, %dma_start3A_1163, %dma_start3A_1164] : memref<1x128x128xf32, #tpu.memory_space<vmem>> -> memref<1x128x128xf32, #tpu.memory_space<vmem>>
      %dma_start3A_1166 = tpu.memref_squeeze %dma_start3A_1165 : memref<1x128x128xf32, #tpu.memory_space<vmem>> -> memref<128x128xf32, #tpu.memory_space<vmem>>
      %dma_start3A_1167 = arith.constant 0 : i32
      %dma_start3A_1168 = tpu.memref_slice %arg11[%add3A_308, %dma_start3A_1167] : memref<16384x128xf32, #tpu.memory_space<hbm>> -> memref<128x128xf32, #tpu.memory_space<hbm>>
      %dma_start3A_1169 = arith.constant 0 : i32
      %dma_start3A_1170 = tpu.memref_slice %arg11[%add3A_308, %dma_start3A_1169] : memref<16384x128xf32, #tpu.memory_space<hbm>> -> memref<128x128xf32, #tpu.memory_space<hbm>>
      %dma_start3A_1171 = arith.constant 0 : i32
      %dma_start3A_1172 = arith.constant 0 : i32
      %dma_start3A_1173 = tpu.memref_slice %arg19[%run_scoped3A_402, %dma_start3A_1171, %dma_start3A_1172] : memref<1x128x128xf32, #tpu.memory_space<vmem>> -> memref<1x128x128xf32, #tpu.memory_space<vmem>>
      %dma_start3A_1174 = tpu.memref_squeeze %dma_start3A_1173 : memref<1x128x128xf32, #tpu.memory_space<vmem>> -> memref<128x128xf32, #tpu.memory_space<vmem>>
      tpu.enqueue_dma source(%dma_start3A_1174 : memref<128x128xf32, #tpu.memory_space<vmem>>) target(%dma_start3A_1170 : memref<128x128xf32, #tpu.memory_space<hbm>>) target_semaphore(%run_scoped3A_1162 : memref<!tpu.dma_semaphore, #tpu.memory_space<semaphore_mem>>)
      %dma_wait3A_1175 = arith.constant 0 : i32
      %dma_wait3A_1176 = arith.constant 0 : i32
      %dma_wait3A_1177 = tpu.memref_slice %arg19[%run_scoped3A_402, %dma_wait3A_1175, %dma_wait3A_1176] : memref<1x128x128xf32, #tpu.memory_space<vmem>> -> memref<1x128x128xf32, #tpu.memory_space<vmem>>
      %dma_wait3A_1178 = tpu.memref_squeeze %dma_wait3A_1177 : memref<1x128x128xf32, #tpu.memory_space<vmem>> -> memref<128x128xf32, #tpu.memory_space<vmem>>
      %dma_wait3A_1179 = arith.constant 0 : i32
      %dma_wait3A_1180 = tpu.memref_slice %arg11[%add3A_308, %dma_wait3A_1179] : memref<16384x128xf32, #tpu.memory_space<hbm>> -> memref<128x128xf32, #tpu.memory_space<hbm>>
      %dma_wait3A_1181 = arith.constant 0 : i32
      %dma_wait3A_1182 = tpu.memref_slice %arg11[%add3A_308, %dma_wait3A_1181] : memref<16384x128xf32, #tpu.memory_space<hbm>> -> memref<128x128xf32, #tpu.memory_space<hbm>>
      %dma_wait3A_1183 = arith.constant 0 : i32
      %dma_wait3A_1184 = arith.constant 0 : i32
      %dma_wait3A_1185 = tpu.memref_slice %arg19[%run_scoped3A_402, %dma_wait3A_1183, %dma_wait3A_1184] : memref<1x128x128xf32, #tpu.memory_space<vmem>> -> memref<1x128x128xf32, #tpu.memory_space<vmem>>
      %dma_wait3A_1186 = tpu.memref_squeeze %dma_wait3A_1185 : memref<1x128x128xf32, #tpu.memory_space<vmem>> -> memref<128x128xf32, #tpu.memory_space<vmem>>
      tpu.wait_dma2 semaphore(%run_scoped3A_1162 : memref<!tpu.dma_semaphore, #tpu.memory_space<semaphore_mem>>) src(%dma_wait3A_1186 : memref<128x128xf32, #tpu.memory_space<vmem>>) dst(%dma_wait3A_1182 : memref<128x128xf32, #tpu.memory_space<hbm>>)
      tpu.yield
    }) : () -> ()
    %dma_wait3A_403 = arith.constant 1 : i32
    %dma_wait3A_404 = arith.constant 0 : i32
    %dma_wait3A_405 = arith.constant 0 : i32
    %dma_wait3A_406 = tpu.memref_slice %arg20[%dma_wait3A_404, %dma_wait3A_405] : memref<1x128xf32, #tpu.memory_space<vmem>> -> memref<1x128xf32, #tpu.memory_space<vmem>>
    %dma_wait3A_407 = tpu.memref_squeeze %dma_wait3A_406 : memref<1x128xf32, #tpu.memory_space<vmem>> -> memref<128xf32, #tpu.memory_space<vmem>>
    %dma_wait3A_408 = arith.constant 0 : i32
    %dma_wait3A_409 = tpu.memref_slice %arg14[%dma_wait3A_403, %dma_wait3A_408] : memref<4x128xi32, #tpu.memory_space<vmem>> -> memref<1x128xi32, #tpu.memory_space<vmem>>
    %dma_wait3A_410 = tpu.memref_squeeze %dma_wait3A_409 : memref<1x128xi32, #tpu.memory_space<vmem>> -> memref<128xi32, #tpu.memory_space<vmem>>
    %dma_wait3A_411 = arith.constant 0 : i32
    %dma_wait3A_412 = tpu.memref_slice %arg8[%dma_wait3A_411] : memref<100000xf32, #tpu.memory_space<hbm>> -> memref<100000xf32, #tpu.memory_space<hbm>>
    tpu.wait_indirect_dma semaphore(%arg28 : memref<!tpu.dma_semaphore, #tpu.memory_space<semaphore_mem>>) src(%dma_wait3A_412 : memref<100000xf32, #tpu.memory_space<hbm>>) dst(%dma_wait3A_407 : memref<128xf32, #tpu.memory_space<vmem>>)
    %dma_wait3A_413 = arith.constant 1 : i32
    %dma_wait3A_414 = arith.constant 0 : i32
    %dma_wait3A_415 = arith.constant 0 : i32
    %dma_wait3A_416 = tpu.memref_slice %arg21[%dma_wait3A_414, %dma_wait3A_415] : memref<1x128xf32, #tpu.memory_space<vmem>> -> memref<1x128xf32, #tpu.memory_space<vmem>>
    %dma_wait3A_417 = tpu.memref_squeeze %dma_wait3A_416 : memref<1x128xf32, #tpu.memory_space<vmem>> -> memref<128xf32, #tpu.memory_space<vmem>>
    %dma_wait3A_418 = arith.constant 0 : i32
    %dma_wait3A_419 = tpu.memref_slice %arg15[%dma_wait3A_413, %dma_wait3A_418] : memref<4x128xi32, #tpu.memory_space<vmem>> -> memref<1x128xi32, #tpu.memory_space<vmem>>
    %dma_wait3A_420 = tpu.memref_squeeze %dma_wait3A_419 : memref<1x128xi32, #tpu.memory_space<vmem>> -> memref<128xi32, #tpu.memory_space<vmem>>
    %dma_wait3A_421 = arith.constant 0 : i32
    %dma_wait3A_422 = tpu.memref_slice %arg9[%dma_wait3A_421] : memref<100000xf32, #tpu.memory_space<hbm>> -> memref<100000xf32, #tpu.memory_space<hbm>>
    tpu.wait_indirect_dma semaphore(%arg29 : memref<!tpu.dma_semaphore, #tpu.memory_space<semaphore_mem>>) src(%dma_wait3A_422 : memref<100000xf32, #tpu.memory_space<hbm>>) dst(%dma_wait3A_417 : memref<128xf32, #tpu.memory_space<vmem>>)
    %get3A_423 = arith.constant 0 : i32
    %get3A_424 = arith.index_cast %get3A_423 : i32 to index
    %get3A_425 = arith.constant 0 : index
    %get3A_426 = tpu.vector_load %arg20[%get3A_424, %get3A_425] {strides = array<i32>} : memref<1x128xf32, #tpu.memory_space<vmem>>, vector<1x16xf32>,
    %get3A_427 = vector.shape_cast %get3A_426 : vector<1x16xf32> to vector<16xf32>
    %get3A_428 = arith.constant 0 : i32
    %get3A_429 = arith.index_cast %get3A_428 : i32 to index
    %get3A_430 = arith.constant 0 : index
    %get3A_431 = tpu.vector_load %arg21[%get3A_429, %get3A_430] {strides = array<i32>} : memref<1x128xf32, #tpu.memory_space<vmem>>, vector<1x16xf32>,
    %get3A_432 = vector.shape_cast %get3A_431 : vector<1x16xf32> to vector<16xf32>
    %add3A_433 = arith.addf %get3A_427, %get3A_432 : vector<16xf32>
    %swap3A_434 = arith.constant 0 : i32
    %swap3A_435 = arith.index_cast %swap3A_434 : i32 to index
    %swap3A_436 = arith.constant 0 : index
    %swap3A_437 = tpu.vector_load %arg22[%swap3A_435, %swap3A_436] {strides = array<i32>} : memref<1x128xf32, #tpu.memory_space<vmem>>, vector<1x16xf32>,
    %swap3A_438 = vector.shape_cast %swap3A_437 : vector<1x16xf32> to vector<16xf32>
    %swap3A_439 = vector.shape_cast %add3A_433 : vector<16xf32> to vector<1x16xf32>
    tpu.vector_store %arg22[%swap3A_435, %swap3A_436], %swap3A_439 {strides = array<i32>} : memref<1x128xf32, #tpu.memory_space<vmem>>, vector<1x16xf32>,
    %get3A_440 = arith.constant 0 : i32
    %get3A_441 = arith.index_cast %get3A_440 : i32 to index
    %get3A_442 = arith.constant 16 : index
    %get3A_443 = tpu.vector_load %arg20[%get3A_441, %get3A_442] {strides = array<i32>} : memref<1x128xf32, #tpu.memory_space<vmem>>, vector<1x16xf32>,
    %get3A_444 = vector.shape_cast %get3A_443 : vector<1x16xf32> to vector<16xf32>
    %get3A_445 = arith.constant 0 : i32
    %get3A_446 = arith.index_cast %get3A_445 : i32 to index
    %get3A_447 = arith.constant 16 : index
    %get3A_448 = tpu.vector_load %arg21[%get3A_446, %get3A_447] {strides = array<i32>} : memref<1x128xf32, #tpu.memory_space<vmem>>, vector<1x16xf32>,
    %get3A_449 = vector.shape_cast %get3A_448 : vector<1x16xf32> to vector<16xf32>
    %add3A_450 = arith.addf %get3A_444, %get3A_449 : vector<16xf32>
    %swap3A_451 = arith.constant 0 : i32
    %swap3A_452 = arith.index_cast %swap3A_451 : i32 to index
    %swap3A_453 = arith.constant 16 : index
    %swap3A_454 = tpu.vector_load %arg22[%swap3A_452, %swap3A_453] {strides = array<i32>} : memref<1x128xf32, #tpu.memory_space<vmem>>, vector<1x16xf32>,
    %swap3A_455 = vector.shape_cast %swap3A_454 : vector<1x16xf32> to vector<16xf32>
    %swap3A_456 = vector.shape_cast %add3A_450 : vector<16xf32> to vector<1x16xf32>
    tpu.vector_store %arg22[%swap3A_452, %swap3A_453], %swap3A_456 {strides = array<i32>} : memref<1x128xf32, #tpu.memory_space<vmem>>, vector<1x16xf32>,
    %get3A_457 = arith.constant 0 : i32
    %get3A_458 = arith.index_cast %get3A_457 : i32 to index
    %get3A_459 = arith.constant 32 : index
    %get3A_460 = tpu.vector_load %arg20[%get3A_458, %get3A_459] {strides = array<i32>} : memref<1x128xf32, #tpu.memory_space<vmem>>, vector<1x16xf32>,
    %get3A_461 = vector.shape_cast %get3A_460 : vector<1x16xf32> to vector<16xf32>
    %get3A_462 = arith.constant 0 : i32
    %get3A_463 = arith.index_cast %get3A_462 : i32 to index
    %get3A_464 = arith.constant 32 : index
    %get3A_465 = tpu.vector_load %arg21[%get3A_463, %get3A_464] {strides = array<i32>} : memref<1x128xf32, #tpu.memory_space<vmem>>, vector<1x16xf32>,
    %get3A_466 = vector.shape_cast %get3A_465 : vector<1x16xf32> to vector<16xf32>
    %add3A_467 = arith.addf %get3A_461, %get3A_466 : vector<16xf32>
    %swap3A_468 = arith.constant 0 : i32
    %swap3A_469 = arith.index_cast %swap3A_468 : i32 to index
    %swap3A_470 = arith.constant 32 : index
    %swap3A_471 = tpu.vector_load %arg22[%swap3A_469, %swap3A_470] {strides = array<i32>} : memref<1x128xf32, #tpu.memory_space<vmem>>, vector<1x16xf32>,
    %swap3A_472 = vector.shape_cast %swap3A_471 : vector<1x16xf32> to vector<16xf32>
    %swap3A_473 = vector.shape_cast %add3A_467 : vector<16xf32> to vector<1x16xf32>
    tpu.vector_store %arg22[%swap3A_469, %swap3A_470], %swap3A_473 {strides = array<i32>} : memref<1x128xf32, #tpu.memory_space<vmem>>, vector<1x16xf32>,
    %get3A_474 = arith.constant 0 : i32
    %get3A_475 = arith.index_cast %get3A_474 : i32 to index
    %get3A_476 = arith.constant 48 : index
    %get3A_477 = tpu.vector_load %arg20[%get3A_475, %get3A_476] {strides = array<i32>} : memref<1x128xf32, #tpu.memory_space<vmem>>, vector<1x16xf32>,
    %get3A_478 = vector.shape_cast %get3A_477 : vector<1x16xf32> to vector<16xf32>
    %get3A_479 = arith.constant 0 : i32
    %get3A_480 = arith.index_cast %get3A_479 : i32 to index
    %get3A_481 = arith.constant 48 : index
    %get3A_482 = tpu.vector_load %arg21[%get3A_480, %get3A_481] {strides = array<i32>} : memref<1x128xf32, #tpu.memory_space<vmem>>, vector<1x16xf32>,
    %get3A_483 = vector.shape_cast %get3A_482 : vector<1x16xf32> to vector<16xf32>
    %add3A_484 = arith.addf %get3A_478, %get3A_483 : vector<16xf32>
    %swap3A_485 = arith.constant 0 : i32
    %swap3A_486 = arith.index_cast %swap3A_485 : i32 to index
    %swap3A_487 = arith.constant 48 : index
    %swap3A_488 = tpu.vector_load %arg22[%swap3A_486, %swap3A_487] {strides = array<i32>} : memref<1x128xf32, #tpu.memory_space<vmem>>, vector<1x16xf32>,
    %swap3A_489 = vector.shape_cast %swap3A_488 : vector<1x16xf32> to vector<16xf32>
    %swap3A_490 = vector.shape_cast %add3A_484 : vector<16xf32> to vector<1x16xf32>
    tpu.vector_store %arg22[%swap3A_486, %swap3A_487], %swap3A_490 {strides = array<i32>} : memref<1x128xf32, #tpu.memory_space<vmem>>, vector<1x16xf32>,
    %get3A_491 = arith.constant 0 : i32
    %get3A_492 = arith.index_cast %get3A_491 : i32 to index
    %get3A_493 = arith.constant 64 : index
    %get3A_494 = tpu.vector_load %arg20[%get3A_492, %get3A_493] {strides = array<i32>} : memref<1x128xf32, #tpu.memory_space<vmem>>, vector<1x16xf32>,
    %get3A_495 = vector.shape_cast %get3A_494 : vector<1x16xf32> to vector<16xf32>
    %get3A_496 = arith.constant 0 : i32
    %get3A_497 = arith.index_cast %get3A_496 : i32 to index
    %get3A_498 = arith.constant 64 : index
    %get3A_499 = tpu.vector_load %arg21[%get3A_497, %get3A_498] {strides = array<i32>} : memref<1x128xf32, #tpu.memory_space<vmem>>, vector<1x16xf32>,
    %get3A_500 = vector.shape_cast %get3A_499 : vector<1x16xf32> to vector<16xf32>
    %add3A_501 = arith.addf %get3A_495, %get3A_500 : vector<16xf32>
    %swap3A_502 = arith.constant 0 : i32
    %swap3A_503 = arith.index_cast %swap3A_502 : i32 to index
    %swap3A_504 = arith.constant 64 : index
    %swap3A_505 = tpu.vector_load %arg22[%swap3A_503, %swap3A_504] {strides = array<i32>} : memref<1x128xf32, #tpu.memory_space<vmem>>, vector<1x16xf32>,
    %swap3A_506 = vector.shape_cast %swap3A_505 : vector<1x16xf32> to vector<16xf32>
    %swap3A_507 = vector.shape_cast %add3A_501 : vector<16xf32> to vector<1x16xf32>
    tpu.vector_store %arg22[%swap3A_503, %swap3A_504], %swap3A_507 {strides = array<i32>} : memref<1x128xf32, #tpu.memory_space<vmem>>, vector<1x16xf32>,
    %get3A_508 = arith.constant 0 : i32
    %get3A_509 = arith.index_cast %get3A_508 : i32 to index
    %get3A_510 = arith.constant 80 : index
    %get3A_511 = tpu.vector_load %arg20[%get3A_509, %get3A_510] {strides = array<i32>} : memref<1x128xf32, #tpu.memory_space<vmem>>, vector<1x16xf32>,
    %get3A_512 = vector.shape_cast %get3A_511 : vector<1x16xf32> to vector<16xf32>
    %get3A_513 = arith.constant 0 : i32
    %get3A_514 = arith.index_cast %get3A_513 : i32 to index
    %get3A_515 = arith.constant 80 : index
    %get3A_516 = tpu.vector_load %arg21[%get3A_514, %get3A_515] {strides = array<i32>} : memref<1x128xf32, #tpu.memory_space<vmem>>, vector<1x16xf32>,
    %get3A_517 = vector.shape_cast %get3A_516 : vector<1x16xf32> to vector<16xf32>
    %add3A_518 = arith.addf %get3A_512, %get3A_517 : vector<16xf32>
    %swap3A_519 = arith.constant 0 : i32
    %swap3A_520 = arith.index_cast %swap3A_519 : i32 to index
    %swap3A_521 = arith.constant 80 : index
    %swap3A_522 = tpu.vector_load %arg22[%swap3A_520, %swap3A_521] {strides = array<i32>} : memref<1x128xf32, #tpu.memory_space<vmem>>, vector<1x16xf32>,
    %swap3A_523 = vector.shape_cast %swap3A_522 : vector<1x16xf32> to vector<16xf32>
    %swap3A_524 = vector.shape_cast %add3A_518 : vector<16xf32> to vector<1x16xf32>
    tpu.vector_store %arg22[%swap3A_520, %swap3A_521], %swap3A_524 {strides = array<i32>} : memref<1x128xf32, #tpu.memory_space<vmem>>, vector<1x16xf32>,
    %get3A_525 = arith.constant 0 : i32
    %get3A_526 = arith.index_cast %get3A_525 : i32 to index
    %get3A_527 = arith.constant 96 : index
    %get3A_528 = tpu.vector_load %arg20[%get3A_526, %get3A_527] {strides = array<i32>} : memref<1x128xf32, #tpu.memory_space<vmem>>, vector<1x16xf32>,
    %get3A_529 = vector.shape_cast %get3A_528 : vector<1x16xf32> to vector<16xf32>
    %get3A_530 = arith.constant 0 : i32
    %get3A_531 = arith.index_cast %get3A_530 : i32 to index
    %get3A_532 = arith.constant 96 : index
    %get3A_533 = tpu.vector_load %arg21[%get3A_531, %get3A_532] {strides = array<i32>} : memref<1x128xf32, #tpu.memory_space<vmem>>, vector<1x16xf32>,
    %get3A_534 = vector.shape_cast %get3A_533 : vector<1x16xf32> to vector<16xf32>
    %add3A_535 = arith.addf %get3A_529, %get3A_534 : vector<16xf32>
    %swap3A_536 = arith.constant 0 : i32
    %swap3A_537 = arith.index_cast %swap3A_536 : i32 to index
    %swap3A_538 = arith.constant 96 : index
    %swap3A_539 = tpu.vector_load %arg22[%swap3A_537, %swap3A_538] {strides = array<i32>} : memref<1x128xf32, #tpu.memory_space<vmem>>, vector<1x16xf32>,
    %swap3A_540 = vector.shape_cast %swap3A_539 : vector<1x16xf32> to vector<16xf32>
    %swap3A_541 = vector.shape_cast %add3A_535 : vector<16xf32> to vector<1x16xf32>
    tpu.vector_store %arg22[%swap3A_537, %swap3A_538], %swap3A_541 {strides = array<i32>} : memref<1x128xf32, #tpu.memory_space<vmem>>, vector<1x16xf32>,
    %get3A_542 = arith.constant 0 : i32
    %get3A_543 = arith.index_cast %get3A_542 : i32 to index
    %get3A_544 = arith.constant 112 : index
    %get3A_545 = tpu.vector_load %arg20[%get3A_543, %get3A_544] {strides = array<i32>} : memref<1x128xf32, #tpu.memory_space<vmem>>, vector<1x16xf32>,
    %get3A_546 = vector.shape_cast %get3A_545 : vector<1x16xf32> to vector<16xf32>
    %get3A_547 = arith.constant 0 : i32
    %get3A_548 = arith.index_cast %get3A_547 : i32 to index
    %get3A_549 = arith.constant 112 : index
    %get3A_550 = tpu.vector_load %arg21[%get3A_548, %get3A_549] {strides = array<i32>} : memref<1x128xf32, #tpu.memory_space<vmem>>, vector<1x16xf32>,
    %get3A_551 = vector.shape_cast %get3A_550 : vector<1x16xf32> to vector<16xf32>
    %add3A_552 = arith.addf %get3A_546, %get3A_551 : vector<16xf32>
    %swap3A_553 = arith.constant 0 : i32
    %swap3A_554 = arith.index_cast %swap3A_553 : i32 to index
    %swap3A_555 = arith.constant 112 : index
    %swap3A_556 = tpu.vector_load %arg22[%swap3A_554, %swap3A_555] {strides = array<i32>} : memref<1x128xf32, #tpu.memory_space<vmem>>, vector<1x16xf32>,
    %swap3A_557 = vector.shape_cast %swap3A_556 : vector<1x16xf32> to vector<16xf32>
    %swap3A_558 = vector.shape_cast %add3A_552 : vector<16xf32> to vector<1x16xf32>
    tpu.vector_store %arg22[%swap3A_554, %swap3A_555], %swap3A_558 {strides = array<i32>} : memref<1x128xf32, #tpu.memory_space<vmem>>, vector<1x16xf32>,
    %run_scoped3A_559 = arith.constant 0 : i32
    "tpu.region"() ({
      %run_scoped3A_1162 = tpu.sem_alloc : memref<!tpu.dma_semaphore, #tpu.memory_space<semaphore_mem>>
      %dma_start3A_1163 = arith.constant 0 : i32
      %dma_start3A_1164 = tpu.memref_slice %arg22[%run_scoped3A_559, %dma_start3A_1163] : memref<1x128xf32, #tpu.memory_space<vmem>> -> memref<1x128xf32, #tpu.memory_space<vmem>>
      %dma_start3A_1165 = tpu.memref_squeeze %dma_start3A_1164 : memref<1x128xf32, #tpu.memory_space<vmem>> -> memref<128xf32, #tpu.memory_space<vmem>>
      %dma_start3A_1166 = tpu.memref_slice %arg12[%add3A_308] : memref<16384xf32, #tpu.memory_space<hbm>> -> memref<128xf32, #tpu.memory_space<hbm>>
      %dma_start3A_1167 = tpu.memref_slice %arg12[%add3A_308] : memref<16384xf32, #tpu.memory_space<hbm>> -> memref<128xf32, #tpu.memory_space<hbm>>
      %dma_start3A_1168 = arith.constant 0 : i32
      %dma_start3A_1169 = tpu.memref_slice %arg22[%run_scoped3A_559, %dma_start3A_1168] : memref<1x128xf32, #tpu.memory_space<vmem>> -> memref<1x128xf32, #tpu.memory_space<vmem>>
      %dma_start3A_1170 = tpu.memref_squeeze %dma_start3A_1169 : memref<1x128xf32, #tpu.memory_space<vmem>> -> memref<128xf32, #tpu.memory_space<vmem>>
      tpu.enqueue_dma source(%dma_start3A_1170 : memref<128xf32, #tpu.memory_space<vmem>>) target(%dma_start3A_1167 : memref<128xf32, #tpu.memory_space<hbm>>) target_semaphore(%run_scoped3A_1162 : memref<!tpu.dma_semaphore, #tpu.memory_space<semaphore_mem>>)
      %dma_wait3A_1171 = arith.constant 0 : i32
      %dma_wait3A_1172 = tpu.memref_slice %arg22[%run_scoped3A_559, %dma_wait3A_1171] : memref<1x128xf32, #tpu.memory_space<vmem>> -> memref<1x128xf32, #tpu.memory_space<vmem>>
      %dma_wait3A_1173 = tpu.memref_squeeze %dma_wait3A_1172 : memref<1x128xf32, #tpu.memory_space<vmem>> -> memref<128xf32, #tpu.memory_space<vmem>>
      %dma_wait3A_1174 = tpu.memref_slice %arg12[%add3A_308] : memref<16384xf32, #tpu.memory_space<hbm>> -> memref<128xf32, #tpu.memory_space<hbm>>
      %dma_wait3A_1175 = tpu.memref_slice %arg12[%add3A_308] : memref<16384xf32, #tpu.memory_space<hbm>> -> memref<128xf32, #tpu.memory_space<hbm>>
      %dma_wait3A_1176 = arith.constant 0 : i32
      %dma_wait3A_1177 = tpu.memref_slice %arg22[%run_scoped3A_559, %dma_wait3A_1176] : memref<1x128xf32, #tpu.memory_space<vmem>> -> memref<1x128xf32, #tpu.memory_space<vmem>>
      %dma_wait3A_1178 = tpu.memref_squeeze %dma_wait3A_1177 : memref<1x128xf32, #tpu.memory_space<vmem>> -> memref<128xf32, #tpu.memory_space<vmem>>
      tpu.wait_dma2 semaphore(%run_scoped3A_1162 : memref<!tpu.dma_semaphore, #tpu.memory_space<semaphore_mem>>) src(%dma_wait3A_1178 : memref<128xf32, #tpu.memory_space<vmem>>) dst(%dma_wait3A_1175 : memref<128xf32, #tpu.memory_space<hbm>>)
      tpu.yield
    }) : () -> ()
    %dma_wait3A_560 = arith.constant 1 : i32
    %dma_wait3A_561 = arith.constant 0 : i32
    %dma_wait3A_562 = arith.constant 0 : i32
    %dma_wait3A_563 = arith.constant 0 : i32
    %dma_wait3A_564 = tpu.memref_slice %arg16[%dma_wait3A_561, %dma_wait3A_562, %dma_wait3A_563] : memref<1x128x128xf32, #tpu.memory_space<vmem>> -> memref<1x128x128xf32, #tpu.memory_space<vmem>>
    %dma_wait3A_565 = tpu.memref_squeeze %dma_wait3A_564 : memref<1x128x128xf32, #tpu.memory_space<vmem>> -> memref<128x128xf32, #tpu.memory_space<vmem>>
    %dma_wait3A_566 = arith.constant 0 : i32
    %dma_wait3A_567 = tpu.memref_slice %arg14[%dma_wait3A_560, %dma_wait3A_566] : memref<4x128xi32, #tpu.memory_space<vmem>> -> memref<1x128xi32, #tpu.memory_space<vmem>>
    %dma_wait3A_568 = tpu.memref_squeeze %dma_wait3A_567 : memref<1x128xi32, #tpu.memory_space<vmem>> -> memref<128xi32, #tpu.memory_space<vmem>>
    %dma_wait3A_569 = arith.constant 0 : i32
    %dma_wait3A_570 = arith.constant 0 : i32
    %dma_wait3A_571 = tpu.memref_slice %arg4[%dma_wait3A_569, %dma_wait3A_570] : memref<100000x128xf32, #tpu.memory_space<hbm>> -> memref<100000x128xf32, #tpu.memory_space<hbm>>
    tpu.wait_indirect_dma semaphore(%arg24 : memref<!tpu.dma_semaphore, #tpu.memory_space<semaphore_mem>>) src(%dma_wait3A_571 : memref<100000x128xf32, #tpu.memory_space<hbm>>) dst(%dma_wait3A_565 : memref<128x128xf32, #tpu.memory_space<vmem>>)
    %dma_wait3A_572 = arith.constant 1 : i32
    %dma_wait3A_573 = arith.constant 0 : i32
    %dma_wait3A_574 = arith.constant 0 : i32
    %dma_wait3A_575 = arith.constant 0 : i32
    %dma_wait3A_576 = tpu.memref_slice %arg17[%dma_wait3A_573, %dma_wait3A_574, %dma_wait3A_575] : memref<1x128x128xf32, #tpu.memory_space<vmem>> -> memref<1x128x128xf32, #tpu.memory_space<vmem>>
    %dma_wait3A_577 = tpu.memref_squeeze %dma_wait3A_576 : memref<1x128x128xf32, #tpu.memory_space<vmem>> -> memref<128x128xf32, #tpu.memory_space<vmem>>
    %dma_wait3A_578 = arith.constant 0 : i32
    %dma_wait3A_579 = tpu.memref_slice %arg15[%dma_wait3A_572, %dma_wait3A_578] : memref<4x128xi32, #tpu.memory_space<vmem>> -> memref<1x128xi32, #tpu.memory_space<vmem>>
    %dma_wait3A_580 = tpu.memref_squeeze %dma_wait3A_579 : memref<1x128xi32, #tpu.memory_space<vmem>> -> memref<128xi32, #tpu.memory_space<vmem>>
    %dma_wait3A_581 = arith.constant 0 : i32
    %dma_wait3A_582 = arith.constant 0 : i32
    %dma_wait3A_583 = tpu.memref_slice %arg5[%dma_wait3A_581, %dma_wait3A_582] : memref<100000x128xf32, #tpu.memory_space<hbm>> -> memref<100000x128xf32, #tpu.memory_space<hbm>>
    tpu.wait_indirect_dma semaphore(%arg25 : memref<!tpu.dma_semaphore, #tpu.memory_space<semaphore_mem>>) src(%dma_wait3A_583 : memref<100000x128xf32, #tpu.memory_space<hbm>>) dst(%dma_wait3A_577 : memref<128x128xf32, #tpu.memory_space<vmem>>)
    %scan3A_584 = arith.constant 0 : i32
    %scan3A_585 = arith.constant 128 : i32
    %scan3A_586 = arith.addi %scan3A_584, %scan3A_585 : i32
    %scan3A_587 = arith.constant 1 : i32
    %scan3A_588:2 = scf.for %scan3A_1162 = %scan3A_584 to %scan3A_586 step %scan3A_587 iter_args(%scan3A_1163 = %scan3A_305#0, %scan3A_1164 = %scan3A_305#1) -> (vector<16xf32>, vector<16xf32>)  : i32 {
      %get3A_1165 = arith.constant 0 : i32
      %get3A_1166 = arith.index_cast %get3A_1165 : i32 to index
      %get3A_1167 = arith.index_cast %scan3A_1162 : i32 to index
      %get3A_1168 = arith.constant 0 : index
      %get3A_1169 = tpu.vector_load %arg16[%get3A_1166, %get3A_1167, %get3A_1168] {strides = array<i32>} : memref<1x128x128xf32, #tpu.memory_space<vmem>>, vector<1x1x16xf32>,
      %get3A_1170 = vector.shape_cast %get3A_1169 : vector<1x1x16xf32> to vector<16xf32>
      %get3A_1171 = arith.constant 0 : i32
      %get3A_1172 = arith.index_cast %get3A_1171 : i32 to index
      %get3A_1173 = arith.index_cast %scan3A_1162 : i32 to index
      %get3A_1174 = arith.constant 0 : index
      %get3A_1175 = tpu.vector_load %arg17[%get3A_1172, %get3A_1173, %get3A_1174] {strides = array<i32>} : memref<1x128x128xf32, #tpu.memory_space<vmem>>, vector<1x1x16xf32>,
      %get3A_1176 = vector.shape_cast %get3A_1175 : vector<1x1x16xf32> to vector<16xf32>
      %mul3A_1177 = arith.mulf %get3A_1170, %get3A_1176 : vector<16xf32>
      %sub3A = arith.subf %mul3A_1177, %scan3A_1164 : vector<16xf32>
      %add3A_1178 = arith.addf %scan3A_1163, %sub3A : vector<16xf32>
      %sub3A_1179 = arith.subf %add3A_1178, %scan3A_1163 : vector<16xf32>
      %sub3A_1180 = arith.subf %sub3A_1179, %sub3A : vector<16xf32>
      %get3A_1181 = arith.constant 0 : i32
      %get3A_1182 = arith.index_cast %get3A_1181 : i32 to index
      %get3A_1183 = arith.index_cast %scan3A_1162 : i32 to index
      %get3A_1184 = arith.constant 16 : index
      %get3A_1185 = tpu.vector_load %arg16[%get3A_1182, %get3A_1183, %get3A_1184] {strides = array<i32>} : memref<1x128x128xf32, #tpu.memory_space<vmem>>, vector<1x1x16xf32>,
      %get3A_1186 = vector.shape_cast %get3A_1185 : vector<1x1x16xf32> to vector<16xf32>
      %get3A_1187 = arith.constant 0 : i32
      %get3A_1188 = arith.index_cast %get3A_1187 : i32 to index
      %get3A_1189 = arith.index_cast %scan3A_1162 : i32 to index
      %get3A_1190 = arith.constant 16 : index
      %get3A_1191 = tpu.vector_load %arg17[%get3A_1188, %get3A_1189, %get3A_1190] {strides = array<i32>} : memref<1x128x128xf32, #tpu.memory_space<vmem>>, vector<1x1x16xf32>,
      %get3A_1192 = vector.shape_cast %get3A_1191 : vector<1x1x16xf32> to vector<16xf32>
      %mul3A_1193 = arith.mulf %get3A_1186, %get3A_1192 : vector<16xf32>
      %sub3A_1194 = arith.subf %mul3A_1193, %sub3A_1180 : vector<16xf32>
      %add3A_1195 = arith.addf %add3A_1178, %sub3A_1194 : vector<16xf32>
      %sub3A_1196 = arith.subf %add3A_1195, %add3A_1178 : vector<16xf32>
      %sub3A_1197 = arith.subf %sub3A_1196, %sub3A_1194 : vector<16xf32>
      %get3A_1198 = arith.constant 0 : i32
      %get3A_1199 = arith.index_cast %get3A_1198 : i32 to index
      %get3A_1200 = arith.index_cast %scan3A_1162 : i32 to index
      %get3A_1201 = arith.constant 32 : index
      %get3A_1202 = tpu.vector_load %arg16[%get3A_1199, %get3A_1200, %get3A_1201] {strides = array<i32>} : memref<1x128x128xf32, #tpu.memory_space<vmem>>, vector<1x1x16xf32>,
      %get3A_1203 = vector.shape_cast %get3A_1202 : vector<1x1x16xf32> to vector<16xf32>
      %get3A_1204 = arith.constant 0 : i32
      %get3A_1205 = arith.index_cast %get3A_1204 : i32 to index
      %get3A_1206 = arith.index_cast %scan3A_1162 : i32 to index
      %get3A_1207 = arith.constant 32 : index
      %get3A_1208 = tpu.vector_load %arg17[%get3A_1205, %get3A_1206, %get3A_1207] {strides = array<i32>} : memref<1x128x128xf32, #tpu.memory_space<vmem>>, vector<1x1x16xf32>,
      %get3A_1209 = vector.shape_cast %get3A_1208 : vector<1x1x16xf32> to vector<16xf32>
      %mul3A_1210 = arith.mulf %get3A_1203, %get3A_1209 : vector<16xf32>
      %sub3A_1211 = arith.subf %mul3A_1210, %sub3A_1197 : vector<16xf32>
      %add3A_1212 = arith.addf %add3A_1195, %sub3A_1211 : vector<16xf32>
      %sub3A_1213 = arith.subf %add3A_1212, %add3A_1195 : vector<16xf32>
      %sub3A_1214 = arith.subf %sub3A_1213, %sub3A_1211 : vector<16xf32>
      %get3A_1215 = arith.constant 0 : i32
      %get3A_1216 = arith.index_cast %get3A_1215 : i32 to index
      %get3A_1217 = arith.index_cast %scan3A_1162 : i32 to index
      %get3A_1218 = arith.constant 48 : index
      %get3A_1219 = tpu.vector_load %arg16[%get3A_1216, %get3A_1217, %get3A_1218] {strides = array<i32>} : memref<1x128x128xf32, #tpu.memory_space<vmem>>, vector<1x1x16xf32>,
      %get3A_1220 = vector.shape_cast %get3A_1219 : vector<1x1x16xf32> to vector<16xf32>
      %get3A_1221 = arith.constant 0 : i32
      %get3A_1222 = arith.index_cast %get3A_1221 : i32 to index
      %get3A_1223 = arith.index_cast %scan3A_1162 : i32 to index
      %get3A_1224 = arith.constant 48 : index
      %get3A_1225 = tpu.vector_load %arg17[%get3A_1222, %get3A_1223, %get3A_1224] {strides = array<i32>} : memref<1x128x128xf32, #tpu.memory_space<vmem>>, vector<1x1x16xf32>,
      %get3A_1226 = vector.shape_cast %get3A_1225 : vector<1x1x16xf32> to vector<16xf32>
      %mul3A_1227 = arith.mulf %get3A_1220, %get3A_1226 : vector<16xf32>
      %sub3A_1228 = arith.subf %mul3A_1227, %sub3A_1214 : vector<16xf32>
      %add3A_1229 = arith.addf %add3A_1212, %sub3A_1228 : vector<16xf32>
      %sub3A_1230 = arith.subf %add3A_1229, %add3A_1212 : vector<16xf32>
      %sub3A_1231 = arith.subf %sub3A_1230, %sub3A_1228 : vector<16xf32>
      %get3A_1232 = arith.constant 0 : i32
      %get3A_1233 = arith.index_cast %get3A_1232 : i32 to index
      %get3A_1234 = arith.index_cast %scan3A_1162 : i32 to index
      %get3A_1235 = arith.constant 64 : index
      %get3A_1236 = tpu.vector_load %arg16[%get3A_1233, %get3A_1234, %get3A_1235] {strides = array<i32>} : memref<1x128x128xf32, #tpu.memory_space<vmem>>, vector<1x1x16xf32>,
      %get3A_1237 = vector.shape_cast %get3A_1236 : vector<1x1x16xf32> to vector<16xf32>
      %get3A_1238 = arith.constant 0 : i32
      %get3A_1239 = arith.index_cast %get3A_1238 : i32 to index
      %get3A_1240 = arith.index_cast %scan3A_1162 : i32 to index
      %get3A_1241 = arith.constant 64 : index
      %get3A_1242 = tpu.vector_load %arg17[%get3A_1239, %get3A_1240, %get3A_1241] {strides = array<i32>} : memref<1x128x128xf32, #tpu.memory_space<vmem>>, vector<1x1x16xf32>,
      %get3A_1243 = vector.shape_cast %get3A_1242 : vector<1x1x16xf32> to vector<16xf32>
      %mul3A_1244 = arith.mulf %get3A_1237, %get3A_1243 : vector<16xf32>
      %sub3A_1245 = arith.subf %mul3A_1244, %sub3A_1231 : vector<16xf32>
      %add3A_1246 = arith.addf %add3A_1229, %sub3A_1245 : vector<16xf32>
      %sub3A_1247 = arith.subf %add3A_1246, %add3A_1229 : vector<16xf32>
      %sub3A_1248 = arith.subf %sub3A_1247, %sub3A_1245 : vector<16xf32>
      %get3A_1249 = arith.constant 0 : i32
      %get3A_1250 = arith.index_cast %get3A_1249 : i32 to index
      %get3A_1251 = arith.index_cast %scan3A_1162 : i32 to index
      %get3A_1252 = arith.constant 80 : index
      %get3A_1253 = tpu.vector_load %arg16[%get3A_1250, %get3A_1251, %get3A_1252] {strides = array<i32>} : memref<1x128x128xf32, #tpu.memory_space<vmem>>, vector<1x1x16xf32>,
      %get3A_1254 = vector.shape_cast %get3A_1253 : vector<1x1x16xf32> to vector<16xf32>
      %get3A_1255 = arith.constant 0 : i32
      %get3A_1256 = arith.index_cast %get3A_1255 : i32 to index
      %get3A_1257 = arith.index_cast %scan3A_1162 : i32 to index
      %get3A_1258 = arith.constant 80 : index
      %get3A_1259 = tpu.vector_load %arg17[%get3A_1256, %get3A_1257, %get3A_1258] {strides = array<i32>} : memref<1x128x128xf32, #tpu.memory_space<vmem>>, vector<1x1x16xf32>,
      %get3A_1260 = vector.shape_cast %get3A_1259 : vector<1x1x16xf32> to vector<16xf32>
      %mul3A_1261 = arith.mulf %get3A_1254, %get3A_1260 : vector<16xf32>
      %sub3A_1262 = arith.subf %mul3A_1261, %sub3A_1248 : vector<16xf32>
      %add3A_1263 = arith.addf %add3A_1246, %sub3A_1262 : vector<16xf32>
      %sub3A_1264 = arith.subf %add3A_1263, %add3A_1246 : vector<16xf32>
      %sub3A_1265 = arith.subf %sub3A_1264, %sub3A_1262 : vector<16xf32>
      %get3A_1266 = arith.constant 0 : i32
      %get3A_1267 = arith.index_cast %get3A_1266 : i32 to index
      %get3A_1268 = arith.index_cast %scan3A_1162 : i32 to index
      %get3A_1269 = arith.constant 96 : index
      %get3A_1270 = tpu.vector_load %arg16[%get3A_1267, %get3A_1268, %get3A_1269] {strides = array<i32>} : memref<1x128x128xf32, #tpu.memory_space<vmem>>, vector<1x1x16xf32>,
      %get3A_1271 = vector.shape_cast %get3A_1270 : vector<1x1x16xf32> to vector<16xf32>
      %get3A_1272 = arith.constant 0 : i32
      %get3A_1273 = arith.index_cast %get3A_1272 : i32 to index
      %get3A_1274 = arith.index_cast %scan3A_1162 : i32 to index
      %get3A_1275 = arith.constant 96 : index
      %get3A_1276 = tpu.vector_load %arg17[%get3A_1273, %get3A_1274, %get3A_1275] {strides = array<i32>} : memref<1x128x128xf32, #tpu.memory_space<vmem>>, vector<1x1x16xf32>,
      %get3A_1277 = vector.shape_cast %get3A_1276 : vector<1x1x16xf32> to vector<16xf32>
      %mul3A_1278 = arith.mulf %get3A_1271, %get3A_1277 : vector<16xf32>
      %sub3A_1279 = arith.subf %mul3A_1278, %sub3A_1265 : vector<16xf32>
      %add3A_1280 = arith.addf %add3A_1263, %sub3A_1279 : vector<16xf32>
      %sub3A_1281 = arith.subf %add3A_1280, %add3A_1263 : vector<16xf32>
      %sub3A_1282 = arith.subf %sub3A_1281, %sub3A_1279 : vector<16xf32>
      %get3A_1283 = arith.constant 0 : i32
      %get3A_1284 = arith.index_cast %get3A_1283 : i32 to index
      %get3A_1285 = arith.index_cast %scan3A_1162 : i32 to index
      %get3A_1286 = arith.constant 112 : index
      %get3A_1287 = tpu.vector_load %arg16[%get3A_1284, %get3A_1285, %get3A_1286] {strides = array<i32>} : memref<1x128x128xf32, #tpu.memory_space<vmem>>, vector<1x1x16xf32>,
      %get3A_1288 = vector.shape_cast %get3A_1287 : vector<1x1x16xf32> to vector<16xf32>
      %get3A_1289 = arith.constant 0 : i32
      %get3A_1290 = arith.index_cast %get3A_1289 : i32 to index
      %get3A_1291 = arith.index_cast %scan3A_1162 : i32 to index
      %get3A_1292 = arith.constant 112 : index
      %get3A_1293 = tpu.vector_load %arg17[%get3A_1290, %get3A_1291, %get3A_1292] {strides = array<i32>} : memref<1x128x128xf32, #tpu.memory_space<vmem>>, vector<1x1x16xf32>,
      %get3A_1294 = vector.shape_cast %get3A_1293 : vector<1x1x16xf32> to vector<16xf32>
      %mul3A_1295 = arith.mulf %get3A_1288, %get3A_1294 : vector<16xf32>
      %sub3A_1296 = arith.subf %mul3A_1295, %sub3A_1282 : vector<16xf32>
      %add3A_1297 = arith.addf %add3A_1280, %sub3A_1296 : vector<16xf32>
      %sub3A_1298 = arith.subf %add3A_1297, %add3A_1280 : vector<16xf32>
      %sub3A_1299 = arith.subf %sub3A_1298, %sub3A_1296 : vector<16xf32>
      scf.yield %add3A_1297, %sub3A_1299 : vector<16xf32>, vector<16xf32>
    }
    %scan3A_589 = arith.constant 128 : i32
    %add3A_590 = arith.constant 256 : i32
    %add3A_591 = arith.addi %mul3A_2, %add3A_590 : i32
    %dma_start3A_592 = arith.constant 2 : i32
    %dma_start3A_593 = arith.constant 0 : i32
    %dma_start3A_594 = arith.constant 0 : i32
    %dma_start3A_595 = arith.constant 0 : i32
    %dma_start3A_596 = tpu.memref_slice %arg18[%dma_start3A_593, %dma_start3A_594, %dma_start3A_595] : memref<1x128x128xf32, #tpu.memory_space<vmem>> -> memref<1x128x128xf32, #tpu.memory_space<vmem>>
    %dma_start3A_597 = tpu.memref_squeeze %dma_start3A_596 : memref<1x128x128xf32, #tpu.memory_space<vmem>> -> memref<128x128xf32, #tpu.memory_space<vmem>>
    %dma_start3A_598 = arith.constant 0 : i32
    %dma_start3A_599 = tpu.memref_slice %arg14[%dma_start3A_592, %dma_start3A_598] : memref<4x128xi32, #tpu.memory_space<vmem>> -> memref<1x128xi32, #tpu.memory_space<vmem>>
    %dma_start3A_600 = tpu.memref_squeeze %dma_start3A_599 : memref<1x128xi32, #tpu.memory_space<vmem>> -> memref<128xi32, #tpu.memory_space<vmem>>
    %dma_start3A_601 = arith.constant 0 : i32
    %dma_start3A_602 = arith.constant 0 : i32
    %dma_start3A_603 = tpu.memref_slice %arg6[%dma_start3A_601, %dma_start3A_602] : memref<100000x128xf32, #tpu.memory_space<hbm>> -> memref<100000x128xf32, #tpu.memory_space<hbm>>
    tpu.enqueue_indirect_dma source(%dma_start3A_603 : memref<100000x128xf32, #tpu.memory_space<hbm>>) target(%dma_start3A_597 : memref<128x128xf32, #tpu.memory_space<vmem>>) offsets(%dma_start3A_600 : memref<128xi32, #tpu.memory_space<vmem>>) semaphore(%arg26 : memref<!tpu.dma_semaphore, #tpu.memory_space<semaphore_mem>>)
    %dma_start3A_604 = arith.constant 2 : i32
    %dma_start3A_605 = arith.constant 0 : i32
    %dma_start3A_606 = arith.constant 0 : i32
    %dma_start3A_607 = arith.constant 0 : i32
    %dma_start3A_608 = tpu.memref_slice %arg19[%dma_start3A_605, %dma_start3A_606, %dma_start3A_607] : memref<1x128x128xf32, #tpu.memory_space<vmem>> -> memref<1x128x128xf32, #tpu.memory_space<vmem>>
    %dma_start3A_609 = tpu.memref_squeeze %dma_start3A_608 : memref<1x128x128xf32, #tpu.memory_space<vmem>> -> memref<128x128xf32, #tpu.memory_space<vmem>>
    %dma_start3A_610 = arith.constant 0 : i32
    %dma_start3A_611 = tpu.memref_slice %arg15[%dma_start3A_604, %dma_start3A_610] : memref<4x128xi32, #tpu.memory_space<vmem>> -> memref<1x128xi32, #tpu.memory_space<vmem>>
    %dma_start3A_612 = tpu.memref_squeeze %dma_start3A_611 : memref<1x128xi32, #tpu.memory_space<vmem>> -> memref<128xi32, #tpu.memory_space<vmem>>
    %dma_start3A_613 = arith.constant 0 : i32
    %dma_start3A_614 = arith.constant 0 : i32
    %dma_start3A_615 = tpu.memref_slice %arg7[%dma_start3A_613, %dma_start3A_614] : memref<100000x128xf32, #tpu.memory_space<hbm>> -> memref<100000x128xf32, #tpu.memory_space<hbm>>
    tpu.enqueue_indirect_dma source(%dma_start3A_615 : memref<100000x128xf32, #tpu.memory_space<hbm>>) target(%dma_start3A_609 : memref<128x128xf32, #tpu.memory_space<vmem>>) offsets(%dma_start3A_612 : memref<128xi32, #tpu.memory_space<vmem>>) semaphore(%arg27 : memref<!tpu.dma_semaphore, #tpu.memory_space<semaphore_mem>>)
    %dma_start3A_616 = arith.constant 2 : i32
    %dma_start3A_617 = arith.constant 0 : i32
    %dma_start3A_618 = arith.constant 0 : i32
    %dma_start3A_619 = arith.constant 0 : i32
    %dma_start3A_620 = tpu.memref_slice %arg16[%dma_start3A_617, %dma_start3A_618, %dma_start3A_619] : memref<1x128x128xf32, #tpu.memory_space<vmem>> -> memref<1x128x128xf32, #tpu.memory_space<vmem>>
    %dma_start3A_621 = tpu.memref_squeeze %dma_start3A_620 : memref<1x128x128xf32, #tpu.memory_space<vmem>> -> memref<128x128xf32, #tpu.memory_space<vmem>>
    %dma_start3A_622 = arith.constant 0 : i32
    %dma_start3A_623 = tpu.memref_slice %arg14[%dma_start3A_616, %dma_start3A_622] : memref<4x128xi32, #tpu.memory_space<vmem>> -> memref<1x128xi32, #tpu.memory_space<vmem>>
    %dma_start3A_624 = tpu.memref_squeeze %dma_start3A_623 : memref<1x128xi32, #tpu.memory_space<vmem>> -> memref<128xi32, #tpu.memory_space<vmem>>
    %dma_start3A_625 = arith.constant 0 : i32
    %dma_start3A_626 = arith.constant 0 : i32
    %dma_start3A_627 = tpu.memref_slice %arg4[%dma_start3A_625, %dma_start3A_626] : memref<100000x128xf32, #tpu.memory_space<hbm>> -> memref<100000x128xf32, #tpu.memory_space<hbm>>
    tpu.enqueue_indirect_dma source(%dma_start3A_627 : memref<100000x128xf32, #tpu.memory_space<hbm>>) target(%dma_start3A_621 : memref<128x128xf32, #tpu.memory_space<vmem>>) offsets(%dma_start3A_624 : memref<128xi32, #tpu.memory_space<vmem>>) semaphore(%arg24 : memref<!tpu.dma_semaphore, #tpu.memory_space<semaphore_mem>>)
    %dma_start3A_628 = arith.constant 2 : i32
    %dma_start3A_629 = arith.constant 0 : i32
    %dma_start3A_630 = arith.constant 0 : i32
    %dma_start3A_631 = arith.constant 0 : i32
    %dma_start3A_632 = tpu.memref_slice %arg17[%dma_start3A_629, %dma_start3A_630, %dma_start3A_631] : memref<1x128x128xf32, #tpu.memory_space<vmem>> -> memref<1x128x128xf32, #tpu.memory_space<vmem>>
    %dma_start3A_633 = tpu.memref_squeeze %dma_start3A_632 : memref<1x128x128xf32, #tpu.memory_space<vmem>> -> memref<128x128xf32, #tpu.memory_space<vmem>>
    %dma_start3A_634 = arith.constant 0 : i32
    %dma_start3A_635 = tpu.memref_slice %arg15[%dma_start3A_628, %dma_start3A_634] : memref<4x128xi32, #tpu.memory_space<vmem>> -> memref<1x128xi32, #tpu.memory_space<vmem>>
    %dma_start3A_636 = tpu.memref_squeeze %dma_start3A_635 : memref<1x128xi32, #tpu.memory_space<vmem>> -> memref<128xi32, #tpu.memory_space<vmem>>
    %dma_start3A_637 = arith.constant 0 : i32
    %dma_start3A_638 = arith.constant 0 : i32
    %dma_start3A_639 = tpu.memref_slice %arg5[%dma_start3A_637, %dma_start3A_638] : memref<100000x128xf32, #tpu.memory_space<hbm>> -> memref<100000x128xf32, #tpu.memory_space<hbm>>
    tpu.enqueue_indirect_dma source(%dma_start3A_639 : memref<100000x128xf32, #tpu.memory_space<hbm>>) target(%dma_start3A_633 : memref<128x128xf32, #tpu.memory_space<vmem>>) offsets(%dma_start3A_636 : memref<128xi32, #tpu.memory_space<vmem>>) semaphore(%arg25 : memref<!tpu.dma_semaphore, #tpu.memory_space<semaphore_mem>>)
    %dma_start3A_640 = arith.constant 2 : i32
    %dma_start3A_641 = arith.constant 0 : i32
    %dma_start3A_642 = arith.constant 0 : i32
    %dma_start3A_643 = tpu.memref_slice %arg20[%dma_start3A_641, %dma_start3A_642] : memref<1x128xf32, #tpu.memory_space<vmem>> -> memref<1x128xf32, #tpu.memory_space<vmem>>
    %dma_start3A_644 = tpu.memref_squeeze %dma_start3A_643 : memref<1x128xf32, #tpu.memory_space<vmem>> -> memref<128xf32, #tpu.memory_space<vmem>>
    %dma_start3A_645 = arith.constant 0 : i32
    %dma_start3A_646 = tpu.memref_slice %arg14[%dma_start3A_640, %dma_start3A_645] : memref<4x128xi32, #tpu.memory_space<vmem>> -> memref<1x128xi32, #tpu.memory_space<vmem>>
    %dma_start3A_647 = tpu.memref_squeeze %dma_start3A_646 : memref<1x128xi32, #tpu.memory_space<vmem>> -> memref<128xi32, #tpu.memory_space<vmem>>
    %dma_start3A_648 = arith.constant 0 : i32
    %dma_start3A_649 = tpu.memref_slice %arg8[%dma_start3A_648] : memref<100000xf32, #tpu.memory_space<hbm>> -> memref<100000xf32, #tpu.memory_space<hbm>>
    tpu.enqueue_indirect_dma source(%dma_start3A_649 : memref<100000xf32, #tpu.memory_space<hbm>>) target(%dma_start3A_644 : memref<128xf32, #tpu.memory_space<vmem>>) offsets(%dma_start3A_647 : memref<128xi32, #tpu.memory_space<vmem>>) semaphore(%arg28 : memref<!tpu.dma_semaphore, #tpu.memory_space<semaphore_mem>>)
    %dma_start3A_650 = arith.constant 2 : i32
    %dma_start3A_651 = arith.constant 0 : i32
    %dma_start3A_652 = arith.constant 0 : i32
    %dma_start3A_653 = tpu.memref_slice %arg21[%dma_start3A_651, %dma_start3A_652] : memref<1x128xf32, #tpu.memory_space<vmem>> -> memref<1x128xf32, #tpu.memory_space<vmem>>
    %dma_start3A_654 = tpu.memref_squeeze %dma_start3A_653 : memref<1x128xf32, #tpu.memory_space<vmem>> -> memref<128xf32, #tpu.memory_space<vmem>>
    %dma_start3A_655 = arith.constant 0 : i32
    %dma_start3A_656 = tpu.memref_slice %arg15[%dma_start3A_650, %dma_start3A_655] : memref<4x128xi32, #tpu.memory_space<vmem>> -> memref<1x128xi32, #tpu.memory_space<vmem>>
    %dma_start3A_657 = tpu.memref_squeeze %dma_start3A_656 : memref<1x128xi32, #tpu.memory_space<vmem>> -> memref<128xi32, #tpu.memory_space<vmem>>
    %dma_start3A_658 = arith.constant 0 : i32
    %dma_start3A_659 = tpu.memref_slice %arg9[%dma_start3A_658] : memref<100000xf32, #tpu.memory_space<hbm>> -> memref<100000xf32, #tpu.memory_space<hbm>>
    tpu.enqueue_indirect_dma source(%dma_start3A_659 : memref<100000xf32, #tpu.memory_space<hbm>>) target(%dma_start3A_654 : memref<128xf32, #tpu.memory_space<vmem>>) offsets(%dma_start3A_657 : memref<128xi32, #tpu.memory_space<vmem>>) semaphore(%arg29 : memref<!tpu.dma_semaphore, #tpu.memory_space<semaphore_mem>>)
    %dma_wait3A_660 = arith.constant 2 : i32
    %dma_wait3A_661 = arith.constant 0 : i32
    %dma_wait3A_662 = arith.constant 0 : i32
    %dma_wait3A_663 = arith.constant 0 : i32
    %dma_wait3A_664 = tpu.memref_slice %arg18[%dma_wait3A_661, %dma_wait3A_662, %dma_wait3A_663] : memref<1x128x128xf32, #tpu.memory_space<vmem>> -> memref<1x128x128xf32, #tpu.memory_space<vmem>>
    %dma_wait3A_665 = tpu.memref_squeeze %dma_wait3A_664 : memref<1x128x128xf32, #tpu.memory_space<vmem>> -> memref<128x128xf32, #tpu.memory_space<vmem>>
    %dma_wait3A_666 = arith.constant 0 : i32
    %dma_wait3A_667 = tpu.memref_slice %arg14[%dma_wait3A_660, %dma_wait3A_666] : memref<4x128xi32, #tpu.memory_space<vmem>> -> memref<1x128xi32, #tpu.memory_space<vmem>>
    %dma_wait3A_668 = tpu.memref_squeeze %dma_wait3A_667 : memref<1x128xi32, #tpu.memory_space<vmem>> -> memref<128xi32, #tpu.memory_space<vmem>>
    %dma_wait3A_669 = arith.constant 0 : i32
    %dma_wait3A_670 = arith.constant 0 : i32
    %dma_wait3A_671 = tpu.memref_slice %arg6[%dma_wait3A_669, %dma_wait3A_670] : memref<100000x128xf32, #tpu.memory_space<hbm>> -> memref<100000x128xf32, #tpu.memory_space<hbm>>
    tpu.wait_indirect_dma semaphore(%arg26 : memref<!tpu.dma_semaphore, #tpu.memory_space<semaphore_mem>>) src(%dma_wait3A_671 : memref<100000x128xf32, #tpu.memory_space<hbm>>) dst(%dma_wait3A_665 : memref<128x128xf32, #tpu.memory_space<vmem>>)
    %run_scoped3A_672 = arith.constant 0 : i32
    "tpu.region"() ({
      %run_scoped3A_1162 = tpu.sem_alloc : memref<!tpu.dma_semaphore, #tpu.memory_space<semaphore_mem>>
      %dma_start3A_1163 = arith.constant 0 : i32
      %dma_start3A_1164 = arith.constant 0 : i32
      %dma_start3A_1165 = tpu.memref_slice %arg18[%run_scoped3A_672, %dma_start3A_1163, %dma_start3A_1164] : memref<1x128x128xf32, #tpu.memory_space<vmem>> -> memref<1x128x128xf32, #tpu.memory_space<vmem>>
      %dma_start3A_1166 = tpu.memref_squeeze %dma_start3A_1165 : memref<1x128x128xf32, #tpu.memory_space<vmem>> -> memref<128x128xf32, #tpu.memory_space<vmem>>
      %dma_start3A_1167 = arith.constant 0 : i32
      %dma_start3A_1168 = tpu.memref_slice %arg10[%add3A_591, %dma_start3A_1167] : memref<16384x128xf32, #tpu.memory_space<hbm>> -> memref<128x128xf32, #tpu.memory_space<hbm>>
      %dma_start3A_1169 = arith.constant 0 : i32
      %dma_start3A_1170 = tpu.memref_slice %arg10[%add3A_591, %dma_start3A_1169] : memref<16384x128xf32, #tpu.memory_space<hbm>> -> memref<128x128xf32, #tpu.memory_space<hbm>>
      %dma_start3A_1171 = arith.constant 0 : i32
      %dma_start3A_1172 = arith.constant 0 : i32
      %dma_start3A_1173 = tpu.memref_slice %arg18[%run_scoped3A_672, %dma_start3A_1171, %dma_start3A_1172] : memref<1x128x128xf32, #tpu.memory_space<vmem>> -> memref<1x128x128xf32, #tpu.memory_space<vmem>>
      %dma_start3A_1174 = tpu.memref_squeeze %dma_start3A_1173 : memref<1x128x128xf32, #tpu.memory_space<vmem>> -> memref<128x128xf32, #tpu.memory_space<vmem>>
      tpu.enqueue_dma source(%dma_start3A_1174 : memref<128x128xf32, #tpu.memory_space<vmem>>) target(%dma_start3A_1170 : memref<128x128xf32, #tpu.memory_space<hbm>>) target_semaphore(%run_scoped3A_1162 : memref<!tpu.dma_semaphore, #tpu.memory_space<semaphore_mem>>)
      %dma_wait3A_1175 = arith.constant 0 : i32
      %dma_wait3A_1176 = arith.constant 0 : i32
      %dma_wait3A_1177 = tpu.memref_slice %arg18[%run_scoped3A_672, %dma_wait3A_1175, %dma_wait3A_1176] : memref<1x128x128xf32, #tpu.memory_space<vmem>> -> memref<1x128x128xf32, #tpu.memory_space<vmem>>
      %dma_wait3A_1178 = tpu.memref_squeeze %dma_wait3A_1177 : memref<1x128x128xf32, #tpu.memory_space<vmem>> -> memref<128x128xf32, #tpu.memory_space<vmem>>
      %dma_wait3A_1179 = arith.constant 0 : i32
      %dma_wait3A_1180 = tpu.memref_slice %arg10[%add3A_591, %dma_wait3A_1179] : memref<16384x128xf32, #tpu.memory_space<hbm>> -> memref<128x128xf32, #tpu.memory_space<hbm>>
      %dma_wait3A_1181 = arith.constant 0 : i32
      %dma_wait3A_1182 = tpu.memref_slice %arg10[%add3A_591, %dma_wait3A_1181] : memref<16384x128xf32, #tpu.memory_space<hbm>> -> memref<128x128xf32, #tpu.memory_space<hbm>>
      %dma_wait3A_1183 = arith.constant 0 : i32
      %dma_wait3A_1184 = arith.constant 0 : i32
      %dma_wait3A_1185 = tpu.memref_slice %arg18[%run_scoped3A_672, %dma_wait3A_1183, %dma_wait3A_1184] : memref<1x128x128xf32, #tpu.memory_space<vmem>> -> memref<1x128x128xf32, #tpu.memory_space<vmem>>
      %dma_wait3A_1186 = tpu.memref_squeeze %dma_wait3A_1185 : memref<1x128x128xf32, #tpu.memory_space<vmem>> -> memref<128x128xf32, #tpu.memory_space<vmem>>
      tpu.wait_dma2 semaphore(%run_scoped3A_1162 : memref<!tpu.dma_semaphore, #tpu.memory_space<semaphore_mem>>) src(%dma_wait3A_1186 : memref<128x128xf32, #tpu.memory_space<vmem>>) dst(%dma_wait3A_1182 : memref<128x128xf32, #tpu.memory_space<hbm>>)
      tpu.yield
    }) : () -> ()
    %dma_wait3A_673 = arith.constant 2 : i32
    %dma_wait3A_674 = arith.constant 0 : i32
    %dma_wait3A_675 = arith.constant 0 : i32
    %dma_wait3A_676 = arith.constant 0 : i32
    %dma_wait3A_677 = tpu.memref_slice %arg19[%dma_wait3A_674, %dma_wait3A_675, %dma_wait3A_676] : memref<1x128x128xf32, #tpu.memory_space<vmem>> -> memref<1x128x128xf32, #tpu.memory_space<vmem>>
    %dma_wait3A_678 = tpu.memref_squeeze %dma_wait3A_677 : memref<1x128x128xf32, #tpu.memory_space<vmem>> -> memref<128x128xf32, #tpu.memory_space<vmem>>
    %dma_wait3A_679 = arith.constant 0 : i32
    %dma_wait3A_680 = tpu.memref_slice %arg15[%dma_wait3A_673, %dma_wait3A_679] : memref<4x128xi32, #tpu.memory_space<vmem>> -> memref<1x128xi32, #tpu.memory_space<vmem>>
    %dma_wait3A_681 = tpu.memref_squeeze %dma_wait3A_680 : memref<1x128xi32, #tpu.memory_space<vmem>> -> memref<128xi32, #tpu.memory_space<vmem>>
    %dma_wait3A_682 = arith.constant 0 : i32
    %dma_wait3A_683 = arith.constant 0 : i32
    %dma_wait3A_684 = tpu.memref_slice %arg7[%dma_wait3A_682, %dma_wait3A_683] : memref<100000x128xf32, #tpu.memory_space<hbm>> -> memref<100000x128xf32, #tpu.memory_space<hbm>>
    tpu.wait_indirect_dma semaphore(%arg27 : memref<!tpu.dma_semaphore, #tpu.memory_space<semaphore_mem>>) src(%dma_wait3A_684 : memref<100000x128xf32, #tpu.memory_space<hbm>>) dst(%dma_wait3A_678 : memref<128x128xf32, #tpu.memory_space<vmem>>)
    %run_scoped3A_685 = arith.constant 0 : i32
    "tpu.region"() ({
      %run_scoped3A_1162 = tpu.sem_alloc : memref<!tpu.dma_semaphore, #tpu.memory_space<semaphore_mem>>
      %dma_start3A_1163 = arith.constant 0 : i32
      %dma_start3A_1164 = arith.constant 0 : i32
      %dma_start3A_1165 = tpu.memref_slice %arg19[%run_scoped3A_685, %dma_start3A_1163, %dma_start3A_1164] : memref<1x128x128xf32, #tpu.memory_space<vmem>> -> memref<1x128x128xf32, #tpu.memory_space<vmem>>
      %dma_start3A_1166 = tpu.memref_squeeze %dma_start3A_1165 : memref<1x128x128xf32, #tpu.memory_space<vmem>> -> memref<128x128xf32, #tpu.memory_space<vmem>>
      %dma_start3A_1167 = arith.constant 0 : i32
      %dma_start3A_1168 = tpu.memref_slice %arg11[%add3A_591, %dma_start3A_1167] : memref<16384x128xf32, #tpu.memory_space<hbm>> -> memref<128x128xf32, #tpu.memory_space<hbm>>
      %dma_start3A_1169 = arith.constant 0 : i32
      %dma_start3A_1170 = tpu.memref_slice %arg11[%add3A_591, %dma_start3A_1169] : memref<16384x128xf32, #tpu.memory_space<hbm>> -> memref<128x128xf32, #tpu.memory_space<hbm>>
      %dma_start3A_1171 = arith.constant 0 : i32
      %dma_start3A_1172 = arith.constant 0 : i32
      %dma_start3A_1173 = tpu.memref_slice %arg19[%run_scoped3A_685, %dma_start3A_1171, %dma_start3A_1172] : memref<1x128x128xf32, #tpu.memory_space<vmem>> -> memref<1x128x128xf32, #tpu.memory_space<vmem>>
      %dma_start3A_1174 = tpu.memref_squeeze %dma_start3A_1173 : memref<1x128x128xf32, #tpu.memory_space<vmem>> -> memref<128x128xf32, #tpu.memory_space<vmem>>
      tpu.enqueue_dma source(%dma_start3A_1174 : memref<128x128xf32, #tpu.memory_space<vmem>>) target(%dma_start3A_1170 : memref<128x128xf32, #tpu.memory_space<hbm>>) target_semaphore(%run_scoped3A_1162 : memref<!tpu.dma_semaphore, #tpu.memory_space<semaphore_mem>>)
      %dma_wait3A_1175 = arith.constant 0 : i32
      %dma_wait3A_1176 = arith.constant 0 : i32
      %dma_wait3A_1177 = tpu.memref_slice %arg19[%run_scoped3A_685, %dma_wait3A_1175, %dma_wait3A_1176] : memref<1x128x128xf32, #tpu.memory_space<vmem>> -> memref<1x128x128xf32, #tpu.memory_space<vmem>>
      %dma_wait3A_1178 = tpu.memref_squeeze %dma_wait3A_1177 : memref<1x128x128xf32, #tpu.memory_space<vmem>> -> memref<128x128xf32, #tpu.memory_space<vmem>>
      %dma_wait3A_1179 = arith.constant 0 : i32
      %dma_wait3A_1180 = tpu.memref_slice %arg11[%add3A_591, %dma_wait3A_1179] : memref<16384x128xf32, #tpu.memory_space<hbm>> -> memref<128x128xf32, #tpu.memory_space<hbm>>
      %dma_wait3A_1181 = arith.constant 0 : i32
      %dma_wait3A_1182 = tpu.memref_slice %arg11[%add3A_591, %dma_wait3A_1181] : memref<16384x128xf32, #tpu.memory_space<hbm>> -> memref<128x128xf32, #tpu.memory_space<hbm>>
      %dma_wait3A_1183 = arith.constant 0 : i32
      %dma_wait3A_1184 = arith.constant 0 : i32
      %dma_wait3A_1185 = tpu.memref_slice %arg19[%run_scoped3A_685, %dma_wait3A_1183, %dma_wait3A_1184] : memref<1x128x128xf32, #tpu.memory_space<vmem>> -> memref<1x128x128xf32, #tpu.memory_space<vmem>>
      %dma_wait3A_1186 = tpu.memref_squeeze %dma_wait3A_1185 : memref<1x128x128xf32, #tpu.memory_space<vmem>> -> memref<128x128xf32, #tpu.memory_space<vmem>>
      tpu.wait_dma2 semaphore(%run_scoped3A_1162 : memref<!tpu.dma_semaphore, #tpu.memory_space<semaphore_mem>>) src(%dma_wait3A_1186 : memref<128x128xf32, #tpu.memory_space<vmem>>) dst(%dma_wait3A_1182 : memref<128x128xf32, #tpu.memory_space<hbm>>)
      tpu.yield
    }) : () -> ()
    %dma_wait3A_686 = arith.constant 2 : i32
    %dma_wait3A_687 = arith.constant 0 : i32
    %dma_wait3A_688 = arith.constant 0 : i32
    %dma_wait3A_689 = tpu.memref_slice %arg20[%dma_wait3A_687, %dma_wait3A_688] : memref<1x128xf32, #tpu.memory_space<vmem>> -> memref<1x128xf32, #tpu.memory_space<vmem>>
    %dma_wait3A_690 = tpu.memref_squeeze %dma_wait3A_689 : memref<1x128xf32, #tpu.memory_space<vmem>> -> memref<128xf32, #tpu.memory_space<vmem>>
    %dma_wait3A_691 = arith.constant 0 : i32
    %dma_wait3A_692 = tpu.memref_slice %arg14[%dma_wait3A_686, %dma_wait3A_691] : memref<4x128xi32, #tpu.memory_space<vmem>> -> memref<1x128xi32, #tpu.memory_space<vmem>>
    %dma_wait3A_693 = tpu.memref_squeeze %dma_wait3A_692 : memref<1x128xi32, #tpu.memory_space<vmem>> -> memref<128xi32, #tpu.memory_space<vmem>>
    %dma_wait3A_694 = arith.constant 0 : i32
    %dma_wait3A_695 = tpu.memref_slice %arg8[%dma_wait3A_694] : memref<100000xf32, #tpu.memory_space<hbm>> -> memref<100000xf32, #tpu.memory_space<hbm>>
    tpu.wait_indirect_dma semaphore(%arg28 : memref<!tpu.dma_semaphore, #tpu.memory_space<semaphore_mem>>) src(%dma_wait3A_695 : memref<100000xf32, #tpu.memory_space<hbm>>) dst(%dma_wait3A_690 : memref<128xf32, #tpu.memory_space<vmem>>)
    %dma_wait3A_696 = arith.constant 2 : i32
    %dma_wait3A_697 = arith.constant 0 : i32
    %dma_wait3A_698 = arith.constant 0 : i32
    %dma_wait3A_699 = tpu.memref_slice %arg21[%dma_wait3A_697, %dma_wait3A_698] : memref<1x128xf32, #tpu.memory_space<vmem>> -> memref<1x128xf32, #tpu.memory_space<vmem>>
    %dma_wait3A_700 = tpu.memref_squeeze %dma_wait3A_699 : memref<1x128xf32, #tpu.memory_space<vmem>> -> memref<128xf32, #tpu.memory_space<vmem>>
    %dma_wait3A_701 = arith.constant 0 : i32
    %dma_wait3A_702 = tpu.memref_slice %arg15[%dma_wait3A_696, %dma_wait3A_701] : memref<4x128xi32, #tpu.memory_space<vmem>> -> memref<1x128xi32, #tpu.memory_space<vmem>>
    %dma_wait3A_703 = tpu.memref_squeeze %dma_wait3A_702 : memref<1x128xi32, #tpu.memory_space<vmem>> -> memref<128xi32, #tpu.memory_space<vmem>>
    %dma_wait3A_704 = arith.constant 0 : i32
    %dma_wait3A_705 = tpu.memref_slice %arg9[%dma_wait3A_704] : memref<100000xf32, #tpu.memory_space<hbm>> -> memref<100000xf32, #tpu.memory_space<hbm>>
    tpu.wait_indirect_dma semaphore(%arg29 : memref<!tpu.dma_semaphore, #tpu.memory_space<semaphore_mem>>) src(%dma_wait3A_705 : memref<100000xf32, #tpu.memory_space<hbm>>) dst(%dma_wait3A_700 : memref<128xf32, #tpu.memory_space<vmem>>)
    %get3A_706 = arith.constant 0 : i32
    %get3A_707 = arith.index_cast %get3A_706 : i32 to index
    %get3A_708 = arith.constant 0 : index
    %get3A_709 = tpu.vector_load %arg20[%get3A_707, %get3A_708] {strides = array<i32>} : memref<1x128xf32, #tpu.memory_space<vmem>>, vector<1x16xf32>,
    %get3A_710 = vector.shape_cast %get3A_709 : vector<1x16xf32> to vector<16xf32>
    %get3A_711 = arith.constant 0 : i32
    %get3A_712 = arith.index_cast %get3A_711 : i32 to index
    %get3A_713 = arith.constant 0 : index
    %get3A_714 = tpu.vector_load %arg21[%get3A_712, %get3A_713] {strides = array<i32>} : memref<1x128xf32, #tpu.memory_space<vmem>>, vector<1x16xf32>,
    %get3A_715 = vector.shape_cast %get3A_714 : vector<1x16xf32> to vector<16xf32>
    %add3A_716 = arith.addf %get3A_710, %get3A_715 : vector<16xf32>
    %swap3A_717 = arith.constant 0 : i32
    %swap3A_718 = arith.index_cast %swap3A_717 : i32 to index
    %swap3A_719 = arith.constant 0 : index
    %swap3A_720 = tpu.vector_load %arg22[%swap3A_718, %swap3A_719] {strides = array<i32>} : memref<1x128xf32, #tpu.memory_space<vmem>>, vector<1x16xf32>,
    %swap3A_721 = vector.shape_cast %swap3A_720 : vector<1x16xf32> to vector<16xf32>
    %swap3A_722 = vector.shape_cast %add3A_716 : vector<16xf32> to vector<1x16xf32>
    tpu.vector_store %arg22[%swap3A_718, %swap3A_719], %swap3A_722 {strides = array<i32>} : memref<1x128xf32, #tpu.memory_space<vmem>>, vector<1x16xf32>,
    %get3A_723 = arith.constant 0 : i32
    %get3A_724 = arith.index_cast %get3A_723 : i32 to index
    %get3A_725 = arith.constant 16 : index
    %get3A_726 = tpu.vector_load %arg20[%get3A_724, %get3A_725] {strides = array<i32>} : memref<1x128xf32, #tpu.memory_space<vmem>>, vector<1x16xf32>,
    %get3A_727 = vector.shape_cast %get3A_726 : vector<1x16xf32> to vector<16xf32>
    %get3A_728 = arith.constant 0 : i32
    %get3A_729 = arith.index_cast %get3A_728 : i32 to index
    %get3A_730 = arith.constant 16 : index
    %get3A_731 = tpu.vector_load %arg21[%get3A_729, %get3A_730] {strides = array<i32>} : memref<1x128xf32, #tpu.memory_space<vmem>>, vector<1x16xf32>,
    %get3A_732 = vector.shape_cast %get3A_731 : vector<1x16xf32> to vector<16xf32>
    %add3A_733 = arith.addf %get3A_727, %get3A_732 : vector<16xf32>
    %swap3A_734 = arith.constant 0 : i32
    %swap3A_735 = arith.index_cast %swap3A_734 : i32 to index
    %swap3A_736 = arith.constant 16 : index
    %swap3A_737 = tpu.vector_load %arg22[%swap3A_735, %swap3A_736] {strides = array<i32>} : memref<1x128xf32, #tpu.memory_space<vmem>>, vector<1x16xf32>,
    %swap3A_738 = vector.shape_cast %swap3A_737 : vector<1x16xf32> to vector<16xf32>
    %swap3A_739 = vector.shape_cast %add3A_733 : vector<16xf32> to vector<1x16xf32>
    tpu.vector_store %arg22[%swap3A_735, %swap3A_736], %swap3A_739 {strides = array<i32>} : memref<1x128xf32, #tpu.memory_space<vmem>>, vector<1x16xf32>,
    %get3A_740 = arith.constant 0 : i32
    %get3A_741 = arith.index_cast %get3A_740 : i32 to index
    %get3A_742 = arith.constant 32 : index
    %get3A_743 = tpu.vector_load %arg20[%get3A_741, %get3A_742] {strides = array<i32>} : memref<1x128xf32, #tpu.memory_space<vmem>>, vector<1x16xf32>,
    %get3A_744 = vector.shape_cast %get3A_743 : vector<1x16xf32> to vector<16xf32>
    %get3A_745 = arith.constant 0 : i32
    %get3A_746 = arith.index_cast %get3A_745 : i32 to index
    %get3A_747 = arith.constant 32 : index
    %get3A_748 = tpu.vector_load %arg21[%get3A_746, %get3A_747] {strides = array<i32>} : memref<1x128xf32, #tpu.memory_space<vmem>>, vector<1x16xf32>,
    %get3A_749 = vector.shape_cast %get3A_748 : vector<1x16xf32> to vector<16xf32>
    %add3A_750 = arith.addf %get3A_744, %get3A_749 : vector<16xf32>
    %swap3A_751 = arith.constant 0 : i32
    %swap3A_752 = arith.index_cast %swap3A_751 : i32 to index
    %swap3A_753 = arith.constant 32 : index
    %swap3A_754 = tpu.vector_load %arg22[%swap3A_752, %swap3A_753] {strides = array<i32>} : memref<1x128xf32, #tpu.memory_space<vmem>>, vector<1x16xf32>,
    %swap3A_755 = vector.shape_cast %swap3A_754 : vector<1x16xf32> to vector<16xf32>
    %swap3A_756 = vector.shape_cast %add3A_750 : vector<16xf32> to vector<1x16xf32>
    tpu.vector_store %arg22[%swap3A_752, %swap3A_753], %swap3A_756 {strides = array<i32>} : memref<1x128xf32, #tpu.memory_space<vmem>>, vector<1x16xf32>,
    %get3A_757 = arith.constant 0 : i32
    %get3A_758 = arith.index_cast %get3A_757 : i32 to index
    %get3A_759 = arith.constant 48 : index
    %get3A_760 = tpu.vector_load %arg20[%get3A_758, %get3A_759] {strides = array<i32>} : memref<1x128xf32, #tpu.memory_space<vmem>>, vector<1x16xf32>,
    %get3A_761 = vector.shape_cast %get3A_760 : vector<1x16xf32> to vector<16xf32>
    %get3A_762 = arith.constant 0 : i32
    %get3A_763 = arith.index_cast %get3A_762 : i32 to index
    %get3A_764 = arith.constant 48 : index
    %get3A_765 = tpu.vector_load %arg21[%get3A_763, %get3A_764] {strides = array<i32>} : memref<1x128xf32, #tpu.memory_space<vmem>>, vector<1x16xf32>,
    %get3A_766 = vector.shape_cast %get3A_765 : vector<1x16xf32> to vector<16xf32>
    %add3A_767 = arith.addf %get3A_761, %get3A_766 : vector<16xf32>
    %swap3A_768 = arith.constant 0 : i32
    %swap3A_769 = arith.index_cast %swap3A_768 : i32 to index
    %swap3A_770 = arith.constant 48 : index
    %swap3A_771 = tpu.vector_load %arg22[%swap3A_769, %swap3A_770] {strides = array<i32>} : memref<1x128xf32, #tpu.memory_space<vmem>>, vector<1x16xf32>,
    %swap3A_772 = vector.shape_cast %swap3A_771 : vector<1x16xf32> to vector<16xf32>
    %swap3A_773 = vector.shape_cast %add3A_767 : vector<16xf32> to vector<1x16xf32>
    tpu.vector_store %arg22[%swap3A_769, %swap3A_770], %swap3A_773 {strides = array<i32>} : memref<1x128xf32, #tpu.memory_space<vmem>>, vector<1x16xf32>,
    %get3A_774 = arith.constant 0 : i32
    %get3A_775 = arith.index_cast %get3A_774 : i32 to index
    %get3A_776 = arith.constant 64 : index
    %get3A_777 = tpu.vector_load %arg20[%get3A_775, %get3A_776] {strides = array<i32>} : memref<1x128xf32, #tpu.memory_space<vmem>>, vector<1x16xf32>,
    %get3A_778 = vector.shape_cast %get3A_777 : vector<1x16xf32> to vector<16xf32>
    %get3A_779 = arith.constant 0 : i32
    %get3A_780 = arith.index_cast %get3A_779 : i32 to index
    %get3A_781 = arith.constant 64 : index
    %get3A_782 = tpu.vector_load %arg21[%get3A_780, %get3A_781] {strides = array<i32>} : memref<1x128xf32, #tpu.memory_space<vmem>>, vector<1x16xf32>,
    %get3A_783 = vector.shape_cast %get3A_782 : vector<1x16xf32> to vector<16xf32>
    %add3A_784 = arith.addf %get3A_778, %get3A_783 : vector<16xf32>
    %swap3A_785 = arith.constant 0 : i32
    %swap3A_786 = arith.index_cast %swap3A_785 : i32 to index
    %swap3A_787 = arith.constant 64 : index
    %swap3A_788 = tpu.vector_load %arg22[%swap3A_786, %swap3A_787] {strides = array<i32>} : memref<1x128xf32, #tpu.memory_space<vmem>>, vector<1x16xf32>,
    %swap3A_789 = vector.shape_cast %swap3A_788 : vector<1x16xf32> to vector<16xf32>
    %swap3A_790 = vector.shape_cast %add3A_784 : vector<16xf32> to vector<1x16xf32>
    tpu.vector_store %arg22[%swap3A_786, %swap3A_787], %swap3A_790 {strides = array<i32>} : memref<1x128xf32, #tpu.memory_space<vmem>>, vector<1x16xf32>,
    %get3A_791 = arith.constant 0 : i32
    %get3A_792 = arith.index_cast %get3A_791 : i32 to index
    %get3A_793 = arith.constant 80 : index
    %get3A_794 = tpu.vector_load %arg20[%get3A_792, %get3A_793] {strides = array<i32>} : memref<1x128xf32, #tpu.memory_space<vmem>>, vector<1x16xf32>,
    %get3A_795 = vector.shape_cast %get3A_794 : vector<1x16xf32> to vector<16xf32>
    %get3A_796 = arith.constant 0 : i32
    %get3A_797 = arith.index_cast %get3A_796 : i32 to index
    %get3A_798 = arith.constant 80 : index
    %get3A_799 = tpu.vector_load %arg21[%get3A_797, %get3A_798] {strides = array<i32>} : memref<1x128xf32, #tpu.memory_space<vmem>>, vector<1x16xf32>,
    %get3A_800 = vector.shape_cast %get3A_799 : vector<1x16xf32> to vector<16xf32>
    %add3A_801 = arith.addf %get3A_795, %get3A_800 : vector<16xf32>
    %swap3A_802 = arith.constant 0 : i32
    %swap3A_803 = arith.index_cast %swap3A_802 : i32 to index
    %swap3A_804 = arith.constant 80 : index
    %swap3A_805 = tpu.vector_load %arg22[%swap3A_803, %swap3A_804] {strides = array<i32>} : memref<1x128xf32, #tpu.memory_space<vmem>>, vector<1x16xf32>,
    %swap3A_806 = vector.shape_cast %swap3A_805 : vector<1x16xf32> to vector<16xf32>
    %swap3A_807 = vector.shape_cast %add3A_801 : vector<16xf32> to vector<1x16xf32>
    tpu.vector_store %arg22[%swap3A_803, %swap3A_804], %swap3A_807 {strides = array<i32>} : memref<1x128xf32, #tpu.memory_space<vmem>>, vector<1x16xf32>,
    %get3A_808 = arith.constant 0 : i32
    %get3A_809 = arith.index_cast %get3A_808 : i32 to index
    %get3A_810 = arith.constant 96 : index
    %get3A_811 = tpu.vector_load %arg20[%get3A_809, %get3A_810] {strides = array<i32>} : memref<1x128xf32, #tpu.memory_space<vmem>>, vector<1x16xf32>,
    %get3A_812 = vector.shape_cast %get3A_811 : vector<1x16xf32> to vector<16xf32>
    %get3A_813 = arith.constant 0 : i32
    %get3A_814 = arith.index_cast %get3A_813 : i32 to index
    %get3A_815 = arith.constant 96 : index
    %get3A_816 = tpu.vector_load %arg21[%get3A_814, %get3A_815] {strides = array<i32>} : memref<1x128xf32, #tpu.memory_space<vmem>>, vector<1x16xf32>,
    %get3A_817 = vector.shape_cast %get3A_816 : vector<1x16xf32> to vector<16xf32>
    %add3A_818 = arith.addf %get3A_812, %get3A_817 : vector<16xf32>
    %swap3A_819 = arith.constant 0 : i32
    %swap3A_820 = arith.index_cast %swap3A_819 : i32 to index
    %swap3A_821 = arith.constant 96 : index
    %swap3A_822 = tpu.vector_load %arg22[%swap3A_820, %swap3A_821] {strides = array<i32>} : memref<1x128xf32, #tpu.memory_space<vmem>>, vector<1x16xf32>,
    %swap3A_823 = vector.shape_cast %swap3A_822 : vector<1x16xf32> to vector<16xf32>
    %swap3A_824 = vector.shape_cast %add3A_818 : vector<16xf32> to vector<1x16xf32>
    tpu.vector_store %arg22[%swap3A_820, %swap3A_821], %swap3A_824 {strides = array<i32>} : memref<1x128xf32, #tpu.memory_space<vmem>>, vector<1x16xf32>,
    %get3A_825 = arith.constant 0 : i32
    %get3A_826 = arith.index_cast %get3A_825 : i32 to index
    %get3A_827 = arith.constant 112 : index
    %get3A_828 = tpu.vector_load %arg20[%get3A_826, %get3A_827] {strides = array<i32>} : memref<1x128xf32, #tpu.memory_space<vmem>>, vector<1x16xf32>,
    %get3A_829 = vector.shape_cast %get3A_828 : vector<1x16xf32> to vector<16xf32>
    %get3A_830 = arith.constant 0 : i32
    %get3A_831 = arith.index_cast %get3A_830 : i32 to index
    %get3A_832 = arith.constant 112 : index
    %get3A_833 = tpu.vector_load %arg21[%get3A_831, %get3A_832] {strides = array<i32>} : memref<1x128xf32, #tpu.memory_space<vmem>>, vector<1x16xf32>,
    %get3A_834 = vector.shape_cast %get3A_833 : vector<1x16xf32> to vector<16xf32>
    %add3A_835 = arith.addf %get3A_829, %get3A_834 : vector<16xf32>
    %swap3A_836 = arith.constant 0 : i32
    %swap3A_837 = arith.index_cast %swap3A_836 : i32 to index
    %swap3A_838 = arith.constant 112 : index
    %swap3A_839 = tpu.vector_load %arg22[%swap3A_837, %swap3A_838] {strides = array<i32>} : memref<1x128xf32, #tpu.memory_space<vmem>>, vector<1x16xf32>,
    %swap3A_840 = vector.shape_cast %swap3A_839 : vector<1x16xf32> to vector<16xf32>
    %swap3A_841 = vector.shape_cast %add3A_835 : vector<16xf32> to vector<1x16xf32>
    tpu.vector_store %arg22[%swap3A_837, %swap3A_838], %swap3A_841 {strides = array<i32>} : memref<1x128xf32, #tpu.memory_space<vmem>>, vector<1x16xf32>,
    %run_scoped3A_842 = arith.constant 0 : i32
    "tpu.region"() ({
      %run_scoped3A_1162 = tpu.sem_alloc : memref<!tpu.dma_semaphore, #tpu.memory_space<semaphore_mem>>
      %dma_start3A_1163 = arith.constant 0 : i32
      %dma_start3A_1164 = tpu.memref_slice %arg22[%run_scoped3A_842, %dma_start3A_1163] : memref<1x128xf32, #tpu.memory_space<vmem>> -> memref<1x128xf32, #tpu.memory_space<vmem>>
      %dma_start3A_1165 = tpu.memref_squeeze %dma_start3A_1164 : memref<1x128xf32, #tpu.memory_space<vmem>> -> memref<128xf32, #tpu.memory_space<vmem>>
      %dma_start3A_1166 = tpu.memref_slice %arg12[%add3A_591] : memref<16384xf32, #tpu.memory_space<hbm>> -> memref<128xf32, #tpu.memory_space<hbm>>
      %dma_start3A_1167 = tpu.memref_slice %arg12[%add3A_591] : memref<16384xf32, #tpu.memory_space<hbm>> -> memref<128xf32, #tpu.memory_space<hbm>>
      %dma_start3A_1168 = arith.constant 0 : i32
      %dma_start3A_1169 = tpu.memref_slice %arg22[%run_scoped3A_842, %dma_start3A_1168] : memref<1x128xf32, #tpu.memory_space<vmem>> -> memref<1x128xf32, #tpu.memory_space<vmem>>
      %dma_start3A_1170 = tpu.memref_squeeze %dma_start3A_1169 : memref<1x128xf32, #tpu.memory_space<vmem>> -> memref<128xf32, #tpu.memory_space<vmem>>
      tpu.enqueue_dma source(%dma_start3A_1170 : memref<128xf32, #tpu.memory_space<vmem>>) target(%dma_start3A_1167 : memref<128xf32, #tpu.memory_space<hbm>>) target_semaphore(%run_scoped3A_1162 : memref<!tpu.dma_semaphore, #tpu.memory_space<semaphore_mem>>)
      %dma_wait3A_1171 = arith.constant 0 : i32
      %dma_wait3A_1172 = tpu.memref_slice %arg22[%run_scoped3A_842, %dma_wait3A_1171] : memref<1x128xf32, #tpu.memory_space<vmem>> -> memref<1x128xf32, #tpu.memory_space<vmem>>
      %dma_wait3A_1173 = tpu.memref_squeeze %dma_wait3A_1172 : memref<1x128xf32, #tpu.memory_space<vmem>> -> memref<128xf32, #tpu.memory_space<vmem>>
      %dma_wait3A_1174 = tpu.memref_slice %arg12[%add3A_591] : memref<16384xf32, #tpu.memory_space<hbm>> -> memref<128xf32, #tpu.memory_space<hbm>>
      %dma_wait3A_1175 = tpu.memref_slice %arg12[%add3A_591] : memref<16384xf32, #tpu.memory_space<hbm>> -> memref<128xf32, #tpu.memory_space<hbm>>
      %dma_wait3A_1176 = arith.constant 0 : i32
      %dma_wait3A_1177 = tpu.memref_slice %arg22[%run_scoped3A_842, %dma_wait3A_1176] : memref<1x128xf32, #tpu.memory_space<vmem>> -> memref<1x128xf32, #tpu.memory_space<vmem>>
      %dma_wait3A_1178 = tpu.memref_squeeze %dma_wait3A_1177 : memref<1x128xf32, #tpu.memory_space<vmem>> -> memref<128xf32, #tpu.memory_space<vmem>>
      tpu.wait_dma2 semaphore(%run_scoped3A_1162 : memref<!tpu.dma_semaphore, #tpu.memory_space<semaphore_mem>>) src(%dma_wait3A_1178 : memref<128xf32, #tpu.memory_space<vmem>>) dst(%dma_wait3A_1175 : memref<128xf32, #tpu.memory_space<hbm>>)
      tpu.yield
    }) : () -> ()
    %dma_wait3A_843 = arith.constant 2 : i32
    %dma_wait3A_844 = arith.constant 0 : i32
    %dma_wait3A_845 = arith.constant 0 : i32
    %dma_wait3A_846 = arith.constant 0 : i32
    %dma_wait3A_847 = tpu.memref_slice %arg16[%dma_wait3A_844, %dma_wait3A_845, %dma_wait3A_846] : memref<1x128x128xf32, #tpu.memory_space<vmem>> -> memref<1x128x128xf32, #tpu.memory_space<vmem>>
    %dma_wait3A_848 = tpu.memref_squeeze %dma_wait3A_847 : memref<1x128x128xf32, #tpu.memory_space<vmem>> -> memref<128x128xf32, #tpu.memory_space<vmem>>
    %dma_wait3A_849 = arith.constant 0 : i32
    %dma_wait3A_850 = tpu.memref_slice %arg14[%dma_wait3A_843, %dma_wait3A_849] : memref<4x128xi32, #tpu.memory_space<vmem>> -> memref<1x128xi32, #tpu.memory_space<vmem>>
    %dma_wait3A_851 = tpu.memref_squeeze %dma_wait3A_850 : memref<1x128xi32, #tpu.memory_space<vmem>> -> memref<128xi32, #tpu.memory_space<vmem>>
    %dma_wait3A_852 = arith.constant 0 : i32
    %dma_wait3A_853 = arith.constant 0 : i32
    %dma_wait3A_854 = tpu.memref_slice %arg4[%dma_wait3A_852, %dma_wait3A_853] : memref<100000x128xf32, #tpu.memory_space<hbm>> -> memref<100000x128xf32, #tpu.memory_space<hbm>>
    tpu.wait_indirect_dma semaphore(%arg24 : memref<!tpu.dma_semaphore, #tpu.memory_space<semaphore_mem>>) src(%dma_wait3A_854 : memref<100000x128xf32, #tpu.memory_space<hbm>>) dst(%dma_wait3A_848 : memref<128x128xf32, #tpu.memory_space<vmem>>)
    %dma_wait3A_855 = arith.constant 2 : i32
    %dma_wait3A_856 = arith.constant 0 : i32
    %dma_wait3A_857 = arith.constant 0 : i32
    %dma_wait3A_858 = arith.constant 0 : i32
    %dma_wait3A_859 = tpu.memref_slice %arg17[%dma_wait3A_856, %dma_wait3A_857, %dma_wait3A_858] : memref<1x128x128xf32, #tpu.memory_space<vmem>> -> memref<1x128x128xf32, #tpu.memory_space<vmem>>
    %dma_wait3A_860 = tpu.memref_squeeze %dma_wait3A_859 : memref<1x128x128xf32, #tpu.memory_space<vmem>> -> memref<128x128xf32, #tpu.memory_space<vmem>>
    %dma_wait3A_861 = arith.constant 0 : i32
    %dma_wait3A_862 = tpu.memref_slice %arg15[%dma_wait3A_855, %dma_wait3A_861] : memref<4x128xi32, #tpu.memory_space<vmem>> -> memref<1x128xi32, #tpu.memory_space<vmem>>
    %dma_wait3A_863 = tpu.memref_squeeze %dma_wait3A_862 : memref<1x128xi32, #tpu.memory_space<vmem>> -> memref<128xi32, #tpu.memory_space<vmem>>
    %dma_wait3A_864 = arith.constant 0 : i32
    %dma_wait3A_865 = arith.constant 0 : i32
    %dma_wait3A_866 = tpu.memref_slice %arg5[%dma_wait3A_864, %dma_wait3A_865] : memref<100000x128xf32, #tpu.memory_space<hbm>> -> memref<100000x128xf32, #tpu.memory_space<hbm>>
    tpu.wait_indirect_dma semaphore(%arg25 : memref<!tpu.dma_semaphore, #tpu.memory_space<semaphore_mem>>) src(%dma_wait3A_866 : memref<100000x128xf32, #tpu.memory_space<hbm>>) dst(%dma_wait3A_860 : memref<128x128xf32, #tpu.memory_space<vmem>>)
    %scan3A_867 = arith.constant 0 : i32
    %scan3A_868 = arith.constant 128 : i32
    %scan3A_869 = arith.addi %scan3A_867, %scan3A_868 : i32
    %scan3A_870 = arith.constant 1 : i32
    %scan3A_871:2 = scf.for %scan3A_1162 = %scan3A_867 to %scan3A_869 step %scan3A_870 iter_args(%scan3A_1163 = %scan3A_588#0, %scan3A_1164 = %scan3A_588#1) -> (vector<16xf32>, vector<16xf32>)  : i32 {
      %get3A_1165 = arith.constant 0 : i32
      %get3A_1166 = arith.index_cast %get3A_1165 : i32 to index
      %get3A_1167 = arith.index_cast %scan3A_1162 : i32 to index
      %get3A_1168 = arith.constant 0 : index
      %get3A_1169 = tpu.vector_load %arg16[%get3A_1166, %get3A_1167, %get3A_1168] {strides = array<i32>} : memref<1x128x128xf32, #tpu.memory_space<vmem>>, vector<1x1x16xf32>,
      %get3A_1170 = vector.shape_cast %get3A_1169 : vector<1x1x16xf32> to vector<16xf32>
      %get3A_1171 = arith.constant 0 : i32
      %get3A_1172 = arith.index_cast %get3A_1171 : i32 to index
      %get3A_1173 = arith.index_cast %scan3A_1162 : i32 to index
      %get3A_1174 = arith.constant 0 : index
      %get3A_1175 = tpu.vector_load %arg17[%get3A_1172, %get3A_1173, %get3A_1174] {strides = array<i32>} : memref<1x128x128xf32, #tpu.memory_space<vmem>>, vector<1x1x16xf32>,
      %get3A_1176 = vector.shape_cast %get3A_1175 : vector<1x1x16xf32> to vector<16xf32>
      %mul3A_1177 = arith.mulf %get3A_1170, %get3A_1176 : vector<16xf32>
      %sub3A = arith.subf %mul3A_1177, %scan3A_1164 : vector<16xf32>
      %add3A_1178 = arith.addf %scan3A_1163, %sub3A : vector<16xf32>
      %sub3A_1179 = arith.subf %add3A_1178, %scan3A_1163 : vector<16xf32>
      %sub3A_1180 = arith.subf %sub3A_1179, %sub3A : vector<16xf32>
      %get3A_1181 = arith.constant 0 : i32
      %get3A_1182 = arith.index_cast %get3A_1181 : i32 to index
      %get3A_1183 = arith.index_cast %scan3A_1162 : i32 to index
      %get3A_1184 = arith.constant 16 : index
      %get3A_1185 = tpu.vector_load %arg16[%get3A_1182, %get3A_1183, %get3A_1184] {strides = array<i32>} : memref<1x128x128xf32, #tpu.memory_space<vmem>>, vector<1x1x16xf32>,
      %get3A_1186 = vector.shape_cast %get3A_1185 : vector<1x1x16xf32> to vector<16xf32>
      %get3A_1187 = arith.constant 0 : i32
      %get3A_1188 = arith.index_cast %get3A_1187 : i32 to index
      %get3A_1189 = arith.index_cast %scan3A_1162 : i32 to index
      %get3A_1190 = arith.constant 16 : index
      %get3A_1191 = tpu.vector_load %arg17[%get3A_1188, %get3A_1189, %get3A_1190] {strides = array<i32>} : memref<1x128x128xf32, #tpu.memory_space<vmem>>, vector<1x1x16xf32>,
      %get3A_1192 = vector.shape_cast %get3A_1191 : vector<1x1x16xf32> to vector<16xf32>
      %mul3A_1193 = arith.mulf %get3A_1186, %get3A_1192 : vector<16xf32>
      %sub3A_1194 = arith.subf %mul3A_1193, %sub3A_1180 : vector<16xf32>
      %add3A_1195 = arith.addf %add3A_1178, %sub3A_1194 : vector<16xf32>
      %sub3A_1196 = arith.subf %add3A_1195, %add3A_1178 : vector<16xf32>
      %sub3A_1197 = arith.subf %sub3A_1196, %sub3A_1194 : vector<16xf32>
      %get3A_1198 = arith.constant 0 : i32
      %get3A_1199 = arith.index_cast %get3A_1198 : i32 to index
      %get3A_1200 = arith.index_cast %scan3A_1162 : i32 to index
      %get3A_1201 = arith.constant 32 : index
      %get3A_1202 = tpu.vector_load %arg16[%get3A_1199, %get3A_1200, %get3A_1201] {strides = array<i32>} : memref<1x128x128xf32, #tpu.memory_space<vmem>>, vector<1x1x16xf32>,
      %get3A_1203 = vector.shape_cast %get3A_1202 : vector<1x1x16xf32> to vector<16xf32>
      %get3A_1204 = arith.constant 0 : i32
      %get3A_1205 = arith.index_cast %get3A_1204 : i32 to index
      %get3A_1206 = arith.index_cast %scan3A_1162 : i32 to index
      %get3A_1207 = arith.constant 32 : index
      %get3A_1208 = tpu.vector_load %arg17[%get3A_1205, %get3A_1206, %get3A_1207] {strides = array<i32>} : memref<1x128x128xf32, #tpu.memory_space<vmem>>, vector<1x1x16xf32>,
      %get3A_1209 = vector.shape_cast %get3A_1208 : vector<1x1x16xf32> to vector<16xf32>
      %mul3A_1210 = arith.mulf %get3A_1203, %get3A_1209 : vector<16xf32>
      %sub3A_1211 = arith.subf %mul3A_1210, %sub3A_1197 : vector<16xf32>
      %add3A_1212 = arith.addf %add3A_1195, %sub3A_1211 : vector<16xf32>
      %sub3A_1213 = arith.subf %add3A_1212, %add3A_1195 : vector<16xf32>
      %sub3A_1214 = arith.subf %sub3A_1213, %sub3A_1211 : vector<16xf32>
      %get3A_1215 = arith.constant 0 : i32
      %get3A_1216 = arith.index_cast %get3A_1215 : i32 to index
      %get3A_1217 = arith.index_cast %scan3A_1162 : i32 to index
      %get3A_1218 = arith.constant 48 : index
      %get3A_1219 = tpu.vector_load %arg16[%get3A_1216, %get3A_1217, %get3A_1218] {strides = array<i32>} : memref<1x128x128xf32, #tpu.memory_space<vmem>>, vector<1x1x16xf32>,
      %get3A_1220 = vector.shape_cast %get3A_1219 : vector<1x1x16xf32> to vector<16xf32>
      %get3A_1221 = arith.constant 0 : i32
      %get3A_1222 = arith.index_cast %get3A_1221 : i32 to index
      %get3A_1223 = arith.index_cast %scan3A_1162 : i32 to index
      %get3A_1224 = arith.constant 48 : index
      %get3A_1225 = tpu.vector_load %arg17[%get3A_1222, %get3A_1223, %get3A_1224] {strides = array<i32>} : memref<1x128x128xf32, #tpu.memory_space<vmem>>, vector<1x1x16xf32>,
      %get3A_1226 = vector.shape_cast %get3A_1225 : vector<1x1x16xf32> to vector<16xf32>
      %mul3A_1227 = arith.mulf %get3A_1220, %get3A_1226 : vector<16xf32>
      %sub3A_1228 = arith.subf %mul3A_1227, %sub3A_1214 : vector<16xf32>
      %add3A_1229 = arith.addf %add3A_1212, %sub3A_1228 : vector<16xf32>
      %sub3A_1230 = arith.subf %add3A_1229, %add3A_1212 : vector<16xf32>
      %sub3A_1231 = arith.subf %sub3A_1230, %sub3A_1228 : vector<16xf32>
      %get3A_1232 = arith.constant 0 : i32
      %get3A_1233 = arith.index_cast %get3A_1232 : i32 to index
      %get3A_1234 = arith.index_cast %scan3A_1162 : i32 to index
      %get3A_1235 = arith.constant 64 : index
      %get3A_1236 = tpu.vector_load %arg16[%get3A_1233, %get3A_1234, %get3A_1235] {strides = array<i32>} : memref<1x128x128xf32, #tpu.memory_space<vmem>>, vector<1x1x16xf32>,
      %get3A_1237 = vector.shape_cast %get3A_1236 : vector<1x1x16xf32> to vector<16xf32>
      %get3A_1238 = arith.constant 0 : i32
      %get3A_1239 = arith.index_cast %get3A_1238 : i32 to index
      %get3A_1240 = arith.index_cast %scan3A_1162 : i32 to index
      %get3A_1241 = arith.constant 64 : index
      %get3A_1242 = tpu.vector_load %arg17[%get3A_1239, %get3A_1240, %get3A_1241] {strides = array<i32>} : memref<1x128x128xf32, #tpu.memory_space<vmem>>, vector<1x1x16xf32>,
      %get3A_1243 = vector.shape_cast %get3A_1242 : vector<1x1x16xf32> to vector<16xf32>
      %mul3A_1244 = arith.mulf %get3A_1237, %get3A_1243 : vector<16xf32>
      %sub3A_1245 = arith.subf %mul3A_1244, %sub3A_1231 : vector<16xf32>
      %add3A_1246 = arith.addf %add3A_1229, %sub3A_1245 : vector<16xf32>
      %sub3A_1247 = arith.subf %add3A_1246, %add3A_1229 : vector<16xf32>
      %sub3A_1248 = arith.subf %sub3A_1247, %sub3A_1245 : vector<16xf32>
      %get3A_1249 = arith.constant 0 : i32
      %get3A_1250 = arith.index_cast %get3A_1249 : i32 to index
      %get3A_1251 = arith.index_cast %scan3A_1162 : i32 to index
      %get3A_1252 = arith.constant 80 : index
      %get3A_1253 = tpu.vector_load %arg16[%get3A_1250, %get3A_1251, %get3A_1252] {strides = array<i32>} : memref<1x128x128xf32, #tpu.memory_space<vmem>>, vector<1x1x16xf32>,
      %get3A_1254 = vector.shape_cast %get3A_1253 : vector<1x1x16xf32> to vector<16xf32>
      %get3A_1255 = arith.constant 0 : i32
      %get3A_1256 = arith.index_cast %get3A_1255 : i32 to index
      %get3A_1257 = arith.index_cast %scan3A_1162 : i32 to index
      %get3A_1258 = arith.constant 80 : index
      %get3A_1259 = tpu.vector_load %arg17[%get3A_1256, %get3A_1257, %get3A_1258] {strides = array<i32>} : memref<1x128x128xf32, #tpu.memory_space<vmem>>, vector<1x1x16xf32>,
      %get3A_1260 = vector.shape_cast %get3A_1259 : vector<1x1x16xf32> to vector<16xf32>
      %mul3A_1261 = arith.mulf %get3A_1254, %get3A_1260 : vector<16xf32>
      %sub3A_1262 = arith.subf %mul3A_1261, %sub3A_1248 : vector<16xf32>
      %add3A_1263 = arith.addf %add3A_1246, %sub3A_1262 : vector<16xf32>
      %sub3A_1264 = arith.subf %add3A_1263, %add3A_1246 : vector<16xf32>
      %sub3A_1265 = arith.subf %sub3A_1264, %sub3A_1262 : vector<16xf32>
      %get3A_1266 = arith.constant 0 : i32
      %get3A_1267 = arith.index_cast %get3A_1266 : i32 to index
      %get3A_1268 = arith.index_cast %scan3A_1162 : i32 to index
      %get3A_1269 = arith.constant 96 : index
      %get3A_1270 = tpu.vector_load %arg16[%get3A_1267, %get3A_1268, %get3A_1269] {strides = array<i32>} : memref<1x128x128xf32, #tpu.memory_space<vmem>>, vector<1x1x16xf32>,
      %get3A_1271 = vector.shape_cast %get3A_1270 : vector<1x1x16xf32> to vector<16xf32>
      %get3A_1272 = arith.constant 0 : i32
      %get3A_1273 = arith.index_cast %get3A_1272 : i32 to index
      %get3A_1274 = arith.index_cast %scan3A_1162 : i32 to index
      %get3A_1275 = arith.constant 96 : index
      %get3A_1276 = tpu.vector_load %arg17[%get3A_1273, %get3A_1274, %get3A_1275] {strides = array<i32>} : memref<1x128x128xf32, #tpu.memory_space<vmem>>, vector<1x1x16xf32>,
      %get3A_1277 = vector.shape_cast %get3A_1276 : vector<1x1x16xf32> to vector<16xf32>
      %mul3A_1278 = arith.mulf %get3A_1271, %get3A_1277 : vector<16xf32>
      %sub3A_1279 = arith.subf %mul3A_1278, %sub3A_1265 : vector<16xf32>
      %add3A_1280 = arith.addf %add3A_1263, %sub3A_1279 : vector<16xf32>
      %sub3A_1281 = arith.subf %add3A_1280, %add3A_1263 : vector<16xf32>
      %sub3A_1282 = arith.subf %sub3A_1281, %sub3A_1279 : vector<16xf32>
      %get3A_1283 = arith.constant 0 : i32
      %get3A_1284 = arith.index_cast %get3A_1283 : i32 to index
      %get3A_1285 = arith.index_cast %scan3A_1162 : i32 to index
      %get3A_1286 = arith.constant 112 : index
      %get3A_1287 = tpu.vector_load %arg16[%get3A_1284, %get3A_1285, %get3A_1286] {strides = array<i32>} : memref<1x128x128xf32, #tpu.memory_space<vmem>>, vector<1x1x16xf32>,
      %get3A_1288 = vector.shape_cast %get3A_1287 : vector<1x1x16xf32> to vector<16xf32>
      %get3A_1289 = arith.constant 0 : i32
      %get3A_1290 = arith.index_cast %get3A_1289 : i32 to index
      %get3A_1291 = arith.index_cast %scan3A_1162 : i32 to index
      %get3A_1292 = arith.constant 112 : index
      %get3A_1293 = tpu.vector_load %arg17[%get3A_1290, %get3A_1291, %get3A_1292] {strides = array<i32>} : memref<1x128x128xf32, #tpu.memory_space<vmem>>, vector<1x1x16xf32>,
      %get3A_1294 = vector.shape_cast %get3A_1293 : vector<1x1x16xf32> to vector<16xf32>
      %mul3A_1295 = arith.mulf %get3A_1288, %get3A_1294 : vector<16xf32>
      %sub3A_1296 = arith.subf %mul3A_1295, %sub3A_1282 : vector<16xf32>
      %add3A_1297 = arith.addf %add3A_1280, %sub3A_1296 : vector<16xf32>
      %sub3A_1298 = arith.subf %add3A_1297, %add3A_1280 : vector<16xf32>
      %sub3A_1299 = arith.subf %sub3A_1298, %sub3A_1296 : vector<16xf32>
      scf.yield %add3A_1297, %sub3A_1299 : vector<16xf32>, vector<16xf32>
    }
    %scan3A_872 = arith.constant 128 : i32
    %add3A_873 = arith.constant 384 : i32
    %add3A_874 = arith.addi %mul3A_2, %add3A_873 : i32
    %dma_start3A_875 = arith.constant 3 : i32
    %dma_start3A_876 = arith.constant 0 : i32
    %dma_start3A_877 = arith.constant 0 : i32
    %dma_start3A_878 = arith.constant 0 : i32
    %dma_start3A_879 = tpu.memref_slice %arg18[%dma_start3A_876, %dma_start3A_877, %dma_start3A_878] : memref<1x128x128xf32, #tpu.memory_space<vmem>> -> memref<1x128x128xf32, #tpu.memory_space<vmem>>
    %dma_start3A_880 = tpu.memref_squeeze %dma_start3A_879 : memref<1x128x128xf32, #tpu.memory_space<vmem>> -> memref<128x128xf32, #tpu.memory_space<vmem>>
    %dma_start3A_881 = arith.constant 0 : i32
    %dma_start3A_882 = tpu.memref_slice %arg14[%dma_start3A_875, %dma_start3A_881] : memref<4x128xi32, #tpu.memory_space<vmem>> -> memref<1x128xi32, #tpu.memory_space<vmem>>
    %dma_start3A_883 = tpu.memref_squeeze %dma_start3A_882 : memref<1x128xi32, #tpu.memory_space<vmem>> -> memref<128xi32, #tpu.memory_space<vmem>>
    %dma_start3A_884 = arith.constant 0 : i32
    %dma_start3A_885 = arith.constant 0 : i32
    %dma_start3A_886 = tpu.memref_slice %arg6[%dma_start3A_884, %dma_start3A_885] : memref<100000x128xf32, #tpu.memory_space<hbm>> -> memref<100000x128xf32, #tpu.memory_space<hbm>>
    tpu.enqueue_indirect_dma source(%dma_start3A_886 : memref<100000x128xf32, #tpu.memory_space<hbm>>) target(%dma_start3A_880 : memref<128x128xf32, #tpu.memory_space<vmem>>) offsets(%dma_start3A_883 : memref<128xi32, #tpu.memory_space<vmem>>) semaphore(%arg26 : memref<!tpu.dma_semaphore, #tpu.memory_space<semaphore_mem>>)
    %dma_start3A_887 = arith.constant 3 : i32
    %dma_start3A_888 = arith.constant 0 : i32
    %dma_start3A_889 = arith.constant 0 : i32
    %dma_start3A_890 = arith.constant 0 : i32
    %dma_start3A_891 = tpu.memref_slice %arg19[%dma_start3A_888, %dma_start3A_889, %dma_start3A_890] : memref<1x128x128xf32, #tpu.memory_space<vmem>> -> memref<1x128x128xf32, #tpu.memory_space<vmem>>
    %dma_start3A_892 = tpu.memref_squeeze %dma_start3A_891 : memref<1x128x128xf32, #tpu.memory_space<vmem>> -> memref<128x128xf32, #tpu.memory_space<vmem>>
    %dma_start3A_893 = arith.constant 0 : i32
    %dma_start3A_894 = tpu.memref_slice %arg15[%dma_start3A_887, %dma_start3A_893] : memref<4x128xi32, #tpu.memory_space<vmem>> -> memref<1x128xi32, #tpu.memory_space<vmem>>
    %dma_start3A_895 = tpu.memref_squeeze %dma_start3A_894 : memref<1x128xi32, #tpu.memory_space<vmem>> -> memref<128xi32, #tpu.memory_space<vmem>>
    %dma_start3A_896 = arith.constant 0 : i32
    %dma_start3A_897 = arith.constant 0 : i32
    %dma_start3A_898 = tpu.memref_slice %arg7[%dma_start3A_896, %dma_start3A_897] : memref<100000x128xf32, #tpu.memory_space<hbm>> -> memref<100000x128xf32, #tpu.memory_space<hbm>>
    tpu.enqueue_indirect_dma source(%dma_start3A_898 : memref<100000x128xf32, #tpu.memory_space<hbm>>) target(%dma_start3A_892 : memref<128x128xf32, #tpu.memory_space<vmem>>) offsets(%dma_start3A_895 : memref<128xi32, #tpu.memory_space<vmem>>) semaphore(%arg27 : memref<!tpu.dma_semaphore, #tpu.memory_space<semaphore_mem>>)
    %dma_start3A_899 = arith.constant 3 : i32
    %dma_start3A_900 = arith.constant 0 : i32
    %dma_start3A_901 = arith.constant 0 : i32
    %dma_start3A_902 = arith.constant 0 : i32
    %dma_start3A_903 = tpu.memref_slice %arg16[%dma_start3A_900, %dma_start3A_901, %dma_start3A_902] : memref<1x128x128xf32, #tpu.memory_space<vmem>> -> memref<1x128x128xf32, #tpu.memory_space<vmem>>
    %dma_start3A_904 = tpu.memref_squeeze %dma_start3A_903 : memref<1x128x128xf32, #tpu.memory_space<vmem>> -> memref<128x128xf32, #tpu.memory_space<vmem>>
    %dma_start3A_905 = arith.constant 0 : i32
    %dma_start3A_906 = tpu.memref_slice %arg14[%dma_start3A_899, %dma_start3A_905] : memref<4x128xi32, #tpu.memory_space<vmem>> -> memref<1x128xi32, #tpu.memory_space<vmem>>
    %dma_start3A_907 = tpu.memref_squeeze %dma_start3A_906 : memref<1x128xi32, #tpu.memory_space<vmem>> -> memref<128xi32, #tpu.memory_space<vmem>>
    %dma_start3A_908 = arith.constant 0 : i32
    %dma_start3A_909 = arith.constant 0 : i32
    %dma_start3A_910 = tpu.memref_slice %arg4[%dma_start3A_908, %dma_start3A_909] : memref<100000x128xf32, #tpu.memory_space<hbm>> -> memref<100000x128xf32, #tpu.memory_space<hbm>>
    tpu.enqueue_indirect_dma source(%dma_start3A_910 : memref<100000x128xf32, #tpu.memory_space<hbm>>) target(%dma_start3A_904 : memref<128x128xf32, #tpu.memory_space<vmem>>) offsets(%dma_start3A_907 : memref<128xi32, #tpu.memory_space<vmem>>) semaphore(%arg24 : memref<!tpu.dma_semaphore, #tpu.memory_space<semaphore_mem>>)
    %dma_start3A_911 = arith.constant 3 : i32
    %dma_start3A_912 = arith.constant 0 : i32
    %dma_start3A_913 = arith.constant 0 : i32
    %dma_start3A_914 = arith.constant 0 : i32
    %dma_start3A_915 = tpu.memref_slice %arg17[%dma_start3A_912, %dma_start3A_913, %dma_start3A_914] : memref<1x128x128xf32, #tpu.memory_space<vmem>> -> memref<1x128x128xf32, #tpu.memory_space<vmem>>
    %dma_start3A_916 = tpu.memref_squeeze %dma_start3A_915 : memref<1x128x128xf32, #tpu.memory_space<vmem>> -> memref<128x128xf32, #tpu.memory_space<vmem>>
    %dma_start3A_917 = arith.constant 0 : i32
    %dma_start3A_918 = tpu.memref_slice %arg15[%dma_start3A_911, %dma_start3A_917] : memref<4x128xi32, #tpu.memory_space<vmem>> -> memref<1x128xi32, #tpu.memory_space<vmem>>
    %dma_start3A_919 = tpu.memref_squeeze %dma_start3A_918 : memref<1x128xi32, #tpu.memory_space<vmem>> -> memref<128xi32, #tpu.memory_space<vmem>>
    %dma_start3A_920 = arith.constant 0 : i32
    %dma_start3A_921 = arith.constant 0 : i32
    %dma_start3A_922 = tpu.memref_slice %arg5[%dma_start3A_920, %dma_start3A_921] : memref<100000x128xf32, #tpu.memory_space<hbm>> -> memref<100000x128xf32, #tpu.memory_space<hbm>>
    tpu.enqueue_indirect_dma source(%dma_start3A_922 : memref<100000x128xf32, #tpu.memory_space<hbm>>) target(%dma_start3A_916 : memref<128x128xf32, #tpu.memory_space<vmem>>) offsets(%dma_start3A_919 : memref<128xi32, #tpu.memory_space<vmem>>) semaphore(%arg25 : memref<!tpu.dma_semaphore, #tpu.memory_space<semaphore_mem>>)
    %dma_start3A_923 = arith.constant 3 : i32
    %dma_start3A_924 = arith.constant 0 : i32
    %dma_start3A_925 = arith.constant 0 : i32
    %dma_start3A_926 = tpu.memref_slice %arg20[%dma_start3A_924, %dma_start3A_925] : memref<1x128xf32, #tpu.memory_space<vmem>> -> memref<1x128xf32, #tpu.memory_space<vmem>>
    %dma_start3A_927 = tpu.memref_squeeze %dma_start3A_926 : memref<1x128xf32, #tpu.memory_space<vmem>> -> memref<128xf32, #tpu.memory_space<vmem>>
    %dma_start3A_928 = arith.constant 0 : i32
    %dma_start3A_929 = tpu.memref_slice %arg14[%dma_start3A_923, %dma_start3A_928] : memref<4x128xi32, #tpu.memory_space<vmem>> -> memref<1x128xi32, #tpu.memory_space<vmem>>
    %dma_start3A_930 = tpu.memref_squeeze %dma_start3A_929 : memref<1x128xi32, #tpu.memory_space<vmem>> -> memref<128xi32, #tpu.memory_space<vmem>>
    %dma_start3A_931 = arith.constant 0 : i32
    %dma_start3A_932 = tpu.memref_slice %arg8[%dma_start3A_931] : memref<100000xf32, #tpu.memory_space<hbm>> -> memref<100000xf32, #tpu.memory_space<hbm>>
    tpu.enqueue_indirect_dma source(%dma_start3A_932 : memref<100000xf32, #tpu.memory_space<hbm>>) target(%dma_start3A_927 : memref<128xf32, #tpu.memory_space<vmem>>) offsets(%dma_start3A_930 : memref<128xi32, #tpu.memory_space<vmem>>) semaphore(%arg28 : memref<!tpu.dma_semaphore, #tpu.memory_space<semaphore_mem>>)
    %dma_start3A_933 = arith.constant 3 : i32
    %dma_start3A_934 = arith.constant 0 : i32
    %dma_start3A_935 = arith.constant 0 : i32
    %dma_start3A_936 = tpu.memref_slice %arg21[%dma_start3A_934, %dma_start3A_935] : memref<1x128xf32, #tpu.memory_space<vmem>> -> memref<1x128xf32, #tpu.memory_space<vmem>>
    %dma_start3A_937 = tpu.memref_squeeze %dma_start3A_936 : memref<1x128xf32, #tpu.memory_space<vmem>> -> memref<128xf32, #tpu.memory_space<vmem>>
    %dma_start3A_938 = arith.constant 0 : i32
    %dma_start3A_939 = tpu.memref_slice %arg15[%dma_start3A_933, %dma_start3A_938] : memref<4x128xi32, #tpu.memory_space<vmem>> -> memref<1x128xi32, #tpu.memory_space<vmem>>
    %dma_start3A_940 = tpu.memref_squeeze %dma_start3A_939 : memref<1x128xi32, #tpu.memory_space<vmem>> -> memref<128xi32, #tpu.memory_space<vmem>>
    %dma_start3A_941 = arith.constant 0 : i32
    %dma_start3A_942 = tpu.memref_slice %arg9[%dma_start3A_941] : memref<100000xf32, #tpu.memory_space<hbm>> -> memref<100000xf32, #tpu.memory_space<hbm>>
    tpu.enqueue_indirect_dma source(%dma_start3A_942 : memref<100000xf32, #tpu.memory_space<hbm>>) target(%dma_start3A_937 : memref<128xf32, #tpu.memory_space<vmem>>) offsets(%dma_start3A_940 : memref<128xi32, #tpu.memory_space<vmem>>) semaphore(%arg29 : memref<!tpu.dma_semaphore, #tpu.memory_space<semaphore_mem>>)
    %dma_wait3A_943 = arith.constant 3 : i32
    %dma_wait3A_944 = arith.constant 0 : i32
    %dma_wait3A_945 = arith.constant 0 : i32
    %dma_wait3A_946 = arith.constant 0 : i32
    %dma_wait3A_947 = tpu.memref_slice %arg18[%dma_wait3A_944, %dma_wait3A_945, %dma_wait3A_946] : memref<1x128x128xf32, #tpu.memory_space<vmem>> -> memref<1x128x128xf32, #tpu.memory_space<vmem>>
    %dma_wait3A_948 = tpu.memref_squeeze %dma_wait3A_947 : memref<1x128x128xf32, #tpu.memory_space<vmem>> -> memref<128x128xf32, #tpu.memory_space<vmem>>
    %dma_wait3A_949 = arith.constant 0 : i32
    %dma_wait3A_950 = tpu.memref_slice %arg14[%dma_wait3A_943, %dma_wait3A_949] : memref<4x128xi32, #tpu.memory_space<vmem>> -> memref<1x128xi32, #tpu.memory_space<vmem>>
    %dma_wait3A_951 = tpu.memref_squeeze %dma_wait3A_950 : memref<1x128xi32, #tpu.memory_space<vmem>> -> memref<128xi32, #tpu.memory_space<vmem>>
    %dma_wait3A_952 = arith.constant 0 : i32
    %dma_wait3A_953 = arith.constant 0 : i32
    %dma_wait3A_954 = tpu.memref_slice %arg6[%dma_wait3A_952, %dma_wait3A_953] : memref<100000x128xf32, #tpu.memory_space<hbm>> -> memref<100000x128xf32, #tpu.memory_space<hbm>>
    tpu.wait_indirect_dma semaphore(%arg26 : memref<!tpu.dma_semaphore, #tpu.memory_space<semaphore_mem>>) src(%dma_wait3A_954 : memref<100000x128xf32, #tpu.memory_space<hbm>>) dst(%dma_wait3A_948 : memref<128x128xf32, #tpu.memory_space<vmem>>)
    %run_scoped3A_955 = arith.constant 0 : i32
    "tpu.region"() ({
      %run_scoped3A_1162 = tpu.sem_alloc : memref<!tpu.dma_semaphore, #tpu.memory_space<semaphore_mem>>
      %dma_start3A_1163 = arith.constant 0 : i32
      %dma_start3A_1164 = arith.constant 0 : i32
      %dma_start3A_1165 = tpu.memref_slice %arg18[%run_scoped3A_955, %dma_start3A_1163, %dma_start3A_1164] : memref<1x128x128xf32, #tpu.memory_space<vmem>> -> memref<1x128x128xf32, #tpu.memory_space<vmem>>
      %dma_start3A_1166 = tpu.memref_squeeze %dma_start3A_1165 : memref<1x128x128xf32, #tpu.memory_space<vmem>> -> memref<128x128xf32, #tpu.memory_space<vmem>>
      %dma_start3A_1167 = arith.constant 0 : i32
      %dma_start3A_1168 = tpu.memref_slice %arg10[%add3A_874, %dma_start3A_1167] : memref<16384x128xf32, #tpu.memory_space<hbm>> -> memref<128x128xf32, #tpu.memory_space<hbm>>
      %dma_start3A_1169 = arith.constant 0 : i32
      %dma_start3A_1170 = tpu.memref_slice %arg10[%add3A_874, %dma_start3A_1169] : memref<16384x128xf32, #tpu.memory_space<hbm>> -> memref<128x128xf32, #tpu.memory_space<hbm>>
      %dma_start3A_1171 = arith.constant 0 : i32
      %dma_start3A_1172 = arith.constant 0 : i32
      %dma_start3A_1173 = tpu.memref_slice %arg18[%run_scoped3A_955, %dma_start3A_1171, %dma_start3A_1172] : memref<1x128x128xf32, #tpu.memory_space<vmem>> -> memref<1x128x128xf32, #tpu.memory_space<vmem>>
      %dma_start3A_1174 = tpu.memref_squeeze %dma_start3A_1173 : memref<1x128x128xf32, #tpu.memory_space<vmem>> -> memref<128x128xf32, #tpu.memory_space<vmem>>
      tpu.enqueue_dma source(%dma_start3A_1174 : memref<128x128xf32, #tpu.memory_space<vmem>>) target(%dma_start3A_1170 : memref<128x128xf32, #tpu.memory_space<hbm>>) target_semaphore(%run_scoped3A_1162 : memref<!tpu.dma_semaphore, #tpu.memory_space<semaphore_mem>>)
      %dma_wait3A_1175 = arith.constant 0 : i32
      %dma_wait3A_1176 = arith.constant 0 : i32
      %dma_wait3A_1177 = tpu.memref_slice %arg18[%run_scoped3A_955, %dma_wait3A_1175, %dma_wait3A_1176] : memref<1x128x128xf32, #tpu.memory_space<vmem>> -> memref<1x128x128xf32, #tpu.memory_space<vmem>>
      %dma_wait3A_1178 = tpu.memref_squeeze %dma_wait3A_1177 : memref<1x128x128xf32, #tpu.memory_space<vmem>> -> memref<128x128xf32, #tpu.memory_space<vmem>>
      %dma_wait3A_1179 = arith.constant 0 : i32
      %dma_wait3A_1180 = tpu.memref_slice %arg10[%add3A_874, %dma_wait3A_1179] : memref<16384x128xf32, #tpu.memory_space<hbm>> -> memref<128x128xf32, #tpu.memory_space<hbm>>
      %dma_wait3A_1181 = arith.constant 0 : i32
      %dma_wait3A_1182 = tpu.memref_slice %arg10[%add3A_874, %dma_wait3A_1181] : memref<16384x128xf32, #tpu.memory_space<hbm>> -> memref<128x128xf32, #tpu.memory_space<hbm>>
      %dma_wait3A_1183 = arith.constant 0 : i32
      %dma_wait3A_1184 = arith.constant 0 : i32
      %dma_wait3A_1185 = tpu.memref_slice %arg18[%run_scoped3A_955, %dma_wait3A_1183, %dma_wait3A_1184] : memref<1x128x128xf32, #tpu.memory_space<vmem>> -> memref<1x128x128xf32, #tpu.memory_space<vmem>>
      %dma_wait3A_1186 = tpu.memref_squeeze %dma_wait3A_1185 : memref<1x128x128xf32, #tpu.memory_space<vmem>> -> memref<128x128xf32, #tpu.memory_space<vmem>>
      tpu.wait_dma2 semaphore(%run_scoped3A_1162 : memref<!tpu.dma_semaphore, #tpu.memory_space<semaphore_mem>>) src(%dma_wait3A_1186 : memref<128x128xf32, #tpu.memory_space<vmem>>) dst(%dma_wait3A_1182 : memref<128x128xf32, #tpu.memory_space<hbm>>)
      tpu.yield
    }) : () -> ()
    %dma_wait3A_956 = arith.constant 3 : i32
    %dma_wait3A_957 = arith.constant 0 : i32
    %dma_wait3A_958 = arith.constant 0 : i32
    %dma_wait3A_959 = arith.constant 0 : i32
    %dma_wait3A_960 = tpu.memref_slice %arg19[%dma_wait3A_957, %dma_wait3A_958, %dma_wait3A_959] : memref<1x128x128xf32, #tpu.memory_space<vmem>> -> memref<1x128x128xf32, #tpu.memory_space<vmem>>
    %dma_wait3A_961 = tpu.memref_squeeze %dma_wait3A_960 : memref<1x128x128xf32, #tpu.memory_space<vmem>> -> memref<128x128xf32, #tpu.memory_space<vmem>>
    %dma_wait3A_962 = arith.constant 0 : i32
    %dma_wait3A_963 = tpu.memref_slice %arg15[%dma_wait3A_956, %dma_wait3A_962] : memref<4x128xi32, #tpu.memory_space<vmem>> -> memref<1x128xi32, #tpu.memory_space<vmem>>
    %dma_wait3A_964 = tpu.memref_squeeze %dma_wait3A_963 : memref<1x128xi32, #tpu.memory_space<vmem>> -> memref<128xi32, #tpu.memory_space<vmem>>
    %dma_wait3A_965 = arith.constant 0 : i32
    %dma_wait3A_966 = arith.constant 0 : i32
    %dma_wait3A_967 = tpu.memref_slice %arg7[%dma_wait3A_965, %dma_wait3A_966] : memref<100000x128xf32, #tpu.memory_space<hbm>> -> memref<100000x128xf32, #tpu.memory_space<hbm>>
    tpu.wait_indirect_dma semaphore(%arg27 : memref<!tpu.dma_semaphore, #tpu.memory_space<semaphore_mem>>) src(%dma_wait3A_967 : memref<100000x128xf32, #tpu.memory_space<hbm>>) dst(%dma_wait3A_961 : memref<128x128xf32, #tpu.memory_space<vmem>>)
    %run_scoped3A_968 = arith.constant 0 : i32
    "tpu.region"() ({
      %run_scoped3A_1162 = tpu.sem_alloc : memref<!tpu.dma_semaphore, #tpu.memory_space<semaphore_mem>>
      %dma_start3A_1163 = arith.constant 0 : i32
      %dma_start3A_1164 = arith.constant 0 : i32
      %dma_start3A_1165 = tpu.memref_slice %arg19[%run_scoped3A_968, %dma_start3A_1163, %dma_start3A_1164] : memref<1x128x128xf32, #tpu.memory_space<vmem>> -> memref<1x128x128xf32, #tpu.memory_space<vmem>>
      %dma_start3A_1166 = tpu.memref_squeeze %dma_start3A_1165 : memref<1x128x128xf32, #tpu.memory_space<vmem>> -> memref<128x128xf32, #tpu.memory_space<vmem>>
      %dma_start3A_1167 = arith.constant 0 : i32
      %dma_start3A_1168 = tpu.memref_slice %arg11[%add3A_874, %dma_start3A_1167] : memref<16384x128xf32, #tpu.memory_space<hbm>> -> memref<128x128xf32, #tpu.memory_space<hbm>>
      %dma_start3A_1169 = arith.constant 0 : i32
      %dma_start3A_1170 = tpu.memref_slice %arg11[%add3A_874, %dma_start3A_1169] : memref<16384x128xf32, #tpu.memory_space<hbm>> -> memref<128x128xf32, #tpu.memory_space<hbm>>
      %dma_start3A_1171 = arith.constant 0 : i32
      %dma_start3A_1172 = arith.constant 0 : i32
      %dma_start3A_1173 = tpu.memref_slice %arg19[%run_scoped3A_968, %dma_start3A_1171, %dma_start3A_1172] : memref<1x128x128xf32, #tpu.memory_space<vmem>> -> memref<1x128x128xf32, #tpu.memory_space<vmem>>
      %dma_start3A_1174 = tpu.memref_squeeze %dma_start3A_1173 : memref<1x128x128xf32, #tpu.memory_space<vmem>> -> memref<128x128xf32, #tpu.memory_space<vmem>>
      tpu.enqueue_dma source(%dma_start3A_1174 : memref<128x128xf32, #tpu.memory_space<vmem>>) target(%dma_start3A_1170 : memref<128x128xf32, #tpu.memory_space<hbm>>) target_semaphore(%run_scoped3A_1162 : memref<!tpu.dma_semaphore, #tpu.memory_space<semaphore_mem>>)
      %dma_wait3A_1175 = arith.constant 0 : i32
      %dma_wait3A_1176 = arith.constant 0 : i32
      %dma_wait3A_1177 = tpu.memref_slice %arg19[%run_scoped3A_968, %dma_wait3A_1175, %dma_wait3A_1176] : memref<1x128x128xf32, #tpu.memory_space<vmem>> -> memref<1x128x128xf32, #tpu.memory_space<vmem>>
      %dma_wait3A_1178 = tpu.memref_squeeze %dma_wait3A_1177 : memref<1x128x128xf32, #tpu.memory_space<vmem>> -> memref<128x128xf32, #tpu.memory_space<vmem>>
      %dma_wait3A_1179 = arith.constant 0 : i32
      %dma_wait3A_1180 = tpu.memref_slice %arg11[%add3A_874, %dma_wait3A_1179] : memref<16384x128xf32, #tpu.memory_space<hbm>> -> memref<128x128xf32, #tpu.memory_space<hbm>>
      %dma_wait3A_1181 = arith.constant 0 : i32
      %dma_wait3A_1182 = tpu.memref_slice %arg11[%add3A_874, %dma_wait3A_1181] : memref<16384x128xf32, #tpu.memory_space<hbm>> -> memref<128x128xf32, #tpu.memory_space<hbm>>
      %dma_wait3A_1183 = arith.constant 0 : i32
      %dma_wait3A_1184 = arith.constant 0 : i32
      %dma_wait3A_1185 = tpu.memref_slice %arg19[%run_scoped3A_968, %dma_wait3A_1183, %dma_wait3A_1184] : memref<1x128x128xf32, #tpu.memory_space<vmem>> -> memref<1x128x128xf32, #tpu.memory_space<vmem>>
      %dma_wait3A_1186 = tpu.memref_squeeze %dma_wait3A_1185 : memref<1x128x128xf32, #tpu.memory_space<vmem>> -> memref<128x128xf32, #tpu.memory_space<vmem>>
      tpu.wait_dma2 semaphore(%run_scoped3A_1162 : memref<!tpu.dma_semaphore, #tpu.memory_space<semaphore_mem>>) src(%dma_wait3A_1186 : memref<128x128xf32, #tpu.memory_space<vmem>>) dst(%dma_wait3A_1182 : memref<128x128xf32, #tpu.memory_space<hbm>>)
      tpu.yield
    }) : () -> ()
    %dma_wait3A_969 = arith.constant 3 : i32
    %dma_wait3A_970 = arith.constant 0 : i32
    %dma_wait3A_971 = arith.constant 0 : i32
    %dma_wait3A_972 = tpu.memref_slice %arg20[%dma_wait3A_970, %dma_wait3A_971] : memref<1x128xf32, #tpu.memory_space<vmem>> -> memref<1x128xf32, #tpu.memory_space<vmem>>
    %dma_wait3A_973 = tpu.memref_squeeze %dma_wait3A_972 : memref<1x128xf32, #tpu.memory_space<vmem>> -> memref<128xf32, #tpu.memory_space<vmem>>
    %dma_wait3A_974 = arith.constant 0 : i32
    %dma_wait3A_975 = tpu.memref_slice %arg14[%dma_wait3A_969, %dma_wait3A_974] : memref<4x128xi32, #tpu.memory_space<vmem>> -> memref<1x128xi32, #tpu.memory_space<vmem>>
    %dma_wait3A_976 = tpu.memref_squeeze %dma_wait3A_975 : memref<1x128xi32, #tpu.memory_space<vmem>> -> memref<128xi32, #tpu.memory_space<vmem>>
    %dma_wait3A_977 = arith.constant 0 : i32
    %dma_wait3A_978 = tpu.memref_slice %arg8[%dma_wait3A_977] : memref<100000xf32, #tpu.memory_space<hbm>> -> memref<100000xf32, #tpu.memory_space<hbm>>
    tpu.wait_indirect_dma semaphore(%arg28 : memref<!tpu.dma_semaphore, #tpu.memory_space<semaphore_mem>>) src(%dma_wait3A_978 : memref<100000xf32, #tpu.memory_space<hbm>>) dst(%dma_wait3A_973 : memref<128xf32, #tpu.memory_space<vmem>>)
    %dma_wait3A_979 = arith.constant 3 : i32
    %dma_wait3A_980 = arith.constant 0 : i32
    %dma_wait3A_981 = arith.constant 0 : i32
    %dma_wait3A_982 = tpu.memref_slice %arg21[%dma_wait3A_980, %dma_wait3A_981] : memref<1x128xf32, #tpu.memory_space<vmem>> -> memref<1x128xf32, #tpu.memory_space<vmem>>
    %dma_wait3A_983 = tpu.memref_squeeze %dma_wait3A_982 : memref<1x128xf32, #tpu.memory_space<vmem>> -> memref<128xf32, #tpu.memory_space<vmem>>
    %dma_wait3A_984 = arith.constant 0 : i32
    %dma_wait3A_985 = tpu.memref_slice %arg15[%dma_wait3A_979, %dma_wait3A_984] : memref<4x128xi32, #tpu.memory_space<vmem>> -> memref<1x128xi32, #tpu.memory_space<vmem>>
    %dma_wait3A_986 = tpu.memref_squeeze %dma_wait3A_985 : memref<1x128xi32, #tpu.memory_space<vmem>> -> memref<128xi32, #tpu.memory_space<vmem>>
    %dma_wait3A_987 = arith.constant 0 : i32
    %dma_wait3A_988 = tpu.memref_slice %arg9[%dma_wait3A_987] : memref<100000xf32, #tpu.memory_space<hbm>> -> memref<100000xf32, #tpu.memory_space<hbm>>
    tpu.wait_indirect_dma semaphore(%arg29 : memref<!tpu.dma_semaphore, #tpu.memory_space<semaphore_mem>>) src(%dma_wait3A_988 : memref<100000xf32, #tpu.memory_space<hbm>>) dst(%dma_wait3A_983 : memref<128xf32, #tpu.memory_space<vmem>>)
    %get3A_989 = arith.constant 0 : i32
    %get3A_990 = arith.index_cast %get3A_989 : i32 to index
    %get3A_991 = arith.constant 0 : index
    %get3A_992 = tpu.vector_load %arg20[%get3A_990, %get3A_991] {strides = array<i32>} : memref<1x128xf32, #tpu.memory_space<vmem>>, vector<1x16xf32>,
    %get3A_993 = vector.shape_cast %get3A_992 : vector<1x16xf32> to vector<16xf32>
    %get3A_994 = arith.constant 0 : i32
    %get3A_995 = arith.index_cast %get3A_994 : i32 to index
    %get3A_996 = arith.constant 0 : index
    %get3A_997 = tpu.vector_load %arg21[%get3A_995, %get3A_996] {strides = array<i32>} : memref<1x128xf32, #tpu.memory_space<vmem>>, vector<1x16xf32>,
    %get3A_998 = vector.shape_cast %get3A_997 : vector<1x16xf32> to vector<16xf32>
    %add3A_999 = arith.addf %get3A_993, %get3A_998 : vector<16xf32>
    %swap3A_1000 = arith.constant 0 : i32
    %swap3A_1001 = arith.index_cast %swap3A_1000 : i32 to index
    %swap3A_1002 = arith.constant 0 : index
    %swap3A_1003 = tpu.vector_load %arg22[%swap3A_1001, %swap3A_1002] {strides = array<i32>} : memref<1x128xf32, #tpu.memory_space<vmem>>, vector<1x16xf32>,
    %swap3A_1004 = vector.shape_cast %swap3A_1003 : vector<1x16xf32> to vector<16xf32>
    %swap3A_1005 = vector.shape_cast %add3A_999 : vector<16xf32> to vector<1x16xf32>
    tpu.vector_store %arg22[%swap3A_1001, %swap3A_1002], %swap3A_1005 {strides = array<i32>} : memref<1x128xf32, #tpu.memory_space<vmem>>, vector<1x16xf32>,
    %get3A_1006 = arith.constant 0 : i32
    %get3A_1007 = arith.index_cast %get3A_1006 : i32 to index
    %get3A_1008 = arith.constant 16 : index
    %get3A_1009 = tpu.vector_load %arg20[%get3A_1007, %get3A_1008] {strides = array<i32>} : memref<1x128xf32, #tpu.memory_space<vmem>>, vector<1x16xf32>,
    %get3A_1010 = vector.shape_cast %get3A_1009 : vector<1x16xf32> to vector<16xf32>
    %get3A_1011 = arith.constant 0 : i32
    %get3A_1012 = arith.index_cast %get3A_1011 : i32 to index
    %get3A_1013 = arith.constant 16 : index
    %get3A_1014 = tpu.vector_load %arg21[%get3A_1012, %get3A_1013] {strides = array<i32>} : memref<1x128xf32, #tpu.memory_space<vmem>>, vector<1x16xf32>,
    %get3A_1015 = vector.shape_cast %get3A_1014 : vector<1x16xf32> to vector<16xf32>
    %add3A_1016 = arith.addf %get3A_1010, %get3A_1015 : vector<16xf32>
    %swap3A_1017 = arith.constant 0 : i32
    %swap3A_1018 = arith.index_cast %swap3A_1017 : i32 to index
    %swap3A_1019 = arith.constant 16 : index
    %swap3A_1020 = tpu.vector_load %arg22[%swap3A_1018, %swap3A_1019] {strides = array<i32>} : memref<1x128xf32, #tpu.memory_space<vmem>>, vector<1x16xf32>,
    %swap3A_1021 = vector.shape_cast %swap3A_1020 : vector<1x16xf32> to vector<16xf32>
    %swap3A_1022 = vector.shape_cast %add3A_1016 : vector<16xf32> to vector<1x16xf32>
    tpu.vector_store %arg22[%swap3A_1018, %swap3A_1019], %swap3A_1022 {strides = array<i32>} : memref<1x128xf32, #tpu.memory_space<vmem>>, vector<1x16xf32>,
    %get3A_1023 = arith.constant 0 : i32
    %get3A_1024 = arith.index_cast %get3A_1023 : i32 to index
    %get3A_1025 = arith.constant 32 : index
    %get3A_1026 = tpu.vector_load %arg20[%get3A_1024, %get3A_1025] {strides = array<i32>} : memref<1x128xf32, #tpu.memory_space<vmem>>, vector<1x16xf32>,
    %get3A_1027 = vector.shape_cast %get3A_1026 : vector<1x16xf32> to vector<16xf32>
    %get3A_1028 = arith.constant 0 : i32
    %get3A_1029 = arith.index_cast %get3A_1028 : i32 to index
    %get3A_1030 = arith.constant 32 : index
    %get3A_1031 = tpu.vector_load %arg21[%get3A_1029, %get3A_1030] {strides = array<i32>} : memref<1x128xf32, #tpu.memory_space<vmem>>, vector<1x16xf32>,
    %get3A_1032 = vector.shape_cast %get3A_1031 : vector<1x16xf32> to vector<16xf32>
    %add3A_1033 = arith.addf %get3A_1027, %get3A_1032 : vector<16xf32>
    %swap3A_1034 = arith.constant 0 : i32
    %swap3A_1035 = arith.index_cast %swap3A_1034 : i32 to index
    %swap3A_1036 = arith.constant 32 : index
    %swap3A_1037 = tpu.vector_load %arg22[%swap3A_1035, %swap3A_1036] {strides = array<i32>} : memref<1x128xf32, #tpu.memory_space<vmem>>, vector<1x16xf32>,
    %swap3A_1038 = vector.shape_cast %swap3A_1037 : vector<1x16xf32> to vector<16xf32>
    %swap3A_1039 = vector.shape_cast %add3A_1033 : vector<16xf32> to vector<1x16xf32>
    tpu.vector_store %arg22[%swap3A_1035, %swap3A_1036], %swap3A_1039 {strides = array<i32>} : memref<1x128xf32, #tpu.memory_space<vmem>>, vector<1x16xf32>,
    %get3A_1040 = arith.constant 0 : i32
    %get3A_1041 = arith.index_cast %get3A_1040 : i32 to index
    %get3A_1042 = arith.constant 48 : index
    %get3A_1043 = tpu.vector_load %arg20[%get3A_1041, %get3A_1042] {strides = array<i32>} : memref<1x128xf32, #tpu.memory_space<vmem>>, vector<1x16xf32>,
    %get3A_1044 = vector.shape_cast %get3A_1043 : vector<1x16xf32> to vector<16xf32>
    %get3A_1045 = arith.constant 0 : i32
    %get3A_1046 = arith.index_cast %get3A_1045 : i32 to index
    %get3A_1047 = arith.constant 48 : index
    %get3A_1048 = tpu.vector_load %arg21[%get3A_1046, %get3A_1047] {strides = array<i32>} : memref<1x128xf32, #tpu.memory_space<vmem>>, vector<1x16xf32>,
    %get3A_1049 = vector.shape_cast %get3A_1048 : vector<1x16xf32> to vector<16xf32>
    %add3A_1050 = arith.addf %get3A_1044, %get3A_1049 : vector<16xf32>
    %swap3A_1051 = arith.constant 0 : i32
    %swap3A_1052 = arith.index_cast %swap3A_1051 : i32 to index
    %swap3A_1053 = arith.constant 48 : index
    %swap3A_1054 = tpu.vector_load %arg22[%swap3A_1052, %swap3A_1053] {strides = array<i32>} : memref<1x128xf32, #tpu.memory_space<vmem>>, vector<1x16xf32>,
    %swap3A_1055 = vector.shape_cast %swap3A_1054 : vector<1x16xf32> to vector<16xf32>
    %swap3A_1056 = vector.shape_cast %add3A_1050 : vector<16xf32> to vector<1x16xf32>
    tpu.vector_store %arg22[%swap3A_1052, %swap3A_1053], %swap3A_1056 {strides = array<i32>} : memref<1x128xf32, #tpu.memory_space<vmem>>, vector<1x16xf32>,
    %get3A_1057 = arith.constant 0 : i32
    %get3A_1058 = arith.index_cast %get3A_1057 : i32 to index
    %get3A_1059 = arith.constant 64 : index
    %get3A_1060 = tpu.vector_load %arg20[%get3A_1058, %get3A_1059] {strides = array<i32>} : memref<1x128xf32, #tpu.memory_space<vmem>>, vector<1x16xf32>,
    %get3A_1061 = vector.shape_cast %get3A_1060 : vector<1x16xf32> to vector<16xf32>
    %get3A_1062 = arith.constant 0 : i32
    %get3A_1063 = arith.index_cast %get3A_1062 : i32 to index
    %get3A_1064 = arith.constant 64 : index
    %get3A_1065 = tpu.vector_load %arg21[%get3A_1063, %get3A_1064] {strides = array<i32>} : memref<1x128xf32, #tpu.memory_space<vmem>>, vector<1x16xf32>,
    %get3A_1066 = vector.shape_cast %get3A_1065 : vector<1x16xf32> to vector<16xf32>
    %add3A_1067 = arith.addf %get3A_1061, %get3A_1066 : vector<16xf32>
    %swap3A_1068 = arith.constant 0 : i32
    %swap3A_1069 = arith.index_cast %swap3A_1068 : i32 to index
    %swap3A_1070 = arith.constant 64 : index
    %swap3A_1071 = tpu.vector_load %arg22[%swap3A_1069, %swap3A_1070] {strides = array<i32>} : memref<1x128xf32, #tpu.memory_space<vmem>>, vector<1x16xf32>,
    %swap3A_1072 = vector.shape_cast %swap3A_1071 : vector<1x16xf32> to vector<16xf32>
    %swap3A_1073 = vector.shape_cast %add3A_1067 : vector<16xf32> to vector<1x16xf32>
    tpu.vector_store %arg22[%swap3A_1069, %swap3A_1070], %swap3A_1073 {strides = array<i32>} : memref<1x128xf32, #tpu.memory_space<vmem>>, vector<1x16xf32>,
    %get3A_1074 = arith.constant 0 : i32
    %get3A_1075 = arith.index_cast %get3A_1074 : i32 to index
    %get3A_1076 = arith.constant 80 : index
    %get3A_1077 = tpu.vector_load %arg20[%get3A_1075, %get3A_1076] {strides = array<i32>} : memref<1x128xf32, #tpu.memory_space<vmem>>, vector<1x16xf32>,
    %get3A_1078 = vector.shape_cast %get3A_1077 : vector<1x16xf32> to vector<16xf32>
    %get3A_1079 = arith.constant 0 : i32
    %get3A_1080 = arith.index_cast %get3A_1079 : i32 to index
    %get3A_1081 = arith.constant 80 : index
    %get3A_1082 = tpu.vector_load %arg21[%get3A_1080, %get3A_1081] {strides = array<i32>} : memref<1x128xf32, #tpu.memory_space<vmem>>, vector<1x16xf32>,
    %get3A_1083 = vector.shape_cast %get3A_1082 : vector<1x16xf32> to vector<16xf32>
    %add3A_1084 = arith.addf %get3A_1078, %get3A_1083 : vector<16xf32>
    %swap3A_1085 = arith.constant 0 : i32
    %swap3A_1086 = arith.index_cast %swap3A_1085 : i32 to index
    %swap3A_1087 = arith.constant 80 : index
    %swap3A_1088 = tpu.vector_load %arg22[%swap3A_1086, %swap3A_1087] {strides = array<i32>} : memref<1x128xf32, #tpu.memory_space<vmem>>, vector<1x16xf32>,
    %swap3A_1089 = vector.shape_cast %swap3A_1088 : vector<1x16xf32> to vector<16xf32>
    %swap3A_1090 = vector.shape_cast %add3A_1084 : vector<16xf32> to vector<1x16xf32>
    tpu.vector_store %arg22[%swap3A_1086, %swap3A_1087], %swap3A_1090 {strides = array<i32>} : memref<1x128xf32, #tpu.memory_space<vmem>>, vector<1x16xf32>,
    %get3A_1091 = arith.constant 0 : i32
    %get3A_1092 = arith.index_cast %get3A_1091 : i32 to index
    %get3A_1093 = arith.constant 96 : index
    %get3A_1094 = tpu.vector_load %arg20[%get3A_1092, %get3A_1093] {strides = array<i32>} : memref<1x128xf32, #tpu.memory_space<vmem>>, vector<1x16xf32>,
    %get3A_1095 = vector.shape_cast %get3A_1094 : vector<1x16xf32> to vector<16xf32>
    %get3A_1096 = arith.constant 0 : i32
    %get3A_1097 = arith.index_cast %get3A_1096 : i32 to index
    %get3A_1098 = arith.constant 96 : index
    %get3A_1099 = tpu.vector_load %arg21[%get3A_1097, %get3A_1098] {strides = array<i32>} : memref<1x128xf32, #tpu.memory_space<vmem>>, vector<1x16xf32>,
    %get3A_1100 = vector.shape_cast %get3A_1099 : vector<1x16xf32> to vector<16xf32>
    %add3A_1101 = arith.addf %get3A_1095, %get3A_1100 : vector<16xf32>
    %swap3A_1102 = arith.constant 0 : i32
    %swap3A_1103 = arith.index_cast %swap3A_1102 : i32 to index
    %swap3A_1104 = arith.constant 96 : index
    %swap3A_1105 = tpu.vector_load %arg22[%swap3A_1103, %swap3A_1104] {strides = array<i32>} : memref<1x128xf32, #tpu.memory_space<vmem>>, vector<1x16xf32>,
    %swap3A_1106 = vector.shape_cast %swap3A_1105 : vector<1x16xf32> to vector<16xf32>
    %swap3A_1107 = vector.shape_cast %add3A_1101 : vector<16xf32> to vector<1x16xf32>
    tpu.vector_store %arg22[%swap3A_1103, %swap3A_1104], %swap3A_1107 {strides = array<i32>} : memref<1x128xf32, #tpu.memory_space<vmem>>, vector<1x16xf32>,
    %get3A_1108 = arith.constant 0 : i32
    %get3A_1109 = arith.index_cast %get3A_1108 : i32 to index
    %get3A_1110 = arith.constant 112 : index
    %get3A_1111 = tpu.vector_load %arg20[%get3A_1109, %get3A_1110] {strides = array<i32>} : memref<1x128xf32, #tpu.memory_space<vmem>>, vector<1x16xf32>,
    %get3A_1112 = vector.shape_cast %get3A_1111 : vector<1x16xf32> to vector<16xf32>
    %get3A_1113 = arith.constant 0 : i32
    %get3A_1114 = arith.index_cast %get3A_1113 : i32 to index
    %get3A_1115 = arith.constant 112 : index
    %get3A_1116 = tpu.vector_load %arg21[%get3A_1114, %get3A_1115] {strides = array<i32>} : memref<1x128xf32, #tpu.memory_space<vmem>>, vector<1x16xf32>,
    %get3A_1117 = vector.shape_cast %get3A_1116 : vector<1x16xf32> to vector<16xf32>
    %add3A_1118 = arith.addf %get3A_1112, %get3A_1117 : vector<16xf32>
    %swap3A_1119 = arith.constant 0 : i32
    %swap3A_1120 = arith.index_cast %swap3A_1119 : i32 to index
    %swap3A_1121 = arith.constant 112 : index
    %swap3A_1122 = tpu.vector_load %arg22[%swap3A_1120, %swap3A_1121] {strides = array<i32>} : memref<1x128xf32, #tpu.memory_space<vmem>>, vector<1x16xf32>,
    %swap3A_1123 = vector.shape_cast %swap3A_1122 : vector<1x16xf32> to vector<16xf32>
    %swap3A_1124 = vector.shape_cast %add3A_1118 : vector<16xf32> to vector<1x16xf32>
    tpu.vector_store %arg22[%swap3A_1120, %swap3A_1121], %swap3A_1124 {strides = array<i32>} : memref<1x128xf32, #tpu.memory_space<vmem>>, vector<1x16xf32>,
    %run_scoped3A_1125 = arith.constant 0 : i32
    "tpu.region"() ({
      %run_scoped3A_1162 = tpu.sem_alloc : memref<!tpu.dma_semaphore, #tpu.memory_space<semaphore_mem>>
      %dma_start3A_1163 = arith.constant 0 : i32
      %dma_start3A_1164 = tpu.memref_slice %arg22[%run_scoped3A_1125, %dma_start3A_1163] : memref<1x128xf32, #tpu.memory_space<vmem>> -> memref<1x128xf32, #tpu.memory_space<vmem>>
      %dma_start3A_1165 = tpu.memref_squeeze %dma_start3A_1164 : memref<1x128xf32, #tpu.memory_space<vmem>> -> memref<128xf32, #tpu.memory_space<vmem>>
      %dma_start3A_1166 = tpu.memref_slice %arg12[%add3A_874] : memref<16384xf32, #tpu.memory_space<hbm>> -> memref<128xf32, #tpu.memory_space<hbm>>
      %dma_start3A_1167 = tpu.memref_slice %arg12[%add3A_874] : memref<16384xf32, #tpu.memory_space<hbm>> -> memref<128xf32, #tpu.memory_space<hbm>>
      %dma_start3A_1168 = arith.constant 0 : i32
      %dma_start3A_1169 = tpu.memref_slice %arg22[%run_scoped3A_1125, %dma_start3A_1168] : memref<1x128xf32, #tpu.memory_space<vmem>> -> memref<1x128xf32, #tpu.memory_space<vmem>>
      %dma_start3A_1170 = tpu.memref_squeeze %dma_start3A_1169 : memref<1x128xf32, #tpu.memory_space<vmem>> -> memref<128xf32, #tpu.memory_space<vmem>>
      tpu.enqueue_dma source(%dma_start3A_1170 : memref<128xf32, #tpu.memory_space<vmem>>) target(%dma_start3A_1167 : memref<128xf32, #tpu.memory_space<hbm>>) target_semaphore(%run_scoped3A_1162 : memref<!tpu.dma_semaphore, #tpu.memory_space<semaphore_mem>>)
      %dma_wait3A_1171 = arith.constant 0 : i32
      %dma_wait3A_1172 = tpu.memref_slice %arg22[%run_scoped3A_1125, %dma_wait3A_1171] : memref<1x128xf32, #tpu.memory_space<vmem>> -> memref<1x128xf32, #tpu.memory_space<vmem>>
      %dma_wait3A_1173 = tpu.memref_squeeze %dma_wait3A_1172 : memref<1x128xf32, #tpu.memory_space<vmem>> -> memref<128xf32, #tpu.memory_space<vmem>>
      %dma_wait3A_1174 = tpu.memref_slice %arg12[%add3A_874] : memref<16384xf32, #tpu.memory_space<hbm>> -> memref<128xf32, #tpu.memory_space<hbm>>
      %dma_wait3A_1175 = tpu.memref_slice %arg12[%add3A_874] : memref<16384xf32, #tpu.memory_space<hbm>> -> memref<128xf32, #tpu.memory_space<hbm>>
      %dma_wait3A_1176 = arith.constant 0 : i32
      %dma_wait3A_1177 = tpu.memref_slice %arg22[%run_scoped3A_1125, %dma_wait3A_1176] : memref<1x128xf32, #tpu.memory_space<vmem>> -> memref<1x128xf32, #tpu.memory_space<vmem>>
      %dma_wait3A_1178 = tpu.memref_squeeze %dma_wait3A_1177 : memref<1x128xf32, #tpu.memory_space<vmem>> -> memref<128xf32, #tpu.memory_space<vmem>>
      tpu.wait_dma2 semaphore(%run_scoped3A_1162 : memref<!tpu.dma_semaphore, #tpu.memory_space<semaphore_mem>>) src(%dma_wait3A_1178 : memref<128xf32, #tpu.memory_space<vmem>>) dst(%dma_wait3A_1175 : memref<128xf32, #tpu.memory_space<hbm>>)
      tpu.yield
    }) : () -> ()
    %dma_wait3A_1126 = arith.constant 3 : i32
    %dma_wait3A_1127 = arith.constant 0 : i32
    %dma_wait3A_1128 = arith.constant 0 : i32
    %dma_wait3A_1129 = arith.constant 0 : i32
    %dma_wait3A_1130 = tpu.memref_slice %arg16[%dma_wait3A_1127, %dma_wait3A_1128, %dma_wait3A_1129] : memref<1x128x128xf32, #tpu.memory_space<vmem>> -> memref<1x128x128xf32, #tpu.memory_space<vmem>>
    %dma_wait3A_1131 = tpu.memref_squeeze %dma_wait3A_1130 : memref<1x128x128xf32, #tpu.memory_space<vmem>> -> memref<128x128xf32, #tpu.memory_space<vmem>>
    %dma_wait3A_1132 = arith.constant 0 : i32
    %dma_wait3A_1133 = tpu.memref_slice %arg14[%dma_wait3A_1126, %dma_wait3A_1132] : memref<4x128xi32, #tpu.memory_space<vmem>> -> memref<1x128xi32, #tpu.memory_space<vmem>>
    %dma_wait3A_1134 = tpu.memref_squeeze %dma_wait3A_1133 : memref<1x128xi32, #tpu.memory_space<vmem>> -> memref<128xi32, #tpu.memory_space<vmem>>
    %dma_wait3A_1135 = arith.constant 0 : i32
    %dma_wait3A_1136 = arith.constant 0 : i32
    %dma_wait3A_1137 = tpu.memref_slice %arg4[%dma_wait3A_1135, %dma_wait3A_1136] : memref<100000x128xf32, #tpu.memory_space<hbm>> -> memref<100000x128xf32, #tpu.memory_space<hbm>>
    tpu.wait_indirect_dma semaphore(%arg24 : memref<!tpu.dma_semaphore, #tpu.memory_space<semaphore_mem>>) src(%dma_wait3A_1137 : memref<100000x128xf32, #tpu.memory_space<hbm>>) dst(%dma_wait3A_1131 : memref<128x128xf32, #tpu.memory_space<vmem>>)
    %dma_wait3A_1138 = arith.constant 3 : i32
    %dma_wait3A_1139 = arith.constant 0 : i32
    %dma_wait3A_1140 = arith.constant 0 : i32
    %dma_wait3A_1141 = arith.constant 0 : i32
    %dma_wait3A_1142 = tpu.memref_slice %arg17[%dma_wait3A_1139, %dma_wait3A_1140, %dma_wait3A_1141] : memref<1x128x128xf32, #tpu.memory_space<vmem>> -> memref<1x128x128xf32, #tpu.memory_space<vmem>>
    %dma_wait3A_1143 = tpu.memref_squeeze %dma_wait3A_1142 : memref<1x128x128xf32, #tpu.memory_space<vmem>> -> memref<128x128xf32, #tpu.memory_space<vmem>>
    %dma_wait3A_1144 = arith.constant 0 : i32
    %dma_wait3A_1145 = tpu.memref_slice %arg15[%dma_wait3A_1138, %dma_wait3A_1144] : memref<4x128xi32, #tpu.memory_space<vmem>> -> memref<1x128xi32, #tpu.memory_space<vmem>>
    %dma_wait3A_1146 = tpu.memref_squeeze %dma_wait3A_1145 : memref<1x128xi32, #tpu.memory_space<vmem>> -> memref<128xi32, #tpu.memory_space<vmem>>
    %dma_wait3A_1147 = arith.constant 0 : i32
    %dma_wait3A_1148 = arith.constant 0 : i32
    %dma_wait3A_1149 = tpu.memref_slice %arg5[%dma_wait3A_1147, %dma_wait3A_1148] : memref<100000x128xf32, #tpu.memory_space<hbm>> -> memref<100000x128xf32, #tpu.memory_space<hbm>>
    tpu.wait_indirect_dma semaphore(%arg25 : memref<!tpu.dma_semaphore, #tpu.memory_space<semaphore_mem>>) src(%dma_wait3A_1149 : memref<100000x128xf32, #tpu.memory_space<hbm>>) dst(%dma_wait3A_1143 : memref<128x128xf32, #tpu.memory_space<vmem>>)
    %scan3A_1150 = arith.constant 0 : i32
    %scan3A_1151 = arith.constant 128 : i32
    %scan3A_1152 = arith.addi %scan3A_1150, %scan3A_1151 : i32
    %scan3A_1153 = arith.constant 1 : i32
    %scan3A_1154:2 = scf.for %scan3A_1162 = %scan3A_1150 to %scan3A_1152 step %scan3A_1153 iter_args(%scan3A_1163 = %scan3A_871#0, %scan3A_1164 = %scan3A_871#1) -> (vector<16xf32>, vector<16xf32>)  : i32 {
      %get3A_1165 = arith.constant 0 : i32
      %get3A_1166 = arith.index_cast %get3A_1165 : i32 to index
      %get3A_1167 = arith.index_cast %scan3A_1162 : i32 to index
      %get3A_1168 = arith.constant 0 : index
      %get3A_1169 = tpu.vector_load %arg16[%get3A_1166, %get3A_1167, %get3A_1168] {strides = array<i32>} : memref<1x128x128xf32, #tpu.memory_space<vmem>>, vector<1x1x16xf32>,
      %get3A_1170 = vector.shape_cast %get3A_1169 : vector<1x1x16xf32> to vector<16xf32>
      %get3A_1171 = arith.constant 0 : i32
      %get3A_1172 = arith.index_cast %get3A_1171 : i32 to index
      %get3A_1173 = arith.index_cast %scan3A_1162 : i32 to index
      %get3A_1174 = arith.constant 0 : index
      %get3A_1175 = tpu.vector_load %arg17[%get3A_1172, %get3A_1173, %get3A_1174] {strides = array<i32>} : memref<1x128x128xf32, #tpu.memory_space<vmem>>, vector<1x1x16xf32>,
      %get3A_1176 = vector.shape_cast %get3A_1175 : vector<1x1x16xf32> to vector<16xf32>
      %mul3A_1177 = arith.mulf %get3A_1170, %get3A_1176 : vector<16xf32>
      %sub3A = arith.subf %mul3A_1177, %scan3A_1164 : vector<16xf32>
      %add3A_1178 = arith.addf %scan3A_1163, %sub3A : vector<16xf32>
      %sub3A_1179 = arith.subf %add3A_1178, %scan3A_1163 : vector<16xf32>
      %sub3A_1180 = arith.subf %sub3A_1179, %sub3A : vector<16xf32>
      %get3A_1181 = arith.constant 0 : i32
      %get3A_1182 = arith.index_cast %get3A_1181 : i32 to index
      %get3A_1183 = arith.index_cast %scan3A_1162 : i32 to index
      %get3A_1184 = arith.constant 16 : index
      %get3A_1185 = tpu.vector_load %arg16[%get3A_1182, %get3A_1183, %get3A_1184] {strides = array<i32>} : memref<1x128x128xf32, #tpu.memory_space<vmem>>, vector<1x1x16xf32>,
      %get3A_1186 = vector.shape_cast %get3A_1185 : vector<1x1x16xf32> to vector<16xf32>
      %get3A_1187 = arith.constant 0 : i32
      %get3A_1188 = arith.index_cast %get3A_1187 : i32 to index
      %get3A_1189 = arith.index_cast %scan3A_1162 : i32 to index
      %get3A_1190 = arith.constant 16 : index
      %get3A_1191 = tpu.vector_load %arg17[%get3A_1188, %get3A_1189, %get3A_1190] {strides = array<i32>} : memref<1x128x128xf32, #tpu.memory_space<vmem>>, vector<1x1x16xf32>,
      %get3A_1192 = vector.shape_cast %get3A_1191 : vector<1x1x16xf32> to vector<16xf32>
      %mul3A_1193 = arith.mulf %get3A_1186, %get3A_1192 : vector<16xf32>
      %sub3A_1194 = arith.subf %mul3A_1193, %sub3A_1180 : vector<16xf32>
      %add3A_1195 = arith.addf %add3A_1178, %sub3A_1194 : vector<16xf32>
      %sub3A_1196 = arith.subf %add3A_1195, %add3A_1178 : vector<16xf32>
      %sub3A_1197 = arith.subf %sub3A_1196, %sub3A_1194 : vector<16xf32>
      %get3A_1198 = arith.constant 0 : i32
      %get3A_1199 = arith.index_cast %get3A_1198 : i32 to index
      %get3A_1200 = arith.index_cast %scan3A_1162 : i32 to index
      %get3A_1201 = arith.constant 32 : index
      %get3A_1202 = tpu.vector_load %arg16[%get3A_1199, %get3A_1200, %get3A_1201] {strides = array<i32>} : memref<1x128x128xf32, #tpu.memory_space<vmem>>, vector<1x1x16xf32>,
      %get3A_1203 = vector.shape_cast %get3A_1202 : vector<1x1x16xf32> to vector<16xf32>
      %get3A_1204 = arith.constant 0 : i32
      %get3A_1205 = arith.index_cast %get3A_1204 : i32 to index
      %get3A_1206 = arith.index_cast %scan3A_1162 : i32 to index
      %get3A_1207 = arith.constant 32 : index
      %get3A_1208 = tpu.vector_load %arg17[%get3A_1205, %get3A_1206, %get3A_1207] {strides = array<i32>} : memref<1x128x128xf32, #tpu.memory_space<vmem>>, vector<1x1x16xf32>,
      %get3A_1209 = vector.shape_cast %get3A_1208 : vector<1x1x16xf32> to vector<16xf32>
      %mul3A_1210 = arith.mulf %get3A_1203, %get3A_1209 : vector<16xf32>
      %sub3A_1211 = arith.subf %mul3A_1210, %sub3A_1197 : vector<16xf32>
      %add3A_1212 = arith.addf %add3A_1195, %sub3A_1211 : vector<16xf32>
      %sub3A_1213 = arith.subf %add3A_1212, %add3A_1195 : vector<16xf32>
      %sub3A_1214 = arith.subf %sub3A_1213, %sub3A_1211 : vector<16xf32>
      %get3A_1215 = arith.constant 0 : i32
      %get3A_1216 = arith.index_cast %get3A_1215 : i32 to index
      %get3A_1217 = arith.index_cast %scan3A_1162 : i32 to index
      %get3A_1218 = arith.constant 48 : index
      %get3A_1219 = tpu.vector_load %arg16[%get3A_1216, %get3A_1217, %get3A_1218] {strides = array<i32>} : memref<1x128x128xf32, #tpu.memory_space<vmem>>, vector<1x1x16xf32>,
      %get3A_1220 = vector.shape_cast %get3A_1219 : vector<1x1x16xf32> to vector<16xf32>
      %get3A_1221 = arith.constant 0 : i32
      %get3A_1222 = arith.index_cast %get3A_1221 : i32 to index
      %get3A_1223 = arith.index_cast %scan3A_1162 : i32 to index
      %get3A_1224 = arith.constant 48 : index
      %get3A_1225 = tpu.vector_load %arg17[%get3A_1222, %get3A_1223, %get3A_1224] {strides = array<i32>} : memref<1x128x128xf32, #tpu.memory_space<vmem>>, vector<1x1x16xf32>,
      %get3A_1226 = vector.shape_cast %get3A_1225 : vector<1x1x16xf32> to vector<16xf32>
      %mul3A_1227 = arith.mulf %get3A_1220, %get3A_1226 : vector<16xf32>
      %sub3A_1228 = arith.subf %mul3A_1227, %sub3A_1214 : vector<16xf32>
      %add3A_1229 = arith.addf %add3A_1212, %sub3A_1228 : vector<16xf32>
      %sub3A_1230 = arith.subf %add3A_1229, %add3A_1212 : vector<16xf32>
      %sub3A_1231 = arith.subf %sub3A_1230, %sub3A_1228 : vector<16xf32>
      %get3A_1232 = arith.constant 0 : i32
      %get3A_1233 = arith.index_cast %get3A_1232 : i32 to index
      %get3A_1234 = arith.index_cast %scan3A_1162 : i32 to index
      %get3A_1235 = arith.constant 64 : index
      %get3A_1236 = tpu.vector_load %arg16[%get3A_1233, %get3A_1234, %get3A_1235] {strides = array<i32>} : memref<1x128x128xf32, #tpu.memory_space<vmem>>, vector<1x1x16xf32>,
      %get3A_1237 = vector.shape_cast %get3A_1236 : vector<1x1x16xf32> to vector<16xf32>
      %get3A_1238 = arith.constant 0 : i32
      %get3A_1239 = arith.index_cast %get3A_1238 : i32 to index
      %get3A_1240 = arith.index_cast %scan3A_1162 : i32 to index
      %get3A_1241 = arith.constant 64 : index
      %get3A_1242 = tpu.vector_load %arg17[%get3A_1239, %get3A_1240, %get3A_1241] {strides = array<i32>} : memref<1x128x128xf32, #tpu.memory_space<vmem>>, vector<1x1x16xf32>,
      %get3A_1243 = vector.shape_cast %get3A_1242 : vector<1x1x16xf32> to vector<16xf32>
      %mul3A_1244 = arith.mulf %get3A_1237, %get3A_1243 : vector<16xf32>
      %sub3A_1245 = arith.subf %mul3A_1244, %sub3A_1231 : vector<16xf32>
      %add3A_1246 = arith.addf %add3A_1229, %sub3A_1245 : vector<16xf32>
      %sub3A_1247 = arith.subf %add3A_1246, %add3A_1229 : vector<16xf32>
      %sub3A_1248 = arith.subf %sub3A_1247, %sub3A_1245 : vector<16xf32>
      %get3A_1249 = arith.constant 0 : i32
      %get3A_1250 = arith.index_cast %get3A_1249 : i32 to index
      %get3A_1251 = arith.index_cast %scan3A_1162 : i32 to index
      %get3A_1252 = arith.constant 80 : index
      %get3A_1253 = tpu.vector_load %arg16[%get3A_1250, %get3A_1251, %get3A_1252] {strides = array<i32>} : memref<1x128x128xf32, #tpu.memory_space<vmem>>, vector<1x1x16xf32>,
      %get3A_1254 = vector.shape_cast %get3A_1253 : vector<1x1x16xf32> to vector<16xf32>
      %get3A_1255 = arith.constant 0 : i32
      %get3A_1256 = arith.index_cast %get3A_1255 : i32 to index
      %get3A_1257 = arith.index_cast %scan3A_1162 : i32 to index
      %get3A_1258 = arith.constant 80 : index
      %get3A_1259 = tpu.vector_load %arg17[%get3A_1256, %get3A_1257, %get3A_1258] {strides = array<i32>} : memref<1x128x128xf32, #tpu.memory_space<vmem>>, vector<1x1x16xf32>,
      %get3A_1260 = vector.shape_cast %get3A_1259 : vector<1x1x16xf32> to vector<16xf32>
      %mul3A_1261 = arith.mulf %get3A_1254, %get3A_1260 : vector<16xf32>
      %sub3A_1262 = arith.subf %mul3A_1261, %sub3A_1248 : vector<16xf32>
      %add3A_1263 = arith.addf %add3A_1246, %sub3A_1262 : vector<16xf32>
      %sub3A_1264 = arith.subf %add3A_1263, %add3A_1246 : vector<16xf32>
      %sub3A_1265 = arith.subf %sub3A_1264, %sub3A_1262 : vector<16xf32>
      %get3A_1266 = arith.constant 0 : i32
      %get3A_1267 = arith.index_cast %get3A_1266 : i32 to index
      %get3A_1268 = arith.index_cast %scan3A_1162 : i32 to index
      %get3A_1269 = arith.constant 96 : index
      %get3A_1270 = tpu.vector_load %arg16[%get3A_1267, %get3A_1268, %get3A_1269] {strides = array<i32>} : memref<1x128x128xf32, #tpu.memory_space<vmem>>, vector<1x1x16xf32>,
      %get3A_1271 = vector.shape_cast %get3A_1270 : vector<1x1x16xf32> to vector<16xf32>
      %get3A_1272 = arith.constant 0 : i32
      %get3A_1273 = arith.index_cast %get3A_1272 : i32 to index
      %get3A_1274 = arith.index_cast %scan3A_1162 : i32 to index
      %get3A_1275 = arith.constant 96 : index
      %get3A_1276 = tpu.vector_load %arg17[%get3A_1273, %get3A_1274, %get3A_1275] {strides = array<i32>} : memref<1x128x128xf32, #tpu.memory_space<vmem>>, vector<1x1x16xf32>,
      %get3A_1277 = vector.shape_cast %get3A_1276 : vector<1x1x16xf32> to vector<16xf32>
      %mul3A_1278 = arith.mulf %get3A_1271, %get3A_1277 : vector<16xf32>
      %sub3A_1279 = arith.subf %mul3A_1278, %sub3A_1265 : vector<16xf32>
      %add3A_1280 = arith.addf %add3A_1263, %sub3A_1279 : vector<16xf32>
      %sub3A_1281 = arith.subf %add3A_1280, %add3A_1263 : vector<16xf32>
      %sub3A_1282 = arith.subf %sub3A_1281, %sub3A_1279 : vector<16xf32>
      %get3A_1283 = arith.constant 0 : i32
      %get3A_1284 = arith.index_cast %get3A_1283 : i32 to index
      %get3A_1285 = arith.index_cast %scan3A_1162 : i32 to index
      %get3A_1286 = arith.constant 112 : index
      %get3A_1287 = tpu.vector_load %arg16[%get3A_1284, %get3A_1285, %get3A_1286] {strides = array<i32>} : memref<1x128x128xf32, #tpu.memory_space<vmem>>, vector<1x1x16xf32>,
      %get3A_1288 = vector.shape_cast %get3A_1287 : vector<1x1x16xf32> to vector<16xf32>
      %get3A_1289 = arith.constant 0 : i32
      %get3A_1290 = arith.index_cast %get3A_1289 : i32 to index
      %get3A_1291 = arith.index_cast %scan3A_1162 : i32 to index
      %get3A_1292 = arith.constant 112 : index
      %get3A_1293 = tpu.vector_load %arg17[%get3A_1290, %get3A_1291, %get3A_1292] {strides = array<i32>} : memref<1x128x128xf32, #tpu.memory_space<vmem>>, vector<1x1x16xf32>,
      %get3A_1294 = vector.shape_cast %get3A_1293 : vector<1x1x16xf32> to vector<16xf32>
      %mul3A_1295 = arith.mulf %get3A_1288, %get3A_1294 : vector<16xf32>
      %sub3A_1296 = arith.subf %mul3A_1295, %sub3A_1282 : vector<16xf32>
      %add3A_1297 = arith.addf %add3A_1280, %sub3A_1296 : vector<16xf32>
      %sub3A_1298 = arith.subf %add3A_1297, %add3A_1280 : vector<16xf32>
      %sub3A_1299 = arith.subf %sub3A_1298, %sub3A_1296 : vector<16xf32>
      scf.yield %add3A_1297, %sub3A_1299 : vector<16xf32>, vector<16xf32>
    }
    %scan3A_1155 = arith.constant 128 : i32
    %swap3A_1156 = arith.constant 0 : index
    %swap3A_1157 = tpu.vector_load %arg23[%swap3A_1156] {strides = array<i32>} : memref<16xf32, #tpu.memory_space<vmem>>, vector<16xf32>,
    %swap3A_1158 = vector.shape_cast %swap3A_1157 : vector<16xf32> to vector<16xf32>
    %swap3A_1159 = vector.shape_cast %scan3A_1154#0 : vector<16xf32> to vector<16xf32>
    tpu.vector_store %arg23[%swap3A_1156], %swap3A_1159 {strides = array<i32>} : memref<16xf32, #tpu.memory_space<vmem>>, vector<16xf32>,
    %mul3A_1160 = arith.constant 16 : i32
    %mul3A_1161 = arith.muli %add3A, %mul3A_1160 : i32
    "tpu.region"() ({
      %run_scoped3A_1162 = tpu.sem_alloc : memref<!tpu.dma_semaphore, #tpu.memory_space<semaphore_mem>>
      %dma_start3A_1163 = tpu.memref_slice %arg13[%mul3A_1161] : memref<512xf32, #tpu.memory_space<hbm>> -> memref<16xf32, #tpu.memory_space<hbm>>
      %dma_start3A_1164 = tpu.memref_slice %arg13[%mul3A_1161] : memref<512xf32, #tpu.memory_space<hbm>> -> memref<16xf32, #tpu.memory_space<hbm>>
      tpu.enqueue_dma source(%arg23 : memref<16xf32, #tpu.memory_space<vmem>>) target(%dma_start3A_1164 : memref<16xf32, #tpu.memory_space<hbm>>) target_semaphore(%run_scoped3A_1162 : memref<!tpu.dma_semaphore, #tpu.memory_space<semaphore_mem>>)
      %dma_wait3A_1165 = tpu.memref_slice %arg13[%mul3A_1161] : memref<512xf32, #tpu.memory_space<hbm>> -> memref<16xf32, #tpu.memory_space<hbm>>
      %dma_wait3A_1166 = tpu.memref_slice %arg13[%mul3A_1161] : memref<512xf32, #tpu.memory_space<hbm>> -> memref<16xf32, #tpu.memory_space<hbm>>
      tpu.wait_dma2 semaphore(%run_scoped3A_1162 : memref<!tpu.dma_semaphore, #tpu.memory_space<semaphore_mem>>) src(%arg23 : memref<16xf32, #tpu.memory_space<vmem>>) dst(%dma_wait3A_1166 : memref<16xf32, #tpu.memory_space<hbm>>)
      tpu.yield
    }) : () -> ()
    return
  }
}

module attributes {stable_mosaic.version = 14 : i64} {
  func.func @_tc_body(%arg0: i32, %arg1: memref<4096x128xf32, #tpu.memory_space<vmem>>, %arg2: memref<4096x128xf32, #tpu.memory_space<vmem>>, %arg3: memref<4096xf32, #tpu.memory_space<vmem>>, %arg4: memref<1x512xf32, #tpu.memory_space<vmem>>, %arg5: memref<128x64xf32, #tpu.memory_space<vmem>>, %arg6: memref<128x64xf32, #tpu.memory_space<vmem>>, %arg7: memref<1x64xf32, #tpu.memory_space<vmem>>, %arg8: memref<1x64xf32, #tpu.memory_space<vmem>>, %arg9: memref<1x64xf32, #tpu.memory_space<vmem>>, %arg10: memref<1x64xf32, #tpu.memory_space<vmem>>, %arg11: memref<1x64xf32, #tpu.memory_space<vmem>>, %arg12: memref<64x32xf32, #tpu.memory_space<vmem>>, %arg13: memref<1x32xf32, #tpu.memory_space<vmem>>, %arg14: memref<1x32xf32, #tpu.memory_space<vmem>>, %arg15: memref<1x32xf32, #tpu.memory_space<vmem>>, %arg16: memref<1x32xf32, #tpu.memory_space<vmem>>, %arg17: memref<1x32xf32, #tpu.memory_space<vmem>>, %arg18: memref<33x1xf32, #tpu.memory_space<vmem>>, %arg19: memref<1x1xf32, #tpu.memory_space<vmem>>, %arg20: memref<4096x1xf32, #tpu.memory_space<vmem>>) attributes {dimension_semantics = [#tpu.dimension_semantics<arbitrary>], iteration_bounds = array<i64: 4>, scalar_prefetch = 0 : i64, scratch_operands = 0 : i64, tpu.core_type = #tpu.core_type<tc>, window_params = [{transform_indices = @transform_0, window_bounds = array<i64: 4096, 128>}, {transform_indices = @transform_1, window_bounds = array<i64: 4096, 128>}, {transform_indices = @transform_2, window_bounds = array<i64: 4096>}, {pipeline_mode = #tpu.pipeline_mode<synchronous>, transform_indices = @transform_3, window_bounds = array<i64: 1, 512>}, {transform_indices = @transform_4, window_bounds = array<i64: 128, 64>}, {transform_indices = @transform_5, window_bounds = array<i64: 128, 64>}, {pipeline_mode = #tpu.pipeline_mode<synchronous>, transform_indices = @transform_6, window_bounds = array<i64: 1, 64>}, {pipeline_mode = #tpu.pipeline_mode<synchronous>, transform_indices = @transform_7, window_bounds = array<i64: 1, 64>}, {pipeline_mode = #tpu.pipeline_mode<synchronous>, transform_indices = @transform_8, window_bounds = array<i64: 1, 64>}, {pipeline_mode = #tpu.pipeline_mode<synchronous>, transform_indices = @transform_9, window_bounds = array<i64: 1, 64>}, {pipeline_mode = #tpu.pipeline_mode<synchronous>, transform_indices = @transform_10, window_bounds = array<i64: 1, 64>}, {pipeline_mode = #tpu.pipeline_mode<synchronous>, transform_indices = @transform_11, window_bounds = array<i64: 64, 32>}, {pipeline_mode = #tpu.pipeline_mode<synchronous>, transform_indices = @transform_12, window_bounds = array<i64: 1, 32>}, {pipeline_mode = #tpu.pipeline_mode<synchronous>, transform_indices = @transform_13, window_bounds = array<i64: 1, 32>}, {pipeline_mode = #tpu.pipeline_mode<synchronous>, transform_indices = @transform_14, window_bounds = array<i64: 1, 32>}, {pipeline_mode = #tpu.pipeline_mode<synchronous>, transform_indices = @transform_15, window_bounds = array<i64: 1, 32>}, {pipeline_mode = #tpu.pipeline_mode<synchronous>, transform_indices = @transform_16, window_bounds = array<i64: 1, 32>}, {pipeline_mode = #tpu.pipeline_mode<synchronous>, transform_indices = @transform_17, window_bounds = array<i64: 33, 1>}, {pipeline_mode = #tpu.pipeline_mode<synchronous>, transform_indices = @transform_18, window_bounds = array<i64: 1, 1>}, {transform_indices = @transform_19, window_bounds = array<i64: 4096, 1>}]} {
    %get3A = arith.constant 0 : index
    %get3A_0 = arith.constant 0 : index
    %get3A_1 = vector.load %arg8[%get3A, %get3A_0] : memref<1x64xf32, #tpu.memory_space<vmem>>, vector<1x64xf32>
    %get3A_2 = arith.constant 0 : index
    %get3A_3 = arith.constant 0 : index
    %get3A_4 = vector.load %arg11[%get3A_2, %get3A_3] : memref<1x64xf32, #tpu.memory_space<vmem>>, vector<1x64xf32>
    %add3A = arith.constant 1.000000e-03 : f32
    %add3A_5 = vector.broadcast %add3A : f32 to vector<1x64xf32>
    %add3A_6 = arith.addf %get3A_4, %add3A_5 : vector<1x64xf32>
    %sqrt3A = math.sqrt %add3A_6 : vector<1x64xf32>
    %div3A = arith.divf %get3A_1, %sqrt3A : vector<1x64xf32>
    %get3A_7 = arith.constant 0 : index
    %get3A_8 = arith.constant 0 : index
    %get3A_9 = vector.load %arg9[%get3A_7, %get3A_8] : memref<1x64xf32, #tpu.memory_space<vmem>>, vector<1x64xf32>
    %get3A_10 = arith.constant 0 : index
    %get3A_11 = arith.constant 0 : index
    %get3A_12 = vector.load %arg10[%get3A_10, %get3A_11] : memref<1x64xf32, #tpu.memory_space<vmem>>, vector<1x64xf32>
    %mul3A = arith.mulf %get3A_12, %div3A : vector<1x64xf32>
    %sub3A = arith.subf %get3A_9, %mul3A : vector<1x64xf32>
    %get3A_13 = arith.constant 0 : index
    %get3A_14 = arith.constant 0 : index
    %get3A_15 = vector.load %arg14[%get3A_13, %get3A_14] : memref<1x32xf32, #tpu.memory_space<vmem>>, vector<1x32xf32>
    %get3A_16 = arith.constant 0 : index
    %get3A_17 = arith.constant 0 : index
    %get3A_18 = vector.load %arg17[%get3A_16, %get3A_17] : memref<1x32xf32, #tpu.memory_space<vmem>>, vector<1x32xf32>
    %add3A_19 = arith.constant 1.000000e-03 : f32
    %add3A_20 = vector.broadcast %add3A_19 : f32 to vector<1x32xf32>
    %add3A_21 = arith.addf %get3A_18, %add3A_20 : vector<1x32xf32>
    %sqrt3A_22 = math.sqrt %add3A_21 : vector<1x32xf32>
    %div3A_23 = arith.divf %get3A_15, %sqrt3A_22 : vector<1x32xf32>
    %get3A_24 = arith.constant 0 : index
    %get3A_25 = arith.constant 0 : index
    %get3A_26 = vector.load %arg15[%get3A_24, %get3A_25] : memref<1x32xf32, #tpu.memory_space<vmem>>, vector<1x32xf32>
    %get3A_27 = arith.constant 0 : index
    %get3A_28 = arith.constant 0 : index
    %get3A_29 = vector.load %arg16[%get3A_27, %get3A_28] : memref<1x32xf32, #tpu.memory_space<vmem>>, vector<1x32xf32>
    %mul3A_30 = arith.mulf %get3A_29, %div3A_23 : vector<1x32xf32>
    %sub3A_31 = arith.subf %get3A_26, %mul3A_30 : vector<1x32xf32>
    %get3A_32 = arith.constant 0 : index
    %get3A_33 = arith.constant 0 : index
    %get3A_34 = vector.load %arg1[%get3A_32, %get3A_33] : memref<4096x128xf32, #tpu.memory_space<vmem>>, vector<4096x128xf32>
    %get3A_35 = arith.constant 0 : index
    %get3A_36 = arith.constant 0 : index
    %get3A_37 = vector.load %arg5[%get3A_35, %get3A_36] : memref<128x64xf32, #tpu.memory_space<vmem>>, vector<128x64xf32>
    %dot_general3A = arith.constant dense<0.000000e+00> : vector<4096x64xf32>
    %dot_general3A_38 = tpu.matmul %get3A_34, %get3A_37, %dot_general3A {dimension_numbers = #tpu.dot_dimension_numbers<[1], [0], [0], [1], [0, 0, 1, 1], [], []>, transpose_lhs_hint = false} : vector<4096x128xf32>, vector<128x64xf32>, vector<4096x64xf32> -> vector<4096x64xf32>
    %get3A_39 = arith.constant 0 : index
    %get3A_40 = arith.constant 0 : index
    %get3A_41 = vector.load %arg2[%get3A_39, %get3A_40] : memref<4096x128xf32, #tpu.memory_space<vmem>>, vector<4096x128xf32>
    %get3A_42 = arith.constant 0 : index
    %get3A_43 = arith.constant 0 : index
    %get3A_44 = vector.load %arg6[%get3A_42, %get3A_43] : memref<128x64xf32, #tpu.memory_space<vmem>>, vector<128x64xf32>
    %dot_general3A_45 = arith.constant dense<0.000000e+00> : vector<4096x64xf32>
    %dot_general3A_46 = tpu.matmul %get3A_41, %get3A_44, %dot_general3A_45 {dimension_numbers = #tpu.dot_dimension_numbers<[1], [0], [0], [1], [0, 0, 1, 1], [], []>, transpose_lhs_hint = false} : vector<4096x128xf32>, vector<128x64xf32>, vector<4096x64xf32> -> vector<4096x64xf32>
    %add3A_47 = arith.addf %dot_general3A_38, %dot_general3A_46 : vector<4096x64xf32>
    %get3A_48 = arith.constant 0 : index
    %get3A_49 = arith.constant 0 : index
    %get3A_50 = vector.load %arg7[%get3A_48, %get3A_49] : memref<1x64xf32, #tpu.memory_space<vmem>>, vector<1x64xf32>
    %add3A_51 = vector.broadcast %get3A_50 : vector<1x64xf32> to vector<4096x64xf32>
    %add3A_52 = arith.addf %add3A_47, %add3A_51 : vector<4096x64xf32>
    %max3A = arith.constant 0.000000e+00 : f32
    %max3A_53 = vector.broadcast %max3A : f32 to vector<4096x64xf32>
    %max3A_54 = arith.maximumf %add3A_52, %max3A_53 : vector<4096x64xf32>
    %mul3A_55 = vector.broadcast %div3A : vector<1x64xf32> to vector<4096x64xf32>
    %mul3A_56 = arith.mulf %max3A_54, %mul3A_55 : vector<4096x64xf32>
    %add3A_57 = vector.broadcast %sub3A : vector<1x64xf32> to vector<4096x64xf32>
    %add3A_58 = arith.addf %mul3A_56, %add3A_57 : vector<4096x64xf32>
    %get3A_59 = arith.constant 0 : index
    %get3A_60 = arith.constant 0 : index
    %get3A_61 = vector.load %arg12[%get3A_59, %get3A_60] : memref<64x32xf32, #tpu.memory_space<vmem>>, vector<64x32xf32>
    %dot_general3A_62 = arith.constant dense<0.000000e+00> : vector<4096x32xf32>
    %dot_general3A_63 = tpu.matmul %add3A_58, %get3A_61, %dot_general3A_62 {dimension_numbers = #tpu.dot_dimension_numbers<[1], [0], [0], [1], [0, 0, 1, 1], [], []>, transpose_lhs_hint = false} : vector<4096x64xf32>, vector<64x32xf32>, vector<4096x32xf32> -> vector<4096x32xf32>
    %get3A_64 = arith.constant 0 : index
    %get3A_65 = arith.constant 0 : index
    %get3A_66 = vector.load %arg13[%get3A_64, %get3A_65] : memref<1x32xf32, #tpu.memory_space<vmem>>, vector<1x32xf32>
    %add3A_67 = vector.broadcast %get3A_66 : vector<1x32xf32> to vector<4096x32xf32>
    %add3A_68 = arith.addf %dot_general3A_63, %add3A_67 : vector<4096x32xf32>
    %max3A_69 = arith.constant 0.000000e+00 : f32
    %max3A_70 = vector.broadcast %max3A_69 : f32 to vector<4096x32xf32>
    %max3A_71 = arith.maximumf %add3A_68, %max3A_70 : vector<4096x32xf32>
    %mul3A_72 = vector.broadcast %div3A_23 : vector<1x32xf32> to vector<4096x32xf32>
    %mul3A_73 = arith.mulf %max3A_71, %mul3A_72 : vector<4096x32xf32>
    %add3A_74 = vector.broadcast %sub3A_31 : vector<1x32xf32> to vector<4096x32xf32>
    %add3A_75 = arith.addf %mul3A_73, %add3A_74 : vector<4096x32xf32>
    %get3A_76 = arith.constant 0 : index
    %get3A_77 = arith.constant 0 : index
    %get3A_78 = vector.load %arg4[%get3A_76, %get3A_77] : memref<1x512xf32, #tpu.memory_space<vmem>>, vector<1x512xf32>
    %reduce_sum3A = vector.shape_cast %get3A_78 : vector<1x512xf32> to vector<1x1x512xf32>
    %reduce_sum3A_79 = arith.constant dense<0.000000e+00> : vector<1xf32>
    %reduce_sum3A_80 = vector.multi_reduction <add>, %reduce_sum3A, %reduce_sum3A_79 [1, 2] : vector<1x1x512xf32> to vector<1xf32>
    %reduce_sum3A_81 = vector.shape_cast %reduce_sum3A_80 : vector<1xf32> to vector<1x1x1xf32>
    %reduce_sum3A_82 = vector.extract %reduce_sum3A_81[0, 0, 0] : f32 from vector<1x1x1xf32>
    %get3A_83 = arith.constant 0 : index
    %get3A_84 = vector.load %arg3[%get3A_83] : memref<4096xf32, #tpu.memory_space<vmem>>, vector<4096xf32>
    %reshape3A = vector.shape_cast %get3A_84 : vector<4096xf32> to vector<4096x1xf32>
    %add3A_85 = vector.broadcast %reduce_sum3A_82 : f32 to vector<4096x1xf32>
    %add3A_86 = arith.addf %add3A_85, %reshape3A : vector<4096x1xf32>
    %concatenate3A = tpu.concatenate %add3A_86, %add3A_75 in 1 : vector<4096x1xf32>, vector<4096x32xf32> -> vector<4096x33xf32>
    %get3A_87 = arith.constant 0 : index
    %get3A_88 = arith.constant 0 : index
    %get3A_89 = vector.load %arg18[%get3A_87, %get3A_88] : memref<33x1xf32, #tpu.memory_space<vmem>>, vector<33x1xf32>
    %dot_general3A_90 = arith.constant dense<0.000000e+00> : vector<4096x1xf32>
    %dot_general3A_91 = tpu.matmul %concatenate3A, %get3A_89, %dot_general3A_90 {dimension_numbers = #tpu.dot_dimension_numbers<[1], [0], [0], [1], [0, 0, 1, 1], [], []>, transpose_lhs_hint = false} : vector<4096x33xf32>, vector<33x1xf32>, vector<4096x1xf32> -> vector<4096x1xf32>
    %get3A_92 = arith.constant 0 : index
    %get3A_93 = arith.constant 0 : index
    %get3A_94 = vector.load %arg19[%get3A_92, %get3A_93] : memref<1x1xf32, #tpu.memory_space<vmem>>, vector<1x1xf32>
    %get3A_95 = vector.extract %get3A_94[0, 0] : f32 from vector<1x1xf32>
    %add3A_96 = vector.broadcast %get3A_95 : f32 to vector<4096x1xf32>
    %add3A_97 = arith.addf %dot_general3A_91, %add3A_96 : vector<4096x1xf32>
    %neg3A = arith.constant 0.000000e+00 : f32
    %neg3A_98 = vector.broadcast %neg3A : f32 to vector<4096x1xf32>
    %neg3A_99 = arith.subf %neg3A_98, %add3A_97 : vector<4096x1xf32>
    %exp3A = math.exp %neg3A_99 : vector<4096x1xf32>
    %add3A_100 = arith.constant 1.000000e+00 : f32
    %add3A_101 = vector.broadcast %add3A_100 : f32 to vector<4096x1xf32>
    %add3A_102 = arith.addf %add3A_101, %exp3A : vector<4096x1xf32>
    %div3A_103 = arith.constant 1.000000e+00 : f32
    %div3A_104 = vector.broadcast %div3A_103 : f32 to vector<4096x1xf32>
    %div3A_105 = arith.divf %div3A_104, %add3A_102 : vector<4096x1xf32>
    %swap3A = arith.constant 0 : index
    %swap3A_106 = arith.constant 0 : index
    %swap3A_107 = vector.load %arg20[%swap3A, %swap3A_106] : memref<4096x1xf32, #tpu.memory_space<vmem>>, vector<4096x1xf32>
    tpu.vector_store %arg20[%swap3A, %swap3A_106], %div3A_105 {strides = array<i32>} : memref<4096x1xf32, #tpu.memory_space<vmem>>, vector<4096x1xf32>,
    return
  }
  func.func @transform_0(%arg0: i32) -> (i32, i32) {
    %c0_i32 = arith.constant 0 : i32
    %c0_i32_0 = arith.constant 0 : i32
    return %arg0, %c0_i32 : i32, i32
  }
  func.func @transform_1(%arg0: i32) -> (i32, i32) {
    %c0_i32 = arith.constant 0 : i32
    %c0_i32_0 = arith.constant 0 : i32
    return %arg0, %c0_i32 : i32, i32
  }
  func.func @transform_2(%arg0: i32) -> i32 {
    %c0_i32 = arith.constant 0 : i32
    return %arg0 : i32
  }
  func.func @transform_3(%arg0: i32) -> (i32, i32) {
    %c0_i32 = arith.constant 0 : i32
    %c0_i32_0 = arith.constant 0 : i32
    %c0_i32_1 = arith.constant 0 : i32
    return %c0_i32, %c0_i32_0 : i32, i32
  }
  func.func @transform_4(%arg0: i32) -> (i32, i32) {
    %c0_i32 = arith.constant 0 : i32
    %c0_i32_0 = arith.constant 0 : i32
    %c0_i32_1 = arith.constant 0 : i32
    return %c0_i32, %c0_i32_0 : i32, i32
  }
  func.func @transform_5(%arg0: i32) -> (i32, i32) {
    %c1_i32 = arith.constant 1 : i32
    %c0_i32 = arith.constant 0 : i32
    %c0_i32_0 = arith.constant 0 : i32
    return %c1_i32, %c0_i32 : i32, i32
  }
  func.func @transform_6(%arg0: i32) -> (i32, i32) {
    %c0_i32 = arith.constant 0 : i32
    %c0_i32_0 = arith.constant 0 : i32
    %c0_i32_1 = arith.constant 0 : i32
    return %c0_i32, %c0_i32_0 : i32, i32
  }
  func.func @transform_7(%arg0: i32) -> (i32, i32) {
    %c0_i32 = arith.constant 0 : i32
    %c0_i32_0 = arith.constant 0 : i32
    %c0_i32_1 = arith.constant 0 : i32
    return %c0_i32, %c0_i32_0 : i32, i32
  }
  func.func @transform_8(%arg0: i32) -> (i32, i32) {
    %c0_i32 = arith.constant 0 : i32
    %c0_i32_0 = arith.constant 0 : i32
    %c0_i32_1 = arith.constant 0 : i32
    return %c0_i32, %c0_i32_0 : i32, i32
  }
  func.func @transform_9(%arg0: i32) -> (i32, i32) {
    %c0_i32 = arith.constant 0 : i32
    %c0_i32_0 = arith.constant 0 : i32
    %c0_i32_1 = arith.constant 0 : i32
    return %c0_i32, %c0_i32_0 : i32, i32
  }
  func.func @transform_10(%arg0: i32) -> (i32, i32) {
    %c0_i32 = arith.constant 0 : i32
    %c0_i32_0 = arith.constant 0 : i32
    %c0_i32_1 = arith.constant 0 : i32
    return %c0_i32, %c0_i32_0 : i32, i32
  }
  func.func @transform_11(%arg0: i32) -> (i32, i32) {
    %c0_i32 = arith.constant 0 : i32
    %c0_i32_0 = arith.constant 0 : i32
    %c0_i32_1 = arith.constant 0 : i32
    return %c0_i32, %c0_i32_0 : i32, i32
  }
  func.func @transform_12(%arg0: i32) -> (i32, i32) {
    %c0_i32 = arith.constant 0 : i32
    %c0_i32_0 = arith.constant 0 : i32
    %c0_i32_1 = arith.constant 0 : i32
    return %c0_i32, %c0_i32_0 : i32, i32
  }
  func.func @transform_13(%arg0: i32) -> (i32, i32) {
    %c0_i32 = arith.constant 0 : i32
    %c0_i32_0 = arith.constant 0 : i32
    %c0_i32_1 = arith.constant 0 : i32
    return %c0_i32, %c0_i32_0 : i32, i32
  }
  func.func @transform_14(%arg0: i32) -> (i32, i32) {
    %c0_i32 = arith.constant 0 : i32
    %c0_i32_0 = arith.constant 0 : i32
    %c0_i32_1 = arith.constant 0 : i32
    return %c0_i32, %c0_i32_0 : i32, i32
  }
  func.func @transform_15(%arg0: i32) -> (i32, i32) {
    %c0_i32 = arith.constant 0 : i32
    %c0_i32_0 = arith.constant 0 : i32
    %c0_i32_1 = arith.constant 0 : i32
    return %c0_i32, %c0_i32_0 : i32, i32
  }
  func.func @transform_16(%arg0: i32) -> (i32, i32) {
    %c0_i32 = arith.constant 0 : i32
    %c0_i32_0 = arith.constant 0 : i32
    %c0_i32_1 = arith.constant 0 : i32
    return %c0_i32, %c0_i32_0 : i32, i32
  }
  func.func @transform_17(%arg0: i32) -> (i32, i32) {
    %c0_i32 = arith.constant 0 : i32
    %c0_i32_0 = arith.constant 0 : i32
    %c0_i32_1 = arith.constant 0 : i32
    return %c0_i32, %c0_i32_0 : i32, i32
  }
  func.func @transform_18(%arg0: i32) -> (i32, i32) {
    %c0_i32 = arith.constant 0 : i32
    %c0_i32_0 = arith.constant 0 : i32
    %c0_i32_1 = arith.constant 0 : i32
    return %c0_i32, %c0_i32_0 : i32, i32
  }
  func.func @transform_19(%arg0: i32) -> (i32, i32) {
    %c0_i32 = arith.constant 0 : i32
    %c0_i32_0 = arith.constant 0 : i32
    return %arg0, %c0_i32 : i32, i32
  }
}

</mosaic_0001>

<sc_bundles>
// kernel: kernel.4.cloned.1.call-start
scs
__scs_entry_jumppad:
0x0: {  	(pc) =	sbr.rel $0x88, $3  }
0x1: {  	(tag) =	ssettag $0x0;
	lr =	simm.s32 $0x1  }
0x2: {  	[smem:$0x3F8C] =	sst lr;
	_ =	strace $0xD0000000  }
0x3: {  	_ = 	snop  }
0x4: {  	_ = 	snop  }
0x5: {  	_ = 	snop  }
0x6: {  	_ = 	snop  }
0x7: {  	_ = 	snop  }
__scs_overlays_trampoline_lowered:
0x8: {  	[smem:$0x3F9B] =	sst s0  }
0x9: {  	[smem:$0x3F9C] =	sst s1  }
0xa: {  	[smem:$0x3F9D] =	sst s2  }
0xb: {  	[smem:$0x3F9E] =	sst s3  }
0xc: {  	[smem:$0x3F9F] =	sst s4  }
0xd: {  	[smem:$0x3FA0] =	sst s5  }
0xe: {  	[smem:$0x3FA1] =	sst s6  }
0xf: {  	[smem:$0x3FA2] =	sst s7  }
0x10: {  	[smem:$0x3FA3] =	sst s8  }
0x11: {  	[smem:$0x3FA4] =	sst s9;
	s0 =	simm.s32 @!p0 $0x0  }
0x12: {  	s1 =	sld [smem:$0x3F8A];
	s0 =	simm.s32 @p0 $0x1  }
0x13: {  	[smem:$0x3FA5] =	sst s0;
	s0 =	simm.s32 @!p1 $0x0  }
0x14: {  	s2 =	sld [smem:$0x3F89];
	s0 =	simm.s32 @p1 $0x1  }
0x15: {  	[smem:$0x3FA6] =	sst s0;
	s0 =	simm.s32 @!p2 $0x0  }
0x16: {  	s3 =	sld [smem:$0x3FDB];
	s0 =	simm.s32 @p2 $0x1  }
0x17: {  	s4 =	simm.s32 $0x1BF5;
	[smem:$0x3FA8] =	sst s0  }
0x18: {  	s0 =	sld [smem:$0x3F8B];
	_ =	swait.ge [sflag:s4], $0x0  }
0x19: {  	s7 =	sld [smem:$0x3F8C]  }
0x1a: {  	s8 =	sadd.s32 $0xFFFFE003, lr  }
0x1b: {  	s9 =	sadd.s32 $0xFFFFFEF7, lr;
	s5 =	simm.s32 $0xFFFFFFFF;
	p2 =	slt.u32 s8, $0xFFFFF086  }
0x1c: {  	p1 =	slt.u32 s9, $0xF7A;
	s5 =	simm.s32 @!p2 $0x0  }
0x1d: {  	s5 =	simm.s32 @p1 $0x1;
	p0 =	seq.s32 s7, s2  }
0x1e: {  	s7 =	smul.u32 @!p0 $0xF7A, s2;
	p2 =	seq.s32 @!p0 s5, $0x0  }
0x1f: {  	s9 =	smul.u32 $0xF7A, s1;
	s8 =	simm.s32 @!p0 $0x1BF5;
	p2 =	por !p2, p0  }
0x20: {  	[sflag:s8] =	ssyncset.s32 @!p0 $0xFFFFF086;
	s6 =	sadd.s32 @!p0 s3, s7;
	s7 =	simm.s32 @!p0 $0x108  }
0x21: {  	s3 =	sadd.s32 s3, s9;
	s6 =	sadd.s32 @!p0 $0x88, s6;
	s7 =	simm.s32 @p2 $0x1082  }
0x22: {  	[simem:s7], [sflag:s8] =	dma.local @!p0 [hbm:s6], $0xF7A  }
0x23: {  	s9 =	sor.u32 $0xD0000000, s2;
	s6 =	simm.s32 $0x108;
	_ =	swait.ge @!p0 [sflag:s8], $0x0  }
0x24: {  	s3 =	sadd.s32 $0x88, s3;
	s6 =	simm.s32 @!p1 $0x1082;
	[sflag:s4] =	ssyncset.s32 $0xFFFFF086  }
0x25: {  	[simem:s6], [sflag:s4] =	dma.local [hbm:s3], $0xF7A  }
0x26: {  	[smem:$0x3F8C] =	sst s1;
	(tag) =	ssettag s2;
	_ =	strace s9  }
0x27: {  	s1 =	sld [smem:$0x3F9C]  }
0x28: {  	s2 =	sld [smem:$0x3F9D]  }
0x29: {  	s4 =	sld [smem:$0x3F9F]  }
0x2a: {  	p0 =	seq.s32 s5, $0x0;
	s5 =	sld [smem:$0x3FA0]  }
0x2b: {  	s6 =	sld [smem:$0x3FA1]  }
0x2c: {  	s7 =	sld [smem:$0x3FA2]  }
0x2d: {  	s3 =	simm.s32 $0x108;
	s8 =	sld [smem:$0x3FA3]  }
0x2e: {  	s3 =	simm.s32 @!p0 $0x1082;
	s9 =	sld [smem:$0x3FA4]  }
0x2f: {  	lr =	sadd.s32 s0, s3;
	s0 =	sld [smem:$0x3F9B]  }
0x30: {  	s3 =	sld [smem:$0x3F9E]  }
0x31: {  	[smem:$0x3FA7] =	sst s10  }
0x32: {  	s10 =	sld [smem:$0x3FA5];
	_ =	sdelay $0x3  }
0x33: {  	p0 =	seq.s32 s10, $0x1;
	s10 =	sld [smem:$0x3FA7];
	_ =	sdelay $0x3  }
0x34: {  	[smem:$0x3FA7] =	sst s10  }
0x35: {  	s10 =	sld [smem:$0x3FA6];
	_ =	sdelay $0x3  }
0x36: {  	p1 =	seq.s32 s10, $0x1;
	s10 =	sld [smem:$0x3FA7];
	_ =	sdelay $0x3  }
0x37: {  	[smem:$0x3FA7] =	sst s10  }
0x38: {  	s10 =	sld [smem:$0x3FA8]  }
0x39: {  	_ = 	snop;
	(pc) =	sbr.ind lr, $3  }
0x3a: {  	_ = 	snop  }
0x3b: {  	_ = 	snop  }
0x3c: {  	p2 =	seq.s32 s10, $0x1;
	s10 =	sld [smem:$0x3FA7]  }
0x3d: {  	_ =	shalt  }
0x3e: {  	_ =	shalt  }
0x3f: {  	_ =	shalt  }
0x40: {  	_ =	shalt  }
0x41: {  	_ =	shalt  }
0x42: {  	_ =	shalt  }
0x43: {  	_ =	shalt  }
0x44: {  	_ =	shalt  }
0x45: {  	_ =	shalt  }
0x46: {  	_ =	shalt  }
0x47: {  	_ =	shalt  }
0x48: {  	_ =	shalt  }
0x49: {  	_ =	shalt  }
0x4a: {  	_ =	shalt  }
0x4b: {  	_ =	shalt  }
0x4c: {  	_ =	shalt  }
0x4d: {  	_ =	shalt  }
0x4e: {  	_ =	shalt  }
0x4f: {  	_ =	shalt  }
0x50: {  	_ =	shalt  }
0x51: {  	_ =	shalt  }
0x52: {  	_ =	shalt  }
0x53: {  	_ =	shalt  }
0x54: {  	_ =	shalt  }
0x55: {  	_ =	shalt  }
0x56: {  	_ =	shalt  }
0x57: {  	_ =	shalt  }
0x58: {  	_ =	shalt  }
0x59: {  	_ =	shalt  }
0x5a: {  	_ =	shalt  }
0x5b: {  	_ =	shalt  }
0x5c: {  	_ =	shalt  }
0x5d: {  	_ =	shalt  }
0x5e: {  	_ =	shalt  }
0x5f: {  	_ =	shalt  }
0x60: {  	_ =	shalt  }
0x61: {  	_ =	shalt  }
0x62: {  	_ =	shalt  }
0x63: {  	_ =	shalt  }
0x64: {  	_ =	shalt  }
0x65: {  	_ =	shalt  }
0x66: {  	_ =	shalt  }
0x67: {  	_ =	shalt  }
0x68: {  	_ =	shalt  }
0x69: {  	_ =	shalt  }
0x6a: {  	_ =	shalt  }
0x6b: {  	_ =	shalt  }
0x6c: {  	_ =	shalt  }
0x6d: {  	_ =	shalt  }
0x6e: {  	_ =	shalt  }
0x6f: {  	_ =	shalt  }
0x70: {  	_ =	shalt  }
0x71: {  	_ =	shalt  }
0x72: {  	_ =	shalt  }
0x73: {  	_ =	shalt  }
0x74: {  	_ =	shalt  }
0x75: {  	_ =	shalt  }
0x76: {  	_ =	shalt  }
0x77: {  	_ =	shalt  }
0x78: {  	_ =	shalt  }
0x79: {  	_ =	shalt  }
0x7a: {  	_ =	shalt  }
0x7b: {  	_ =	shalt  }
0x7c: {  	_ =	shalt  }
0x7d: {  	_ =	shalt  }
0x7e: {  	_ =	shalt  }
0x7f: {  	_ =	shalt  }
0x80: {  	_ =	shalt  }
0x81: {  	_ =	shalt  }
0x82: {  	_ =	shalt  }
0x83: {  	_ =	shalt  }
0x84: {  	_ =	shalt  }
0x85: {  	_ =	shalt  }
0x86: {  	_ =	shalt  }
0x87: {  	_ =	shalt  }
.Lfunc_end0:
.L_simem_size_0:
called_computation_lowered:
.L_overlay_start_0:
0x88: {  	s2 =	sld [smem:$0x3FD9]  }
0x89: {  	s3 =	sld [smem:$0x3FFE];
	_ =	sdelay $0x1  }
0x8a: {  	s1 =	srdreg.scid  }
0x8b: {  	s0 =	sand.u32 $0x1, s1  }
0x8c: {  	s17 =	sshll.u32 s0, $0xA;
	s2 =	sadd.s32 s3, s2  }
0x8d: {  	s2 =	sadd.s32 s2, s17  }
0x8e: {  	[smem:$0x3FB3] =	sst s2  }
0x8f: {  	_ = 	snop  }
0x90: {  	s2 =	sld [smem:$0x3FC8]  }
0x91: {  	s18 =	sld [smem:$0x3FC6]  }
0x92: {  	s4 =	sld [smem:$0x3FC4]  }
0x93: {  	s5 =	sld [smem:$0x3FC3]  }
0x94: {  	s6 =	sld [smem:$0x3FD0];
	(tm) =	ssettm $0x1  }
0x95: {  	s7 =	sld [smem:$0x3FFB];
	_ =	sdelay $0x3  }
0x96: {  	_ =	strace s7  }
0x97: {  	s7 =	sld [smem:$0x3FFC];
	_ =	sdelay $0x3  }
0x98: {  	_ =	strace s7  }
0x99: {  	s7 =	sld [smem:$0x3FFD];
	_ =	sdelay $0x3  }
0x9a: {  	_ =	strace s7  }
0x9b: {  	_ =	strace $0x8FFFFFFF  }
0x9c: {  	s19 =	sld [smem:$0x3FDB];
	_ =	sdelay $0x1  }
0x9d: {  	s8 =	simm.s32 $_scs_section_size  }
0x9e: {  	s9 =	simm.s32 $_size__tile_overlayer_lowered;
	s10 =	simm.s32 $_tile_overlayer_lowered  }
0x9f: {  	s22 =	simm.s32 $0x1BFF;
	s21 =	sshll.u32 s10, $0x1;
	s7 =	sadd.s32 s8, s19  }
0xa0: {  	s11 =	simm.s32 $0x0;
	s20 =	sshll.u32 s9, $0x1;
	s9 =	sadd.s32 s21, s7  }
0xa1: {  	[timem:s11], [sflag:s22] =	dma.local [hbm:s9], s20  }
0xa2: {  	_ =	swait.ge [sflag:s22], s20  }
0xa3: {  	s8 =	ssub.s32 $0x0, s20;
	[sflag:s22] =	ssyncset.done $0x0  }
0xa4: {  	[sflag:s22] =	ssyncadd.s32 s8;
	_ =	sdelay $0x1  }
0xa5: {  	s23 =	simm.s32 $0x1B8B  }
0xa6: {  	_ =	swait.ge [sflag:s23], $0x1  }
0xa7: {  	[sflag:s23] =	ssyncset.done $0x0  }
0xa8: {  	s25 =	simm.s32 $0x1B8E;
	s24 =	sld [smem:$0x3FFE];
	[sflag:s23] =	ssyncadd.s32 $0xFFFFFFFF  }
0xa9: {  	s26 =	simm.s32 $execute0_lowered;
	[smem:$0x3FD2] =	sst s25  }
0xaa: {  	s9 =	sshll.u32 s26, $0x1;
	_ =	strace $0x80000046;
	[dreg:$0x1] =	wrdreg $0xFFFFFFFF  }
0xab: {  	s28 =	simm.s32 $_size_execute0_lowered;
	s7 =	sadd.s32 s7, s9;
	[dreg:$0x0] =	wrdreg $0x0  }
0xac: {  	s9 =	sshll.u32 s28, $0x1;
	[dreg:$0x2] =	wrdreg s7  }
0xad: {  	[dreg:$0x3] =	wrdreg s9  }
0xae: {  	[dreg:$0x4] =	wrdreg $0xC0  }
0xaf: {  	_ =	task [dreg:s11], $0x5FFFF  }
0xb0: {  	[dreg:$0x1] =	wrdreg $0xFFFFFFFF  }
0xb1: {  	[dreg:$0x0] =	wrdreg $0x60  }
0xb2: {  	[dreg:$0x2] =	wrdreg s24  }
0xb3: {  	[dreg:$0x3] =	wrdreg s6  }
0xb4: {  	[dreg:$0x4] =	wrdreg s2  }
0xb5: {  	[dreg:$0x5] =	wrdreg s18  }
0xb6: {  	[dreg:$0x6] =	wrdreg s4  }
0xb7: {  	[dreg:$0x7] =	wrdreg s5  }
0xb8: {  	[dreg:$0x8] =	wrdreg $0x9  }
0xb9: {  	_ =	task.clear_ibuf [dreg:s11], $0x9FFFF;
	_ =	strace $0x90000046  }
0xba: {  	s29 =	simm.s32 $0x9;
	_ =	strace $0x80000048  }
0xbb: {  	_ =	swait.ge [sflag:s29], $0x1  }
0xbc: {  	[sflag:s29] =	ssyncadd.s32 $0xFFFFFFFF  }
0xbd: {  	_ =	strace $0x90000048  }
0xbe: {  	_ =	sfence  }
0xbf: {  	s30 =	sld [smem:$0x0];
	_ =	sdelay $0x2  }
0xc0: {  	s31 =	sshll.u32 s1, $0xD;
	s1 =	sshrl.u32 s1, $0x2  }
0xc1: {  	s3 =	sand.u32 $0x4000, s31;
	s1 =	sadd.s32 s1, s30  }
0xc2: {  	s0 =	sor.u32 s3, s0;
	s1 =	sshll.u32 s1, $0x11  }
0xc3: {  	s0 =	sor.u32 s1, s0  }
0xc4: {  	s0 =	sadd.s32 $0x8F2B, s0  }
0xc5: {  	[sflag:s0] =	ssyncadd.remote.s32 $0x1  }
0xc6: {  	_ =	sfence.sel $0xFFFF  }
0xc7: {  	[dreg:$0x0] =	wrdreg $0xFFFFFFFF;
	(pc) =	sbr.abs _section_cstart, $3  }
0xc8: {  	[dreg:$0x1] =	wrdreg $0xFFFFFFFF  }
0xc9: {  	_ =	task.clear_ibuf [dreg:s11], $0x2FFFF;
	_ =	strace $0x9FFFFFFF  }
0xca: {  	(tm) =	ssettm $0x7FFFFFFF  }
0xcb: {  	_ =	shalt  }
tec
execute0_lowered:
.L_overlay_start_1:
0x0: {  	(tag) =	ssettag $0x1  }
0x1: {  	s4 =	rddreg [dreg:$0x0]  }
0x2: {  	s5 =	rddreg [dreg:$0x1]  }
0x3: {  	s0 =	rddreg [dreg:$0x2]  }
0x4: {  	s1 =	rddreg [dreg:$0x3]  }
0x5: {  	s2 =	rddreg [dreg:$0x4]  }
0x6: {  	s3 =	simm.s32 $0x0;
	s8 =	srdreg.scid;
	s23 =	rddreg [dreg:$0x5]  }
0x7: {  	s10 =	stileid.u32;
	[smem:$0x7FF] =	sst s3  }
0x8: {  	s6 =	sadd.s32 $0x2000, s4;
	s7 =	sadd.s32 $0x8C00, s4;
	s9 =	sadd.s32 $0x49600, s4  }
0x9: {  	s8 =	sand.u32 $0x1, s8;
	s10 =	sshll.u32 s10, $0x1;
	s11 =	sadd.s32 $0x48C00, s4  }
0xa: {  	s28 =	sadd.s32 $0x2800, s4;
	s29 =	sadd.s32 $0x5A00, s4;
	s10 =	sor.u32 s8, s10  }
0xb: {  	s12 =	sshll.u32 s10, $0x1;
	s14 =	sshll.u32 s10, $0x9;
	s21 =	sshll.u32 s10, $0x6  }
0xc: {  	s10 =	sshll.u32 s10, $0xD;
	s15 =	sor.u32 $0x80, s14;
	s16 =	sadd.s32 s6, s21  }
0xd: {  	s17 =	sor.u32 $0x100, s14;
	s20 =	sadd.s32 s7, s10;
	[dreg:$0x7] =	wrdreg s16  }
0xe: {  	s10 =	sadd.s32 s9, s10;
	s22 =	sshrl.u32 s15, $0x3;
	[dreg:$0x9] =	wrdreg s20  }
0xf: {  	s15 =	sshll.u32 s15, $0x4;
	[dreg:$0xa] =	wrdreg s10;
	s18 =	sadd.s32 s6, s22  }
0x10: {  	s14 =	sor.u32 $0x180, s14;
	s25 =	sadd.s32 s7, s15;
	[dreg:$0x8] =	wrdreg s18  }
0x11: {  	s30 =	sshll.u32 s17, $0x4;
	s26 =	sadd.s32 s9, s15;
	[dreg:$0xb] =	wrdreg s25  }
0x12: {  	s19 =	sshrl.u32 s14, $0x3;
	s31 =	sadd.s32 s7, s30;
	[dreg:$0xc] =	wrdreg s26  }
0x13: {  	s14 =	sshll.u32 s14, $0x4;
	s10 =	sadd.s32 s9, s30;
	[dreg:$0xd] =	wrdreg s31  }
0x14: {  	s8 =	ssub.s32 $0x2, s8;
	s7 =	sadd.s32 s7, s14;
	[dreg:$0xe] =	wrdreg s10  }
0x15: {  	s13 =	sshrl.u32 s8, $0x1;
	s15 =	sadd.s32 s5, s21;
	[dreg:$0xf] =	wrdreg s7  }
0x16: {  	s24 =	sshrl.u32 s17, $0x3;
	s17 =	sadd.s32 s5, s22;
	[dreg:$0x13] =	wrdreg s15  }
0x17: {  	s8 =	ssub.s32 s8, s13;
	s20 =	sadd.s32 s5, s24;
	[dreg:$0x14] =	wrdreg s17  }
0x18: {  	s13 =	simm.s32 $0x400;
	s5 =	sadd.s32 s5, s19;
	[dreg:$0x15] =	wrdreg s20  }
0x19: {  	s16 =	simm.s32 $0x10480;
	s21 =	sadd.s32 s11, s21;
	[dreg:$0x16] =	wrdreg s5  }
0x1a: {  	s22 =	sadd.s32 s11, s22;
	s10 =	sadd.s32 s9, s14;
	[dreg:$0x17] =	wrdreg s21  }
0x1b: {  	s14 =	sadd.s32 s6, s24;
	s6 =	sadd.s32 s6, s19;
	[dreg:$0x18] =	wrdreg s22  }
0x1c: {  	s24 =	sadd.s32 s11, s24;
	s25 =	sadd.s32 s11, s19;
	s26 =	sadd.s32 s12, s4  }
0x1d: {  	s31 =	smax.u32 s8, $0x1;
	s19 =	simm.s32 $0x7;
	s4 =	simm.s32 $0x200  }
0x1e: {  	s5 =	simm.s32 $0x80;
	s7 =	simm.s32 $0x100;
	s8 =	simm.s32 $0x300  }
0x1f: {  	s9 =	simm.s32 $0x180;
	s11 =	simm.s32 $0x8400;
	[dreg:$0x10] =	wrdreg s10  }
0x20: {  	s12 =	simm.s32 $0xC400;
	s15 =	simm.s32 $0x10400;
	[dreg:$0x11] =	wrdreg s14  }
0x21: {  	s17 =	simm.s32 $0x3;
	s18 =	simm.s32 $0x4;
	[dreg:$0x12] =	wrdreg s6  }
0x22: {  	s20 =	simm.s32 $0x5;
	s21 =	simm.s32 $0x6;
	[dreg:$0x19] =	wrdreg s24  }
0x23: {  	s22 =	simm.s32 $0x10500;
	[dreg:$0x1a] =	wrdreg s25;
	s30 =	sadd.s32 $0x49400, s26  }
0x24: {  	s6 =	simm.s32 $0x280;
	s10 =	simm.s32 $0x380;
	s14 =	simm.s32 $0x4400  }
0x25: {  	s24 =	simm.s32 $0x1;
	_ =	strace $0x80000047;
	[dreg:$0x1b] =	wrdreg s30  }
0x26: {  	s25 =	simm.s32 $0x2;
	s26 =	simm.s32 $0x0;
	[dreg:$0x1c] =	wrdreg s31  }
.LBB2_1:
0x27: {  	s30 =	rddreg [dreg:$0x7]  }
0x28: {  	[tilespmem:s3], [sflag:$0x7] =	stream.linear.gather [hbm4b:s30+s3], $0x80, $0x38;
	[tilespmem:$0x10600] =	vst v63  }
0x29: {  	_ =	swait.ge [sflag:s19], $0x80  }
0x2a: {  	[sflag:s19] =	ssyncset.done $0x0  }
0x2b: {  	s30 =	rddreg [dreg:$0x13];
	[sflag:s19] =	ssyncadd.s32 $0xFFFFFF80  }
0x2c: {  	[tilespmem:s4], [sflag:$0x7] =	stream.linear.gather [hbm4b:s30+s3], $0x80, $0x38;
	[tilespmem:$0x10600] =	vst v63  }
0x2d: {  	_ =	swait.ge [sflag:s19], $0x80  }
0x2e: {  	[sflag:s19] =	ssyncset.done $0x0  }
0x2f: {  	s30 =	rddreg [dreg:$0x8];
	[sflag:s19] =	ssyncadd.s32 $0xFFFFFF80  }
0x30: {  	[tilespmem:s5], [sflag:$0x7] =	stream.linear.gather [hbm4b:s30+s3], $0x80, $0x38;
	[tilespmem:$0x10600] =	vst v63  }
0x31: {  	_ =	swait.ge [sflag:s19], $0x80  }
0x32: {  	[sflag:s19] =	ssyncset.done $0x0  }
0x33: {  	s30 =	rddreg [dreg:$0x14];
	[sflag:s19] =	ssyncadd.s32 $0xFFFFFF80  }
0x34: {  	[tilespmem:s6], [sflag:$0x7] =	stream.linear.gather [hbm4b:s30+s3], $0x80, $0x38;
	[tilespmem:$0x10600] =	vst v63  }
0x35: {  	_ =	swait.ge [sflag:s19], $0x80  }
0x36: {  	[sflag:s19] =	ssyncset.done $0x0  }
0x37: {  	s30 =	rddreg [dreg:$0x11];
	[sflag:s19] =	ssyncadd.s32 $0xFFFFFF80  }
0x38: {  	[tilespmem:s7], [sflag:$0x7] =	stream.linear.gather [hbm4b:s30+s3], $0x80, $0x38;
	[tilespmem:$0x10600] =	vst v63  }
0x39: {  	_ =	swait.ge [sflag:s19], $0x80  }
0x3a: {  	[sflag:s19] =	ssyncset.done $0x0  }
0x3b: {  	s30 =	rddreg [dreg:$0x15];
	[sflag:s19] =	ssyncadd.s32 $0xFFFFFF80  }
0x3c: {  	[tilespmem:s8], [sflag:$0x7] =	stream.linear.gather [hbm4b:s30+s3], $0x80, $0x38;
	[tilespmem:$0x10600] =	vst v63  }
0x3d: {  	_ =	swait.ge [sflag:s19], $0x80  }
0x3e: {  	[sflag:s19] =	ssyncset.done $0x0  }
0x3f: {  	s30 =	rddreg [dreg:$0x12];
	[sflag:s19] =	ssyncadd.s32 $0xFFFFFF80  }
0x40: {  	[tilespmem:s9], [sflag:$0x7] =	stream.linear.gather [hbm4b:s30+s3], $0x80, $0x38;
	[tilespmem:$0x10600] =	vst v63  }
0x41: {  	_ =	swait.ge [sflag:s19], $0x80  }
0x42: {  	[sflag:s19] =	ssyncset.done $0x0  }
0x43: {  	s30 =	rddreg [dreg:$0x16];
	[sflag:s19] =	ssyncadd.s32 $0xFFFFFF80  }
0x44: {  	[tilespmem:s10], [sflag:$0x7] =	stream.linear.gather [hbm4b:s30+s3], $0x80, $0x38;
	[tilespmem:$0x10600] =	vst v63  }
0x45: {  	_ =	swait.ge [sflag:s19], $0x80  }
0x46: {  	[sflag:s19] =	ssyncset.done $0x0  }
0x47: {  	[sflag:s19] =	ssyncadd.s32 $0xFFFFFF80  }
0x48: {  	[tilespmem:s11], [sflag:$0x3] =	stream.indirect.gather [hbm4b:s2+s5], $0x80, s3, s5, $0xb8;
	[tilespmem:$0x10600] =	vst v63  }
0x49: {  	_ = 	snop  }
0x4a: {  	[tilespmem:s12], [sflag:$0x4] =	stream.indirect.gather [hbm4b:s23+s5], $0x80, s4, s5, $0xb8;
	[tilespmem:$0x10600] =	vst v63  }
0x4b: {  	_ = 	snop  }
0x4c: {  	[tilespmem:s13], [sflag:$0x1] =	stream.indirect.gather [hbm4b:s0+s5], $0x80, s3, s5, $0xb8;
	[tilespmem:$0x10600] =	vst v63  }
0x4d: {  	_ = 	snop  }
0x4e: {  	[tilespmem:s14], [sflag:$0x2] =	stream.indirect.gather [hbm4b:s1+s5], $0x80, s4, s5, $0xb8;
	[tilespmem:$0x10600] =	vst v63  }
0x4f: {  	_ = 	snop  }
0x50: {  	[tilespmem:s15], [sflag:$0x5] =	stream.indirect.gather [hbm4b:s28+s5], $0x1, s3, s5, $0xb8;
	[tilespmem:$0x10600] =	vst v63  }
0x51: {  	_ = 	snop  }
0x52: {  	[tilespmem:s16], [sflag:$0x6] =	stream.indirect.gather [hbm4b:s29+s5], $0x1, s4, s5, $0xb8;
	[tilespmem:$0x10600] =	vst v63  }
0x53: {  	_ =	swait.ge [sflag:s17], $0x4000  }
0x54: {  	[sflag:s17] =	ssyncset.done $0x0  }
0x55: {  	s30 =	rddreg [dreg:$0x9];
	[sflag:s17] =	ssyncadd.s32 $0xFFFFC000  }
0x56: {  	[hbm4b:s30+s3] =	stream.linear.scatter [tilespmem:s11], [sflag:$0x7], $0x4000, $0x38;
	[tilespmem:$0x10600] =	vst v63  }
0x57: {  	_ =	swait.ge [sflag:s19], $0x4000  }
0x58: {  	[sflag:s19] =	ssyncset.done $0x0  }
0x59: {  	[sflag:s19] =	ssyncadd.s32 $0xFFFFC000  }
0x5a: {  	_ =	swait.ge [sflag:s18], $0x4000  }
0x5b: {  	[sflag:s18] =	ssyncset.done $0x0  }
0x5c: {  	s30 =	rddreg [dreg:$0xa];
	[sflag:s18] =	ssyncadd.s32 $0xFFFFC000  }
0x5d: {  	[hbm4b:s30+s3] =	stream.linear.scatter [tilespmem:s12], [sflag:$0x7], $0x4000, $0x38;
	[tilespmem:$0x10600] =	vst v63  }
0x5e: {  	_ =	swait.ge [sflag:s19], $0x4000  }
0x5f: {  	[sflag:s19] =	ssyncset.done $0x0  }
0x60: {  	[sflag:s19] =	ssyncadd.s32 $0xFFFFC000  }
0x61: {  	_ =	swait.ge [sflag:s20], $0x80  }
0x62: {  	[sflag:s20] =	ssyncset.done $0x0  }
0x63: {  	[sflag:s20] =	ssyncadd.s32 $0xFFFFFF80  }
0x64: {  	_ =	swait.ge [sflag:s21], $0x80  }
0x65: {  	[sflag:s21] =	ssyncset.done $0x0  }
0x66: {  	[sflag:s21] =	ssyncadd.s32 $0xFFFFFF80  }
0x67: {  	v0 =	vld [tilespmem:$0x10400]  }
0x68: {  	v1 =	vld [tilespmem:$0x10480]  }
0x69: {  	v2 =	vld [tilespmem:$0x10410]  }
0x6a: {  	v3 =	vld [tilespmem:$0x10490]  }
0x6b: {  	v4 =	vld [tilespmem:$0x10420]  }
0x6c: {  	v5 =	vld [tilespmem:$0x104A0]  }
0x6d: {  	v6 =	vld [tilespmem:$0x10430]  }
0x6e: {  	v7 =	vld [tilespmem:$0x104B0]  }
0x6f: {  	v8 =	vld [tilespmem:$0x10440]  }
0x70: {  	v9 =	vld [tilespmem:$0x104C0]  }
0x71: {  	v10 =	vld [tilespmem:$0x10450]  }
0x72: {  	v11 =	vld [tilespmem:$0x104D0]  }
0x73: {  	v12 =	vld [tilespmem:$0x10460]  }
0x74: {  	v59 =	vld [tilespmem:$0x104F0];
	v0 =	vadd.f32 v1, v0  }
0x75: {  	v1 =	vld [tilespmem:$0x104E0];
	v2 =	vadd.f32 v3, v2  }
0x76: {  	v3 =	vld [tilespmem:$0x10470];
	[tilespmem:$0x10500] =	vst v0;
	v0 =	vadd.f32 v5, v4  }
0x77: {  	[tilespmem:$0x10510] =	vst v2;
	v2 =	vadd.f32 v7, v6  }
0x78: {  	[tilespmem:$0x10520] =	vst v0;
	v0 =	vadd.f32 v9, v8  }
0x79: {  	[tilespmem:$0x10530] =	vst v2;
	v2 =	vadd.f32 v11, v10  }
0x7a: {  	[tilespmem:$0x10540] =	vst v0;
	v0 =	vadd.f32 v1, v12  }
0x7b: {  	[tilespmem:$0x10550] =	vst v2;
	v1 =	vadd.f32 v59, v3  }
0x7c: {  	[tilespmem:$0x10560] =	vst v0  }
0x7d: {  	s30 =	rddreg [dreg:$0x17];
	[tilespmem:$0x10570] =	vst v1  }
0x7e: {  	[hbm4b:s30+s3] =	stream.linear.scatter [tilespmem:s22], [sflag:$0x7], $0x80, $0x38;
	[tilespmem:$0x10600] =	vst v63  }
0x7f: {  	_ =	swait.ge [sflag:s19], $0x80  }
0x80: {  	[sflag:s19] =	ssyncset.done $0x0  }
0x81: {  	[sflag:s19] =	ssyncadd.s32 $0xFFFFFF80  }
0x82: {  	_ =	swait.ge [sflag:s24], $0x4000  }
0x83: {  	[sflag:s24] =	ssyncset.done $0x0  }
0x84: {  	[sflag:s24] =	ssyncadd.s32 $0xFFFFC000  }
0x85: {  	_ =	swait.ge [sflag:s25], $0x4000  }
0x86: {  	[sflag:s25] =	ssyncset.done $0x0  }
0x87: {  	s30 =	simm.s32 $0x0;
	[sflag:s25] =	ssyncadd.s32 $0xFFFFC000  }
0x88: {  	v0 =	vld [tilespmem:s30+$0x400]  }
0x89: {  	v1 =	vld [tilespmem:s30+$0x4400];
	_ =	sdelay $0x4  }
0x8a: {  	v0 =	vmul.f32 v1, v0  }
0x8b: {  	v1 =	vimm.f32 $0.0e+00  }
0x8c: {  	v2 =	vld [tilespmem:s30+$0x410];
	v0 =	vsub.f32 v0, v1  }
0x8d: {  	v3 =	vld [tilespmem:s30+$0x4410]  }
0x8e: {  	v60 =	vadd.f32 v0, v1;
	_ =	sdelay $0x1  }
0x8f: {  	v1 =	vsub.f32 v60, v1;
	_ =	sdelay $0x1  }
0x90: {  	v0 =	vsub.f32 v1, v0;
	v1 =	vmul.f32 v3, v2;
	_ =	sdelay $0x1  }
0x91: {  	v2 =	vld [tilespmem:s30+$0x4420];
	v0 =	vsub.f32 v1, v0  }
0x92: {  	v1 =	vld [tilespmem:s30+$0x420]  }
0x93: {  	v3 =	vadd.f32 v0, v60;
	_ =	sdelay $0x1  }
0x94: {  	v4 =	vsub.f32 v3, v60;
	_ =	sdelay $0x1  }
0x95: {  	v1 =	vmul.f32 v2, v1;
	v0 =	vsub.f32 v4, v0;
	_ =	sdelay $0x1  }
0x96: {  	v2 =	vld [tilespmem:s30+$0x4430];
	v0 =	vsub.f32 v1, v0  }
0x97: {  	v1 =	vld [tilespmem:s30+$0x430]  }
0x98: {  	v61 =	vadd.f32 v0, v3;
	_ =	sdelay $0x1  }
0x99: {  	v3 =	vsub.f32 v61, v3;
	_ =	sdelay $0x1  }
0x9a: {  	v1 =	vmul.f32 v2, v1;
	v0 =	vsub.f32 v3, v0;
	_ =	sdelay $0x1  }
0x9b: {  	v2 =	vld [tilespmem:s30+$0x4440];
	v0 =	vsub.f32 v1, v0  }
0x9c: {  	v1 =	vld [tilespmem:s30+$0x440]  }
0x9d: {  	v3 =	vadd.f32 v0, v61;
	_ =	sdelay $0x1  }
0x9e: {  	v4 =	vsub.f32 v3, v61;
	_ =	sdelay $0x1  }
0x9f: {  	v1 =	vmul.f32 v2, v1;
	v0 =	vsub.f32 v4, v0;
	_ =	sdelay $0x1  }
0xa0: {  	v2 =	vld [tilespmem:s30+$0x4450];
	v0 =	vsub.f32 v1, v0  }
0xa1: {  	v1 =	vld [tilespmem:s30+$0x450]  }
0xa2: {  	v62 =	vadd.f32 v0, v3;
	_ =	sdelay $0x1  }
0xa3: {  	v3 =	vsub.f32 v62, v3;
	_ =	sdelay $0x1  }
0xa4: {  	v1 =	vmul.f32 v2, v1;
	v0 =	vsub.f32 v3, v0;
	_ =	sdelay $0x1  }
0xa5: {  	v2 =	vld [tilespmem:s30+$0x4460];
	v0 =	vsub.f32 v1, v0  }
0xa6: {  	v1 =	vld [tilespmem:s30+$0x460]  }
0xa7: {  	v3 =	vadd.f32 v0, v62;
	_ =	sdelay $0x1  }
0xa8: {  	v4 =	vsub.f32 v3, v62;
	_ =	sdelay $0x1  }
0xa9: {  	v1 =	vmul.f32 v2, v1;
	v0 =	vsub.f32 v4, v0;
	_ =	sdelay $0x1  }
0xaa: {  	v63 =	vld [tilespmem:s30+$0x4470];
	v1 =	vsub.f32 v1, v0  }
0xab: {  	v2 =	vld [tilespmem:s30+$0x470]  }
0xac: {  	v0 =	vadd.f32 v1, v3;
	_ =	sdelay $0x1  }
0xad: {  	v3 =	vsub.f32 v0, v3;
	_ =	sdelay $0x1  }
0xae: {  	v2 =	vmul.f32 v63, v2;
	v3 =	vsub.f32 v3, v1  }
0xaf: {  	s30 =	simm.s32 $0x80  }
0xb0: {  	s31 =	simm.s32 $0x400;
	v1 =	vld [tilespmem:s30+$0x400];
	v2 =	vsub.f32 v2, v3  }
.LBB2_2:
0xb1: {  	p0 =	sne.s32 s31, $0xFE00;
	v3 =	vld [tilespmem:s30+$0x4400]  }
0xb2: {  	v4 =	vadd.f32 v2, v0;
	_ =	sdelay $0x1  }
0xb3: {  	v0 =	vsub.f32 v4, v0;
	_ =	sdelay $0x1  }
0xb4: {  	v1 =	vmul.f32 v3, v1;
	v0 =	vsub.f32 v0, v2;
	_ =	sdelay $0x1  }
0xb5: {  	v0 =	vsub.f32 v1, v0;
	v1 =	vld [tilespmem:s30+$0x410]  }
0xb6: {  	v2 =	vld [tilespmem:s30+$0x4410]  }
0xb7: {  	v3 =	vadd.f32 v0, v4;
	_ =	sdelay $0x1  }
0xb8: {  	v4 =	vsub.f32 v3, v4;
	_ =	sdelay $0x1  }
0xb9: {  	v0 =	vsub.f32 v4, v0;
	v1 =	vmul.f32 v2, v1;
	_ =	sdelay $0x1  }
0xba: {  	v0 =	vsub.f32 v1, v0;
	v1 =	vld [tilespmem:s30+$0x420]  }
0xbb: {  	v2 =	vld [tilespmem:s30+$0x4420]  }
0xbc: {  	v4 =	vadd.f32 v0, v3;
	_ =	sdelay $0x1  }
0xbd: {  	v3 =	vsub.f32 v4, v3;
	_ =	sdelay $0x1  }
0xbe: {  	v0 =	vsub.f32 v3, v0;
	v1 =	vmul.f32 v2, v1;
	_ =	sdelay $0x1  }
0xbf: {  	v0 =	vsub.f32 v1, v0;
	v1 =	vld [tilespmem:s30+$0x430]  }
0xc0: {  	v2 =	vld [tilespmem:s30+$0x4430]  }
0xc1: {  	v3 =	vadd.f32 v0, v4;
	_ =	sdelay $0x1  }
0xc2: {  	v4 =	vsub.f32 v3, v4;
	_ =	sdelay $0x1  }
0xc3: {  	v0 =	vsub.f32 v4, v0;
	v1 =	vmul.f32 v2, v1;
	_ =	sdelay $0x1  }
0xc4: {  	v0 =	vsub.f32 v1, v0;
	v1 =	vld [tilespmem:s30+$0x440]  }
0xc5: {  	v2 =	vld [tilespmem:s30+$0x4440]  }
0xc6: {  	v4 =	vadd.f32 v0, v3;
	_ =	sdelay $0x1  }
0xc7: {  	v3 =	vsub.f32 v4, v3;
	_ =	sdelay $0x1  }
0xc8: {  	v0 =	vsub.f32 v3, v0;
	v1 =	vmul.f32 v2, v1;
	_ =	sdelay $0x1  }
0xc9: {  	v0 =	vsub.f32 v1, v0;
	v1 =	vld [tilespmem:s30+$0x450]  }
0xca: {  	v2 =	vld [tilespmem:s30+$0x4450]  }
0xcb: {  	v3 =	vadd.f32 v0, v4;
	_ =	sdelay $0x1  }
0xcc: {  	v4 =	vsub.f32 v3, v4;
	_ =	sdelay $0x1  }
0xcd: {  	v0 =	vsub.f32 v4, v0;
	v1 =	vmul.f32 v2, v1;
	_ =	sdelay $0x1  }
0xce: {  	v0 =	vsub.f32 v1, v0;
	v1 =	vld [tilespmem:s30+$0x460]  }
0xcf: {  	v2 =	vld [tilespmem:s30+$0x4460]  }
0xd0: {  	v4 =	vadd.f32 v0, v3;
	_ =	sdelay $0x1  }
0xd1: {  	v3 =	vsub.f32 v4, v3;
	_ =	sdelay $0x1  }
0xd2: {  	v0 =	vsub.f32 v3, v0;
	v1 =	vmul.f32 v2, v1;
	_ =	sdelay $0x1  }
0xd3: {  	v1 =	vsub.f32 v1, v0;
	v2 =	vld [tilespmem:s30+$0x470]  }
0xd4: {  	v3 =	vld [tilespmem:s30+$0x4470]  }
0xd5: {  	v0 =	vadd.f32 v1, v4;
	_ =	sdelay $0x1  }
.Ltmp0:
0xd6: {  	v4 =	vsub.f32 v0, v4;
	(pc) =	sbr.rel @p0 .LBB2_2-.Ltmp0, $4  }
0xd7: {  	_ = 	snop  }
0xd8: {  	v4 =	vsub.f32 v4, v1;
	v2 =	vmul.f32 v3, v2  }
0xd9: {  	s30 =	sshra.s32 s31, $0x2  }
0xda: {  	s31 =	sadd.s32 $0x200, s31;
	v1 =	vld [tilespmem:s30+$0x400];
	v2 =	vsub.f32 v2, v4  }
0xdb: {  	v3 =	vld [tilespmem:s30+$0x4400]  }
0xdc: {  	v4 =	vld [tilespmem:s30+$0x410]  }
0xdd: {  	v5 =	vld [tilespmem:s30+$0x4410]  }
0xde: {  	v6 =	vld [tilespmem:s30+$0x420]  }
0xdf: {  	v7 =	vld [tilespmem:s30+$0x4420]  }
0xe0: {  	v8 =	vld [tilespmem:s30+$0x430]  }
0xe1: {  	v9 =	vld [tilespmem:s30+$0x4430]  }
0xe2: {  	v10 =	vld [tilespmem:s30+$0x440]  }
0xe3: {  	v11 =	vld [tilespmem:s30+$0x4440]  }
0xe4: {  	v12 =	vld [tilespmem:s30+$0x450]  }
0xe5: {  	v13 =	vld [tilespmem:s30+$0x4450]  }
0xe6: {  	v14 =	vld [tilespmem:s30+$0x460]  }
0xe7: {  	v15 =	vld [tilespmem:s30+$0x4460]  }
0xe8: {  	v16 =	vld [tilespmem:s30+$0x470]  }
0xe9: {  	v17 =	vld [tilespmem:s30+$0x4470];
	[tilespmem:s11], [sflag:$0x3] =	stream.indirect.gather [hbm4b:s2+s5], $0x80, s5, s5, $0xb8  }
0xea: {  	_ = 	snop  }
0xeb: {  	v18 =	vadd.f32 v2, v0;
	[tilespmem:s12], [sflag:$0x4] =	stream.indirect.gather [hbm4b:s23+s5], $0x80, s6, s5, $0xb8;
	[tilespmem:$0x10600] =	vst v63  }
0xec: {  	_ = 	snop  }
0xed: {  	v0 =	vsub.f32 v18, v0;
	[tilespmem:s13], [sflag:$0x1] =	stream.indirect.gather [hbm4b:s0+s5], $0x80, s5, s5, $0xb8;
	[tilespmem:$0x10600] =	vst v63  }
0xee: {  	_ = 	snop  }
0xef: {  	v1 =	vmul.f32 v3, v1;
	v0 =	vsub.f32 v0, v2;
	[tilespmem:s14], [sflag:$0x2] =	stream.indirect.gather [hbm4b:s1+s5], $0x80, s6, s5, $0xb8;
	[tilespmem:$0x10600] =	vst v63  }
0xf0: {  	_ = 	snop  }
0xf1: {  	v0 =	vsub.f32 v1, v0;
	[tilespmem:s15], [sflag:$0x5] =	stream.indirect.gather [hbm4b:s28+s5], $0x1, s5, s5, $0xb8;
	[tilespmem:$0x10600] =	vst v63  }
0xf2: {  	_ = 	snop  }
0xf3: {  	v1 =	vadd.f32 v0, v18;
	[tilespmem:s16], [sflag:$0x6] =	stream.indirect.gather [hbm4b:s29+s5], $0x1, s6, s5, $0xb8;
	[tilespmem:$0x10600] =	vst v63  }
0xf4: {  	_ =	swait.ge [sflag:s17], $0x4000  }
0xf5: {  	v2 =	vsub.f32 v1, v18;
	[sflag:s17] =	ssyncset.done $0x0  }
0xf6: {  	s30 =	simm.s32 $0x0;
	s31 =	rddreg [dreg:$0xb];
	[sflag:s17] =	ssyncadd.s32 $0xFFFFC000  }
0xf7: {  	v0 =	vsub.f32 v2, v0;
	v2 =	vmul.f32 v5, v4;
	[hbm4b:s31+s30] =	stream.linear.scatter [tilespmem:s11], [sflag:$0x7], $0x4000, $0x38;
	[tilespmem:$0x10600] =	vst v63  }
0xf8: {  	_ =	swait.ge [sflag:s19], $0x4000  }
0xf9: {  	v0 =	vsub.f32 v2, v0;
	[sflag:s19] =	ssyncset.done $0x0  }
0xfa: {  	[sflag:s19] =	ssyncadd.s32 $0xFFFFC000  }
0xfb: {  	v2 =	vadd.f32 v0, v1;
	_ =	swait.ge [sflag:s18], $0x4000  }
0xfc: {  	[sflag:s18] =	ssyncset.done $0x0  }
0xfd: {  	v1 =	vsub.f32 v2, v1;
	s31 =	rddreg [dreg:$0xc];
	[sflag:s18] =	ssyncadd.s32 $0xFFFFC000  }
0xfe: {  	[hbm4b:s31+s30] =	stream.linear.scatter [tilespmem:s12], [sflag:$0x7], $0x4000, $0x38;
	[tilespmem:$0x10600] =	vst v63  }
0xff: {  	v0 =	vsub.f32 v1, v0;
	v1 =	vmul.f32 v7, v6;
	_ =	swait.ge [sflag:s19], $0x4000  }
0x100: {  	[sflag:s19] =	ssyncset.done $0x0  }
0x101: {  	v0 =	vsub.f32 v1, v0;
	[sflag:s19] =	ssyncadd.s32 $0xFFFFC000  }
0x102: {  	_ =	swait.ge [sflag:s20], $0x80  }
0x103: {  	v1 =	vadd.f32 v0, v2;
	[sflag:s20] =	ssyncset.done $0x0  }
0x104: {  	[sflag:s20] =	ssyncadd.s32 $0xFFFFFF80  }
0x105: {  	v2 =	vsub.f32 v1, v2;
	_ =	swait.ge [sflag:s21], $0x80  }
0x106: {  	[sflag:s21] =	ssyncset.done $0x0  }
0x107: {  	v0 =	vsub.f32 v2, v0;
	v2 =	vmul.f32 v9, v8;
	[sflag:s21] =	ssyncadd.s32 $0xFFFFFF80  }
0x108: {  	v3 =	vld [tilespmem:$0x10400]  }
0x109: {  	v0 =	vsub.f32 v2, v0;
	v2 =	vld [tilespmem:$0x10480]  }
0x10a: {  	v47 =	vld [tilespmem:$0x10410]  }
0x10b: {  	v49 =	vld [tilespmem:$0x10490];
	v48 =	vadd.f32 v0, v1  }
0x10c: {  	v50 =	vld [tilespmem:$0x10420]  }
0x10d: {  	v51 =	vld [tilespmem:$0x104A0];
	v1 =	vsub.f32 v48, v1  }
0x10e: {  	v52 =	vld [tilespmem:$0x10430]  }
0x10f: {  	v53 =	vld [tilespmem:$0x104B0];
	v0 =	vsub.f32 v1, v0;
	v1 =	vmul.f32 v11, v10  }
0x110: {  	v54 =	vld [tilespmem:$0x10440]  }
0x111: {  	v55 =	vld [tilespmem:$0x10450];
	v0 =	vsub.f32 v1, v0  }
0x112: {  	v20 =	vld [tilespmem:$0x104D0]  }
0x113: {  	v21 =	vld [tilespmem:$0x10460];
	v19 =	vadd.f32 v0, v48  }
0x114: {  	v1 =	vld [tilespmem:$0x104C0]  }
0x115: {  	v56 =	vld [tilespmem:$0x10470];
	v2 =	vadd.f32 v2, v3;
	v5 =	vsub.f32 v19, v48  }
0x116: {  	v3 =	vld [tilespmem:$0x104E0];
	v4 =	vadd.f32 v49, v47  }
0x117: {  	v57 =	vmul.f32 v13, v12;
	v58 =	vld [tilespmem:$0x104F0];
	v59 =	vadd.f32 v53, v52;
	[tilespmem:$0x10500] =	vst v2;
	v0 =	vsub.f32 v5, v0  }
0x118: {  	v2 =	vadd.f32 v51, v50;
	[tilespmem:$0x10510] =	vst v4  }
0x119: {  	[tilespmem:$0x10530] =	vst v59;
	v1 =	vadd.f32 v1, v54;
	v0 =	vsub.f32 v57, v0  }
0x11a: {  	[tilespmem:$0x10520] =	vst v2;
	v2 =	vadd.f32 v20, v55  }
0x11b: {  	[tilespmem:$0x10540] =	vst v1;
	v1 =	vadd.f32 v3, v21;
	v3 =	vadd.f32 v0, v19  }
0x11c: {  	[tilespmem:$0x10550] =	vst v2;
	v2 =	vadd.f32 v58, v56  }
0x11d: {  	[tilespmem:$0x10560] =	vst v1;
	v1 =	vsub.f32 v3, v19  }
0x11e: {  	s31 =	rddreg [dreg:$0x18];
	[tilespmem:$0x10570] =	vst v2  }
0x11f: {  	[hbm4b:s31+s30] =	stream.linear.scatter [tilespmem:s22], [sflag:$0x7], $0x80, $0x38;
	v0 =	vsub.f32 v1, v0;
	v1 =	vmul.f32 v15, v14;
	[tilespmem:$0x10600] =	vst v63  }
0x120: {  	_ =	swait.ge [sflag:s19], $0x80  }
0x121: {  	[sflag:s19] =	ssyncset.done $0x0;
	v0 =	vsub.f32 v1, v0  }
0x122: {  	[sflag:s19] =	ssyncadd.s32 $0xFFFFFF80  }
0x123: {  	_ =	swait.ge [sflag:s24], $0x4000;
	v1 =	vadd.f32 v0, v3  }
0x124: {  	[sflag:s24] =	ssyncset.done $0x0  }
0x125: {  	[sflag:s24] =	ssyncadd.s32 $0xFFFFC000;
	v2 =	vsub.f32 v1, v3  }
0x126: {  	_ =	swait.ge [sflag:s25], $0x4000  }
0x127: {  	[sflag:s25] =	ssyncset.done $0x0;
	v0 =	vsub.f32 v2, v0;
	v2 =	vmul.f32 v17, v16  }
0x128: {  	s30 =	simm.s32 $0x0;
	[sflag:s25] =	ssyncadd.s32 $0xFFFFC000  }
0x129: {  	v3 =	vld [tilespmem:s30+$0x4400];
	v0 =	vsub.f32 v2, v0  }
0x12a: {  	v2 =	vld [tilespmem:s30+$0x400]  }
0x12b: {  	v60 =	vadd.f32 v0, v1;
	_ =	sdelay $0x1  }
0x12c: {  	v1 =	vsub.f32 v60, v1;
	_ =	sdelay $0x1  }
0x12d: {  	v0 =	vsub.f32 v1, v0;
	v1 =	vmul.f32 v3, v2;
	_ =	sdelay $0x1  }
0x12e: {  	v2 =	vld [tilespmem:s30+$0x4410];
	v0 =	vsub.f32 v1, v0  }
0x12f: {  	v1 =	vld [tilespmem:s30+$0x410]  }
0x130: {  	v3 =	vadd.f32 v0, v60;
	_ =	sdelay $0x1  }
0x131: {  	v4 =	vsub.f32 v3, v60;
	_ =	sdelay $0x1  }
0x132: {  	v1 =	vmul.f32 v2, v1;
	v0 =	vsub.f32 v4, v0;
	_ =	sdelay $0x1  }
0x133: {  	v2 =	vld [tilespmem:s30+$0x4420];
	v0 =	vsub.f32 v1, v0  }
0x134: {  	v1 =	vld [tilespmem:s30+$0x420]  }
0x135: {  	v61 =	vadd.f32 v0, v3;
	_ =	sdelay $0x1  }
0x136: {  	v3 =	vsub.f32 v61, v3;
	_ =	sdelay $0x1  }
0x137: {  	v1 =	vmul.f32 v2, v1;
	v0 =	vsub.f32 v3, v0;
	_ =	sdelay $0x1  }
0x138: {  	v2 =	vld [tilespmem:s30+$0x4430];
	v0 =	vsub.f32 v1, v0  }
0x139: {  	v1 =	vld [tilespmem:s30+$0x430]  }
0x13a: {  	v3 =	vadd.f32 v0, v61;
	_ =	sdelay $0x1  }
0x13b: {  	v4 =	vsub.f32 v3, v61;
	_ =	sdelay $0x1  }
0x13c: {  	v1 =	vmul.f32 v2, v1;
	v0 =	vsub.f32 v4, v0;
	_ =	sdelay $0x1  }
0x13d: {  	v2 =	vld [tilespmem:s30+$0x4440];
	v0 =	vsub.f32 v1, v0  }
0x13e: {  	v1 =	vld [tilespmem:s30+$0x440]  }
0x13f: {  	v62 =	vadd.f32 v0, v3;
	_ =	sdelay $0x1  }
0x140: {  	v3 =	vsub.f32 v62, v3;
	_ =	sdelay $0x1  }
0x141: {  	v1 =	vmul.f32 v2, v1;
	v0 =	vsub.f32 v3, v0;
	_ =	sdelay $0x1  }
0x142: {  	v2 =	vld [tilespmem:s30+$0x4450];
	v0 =	vsub.f32 v1, v0  }
0x143: {  	v1 =	vld [tilespmem:s30+$0x450]  }
0x144: {  	v3 =	vadd.f32 v0, v62;
	_ =	sdelay $0x1  }
0x145: {  	v4 =	vsub.f32 v3, v62;
	_ =	sdelay $0x1  }
0x146: {  	v1 =	vmul.f32 v2, v1;
	v0 =	vsub.f32 v4, v0;
	_ =	sdelay $0x1  }
0x147: {  	v2 =	vld [tilespmem:s30+$0x4460];
	v0 =	vsub.f32 v1, v0  }
0x148: {  	v1 =	vld [tilespmem:s30+$0x460]  }
0x149: {  	v63 =	vadd.f32 v0, v3;
	_ =	sdelay $0x1  }
0x14a: {  	v3 =	vsub.f32 v63, v3;
	_ =	sdelay $0x1  }
0x14b: {  	v1 =	vmul.f32 v2, v1;
	v0 =	vsub.f32 v3, v0;
	_ =	sdelay $0x1  }
0x14c: {  	v2 =	vld [tilespmem:s30+$0x470];
	v1 =	vsub.f32 v1, v0  }
0x14d: {  	v3 =	vld [tilespmem:s30+$0x4470]  }
0x14e: {  	v0 =	vadd.f32 v1, v63;
	_ =	sdelay $0x1  }
0x14f: {  	v4 =	vsub.f32 v0, v63;
	_ =	sdelay $0x1  }
0x150: {  	v2 =	vmul.f32 v3, v2;
	v4 =	vsub.f32 v4, v1  }
0x151: {  	s30 =	simm.s32 $0x80  }
0x152: {  	s31 =	simm.s32 $0x400;
	v1 =	vld [tilespmem:s30+$0x400];
	v2 =	vsub.f32 v2, v4  }
.LBB2_4:
0x153: {  	p0 =	sne.s32 s31, $0xFE00;
	v3 =	vld [tilespmem:s30+$0x4400]  }
0x154: {  	v4 =	vadd.f32 v2, v0;
	_ =	sdelay $0x1  }
0x155: {  	v0 =	vsub.f32 v4, v0;
	_ =	sdelay $0x1  }
0x156: {  	v1 =	vmul.f32 v3, v1;
	v0 =	vsub.f32 v0, v2;
	_ =	sdelay $0x1  }
0x157: {  	v0 =	vsub.f32 v1, v0;
	v1 =	vld [tilespmem:s30+$0x410]  }
0x158: {  	v2 =	vld [tilespmem:s30+$0x4410]  }
0x159: {  	v3 =	vadd.f32 v0, v4;
	_ =	sdelay $0x1  }
0x15a: {  	v4 =	vsub.f32 v3, v4;
	_ =	sdelay $0x1  }
0x15b: {  	v0 =	vsub.f32 v4, v0;
	v1 =	vmul.f32 v2, v1;
	_ =	sdelay $0x1  }
0x15c: {  	v0 =	vsub.f32 v1, v0;
	v1 =	vld [tilespmem:s30+$0x420]  }
0x15d: {  	v2 =	vld [tilespmem:s30+$0x4420]  }
0x15e: {  	v4 =	vadd.f32 v0, v3;
	_ =	sdelay $0x1  }
0x15f: {  	v3 =	vsub.f32 v4, v3;
	_ =	sdelay $0x1  }
0x160: {  	v0 =	vsub.f32 v3, v0;
	v1 =	vmul.f32 v2, v1;
	_ =	sdelay $0x1  }
0x161: {  	v0 =	vsub.f32 v1, v0;
	v1 =	vld [tilespmem:s30+$0x430]  }
0x162: {  	v2 =	vld [tilespmem:s30+$0x4430]  }
0x163: {  	v3 =	vadd.f32 v0, v4;
	_ =	sdelay $0x1  }
0x164: {  	v4 =	vsub.f32 v3, v4;
	_ =	sdelay $0x1  }
0x165: {  	v0 =	vsub.f32 v4, v0;
	v1 =	vmul.f32 v2, v1;
	_ =	sdelay $0x1  }
0x166: {  	v0 =	vsub.f32 v1, v0;
	v1 =	vld [tilespmem:s30+$0x440]  }
0x167: {  	v2 =	vld [tilespmem:s30+$0x4440]  }
0x168: {  	v4 =	vadd.f32 v0, v3;
	_ =	sdelay $0x1  }
0x169: {  	v3 =	vsub.f32 v4, v3;
	_ =	sdelay $0x1  }
0x16a: {  	v0 =	vsub.f32 v3, v0;
	v1 =	vmul.f32 v2, v1;
	_ =	sdelay $0x1  }
0x16b: {  	v0 =	vsub.f32 v1, v0;
	v1 =	vld [tilespmem:s30+$0x450]  }
0x16c: {  	v2 =	vld [tilespmem:s30+$0x4450]  }
0x16d: {  	v3 =	vadd.f32 v0, v4;
	_ =	sdelay $0x1  }
0x16e: {  	v4 =	vsub.f32 v3, v4;
	_ =	sdelay $0x1  }
0x16f: {  	v0 =	vsub.f32 v4, v0;
	v1 =	vmul.f32 v2, v1;
	_ =	sdelay $0x1  }
0x170: {  	v0 =	vsub.f32 v1, v0;
	v1 =	vld [tilespmem:s30+$0x460]  }
0x171: {  	v2 =	vld [tilespmem:s30+$0x4460]  }
0x172: {  	v4 =	vadd.f32 v0, v3;
	_ =	sdelay $0x1  }
0x173: {  	v3 =	vsub.f32 v4, v3;
	_ =	sdelay $0x1  }
0x174: {  	v0 =	vsub.f32 v3, v0;
	v1 =	vmul.f32 v2, v1;
	_ =	sdelay $0x1  }
0x175: {  	v1 =	vsub.f32 v1, v0;
	v2 =	vld [tilespmem:s30+$0x470]  }
0x176: {  	v3 =	vld [tilespmem:s30+$0x4470]  }
0x177: {  	v0 =	vadd.f32 v1, v4;
	_ =	sdelay $0x1  }
.Ltmp1:
0x178: {  	v4 =	vsub.f32 v0, v4;
	(pc) =	sbr.rel @p0 .LBB2_4-.Ltmp1, $4  }
0x179: {  	_ = 	snop  }
0x17a: {  	v4 =	vsub.f32 v4, v1;
	v2 =	vmul.f32 v3, v2  }
0x17b: {  	s30 =	sshra.s32 s31, $0x2  }
0x17c: {  	s31 =	sadd.s32 $0x200, s31;
	v1 =	vld [tilespmem:s30+$0x400];
	v2 =	vsub.f32 v2, v4  }
0x17d: {  	v3 =	vld [tilespmem:s30+$0x4400]  }
0x17e: {  	v4 =	vld [tilespmem:s30+$0x410]  }
0x17f: {  	v5 =	vld [tilespmem:s30+$0x4410]  }
0x180: {  	v6 =	vld [tilespmem:s30+$0x420]  }
0x181: {  	v7 =	vld [tilespmem:s30+$0x4420]  }
0x182: {  	v8 =	vld [tilespmem:s30+$0x430]  }
0x183: {  	v9 =	vld [tilespmem:s30+$0x4430]  }
0x184: {  	v10 =	vld [tilespmem:s30+$0x440]  }
0x185: {  	v11 =	vld [tilespmem:s30+$0x4440]  }
0x186: {  	v12 =	vld [tilespmem:s30+$0x450]  }
0x187: {  	v13 =	vld [tilespmem:s30+$0x4450]  }
0x188: {  	v14 =	vld [tilespmem:s30+$0x460]  }
0x189: {  	v15 =	vld [tilespmem:s30+$0x4460]  }
0x18a: {  	v16 =	vld [tilespmem:s30+$0x470]  }
0x18b: {  	v17 =	vld [tilespmem:s30+$0x4470];
	[tilespmem:s11], [sflag:$0x3] =	stream.indirect.gather [hbm4b:s2+s5], $0x80, s7, s5, $0xb8  }
0x18c: {  	_ = 	snop  }
0x18d: {  	v18 =	vadd.f32 v2, v0;
	[tilespmem:s12], [sflag:$0x4] =	stream.indirect.gather [hbm4b:s23+s5], $0x80, s8, s5, $0xb8;
	[tilespmem:$0x10600] =	vst v63  }
0x18e: {  	_ = 	snop  }
0x18f: {  	v0 =	vsub.f32 v18, v0;
	[tilespmem:s13], [sflag:$0x1] =	stream.indirect.gather [hbm4b:s0+s5], $0x80, s7, s5, $0xb8;
	[tilespmem:$0x10600] =	vst v63  }
0x190: {  	_ = 	snop  }
0x191: {  	v1 =	vmul.f32 v3, v1;
	v0 =	vsub.f32 v0, v2;
	[tilespmem:s14], [sflag:$0x2] =	stream.indirect.gather [hbm4b:s1+s5], $0x80, s8, s5, $0xb8;
	[tilespmem:$0x10600] =	vst v63  }
0x192: {  	_ = 	snop  }
0x193: {  	v0 =	vsub.f32 v1, v0;
	[tilespmem:s15], [sflag:$0x5] =	stream.indirect.gather [hbm4b:s28+s5], $0x1, s7, s5, $0xb8;
	[tilespmem:$0x10600] =	vst v63  }
0x194: {  	_ = 	snop  }
0x195: {  	v1 =	vadd.f32 v0, v18;
	[tilespmem:s16], [sflag:$0x6] =	stream.indirect.gather [hbm4b:s29+s5], $0x1, s8, s5, $0xb8;
	[tilespmem:$0x10600] =	vst v63  }
0x196: {  	_ =	swait.ge [sflag:s17], $0x4000  }
0x197: {  	v2 =	vsub.f32 v1, v18;
	[sflag:s17] =	ssyncset.done $0x0  }
0x198: {  	s30 =	simm.s32 $0x0;
	s31 =	rddreg [dreg:$0xd];
	[sflag:s17] =	ssyncadd.s32 $0xFFFFC000  }
0x199: {  	v0 =	vsub.f32 v2, v0;
	v2 =	vmul.f32 v5, v4;
	[hbm4b:s31+s30] =	stream.linear.scatter [tilespmem:s11], [sflag:$0x7], $0x4000, $0x38;
	[tilespmem:$0x10600] =	vst v63  }
0x19a: {  	_ =	swait.ge [sflag:s19], $0x4000  }
0x19b: {  	v0 =	vsub.f32 v2, v0;
	[sflag:s19] =	ssyncset.done $0x0  }
0x19c: {  	[sflag:s19] =	ssyncadd.s32 $0xFFFFC000  }
0x19d: {  	v2 =	vadd.f32 v0, v1;
	_ =	swait.ge [sflag:s18], $0x4000  }
0x19e: {  	[sflag:s18] =	ssyncset.done $0x0  }
0x19f: {  	v1 =	vsub.f32 v2, v1;
	s31 =	rddreg [dreg:$0xe];
	[sflag:s18] =	ssyncadd.s32 $0xFFFFC000  }
0x1a0: {  	[hbm4b:s31+s30] =	stream.linear.scatter [tilespmem:s12], [sflag:$0x7], $0x4000, $0x38;
	[tilespmem:$0x10600] =	vst v63  }
0x1a1: {  	v0 =	vsub.f32 v1, v0;
	v1 =	vmul.f32 v7, v6;
	_ =	swait.ge [sflag:s19], $0x4000  }
0x1a2: {  	[sflag:s19] =	ssyncset.done $0x0  }
0x1a3: {  	v0 =	vsub.f32 v1, v0;
	[sflag:s19] =	ssyncadd.s32 $0xFFFFC000  }
0x1a4: {  	_ =	swait.ge [sflag:s20], $0x80  }
0x1a5: {  	v1 =	vadd.f32 v0, v2;
	[sflag:s20] =	ssyncset.done $0x0  }
0x1a6: {  	[sflag:s20] =	ssyncadd.s32 $0xFFFFFF80  }
0x1a7: {  	v2 =	vsub.f32 v1, v2;
	_ =	swait.ge [sflag:s21], $0x80  }
0x1a8: {  	[sflag:s21] =	ssyncset.done $0x0  }
0x1a9: {  	v0 =	vsub.f32 v2, v0;
	v2 =	vmul.f32 v9, v8;
	[sflag:s21] =	ssyncadd.s32 $0xFFFFFF80  }
0x1aa: {  	v3 =	vld [tilespmem:$0x10400]  }
0x1ab: {  	v0 =	vsub.f32 v2, v0;
	v2 =	vld [tilespmem:$0x10480]  }
0x1ac: {  	v47 =	vld [tilespmem:$0x10410]  }
0x1ad: {  	v49 =	vld [tilespmem:$0x10490];
	v48 =	vadd.f32 v0, v1  }
0x1ae: {  	v50 =	vld [tilespmem:$0x10420]  }
0x1af: {  	v51 =	vld [tilespmem:$0x104A0];
	v1 =	vsub.f32 v48, v1  }
0x1b0: {  	v52 =	vld [tilespmem:$0x10430]  }
0x1b1: {  	v53 =	vld [tilespmem:$0x104B0];
	v0 =	vsub.f32 v1, v0;
	v1 =	vmul.f32 v11, v10  }
0x1b2: {  	v54 =	vld [tilespmem:$0x10440]  }
0x1b3: {  	v55 =	vld [tilespmem:$0x10450];
	v0 =	vsub.f32 v1, v0  }
0x1b4: {  	v20 =	vld [tilespmem:$0x104D0]  }
0x1b5: {  	v21 =	vld [tilespmem:$0x10460];
	v19 =	vadd.f32 v0, v48  }
0x1b6: {  	v1 =	vld [tilespmem:$0x104C0]  }
0x1b7: {  	v56 =	vld [tilespmem:$0x10470];
	v2 =	vadd.f32 v2, v3;
	v5 =	vsub.f32 v19, v48  }
0x1b8: {  	v3 =	vld [tilespmem:$0x104E0];
	v4 =	vadd.f32 v49, v47  }
0x1b9: {  	v57 =	vmul.f32 v13, v12;
	v58 =	vld [tilespmem:$0x104F0];
	v59 =	vadd.f32 v53, v52;
	[tilespmem:$0x10500] =	vst v2;
	v0 =	vsub.f32 v5, v0  }
0x1ba: {  	v2 =	vadd.f32 v51, v50;
	[tilespmem:$0x10510] =	vst v4  }
0x1bb: {  	[tilespmem:$0x10530] =	vst v59;
	v1 =	vadd.f32 v1, v54;
	v0 =	vsub.f32 v57, v0  }
0x1bc: {  	[tilespmem:$0x10520] =	vst v2;
	v2 =	vadd.f32 v20, v55  }
0x1bd: {  	[tilespmem:$0x10540] =	vst v1;
	v1 =	vadd.f32 v3, v21;
	v3 =	vadd.f32 v0, v19  }
0x1be: {  	[tilespmem:$0x10550] =	vst v2;
	v2 =	vadd.f32 v58, v56  }
0x1bf: {  	[tilespmem:$0x10560] =	vst v1;
	v1 =	vsub.f32 v3, v19  }
0x1c0: {  	s31 =	rddreg [dreg:$0x19];
	[tilespmem:$0x10570] =	vst v2  }
0x1c1: {  	[hbm4b:s31+s30] =	stream.linear.scatter [tilespmem:s22], [sflag:$0x7], $0x80, $0x38;
	v0 =	vsub.f32 v1, v0;
	v1 =	vmul.f32 v15, v14;
	[tilespmem:$0x10600] =	vst v63  }
0x1c2: {  	_ =	swait.ge [sflag:s19], $0x80  }
0x1c3: {  	[sflag:s19] =	ssyncset.done $0x0;
	v0 =	vsub.f32 v1, v0  }
0x1c4: {  	[sflag:s19] =	ssyncadd.s32 $0xFFFFFF80  }
0x1c5: {  	_ =	swait.ge [sflag:s24], $0x4000;
	v1 =	vadd.f32 v0, v3  }
0x1c6: {  	[sflag:s24] =	ssyncset.done $0x0  }
0x1c7: {  	[sflag:s24] =	ssyncadd.s32 $0xFFFFC000;
	v2 =	vsub.f32 v1, v3  }
0x1c8: {  	_ =	swait.ge [sflag:s25], $0x4000  }
0x1c9: {  	[sflag:s25] =	ssyncset.done $0x0;
	v0 =	vsub.f32 v2, v0;
	v2 =	vmul.f32 v17, v16  }
0x1ca: {  	s30 =	simm.s32 $0x0;
	[sflag:s25] =	ssyncadd.s32 $0xFFFFC000  }
0x1cb: {  	v3 =	vld [tilespmem:s30+$0x4400];
	v0 =	vsub.f32 v2, v0  }
0x1cc: {  	v2 =	vld [tilespmem:s30+$0x400]  }
0x1cd: {  	v60 =	vadd.f32 v0, v1;
	_ =	sdelay $0x1  }
0x1ce: {  	v1 =	vsub.f32 v60, v1;
	_ =	sdelay $0x1  }
0x1cf: {  	v0 =	vsub.f32 v1, v0;
	v1 =	vmul.f32 v3, v2;
	_ =	sdelay $0x1  }
0x1d0: {  	v2 =	vld [tilespmem:s30+$0x4410];
	v0 =	vsub.f32 v1, v0  }
0x1d1: {  	v1 =	vld [tilespmem:s30+$0x410]  }
0x1d2: {  	v3 =	vadd.f32 v0, v60;
	_ =	sdelay $0x1  }
0x1d3: {  	v4 =	vsub.f32 v3, v60;
	_ =	sdelay $0x1  }
0x1d4: {  	v1 =	vmul.f32 v2, v1;
	v0 =	vsub.f32 v4, v0;
	_ =	sdelay $0x1  }
0x1d5: {  	v2 =	vld [tilespmem:s30+$0x4420];
	v0 =	vsub.f32 v1, v0  }
0x1d6: {  	v1 =	vld [tilespmem:s30+$0x420]  }
0x1d7: {  	v61 =	vadd.f32 v0, v3;
	_ =	sdelay $0x1  }
0x1d8: {  	v3 =	vsub.f32 v61, v3;
	_ =	sdelay $0x1  }
0x1d9: {  	v1 =	vmul.f32 v2, v1;
	v0 =	vsub.f32 v3, v0;
	_ =	sdelay $0x1  }
0x1da: {  	v2 =	vld [tilespmem:s30+$0x4430];
	v0 =	vsub.f32 v1, v0  }
0x1db: {  	v1 =	vld [tilespmem:s30+$0x430]  }
0x1dc: {  	v3 =	vadd.f32 v0, v61;
	_ =	sdelay $0x1  }
0x1dd: {  	v4 =	vsub.f32 v3, v61;
	_ =	sdelay $0x1  }
0x1de: {  	v1 =	vmul.f32 v2, v1;
	v0 =	vsub.f32 v4, v0;
	_ =	sdelay $0x1  }
0x1df: {  	v2 =	vld [tilespmem:s30+$0x4440];
	v0 =	vsub.f32 v1, v0  }
0x1e0: {  	v1 =	vld [tilespmem:s30+$0x440]  }
0x1e1: {  	v62 =	vadd.f32 v0, v3;
	_ =	sdelay $0x1  }
0x1e2: {  	v3 =	vsub.f32 v62, v3;
	_ =	sdelay $0x1  }
0x1e3: {  	v1 =	vmul.f32 v2, v1;
	v0 =	vsub.f32 v3, v0;
	_ =	sdelay $0x1  }
0x1e4: {  	v2 =	vld [tilespmem:s30+$0x4450];
	v0 =	vsub.f32 v1, v0  }
0x1e5: {  	v1 =	vld [tilespmem:s30+$0x450]  }
0x1e6: {  	v3 =	vadd.f32 v0, v62;
	_ =	sdelay $0x1  }
0x1e7: {  	v4 =	vsub.f32 v3, v62;
	_ =	sdelay $0x1  }
0x1e8: {  	v1 =	vmul.f32 v2, v1;
	v0 =	vsub.f32 v4, v0;
	_ =	sdelay $0x1  }
0x1e9: {  	v2 =	vld [tilespmem:s30+$0x4460];
	v0 =	vsub.f32 v1, v0  }
0x1ea: {  	v1 =	vld [tilespmem:s30+$0x460]  }
0x1eb: {  	v63 =	vadd.f32 v0, v3;
	_ =	sdelay $0x1  }
0x1ec: {  	v3 =	vsub.f32 v63, v3;
	_ =	sdelay $0x1  }
0x1ed: {  	v1 =	vmul.f32 v2, v1;
	v0 =	vsub.f32 v3, v0;
	_ =	sdelay $0x1  }
0x1ee: {  	v2 =	vld [tilespmem:s30+$0x470];
	v1 =	vsub.f32 v1, v0  }
0x1ef: {  	v3 =	vld [tilespmem:s30+$0x4470]  }
0x1f0: {  	v0 =	vadd.f32 v1, v63;
	_ =	sdelay $0x1  }
0x1f1: {  	v4 =	vsub.f32 v0, v63;
	_ =	sdelay $0x1  }
0x1f2: {  	v2 =	vmul.f32 v3, v2;
	v4 =	vsub.f32 v4, v1  }
0x1f3: {  	s30 =	simm.s32 $0x80  }
0x1f4: {  	s31 =	simm.s32 $0x400;
	v1 =	vld [tilespmem:s30+$0x400];
	v2 =	vsub.f32 v2, v4  }
.LBB2_6:
0x1f5: {  	p0 =	sne.s32 s31, $0xFE00;
	v3 =	vld [tilespmem:s30+$0x4400]  }
0x1f6: {  	v4 =	vadd.f32 v2, v0;
	_ =	sdelay $0x1  }
0x1f7: {  	v0 =	vsub.f32 v4, v0;
	_ =	sdelay $0x1  }
0x1f8: {  	v1 =	vmul.f32 v3, v1;
	v0 =	vsub.f32 v0, v2;
	_ =	sdelay $0x1  }
0x1f9: {  	v0 =	vsub.f32 v1, v0;
	v1 =	vld [tilespmem:s30+$0x410]  }
0x1fa: {  	v2 =	vld [tilespmem:s30+$0x4410]  }
0x1fb: {  	v3 =	vadd.f32 v0, v4;
	_ =	sdelay $0x1  }
0x1fc: {  	v4 =	vsub.f32 v3, v4;
	_ =	sdelay $0x1  }
0x1fd: {  	v0 =	vsub.f32 v4, v0;
	v1 =	vmul.f32 v2, v1;
	_ =	sdelay $0x1  }
0x1fe: {  	v0 =	vsub.f32 v1, v0;
	v1 =	vld [tilespmem:s30+$0x420]  }
0x1ff: {  	v2 =	vld [tilespmem:s30+$0x4420]  }
0x200: {  	v4 =	vadd.f32 v0, v3;
	_ =	sdelay $0x1  }
0x201: {  	v3 =	vsub.f32 v4, v3;
	_ =	sdelay $0x1  }
0x202: {  	v0 =	vsub.f32 v3, v0;
	v1 =	vmul.f32 v2, v1;
	_ =	sdelay $0x1  }
0x203: {  	v0 =	vsub.f32 v1, v0;
	v1 =	vld [tilespmem:s30+$0x430]  }
0x204: {  	v2 =	vld [tilespmem:s30+$0x4430]  }
0x205: {  	v3 =	vadd.f32 v0, v4;
	_ =	sdelay $0x1  }
0x206: {  	v4 =	vsub.f32 v3, v4;
	_ =	sdelay $0x1  }
0x207: {  	v0 =	vsub.f32 v4, v0;
	v1 =	vmul.f32 v2, v1;
	_ =	sdelay $0x1  }
0x208: {  	v0 =	vsub.f32 v1, v0;
	v1 =	vld [tilespmem:s30+$0x440]  }
0x209: {  	v2 =	vld [tilespmem:s30+$0x4440]  }
0x20a: {  	v4 =	vadd.f32 v0, v3;
	_ =	sdelay $0x1  }
0x20b: {  	v3 =	vsub.f32 v4, v3;
	_ =	sdelay $0x1  }
0x20c: {  	v0 =	vsub.f32 v3, v0;
	v1 =	vmul.f32 v2, v1;
	_ =	sdelay $0x1  }
0x20d: {  	v0 =	vsub.f32 v1, v0;
	v1 =	vld [tilespmem:s30+$0x450]  }
0x20e: {  	v2 =	vld [tilespmem:s30+$0x4450]  }
0x20f: {  	v3 =	vadd.f32 v0, v4;
	_ =	sdelay $0x1  }
0x210: {  	v4 =	vsub.f32 v3, v4;
	_ =	sdelay $0x1  }
0x211: {  	v0 =	vsub.f32 v4, v0;
	v1 =	vmul.f32 v2, v1;
	_ =	sdelay $0x1  }
0x212: {  	v0 =	vsub.f32 v1, v0;
	v1 =	vld [tilespmem:s30+$0x460]  }
0x213: {  	v2 =	vld [tilespmem:s30+$0x4460]  }
0x214: {  	v4 =	vadd.f32 v0, v3;
	_ =	sdelay $0x1  }
0x215: {  	v3 =	vsub.f32 v4, v3;
	_ =	sdelay $0x1  }
0x216: {  	v0 =	vsub.f32 v3, v0;
	v1 =	vmul.f32 v2, v1;
	_ =	sdelay $0x1  }
0x217: {  	v1 =	vsub.f32 v1, v0;
	v2 =	vld [tilespmem:s30+$0x470]  }
0x218: {  	v3 =	vld [tilespmem:s30+$0x4470]  }
0x219: {  	v0 =	vadd.f32 v1, v4;
	_ =	sdelay $0x1  }
.Ltmp2:
0x21a: {  	v4 =	vsub.f32 v0, v4;
	(pc) =	sbr.rel @p0 .LBB2_6-.Ltmp2, $4  }
0x21b: {  	_ = 	snop  }
0x21c: {  	v4 =	vsub.f32 v4, v1;
	v2 =	vmul.f32 v3, v2  }
0x21d: {  	s30 =	sshra.s32 s31, $0x2  }
0x21e: {  	s31 =	sadd.s32 $0x200, s31;
	v1 =	vld [tilespmem:s30+$0x400];
	v2 =	vsub.f32 v2, v4  }
0x21f: {  	v3 =	vld [tilespmem:s30+$0x4400]  }
0x220: {  	v4 =	vld [tilespmem:s30+$0x410]  }
0x221: {  	v5 =	vld [tilespmem:s30+$0x4410]  }
0x222: {  	v6 =	vld [tilespmem:s30+$0x420]  }
0x223: {  	v7 =	vld [tilespmem:s30+$0x4420]  }
0x224: {  	v8 =	vld [tilespmem:s30+$0x430]  }
0x225: {  	v9 =	vld [tilespmem:s30+$0x4430]  }
0x226: {  	v10 =	vld [tilespmem:s30+$0x440]  }
0x227: {  	v11 =	vld [tilespmem:s30+$0x4440]  }
0x228: {  	v12 =	vld [tilespmem:s30+$0x450]  }
0x229: {  	v13 =	vld [tilespmem:s30+$0x4450]  }
0x22a: {  	v14 =	vld [tilespmem:s30+$0x460]  }
0x22b: {  	v15 =	vld [tilespmem:s30+$0x4460]  }
0x22c: {  	v16 =	vld [tilespmem:s30+$0x470]  }
0x22d: {  	v17 =	vld [tilespmem:s30+$0x4470];
	[tilespmem:s11], [sflag:$0x3] =	stream.indirect.gather [hbm4b:s2+s5], $0x80, s9, s5, $0xb8  }
0x22e: {  	_ = 	snop  }
0x22f: {  	v18 =	vadd.f32 v2, v0;
	[tilespmem:s12], [sflag:$0x4] =	stream.indirect.gather [hbm4b:s23+s5], $0x80, s10, s5, $0xb8;
	[tilespmem:$0x10600] =	vst v63  }
0x230: {  	_ = 	snop  }
0x231: {  	v0 =	vsub.f32 v18, v0;
	[tilespmem:s13], [sflag:$0x1] =	stream.indirect.gather [hbm4b:s0+s5], $0x80, s9, s5, $0xb8;
	[tilespmem:$0x10600] =	vst v63  }
0x232: {  	_ = 	snop  }
0x233: {  	v1 =	vmul.f32 v3, v1;
	v0 =	vsub.f32 v0, v2;
	[tilespmem:s14], [sflag:$0x2] =	stream.indirect.gather [hbm4b:s1+s5], $0x80, s10, s5, $0xb8;
	[tilespmem:$0x10600] =	vst v63  }
0x234: {  	_ = 	snop  }
0x235: {  	v0 =	vsub.f32 v1, v0;
	[tilespmem:s15], [sflag:$0x5] =	stream.indirect.gather [hbm4b:s28+s5], $0x1, s9, s5, $0xb8;
	[tilespmem:$0x10600] =	vst v63  }
0x236: {  	_ = 	snop  }
0x237: {  	v1 =	vadd.f32 v0, v18;
	[tilespmem:s16], [sflag:$0x6] =	stream.indirect.gather [hbm4b:s29+s5], $0x1, s10, s5, $0xb8;
	[tilespmem:$0x10600] =	vst v63  }
0x238: {  	_ =	swait.ge [sflag:s17], $0x4000  }
0x239: {  	v2 =	vsub.f32 v1, v18;
	[sflag:s17] =	ssyncset.done $0x0  }
0x23a: {  	s30 =	simm.s32 $0x0;
	s31 =	rddreg [dreg:$0xf];
	[sflag:s17] =	ssyncadd.s32 $0xFFFFC000  }
0x23b: {  	v0 =	vsub.f32 v2, v0;
	v2 =	vmul.f32 v5, v4;
	[hbm4b:s31+s30] =	stream.linear.scatter [tilespmem:s11], [sflag:$0x7], $0x4000, $0x38;
	[tilespmem:$0x10600] =	vst v63  }
0x23c: {  	_ =	swait.ge [sflag:s19], $0x4000  }
0x23d: {  	v0 =	vsub.f32 v2, v0;
	[sflag:s19] =	ssyncset.done $0x0  }
0x23e: {  	[sflag:s19] =	ssyncadd.s32 $0xFFFFC000  }
0x23f: {  	v2 =	vadd.f32 v0, v1;
	_ =	swait.ge [sflag:s18], $0x4000  }
0x240: {  	[sflag:s18] =	ssyncset.done $0x0  }
0x241: {  	v1 =	vsub.f32 v2, v1;
	s31 =	rddreg [dreg:$0x10];
	[sflag:s18] =	ssyncadd.s32 $0xFFFFC000  }
0x242: {  	[hbm4b:s31+s30] =	stream.linear.scatter [tilespmem:s12], [sflag:$0x7], $0x4000, $0x38;
	[tilespmem:$0x10600] =	vst v63  }
0x243: {  	v0 =	vsub.f32 v1, v0;
	v1 =	vmul.f32 v7, v6;
	_ =	swait.ge [sflag:s19], $0x4000  }
0x244: {  	[sflag:s19] =	ssyncset.done $0x0  }
0x245: {  	v0 =	vsub.f32 v1, v0;
	[sflag:s19] =	ssyncadd.s32 $0xFFFFC000  }
0x246: {  	_ =	swait.ge [sflag:s20], $0x80  }
0x247: {  	v1 =	vadd.f32 v0, v2;
	[sflag:s20] =	ssyncset.done $0x0  }
0x248: {  	[sflag:s20] =	ssyncadd.s32 $0xFFFFFF80  }
0x249: {  	v2 =	vsub.f32 v1, v2;
	_ =	swait.ge [sflag:s21], $0x80  }
0x24a: {  	[sflag:s21] =	ssyncset.done $0x0  }
0x24b: {  	v0 =	vsub.f32 v2, v0;
	v2 =	vmul.f32 v9, v8;
	[sflag:s21] =	ssyncadd.s32 $0xFFFFFF80  }
0x24c: {  	v3 =	vld [tilespmem:$0x10400]  }
0x24d: {  	v0 =	vsub.f32 v2, v0;
	v2 =	vld [tilespmem:$0x10480]  }
0x24e: {  	v47 =	vld [tilespmem:$0x10410]  }
0x24f: {  	v49 =	vld [tilespmem:$0x10490];
	v48 =	vadd.f32 v0, v1  }
0x250: {  	v50 =	vld [tilespmem:$0x10420]  }
0x251: {  	v51 =	vld [tilespmem:$0x104A0];
	v1 =	vsub.f32 v48, v1  }
0x252: {  	v52 =	vld [tilespmem:$0x10430]  }
0x253: {  	v53 =	vld [tilespmem:$0x104B0];
	v0 =	vsub.f32 v1, v0;
	v1 =	vmul.f32 v11, v10  }
0x254: {  	v54 =	vld [tilespmem:$0x10440]  }
0x255: {  	v55 =	vld [tilespmem:$0x10450];
	v0 =	vsub.f32 v1, v0  }
0x256: {  	v20 =	vld [tilespmem:$0x104D0]  }
0x257: {  	v21 =	vld [tilespmem:$0x10460];
	v19 =	vadd.f32 v0, v48  }
0x258: {  	v1 =	vld [tilespmem:$0x104C0]  }
0x259: {  	v56 =	vld [tilespmem:$0x10470];
	v2 =	vadd.f32 v2, v3;
	v5 =	vsub.f32 v19, v48  }
0x25a: {  	v3 =	vld [tilespmem:$0x104E0];
	v4 =	vadd.f32 v49, v47  }
0x25b: {  	v57 =	vmul.f32 v13, v12;
	v58 =	vld [tilespmem:$0x104F0];
	v59 =	vadd.f32 v53, v52;
	[tilespmem:$0x10500] =	vst v2;
	v0 =	vsub.f32 v5, v0  }
0x25c: {  	v2 =	vadd.f32 v51, v50;
	[tilespmem:$0x10510] =	vst v4  }
0x25d: {  	[tilespmem:$0x10530] =	vst v59;
	v1 =	vadd.f32 v1, v54;
	v0 =	vsub.f32 v57, v0  }
0x25e: {  	[tilespmem:$0x10520] =	vst v2;
	v2 =	vadd.f32 v20, v55  }
0x25f: {  	[tilespmem:$0x10540] =	vst v1;
	v1 =	vadd.f32 v3, v21;
	v3 =	vadd.f32 v0, v19  }
0x260: {  	[tilespmem:$0x10550] =	vst v2;
	v2 =	vadd.f32 v58, v56  }
0x261: {  	[tilespmem:$0x10560] =	vst v1;
	v1 =	vsub.f32 v3, v19  }
0x262: {  	s31 =	rddreg [dreg:$0x1a];
	[tilespmem:$0x10570] =	vst v2  }
0x263: {  	[hbm4b:s31+s30] =	stream.linear.scatter [tilespmem:s22], [sflag:$0x7], $0x80, $0x38;
	v0 =	vsub.f32 v1, v0;
	v1 =	vmul.f32 v15, v14;
	[tilespmem:$0x10600] =	vst v63  }
0x264: {  	_ =	swait.ge [sflag:s19], $0x80  }
0x265: {  	[sflag:s19] =	ssyncset.done $0x0;
	v0 =	vsub.f32 v1, v0  }
0x266: {  	[sflag:s19] =	ssyncadd.s32 $0xFFFFFF80  }
0x267: {  	_ =	swait.ge [sflag:s24], $0x4000;
	v1 =	vadd.f32 v0, v3  }
0x268: {  	[sflag:s24] =	ssyncset.done $0x0  }
0x269: {  	[sflag:s24] =	ssyncadd.s32 $0xFFFFC000;
	v2 =	vsub.f32 v1, v3  }
0x26a: {  	_ =	swait.ge [sflag:s25], $0x4000  }
0x26b: {  	[sflag:s25] =	ssyncset.done $0x0;
	v0 =	vsub.f32 v2, v0;
	v2 =	vmul.f32 v17, v16  }
0x26c: {  	s30 =	simm.s32 $0x0;
	[sflag:s25] =	ssyncadd.s32 $0xFFFFC000  }
0x26d: {  	v3 =	vld [tilespmem:s30+$0x4400];
	v0 =	vsub.f32 v2, v0  }
0x26e: {  	v2 =	vld [tilespmem:s30+$0x400]  }
0x26f: {  	v60 =	vadd.f32 v0, v1;
	_ =	sdelay $0x1  }
0x270: {  	v1 =	vsub.f32 v60, v1;
	_ =	sdelay $0x1  }
0x271: {  	v0 =	vsub.f32 v1, v0;
	v1 =	vmul.f32 v3, v2;
	_ =	sdelay $0x1  }
0x272: {  	v2 =	vld [tilespmem:s30+$0x4410];
	v0 =	vsub.f32 v1, v0  }
0x273: {  	v1 =	vld [tilespmem:s30+$0x410]  }
0x274: {  	v3 =	vadd.f32 v0, v60;
	_ =	sdelay $0x1  }
0x275: {  	v4 =	vsub.f32 v3, v60;
	_ =	sdelay $0x1  }
0x276: {  	v1 =	vmul.f32 v2, v1;
	v0 =	vsub.f32 v4, v0;
	_ =	sdelay $0x1  }
0x277: {  	v2 =	vld [tilespmem:s30+$0x4420];
	v0 =	vsub.f32 v1, v0  }
0x278: {  	v1 =	vld [tilespmem:s30+$0x420]  }
0x279: {  	v61 =	vadd.f32 v0, v3;
	_ =	sdelay $0x1  }
0x27a: {  	v3 =	vsub.f32 v61, v3;
	_ =	sdelay $0x1  }
0x27b: {  	v1 =	vmul.f32 v2, v1;
	v0 =	vsub.f32 v3, v0;
	_ =	sdelay $0x1  }
0x27c: {  	v2 =	vld [tilespmem:s30+$0x4430];
	v0 =	vsub.f32 v1, v0  }
0x27d: {  	v1 =	vld [tilespmem:s30+$0x430]  }
0x27e: {  	v3 =	vadd.f32 v0, v61;
	_ =	sdelay $0x1  }
0x27f: {  	v4 =	vsub.f32 v3, v61;
	_ =	sdelay $0x1  }
0x280: {  	v1 =	vmul.f32 v2, v1;
	v0 =	vsub.f32 v4, v0;
	_ =	sdelay $0x1  }
0x281: {  	v2 =	vld [tilespmem:s30+$0x4440];
	v0 =	vsub.f32 v1, v0  }
0x282: {  	v1 =	vld [tilespmem:s30+$0x440]  }
0x283: {  	v62 =	vadd.f32 v0, v3;
	_ =	sdelay $0x1  }
0x284: {  	v3 =	vsub.f32 v62, v3;
	_ =	sdelay $0x1  }
0x285: {  	v1 =	vmul.f32 v2, v1;
	v0 =	vsub.f32 v3, v0;
	_ =	sdelay $0x1  }
0x286: {  	v2 =	vld [tilespmem:s30+$0x4450];
	v0 =	vsub.f32 v1, v0  }
0x287: {  	v1 =	vld [tilespmem:s30+$0x450]  }
0x288: {  	v3 =	vadd.f32 v0, v62;
	_ =	sdelay $0x1  }
0x289: {  	v4 =	vsub.f32 v3, v62;
	_ =	sdelay $0x1  }
0x28a: {  	v1 =	vmul.f32 v2, v1;
	v0 =	vsub.f32 v4, v0;
	_ =	sdelay $0x1  }
0x28b: {  	v2 =	vld [tilespmem:s30+$0x4460];
	v0 =	vsub.f32 v1, v0  }
0x28c: {  	v1 =	vld [tilespmem:s30+$0x460]  }
0x28d: {  	v63 =	vadd.f32 v0, v3;
	_ =	sdelay $0x1  }
0x28e: {  	v3 =	vsub.f32 v63, v3;
	_ =	sdelay $0x1  }
0x28f: {  	v1 =	vmul.f32 v2, v1;
	v0 =	vsub.f32 v3, v0;
	_ =	sdelay $0x1  }
0x290: {  	v2 =	vld [tilespmem:s30+$0x470];
	v1 =	vsub.f32 v1, v0  }
0x291: {  	v3 =	vld [tilespmem:s30+$0x4470]  }
0x292: {  	v0 =	vadd.f32 v1, v63;
	_ =	sdelay $0x1  }
0x293: {  	v4 =	vsub.f32 v0, v63;
	_ =	sdelay $0x1  }
0x294: {  	v2 =	vmul.f32 v3, v2;
	v4 =	vsub.f32 v4, v1  }
0x295: {  	s30 =	simm.s32 $0x80  }
0x296: {  	s31 =	simm.s32 $0x400;
	v1 =	vld [tilespmem:s30+$0x400];
	v2 =	vsub.f32 v2, v4  }
.LBB2_8:
0x297: {  	p0 =	sne.s32 s31, $0xFE00;
	v3 =	vld [tilespmem:s30+$0x4400]  }
0x298: {  	v4 =	vadd.f32 v2, v0;
	_ =	sdelay $0x1  }
0x299: {  	v0 =	vsub.f32 v4, v0;
	_ =	sdelay $0x1  }
0x29a: {  	v1 =	vmul.f32 v3, v1;
	v0 =	vsub.f32 v0, v2;
	_ =	sdelay $0x1  }
0x29b: {  	v0 =	vsub.f32 v1, v0;
	v1 =	vld [tilespmem:s30+$0x410]  }
0x29c: {  	v2 =	vld [tilespmem:s30+$0x4410]  }
0x29d: {  	v3 =	vadd.f32 v0, v4;
	_ =	sdelay $0x1  }
0x29e: {  	v4 =	vsub.f32 v3, v4;
	_ =	sdelay $0x1  }
0x29f: {  	v0 =	vsub.f32 v4, v0;
	v1 =	vmul.f32 v2, v1;
	_ =	sdelay $0x1  }
0x2a0: {  	v0 =	vsub.f32 v1, v0;
	v1 =	vld [tilespmem:s30+$0x420]  }
0x2a1: {  	v2 =	vld [tilespmem:s30+$0x4420]  }
0x2a2: {  	v4 =	vadd.f32 v0, v3;
	_ =	sdelay $0x1  }
0x2a3: {  	v3 =	vsub.f32 v4, v3;
	_ =	sdelay $0x1  }
0x2a4: {  	v0 =	vsub.f32 v3, v0;
	v1 =	vmul.f32 v2, v1;
	_ =	sdelay $0x1  }
0x2a5: {  	v0 =	vsub.f32 v1, v0;
	v1 =	vld [tilespmem:s30+$0x430]  }
0x2a6: {  	v2 =	vld [tilespmem:s30+$0x4430]  }
0x2a7: {  	v3 =	vadd.f32 v0, v4;
	_ =	sdelay $0x1  }
0x2a8: {  	v4 =	vsub.f32 v3, v4;
	_ =	sdelay $0x1  }
0x2a9: {  	v0 =	vsub.f32 v4, v0;
	v1 =	vmul.f32 v2, v1;
	_ =	sdelay $0x1  }
0x2aa: {  	v0 =	vsub.f32 v1, v0;
	v1 =	vld [tilespmem:s30+$0x440]  }
0x2ab: {  	v2 =	vld [tilespmem:s30+$0x4440]  }
0x2ac: {  	v4 =	vadd.f32 v0, v3;
	_ =	sdelay $0x1  }
0x2ad: {  	v3 =	vsub.f32 v4, v3;
	_ =	sdelay $0x1  }
0x2ae: {  	v0 =	vsub.f32 v3, v0;
	v1 =	vmul.f32 v2, v1;
	_ =	sdelay $0x1  }
0x2af: {  	v0 =	vsub.f32 v1, v0;
	v1 =	vld [tilespmem:s30+$0x450]  }
0x2b0: {  	v2 =	vld [tilespmem:s30+$0x4450]  }
0x2b1: {  	v3 =	vadd.f32 v0, v4;
	_ =	sdelay $0x1  }
0x2b2: {  	v4 =	vsub.f32 v3, v4;
	_ =	sdelay $0x1  }
0x2b3: {  	v0 =	vsub.f32 v4, v0;
	v1 =	vmul.f32 v2, v1;
	_ =	sdelay $0x1  }
0x2b4: {  	v0 =	vsub.f32 v1, v0;
	v1 =	vld [tilespmem:s30+$0x460]  }
0x2b5: {  	v2 =	vld [tilespmem:s30+$0x4460]  }
0x2b6: {  	v4 =	vadd.f32 v0, v3;
	_ =	sdelay $0x1  }
0x2b7: {  	v3 =	vsub.f32 v4, v3;
	_ =	sdelay $0x1  }
0x2b8: {  	v0 =	vsub.f32 v3, v0;
	v1 =	vmul.f32 v2, v1;
	_ =	sdelay $0x1  }
0x2b9: {  	v1 =	vsub.f32 v1, v0;
	v2 =	vld [tilespmem:s30+$0x470]  }
0x2ba: {  	v3 =	vld [tilespmem:s30+$0x4470]  }
0x2bb: {  	v0 =	vadd.f32 v1, v4;
	_ =	sdelay $0x1  }
.Ltmp3:
0x2bc: {  	v4 =	vsub.f32 v0, v4;
	(pc) =	sbr.rel @p0 .LBB2_8-.Ltmp3, $4  }
0x2bd: {  	_ = 	snop  }
0x2be: {  	v4 =	vsub.f32 v4, v1;
	v2 =	vmul.f32 v3, v2  }
0x2bf: {  	s30 =	sshra.s32 s31, $0x2  }
0x2c0: {  	s31 =	sadd.s32 $0x200, s31;
	v1 =	vld [tilespmem:s30+$0x400];
	v2 =	vsub.f32 v2, v4  }
0x2c1: {  	v3 =	vld [tilespmem:s30+$0x4400]  }
0x2c2: {  	v4 =	vadd.f32 v2, v0;
	_ =	sdelay $0x1  }
0x2c3: {  	v0 =	vsub.f32 v4, v0;
	_ =	sdelay $0x1  }
0x2c4: {  	v1 =	vmul.f32 v3, v1;
	v0 =	vsub.f32 v0, v2;
	_ =	sdelay $0x1  }
0x2c5: {  	v43 =	vld [tilespmem:s30+$0x410];
	v0 =	vsub.f32 v1, v0  }
0x2c6: {  	v44 =	vld [tilespmem:s30+$0x4410]  }
0x2c7: {  	v45 =	vadd.f32 v0, v4;
	_ =	sdelay $0x1  }
0x2c8: {  	v4 =	vsub.f32 v45, v4;
	_ =	sdelay $0x1  }
0x2c9: {  	v1 =	vmul.f32 v44, v43;
	v0 =	vsub.f32 v4, v0;
	_ =	sdelay $0x1  }
0x2ca: {  	v46 =	vld [tilespmem:s30+$0x420];
	v0 =	vsub.f32 v1, v0  }
0x2cb: {  	v47 =	vld [tilespmem:s30+$0x4420]  }
0x2cc: {  	v48 =	vadd.f32 v0, v45;
	_ =	sdelay $0x1  }
0x2cd: {  	v3 =	vsub.f32 v48, v45;
	_ =	sdelay $0x1  }
0x2ce: {  	v1 =	vmul.f32 v47, v46;
	v0 =	vsub.f32 v3, v0;
	_ =	sdelay $0x1  }
0x2cf: {  	v49 =	vld [tilespmem:s30+$0x430];
	v0 =	vsub.f32 v1, v0  }
0x2d0: {  	v50 =	vld [tilespmem:s30+$0x4430]  }
0x2d1: {  	v51 =	vadd.f32 v0, v48;
	_ =	sdelay $0x1  }
0x2d2: {  	v4 =	vsub.f32 v51, v48;
	_ =	sdelay $0x1  }
0x2d3: {  	v1 =	vmul.f32 v50, v49;
	v0 =	vsub.f32 v4, v0;
	_ =	sdelay $0x1  }
0x2d4: {  	v52 =	vld [tilespmem:s30+$0x440];
	v0 =	vsub.f32 v1, v0  }
0x2d5: {  	v53 =	vld [tilespmem:s30+$0x4440]  }
0x2d6: {  	v54 =	vadd.f32 v0, v51;
	_ =	sdelay $0x1  }
0x2d7: {  	v3 =	vsub.f32 v54, v51;
	_ =	sdelay $0x1  }
0x2d8: {  	v1 =	vmul.f32 v53, v52;
	v0 =	vsub.f32 v3, v0;
	_ =	sdelay $0x1  }
0x2d9: {  	v55 =	vld [tilespmem:s30+$0x450];
	v0 =	vsub.f32 v1, v0  }
0x2da: {  	v56 =	vld [tilespmem:s30+$0x4450]  }
0x2db: {  	v57 =	vadd.f32 v0, v54;
	_ =	sdelay $0x1  }
0x2dc: {  	v4 =	vsub.f32 v57, v54;
	_ =	sdelay $0x1  }
0x2dd: {  	v1 =	vmul.f32 v56, v55;
	v0 =	vsub.f32 v4, v0;
	_ =	sdelay $0x1  }
0x2de: {  	v58 =	vld [tilespmem:s30+$0x460];
	v0 =	vsub.f32 v1, v0  }
0x2df: {  	v59 =	vld [tilespmem:s30+$0x4460]  }
0x2e0: {  	v60 =	vadd.f32 v0, v57;
	_ =	sdelay $0x1  }
0x2e1: {  	v3 =	vsub.f32 v60, v57;
	_ =	sdelay $0x1  }
0x2e2: {  	v1 =	vmul.f32 v59, v58;
	v0 =	vsub.f32 v3, v0;
	_ =	sdelay $0x1  }
0x2e3: {  	v61 =	vld [tilespmem:s30+$0x470];
	v0 =	vsub.f32 v1, v0  }
0x2e4: {  	v62 =	vld [tilespmem:s30+$0x4470]  }
0x2e5: {  	v63 =	vadd.f32 v0, v60;
	_ =	sdelay $0x1  }
0x2e6: {  	v4 =	vsub.f32 v63, v60;
	_ =	sdelay $0x1  }
0x2e7: {  	v1 =	vmul.f32 v62, v61;
	v0 =	vsub.f32 v4, v0;
	_ =	sdelay $0x1  }
0x2e8: {  	v0 =	vsub.f32 v1, v0;
	_ =	sdelay $0x1  }
0x2e9: {  	v0 =	vadd.f32 v0, v63;
	_ =	sdelay $0x1  }
0x2ea: {  	s30 =	rddreg [dreg:$0x1b];
	s31 =	simm.s32 $0x10580;
	[tilespmem:$0x10580] =	vst v0  }
0x2eb: {  	[hbm4b:s30+s3] =	stream.linear.scatter [tilespmem:s31], [sflag:$0x7], $0x10, $0x38;
	[tilespmem:$0x10600] =	vst v63  }
0x2ec: {  	_ =	swait.ge [sflag:s19], $0x10  }
0x2ed: {  	s26 =	sadd.s32 $0x1, s26;
	s31 =	rddreg [dreg:$0x1c]  }
0x2ee: {  	p0 =	sne.s32 s26, s31  }
.Ltmp4:
0x2ef: {  	_ = 	snop;
	(pc) =	sbr.rel @p0 .LBB2_1-.Ltmp4, $3  }
0x2f0: {  	_ =	sdelay $0x1  }
0x2f1: {  	[sflag:s19] =	ssyncset.done $0x0  }
0x2f2: {  	[sflag:s19] =	ssyncadd.s32 $0xFFFFFFF0  }
0x2f3: {  	_ =	sfence.sel $0x180000  }
0x2f4: {  	[bflag:$0x0] =	sbarrier.arrive $0xFFFF  }
0x2f5: {  	_ =	strace $0x90000047  }
0x2f6: {  	s0 =	stileid.u32;
	[bflag:$0x2] =	sbarrier.arrive $0xFFFF  }
0x2f7: {  	p0 =	sne.s32 s0, $0x0;
	s0 =	rddreg [dreg:$0x6]  }
0x2f8: {  	s0 =	sadd.s32 @!p0 $0x100000, s0  }
0x2f9: {  	[sflag:s0] =	ssyncadd.tile.s32 @!p0 $0x1;
	_ =	shalt  }
.Lfunc_end2:
_tile_overlayer_lowered:
.L_overlay_start_2:
0x2fa: {  	(tag) =	ssettag $0x2  }
0x2fb: {  	s0 =	rddreg [dreg:$0x0];
	s2 =	stileid.u32  }
0x2fc: {  	s1 =	rddreg [dreg:$0x1];
	p0 =	sne.s32 s2, $0x0  }
0x2fd: {  	s3 =	rddreg [dreg:$0x2];
	[bflag:$0x3] =	sbarrier.arrive $0xFFFF;
	s2 =	simm.s32 @!p0 $0x1C07  }
0x2fe: {  	[timem:s3], [sflag:s2] =	dma.local @!p0 [hbm:s0], s1  }
0x2ff: {  	s0 =	simm.s32 @!p0 $0x7  }
0x300: {  	_ =	swait.ge @!p0 [sflag:s0], s1  }
0x301: {  	s1 =	ssub.s32 @!p0 $0x0, s1;
	[sflag:s0] =	ssyncset.done @!p0 $0x0  }
0x302: {  	[sflag:s0] =	ssyncadd.s32 @!p0 s1  }
0x303: {  	[bflag:$0x3] =	sbarrier.arrive $0xFFFF  }
0x304: {  	_ =	shalt  }

</sc_bundles>
